<compile_context>
chip_gen: v7x
topology: tpu7x:2x2x1
jax: 0.10.2.dev20260603
libtpu: 0.0.44.dev20260713+nightly
codegen_flags: <defaults>
</compile_context>

<pallas_src>
import functools

import jax
import jax.numpy as jnp
from jax import lax
from jax.experimental import pallas as pl
from jax.experimental.pallas import tpu as pltpu
from jax.experimental.pallas import tpu_sc as plsc

N = 10000
NP = 10240
D = 128
E = 320000
EP = 327680
EW = 64
ER = EP // EW
ROWS = ER // 32
G = 16
NPT = NP // 16

_i32 = jnp.int32
_f32 = jnp.float32



_BM = 1024
_GRID = NP // _BM


def _mm_body(a_ref, b_ref, sa_ref, sb_ref, w_ref, al_ref, ar_ref,
             h_ref, el_ref, er_ref, *, first):
  if first:
    hin = a_ref[...]
  else:
    st = sa_ref[...] + sb_ref[...]
    r = jnp.where(st > 0.0, 1.0 / st, 0.0)
    hin = jnp.maximum((a_ref[...] + b_ref[...]) * r, 0.0)
  h = jnp.dot(hin, w_ref[...], preferred_element_type=jnp.float32)
  h_ref[...] = h
  el_ref[...] = jnp.sum(h * al_ref[...], axis=1)[None, :]
  er_ref[...] = jnp.sum(h * ar_ref[...], axis=1)[None, :]


def _mm(a, b, sa, sb, w, al, ar, *, first):
  body = functools.partial(_mm_body, first=first)
  return pl.pallas_call(
      body,
      grid=(_GRID,),
      in_specs=[
          pl.BlockSpec((_BM, D), lambda i: (i, 0)),
          pl.BlockSpec((_BM, D), lambda i: (i, 0)),
          pl.BlockSpec((_BM, 1), lambda i: (i, 0)),
          pl.BlockSpec((_BM, 1), lambda i: (i, 0)),
          pl.BlockSpec((D, D), lambda i: (0, 0)),
          pl.BlockSpec((1, D), lambda i: (0, 0)),
          pl.BlockSpec((1, D), lambda i: (0, 0)),
      ],
      out_specs=[
          pl.BlockSpec((_BM, D), lambda i: (i, 0)),
          pl.BlockSpec((1, _BM), lambda i: (0, i)),
          pl.BlockSpec((1, _BM), lambda i: (0, i)),
      ],
      out_shape=[
          jax.ShapeDtypeStruct((NP, D), _f32),
          jax.ShapeDtypeStruct((1, NP), _f32),
          jax.ShapeDtypeStruct((1, NP), _f32),
      ],
  )(a, b, sa, sb, w, al, ar)


def _readout_body(a_ref, b_ref, sa_ref, sb_ref, o_ref):
  @pl.when(pl.program_id(0) == 0)
  def _():
    o_ref[...] = jnp.zeros_like(o_ref)
  st = sa_ref[...] + sb_ref[...]
  r = jnp.where(st > 0.0, 1.0 / st, 0.0)
  x = jnp.maximum((a_ref[...] + b_ref[...]) * r, 0.0)
  o_ref[...] += jnp.sum(x, axis=0, keepdims=True)


def _readout(a, b, sa, sb):
  return pl.pallas_call(
      _readout_body,
      grid=(_GRID,),
      in_specs=[
          pl.BlockSpec((_BM, D), lambda i: (i, 0)),
          pl.BlockSpec((_BM, D), lambda i: (i, 0)),
          pl.BlockSpec((_BM, 1), lambda i: (i, 0)),
          pl.BlockSpec((_BM, 1), lambda i: (i, 0)),
      ],
      out_specs=pl.BlockSpec((1, D), lambda i: (0, 0)),
      out_shape=jax.ShapeDtypeStruct((1, D), _f32),
  )(a, b, sa, sb)



_NVR = EW // 16


def _leaky_exp(el_v, er_v, src16, dst16):
  e = plsc.load_gather(el_v, [src16]) + plsc.load_gather(er_v, [dst16])
  e = jnp.where(e >= 0.0, e, e * jnp.float32(0.2))
  return jnp.exp(e)


def _sc_body(h_hbm, el_hbm, er_hbm, src_hbm, dst_hbm,
             outa_hbm, outb_hbm, sa_hbm, sb_hbm,
             el_v, er_v, src_v, dst_v, ex_v, rows0, rows1, zero_v,
             s_sp, out_sp, sem0, sem1):
  c = lax.axis_index("c")
  s = lax.axis_index("s")
  zeros16 = jnp.zeros((16,), _f32)

  pltpu.sync_copy(el_hbm, el_v)
  pltpu.sync_copy(er_hbm, er_v)

  @pl.loop(0, NPT // 16)
  def _(i):
    zero_v[pl.ds(i * 16, 16)] = zeros16

  @pl.loop(0, EW)
  def _(r):
    for j in range(8):
      rows0[r, pl.ds(j * 16, 16)] = zeros16

  pltpu.sync_copy(zero_v, s_sp.at[pl.ds(s * NPT, NPT)])
  for k in range(NPT // EW):
    pltpu.sync_copy(rows0, out_sp.at[pl.ds(s * NPT + k * EW, EW)])
  plsc.subcore_barrier()

  pbase = (c * 16 + s) * ROWS

  @pl.loop(0, ROWS // G)
  def _(grp):
    pltpu.sync_copy(src_hbm.at[pl.ds(pbase + grp * G, G)], src_v)
    pltpu.sync_copy(dst_hbm.at[pl.ds(pbase + grp * G, G)], dst_v)

    @pl.loop(0, G)
    def _(r):
      for j in range(_NVR):
        sl = pl.ds(j * 16, 16)
        ex_v[r, sl] = _leaky_exp(el_v, er_v, src_v[r, sl], dst_v[r, sl])

    @pl.loop(0, G)
    def _(r):
      pltpu.sync_copy(ex_v.at[r], s_sp.at[dst_v.at[r]], add=True)

    pltpu.async_copy(h_hbm.at[src_v.at[0]], rows0, sem0)
    pltpu.async_copy(h_hbm.at[src_v.at[1]], rows1, sem1)

    @pl.loop(0, G, step=2)
    def _(rr2):
      for b, (rows, sem) in enumerate(((rows0, sem0), (rows1, sem1))):
        rr = rr2 + b
        pltpu.make_async_copy(h_hbm.at[src_v.at[rr]], rows, sem).wait()

        @pl.loop(0, EW)
        def _(r):
          av = plsc.load_gather(
              ex_v, [jnp.full((16,), rr, _i32), jnp.full((16,), r, _i32)])
          for j in range(8):
            sl = pl.ds(j * 16, 16)
            rows[r, sl] = rows[r, sl] * av

        pltpu.sync_copy(rows, out_sp.at[dst_v.at[rr]], add=True)

        @pl.when(rr + 2 < G)
        def _():
          pltpu.async_copy(h_hbm.at[src_v.at[rr + 2]], rows, sem)

  plsc.subcore_barrier()

  @pl.when(c == 0)
  def _():
    pltpu.sync_copy(out_sp.at[pl.ds(s * NPT, NPT)],
                    outa_hbm.at[pl.ds(s * NPT, NPT)])
    pltpu.sync_copy(s_sp.at[pl.ds(s * NPT, NPT)],
                    sa_hbm.at[pl.ds(s * NPT, NPT)])

  @pl.when(c == 1)
  def _():
    pltpu.sync_copy(out_sp.at[pl.ds(s * NPT, NPT)],
                    outb_hbm.at[pl.ds(s * NPT, NPT)])
    pltpu.sync_copy(s_sp.at[pl.ds(s * NPT, NPT)],
                    sb_hbm.at[pl.ds(s * NPT, NPT)])


def _sc_layer(h, el, er, src2d, dst2d):
  mesh = plsc.VectorSubcoreMesh(core_axis_name="c", subcore_axis_name="s",
                                num_cores=2, num_subcores=16)
  return pl.kernel(
      _sc_body,
      out_type=[
          jax.ShapeDtypeStruct((NP, D), _f32),
          jax.ShapeDtypeStruct((NP, D), _f32),
          jax.ShapeDtypeStruct((NP,), _f32),
          jax.ShapeDtypeStruct((NP,), _f32),
      ],
      mesh=mesh,
      compiler_params=pltpu.CompilerParams(needs_layout_passes=False),
      scratch_types=[
          pltpu.VMEM((NP,), _f32),
          pltpu.VMEM((NP,), _f32),
          pltpu.VMEM((G, EW), _i32),
          pltpu.VMEM((G, EW), _i32),
          pltpu.VMEM((G, EW), _f32),
          pltpu.VMEM((EW, D), _f32),
          pltpu.VMEM((EW, D), _f32),
          pltpu.VMEM((NPT,), _f32),
          pltpu.VMEM_SHARED((NP,), _f32),
          pltpu.VMEM_SHARED((NP, D), _f32),
          pltpu.SemaphoreType.DMA,
          pltpu.SemaphoreType.DMA,
      ],
  )(h, el, er, src2d, dst2d)




@jax.jit
def kernel(x, edge_index, W1, al1, ar1, W2, al2, ar2, W3, al3, ar3):
  xp = jnp.zeros((NP, D), _f32).at[:N].set(x)
  pad_src = N + (jnp.arange(EP - E, dtype=_i32) % (NP - N))
  pad_dst = N + (jnp.arange(EP - E, dtype=_i32) % (NP - N))
  src2d = jnp.concatenate([edge_index[0], pad_src]).reshape(ER, EW)
  dst2d = jnp.concatenate([edge_index[1], pad_dst]).reshape(ER, EW)

  al1r, ar1r = al1.reshape(1, D), ar1.reshape(1, D)
  al2r, ar2r = al2.reshape(1, D), ar2.reshape(1, D)
  al3r, ar3r = al3.reshape(1, D), ar3.reshape(1, D)
  dumm = jnp.ones((NP, 1), _f32)

  h1, el1, er1 = _mm(xp, xp, dumm, dumm, W1, al1r, ar1r, first=True)
  o1a, o1b, s1a, s1b = _sc_layer(h1, el1.reshape(NP), er1.reshape(NP),
                                 src2d, dst2d)
  h2, el2, er2 = _mm(o1a, o1b, s1a.reshape(NP, 1), s1b.reshape(NP, 1),
                     W2, al2r, ar2r, first=False)
  o2a, o2b, s2a, s2b = _sc_layer(h2, el2.reshape(NP), er2.reshape(NP),
                                 src2d, dst2d)
  h3, el3, er3 = _mm(o2a, o2b, s2a.reshape(NP, 1), s2b.reshape(NP, 1),
                     W3, al3r, ar3r, first=False)
  o3a, o3b, s3a, s3b = _sc_layer(h3, el3.reshape(NP), er3.reshape(NP),
                                 src2d, dst2d)
  return _readout(o3a, o3b, s3a.reshape(NP, 1), s3b.reshape(NP, 1)).reshape(D)

# --- scband reference (transcript-rebuilt; emitter-appended) ---
"""Pipeline reference for scband-gat-22213570855135 (READ-ONLY COPY).

The authoritative reference and input builder live on the scoring server;
editing this copy changes nothing except your own understanding.
"""

import jax, jax.numpy as jnp
import numpy as np

N = 10000
E = 320000
IN_DIM = 128
HID = 32 * 4  # hidden_dim * 4 = 128
OUT_DIM = 128


def setup_inputs(seed: int = 0) -> dict:
    key = jax.random.key(seed)
    ks = jax.random.split(key, 12)
    x = jax.random.normal(ks[0], (N, IN_DIM), dtype=jnp.float32)
    # int32 used so the module runs without jax x64 mode; values < N
    edge_index = jax.random.randint(ks[1], (2, E), 0, N, dtype=jnp.int32)
    W1 = jax.random.normal(ks[2], (IN_DIM, HID), dtype=jnp.float32) / np.sqrt(IN_DIM)
    al1 = jax.random.normal(ks[3], (HID,), dtype=jnp.float32) * 0.1
    ar1 = jax.random.normal(ks[4], (HID,), dtype=jnp.float32) * 0.1
    W2 = jax.random.normal(ks[5], (HID, HID), dtype=jnp.float32) / np.sqrt(HID)
    al2 = jax.random.normal(ks[6], (HID,), dtype=jnp.float32) * 0.1
    ar2 = jax.random.normal(ks[7], (HID,), dtype=jnp.float32) * 0.1
    W3 = jax.random.normal(ks[8], (HID, OUT_DIM), dtype=jnp.float32) / np.sqrt(HID)
    al3 = jax.random.normal(ks[9], (OUT_DIM,), dtype=jnp.float32) * 0.1
    ar3 = jax.random.normal(ks[10], (OUT_DIM,), dtype=jnp.float32) * 0.1
    return {"x": x, "edge_index": edge_index, "W1": W1, "al1": al1, "ar1": ar1,
            "W2": W2, "al2": al2, "ar2": ar2, "W3": W3, "al3": al3, "ar3": ar3}


def _gat_layer(h_in, src, dst, W, al, ar):
    # DGL GATConv, num_heads=1, bias=False (head dim squeezed)
    h = h_in @ W                                   # [N, D]
    el = (h * al).sum(-1)                          # [N]
    er = (h * ar).sum(-1)                          # [N]
    e = jax.nn.leaky_relu(el[src] + er[dst], negative_slope=0.2)  # [E]
    m = jax.ops.segment_max(e, dst, num_segments=N)
    ex = jnp.exp(e - m[dst])
    s = jax.ops.segment_sum(ex, dst, num_segments=N)
    alpha = ex / s[dst]                            # edge softmax over incoming edges
    out = jax.ops.segment_sum(alpha[:, None] * h[src], dst, num_segments=N)
    return out


def reference(x, edge_index, W1, al1, ar1, W2, al2, ar2, W3, al3, ar3):
    src = edge_index[0]
    dst = edge_index[1]
    x1 = jax.nn.relu(_gat_layer(x, src, dst, W1, al1, ar1))
    x2 = jax.nn.relu(_gat_layer(x1, src, dst, W2, al2, ar2))
    x3 = jax.nn.relu(_gat_layer(x2, src, dst, W3, al3, ar3))
    # dgl.sum_nodes over a single graph, then squeeze -> [out_dim]
    readout = x3.sum(axis=0)
    return readout

if __name__ == "__main__":
    import jax
    _d = setup_inputs()
    print(jax.jit(kernel)(*tuple(_d.values())))

</pallas_src>

<mosaic_0001>
#map = affine_map<(d0, d1) -> (0, 0)>
#map1 = affine_map<(d0, d1) -> (0)>
module attributes {stable_mosaic.version = 14 : i64} {
  func.func @_sc_body(%arg0: i32, %arg1: i32, %arg2: memref<10240x128xf32, #tpu.memory_space<hbm>>, %arg3: memref<10240xf32, #tpu.memory_space<hbm>>, %arg4: memref<10240xf32, #tpu.memory_space<hbm>>, %arg5: memref<5120x64xi32, #tpu.memory_space<hbm>>, %arg6: memref<5120x64xi32, #tpu.memory_space<hbm>>, %arg7: memref<10240x128xf32, #tpu.memory_space<hbm>>, %arg8: memref<10240x128xf32, #tpu.memory_space<hbm>>, %arg9: memref<10240xf32, #tpu.memory_space<hbm>>, %arg10: memref<10240xf32, #tpu.memory_space<hbm>>, %arg11: memref<10240xf32, #tpu.memory_space<vmem>>, %arg12: memref<10240xf32, #tpu.memory_space<vmem>>, %arg13: memref<16x64xi32, #tpu.memory_space<vmem>>, %arg14: memref<16x64xi32, #tpu.memory_space<vmem>>, %arg15: memref<16x64xf32, #tpu.memory_space<vmem>>, %arg16: memref<64x128xf32, #tpu.memory_space<vmem>>, %arg17: memref<64x128xf32, #tpu.memory_space<vmem>>, %arg18: memref<640xf32, #tpu.memory_space<vmem>>, %arg19: memref<10240xf32, #tpu.memory_space<vmem_shared>>, %arg20: memref<10240x128xf32, #tpu.memory_space<vmem_shared>>, %arg21: memref<!tpu.dma_semaphore, #tpu.memory_space<semaphore_mem>>, %arg22: memref<!tpu.dma_semaphore, #tpu.memory_space<semaphore_mem>>) attributes {dimension_semantics = [#tpu.dimension_semantics<core_parallel>, #tpu.dimension_semantics<subcore_parallel>], iteration_bounds = array<i64: 2, 16>, scalar_prefetch = 0 : i64, scratch_operands = 12 : i64, tpu.core_type = #tpu.core_type<sc_vector_subcore>, window_params = [{transform_indices = #map}, {transform_indices = #map1}, {transform_indices = #map1}, {transform_indices = #map}, {transform_indices = #map}, {transform_indices = #map}, {transform_indices = #map}, {transform_indices = #map1}, {transform_indices = #map1}]} {
    %broadcast_in_dim3A = arith.constant 0.000000e+00 : f32
    %broadcast_in_dim3A_0 = vector.broadcast %broadcast_in_dim3A : f32 to vector<16xf32>
    "tpu.region"() ({
      %run_scoped3A = tpu.sem_alloc : memref<!tpu.dma_semaphore, #tpu.memory_space<semaphore_mem>>
      tpu.enqueue_dma source(%arg3 : memref<10240xf32, #tpu.memory_space<hbm>>) target(%arg11 : memref<10240xf32, #tpu.memory_space<vmem>>) target_semaphore(%run_scoped3A : memref<!tpu.dma_semaphore, #tpu.memory_space<semaphore_mem>>)
      tpu.wait_dma2 semaphore(%run_scoped3A : memref<!tpu.dma_semaphore, #tpu.memory_space<semaphore_mem>>) src(%arg3 : memref<10240xf32, #tpu.memory_space<hbm>>) dst(%arg11 : memref<10240xf32, #tpu.memory_space<vmem>>)
      tpu.yield
    }) : () -> ()
    "tpu.region"() ({
      %run_scoped3A = tpu.sem_alloc : memref<!tpu.dma_semaphore, #tpu.memory_space<semaphore_mem>>
      tpu.enqueue_dma source(%arg4 : memref<10240xf32, #tpu.memory_space<hbm>>) target(%arg12 : memref<10240xf32, #tpu.memory_space<vmem>>) target_semaphore(%run_scoped3A : memref<!tpu.dma_semaphore, #tpu.memory_space<semaphore_mem>>)
      tpu.wait_dma2 semaphore(%run_scoped3A : memref<!tpu.dma_semaphore, #tpu.memory_space<semaphore_mem>>) src(%arg4 : memref<10240xf32, #tpu.memory_space<hbm>>) dst(%arg12 : memref<10240xf32, #tpu.memory_space<vmem>>)
      tpu.yield
    }) : () -> ()
    %scan3A = arith.constant 0 : i32
    %scan3A_1 = arith.constant 40 : i32
    %scan3A_2 = arith.addi %scan3A, %scan3A_1 : i32
    %scan3A_3 = arith.constant 1 : i32
    scf.for %scan3A_68 = %scan3A to %scan3A_2 step %scan3A_3  : i32 {
      %mul3A_69 = arith.constant 1 : i32
      %mul3A_70 = arith.muli %scan3A_68, %mul3A_69 : i32
      %add3A_71 = arith.constant 0 : i32
      %add3A_72 = arith.addi %add3A_71, %mul3A_70 : i32
      %mul3A_73 = arith.constant 16 : i32
      %mul3A_74 = arith.muli %add3A_72, %mul3A_73 : i32
      %swap3A = arith.index_cast %mul3A_74 : i32 to index
      %swap3A_75 = tpu.vector_load %arg18[%swap3A] {strides = array<i32>} : memref<640xf32, #tpu.memory_space<vmem>>, vector<16xf32>,
      tpu.vector_store %arg18[%swap3A], %broadcast_in_dim3A_0 {strides = array<i32>} : memref<640xf32, #tpu.memory_space<vmem>>, vector<16xf32>,
    }
    %scan3A_4 = arith.constant 40 : i32
    %scan3A_5 = arith.constant 0 : i32
    %scan3A_6 = arith.constant 64 : i32
    %scan3A_7 = arith.addi %scan3A_5, %scan3A_6 : i32
    %scan3A_8 = arith.constant 1 : i32
    scf.for %scan3A_68 = %scan3A_5 to %scan3A_7 step %scan3A_8  : i32 {
      %mul3A_69 = arith.constant 1 : i32
      %mul3A_70 = arith.muli %scan3A_68, %mul3A_69 : i32
      %add3A_71 = arith.constant 0 : i32
      %add3A_72 = arith.addi %add3A_71, %mul3A_70 : i32
      %swap3A = arith.index_cast %add3A_72 : i32 to index
      %swap3A_73 = arith.constant 0 : index
      %swap3A_74 = tpu.vector_load %arg16[%swap3A, %swap3A_73] {strides = array<i32>} : memref<64x128xf32, #tpu.memory_space<vmem>>, vector<16xf32>,
      tpu.vector_store %arg16[%swap3A, %swap3A_73], %broadcast_in_dim3A_0 {strides = array<i32>} : memref<64x128xf32, #tpu.memory_space<vmem>>, vector<16xf32>,
      %swap3A_75 = arith.index_cast %add3A_72 : i32 to index
      %swap3A_76 = arith.constant 16 : index
      %swap3A_77 = tpu.vector_load %arg16[%swap3A_75, %swap3A_76] {strides = array<i32>} : memref<64x128xf32, #tpu.memory_space<vmem>>, vector<16xf32>,
      tpu.vector_store %arg16[%swap3A_75, %swap3A_76], %broadcast_in_dim3A_0 {strides = array<i32>} : memref<64x128xf32, #tpu.memory_space<vmem>>, vector<16xf32>,
      %swap3A_78 = arith.index_cast %add3A_72 : i32 to index
      %swap3A_79 = arith.constant 32 : index
      %swap3A_80 = tpu.vector_load %arg16[%swap3A_78, %swap3A_79] {strides = array<i32>} : memref<64x128xf32, #tpu.memory_space<vmem>>, vector<16xf32>,
      tpu.vector_store %arg16[%swap3A_78, %swap3A_79], %broadcast_in_dim3A_0 {strides = array<i32>} : memref<64x128xf32, #tpu.memory_space<vmem>>, vector<16xf32>,
      %swap3A_81 = arith.index_cast %add3A_72 : i32 to index
      %swap3A_82 = arith.constant 48 : index
      %swap3A_83 = tpu.vector_load %arg16[%swap3A_81, %swap3A_82] {strides = array<i32>} : memref<64x128xf32, #tpu.memory_space<vmem>>, vector<16xf32>,
      tpu.vector_store %arg16[%swap3A_81, %swap3A_82], %broadcast_in_dim3A_0 {strides = array<i32>} : memref<64x128xf32, #tpu.memory_space<vmem>>, vector<16xf32>,
      %swap3A_84 = arith.index_cast %add3A_72 : i32 to index
      %swap3A_85 = arith.constant 64 : index
      %swap3A_86 = tpu.vector_load %arg16[%swap3A_84, %swap3A_85] {strides = array<i32>} : memref<64x128xf32, #tpu.memory_space<vmem>>, vector<16xf32>,
      tpu.vector_store %arg16[%swap3A_84, %swap3A_85], %broadcast_in_dim3A_0 {strides = array<i32>} : memref<64x128xf32, #tpu.memory_space<vmem>>, vector<16xf32>,
      %swap3A_87 = arith.index_cast %add3A_72 : i32 to index
      %swap3A_88 = arith.constant 80 : index
      %swap3A_89 = tpu.vector_load %arg16[%swap3A_87, %swap3A_88] {strides = array<i32>} : memref<64x128xf32, #tpu.memory_space<vmem>>, vector<16xf32>,
      tpu.vector_store %arg16[%swap3A_87, %swap3A_88], %broadcast_in_dim3A_0 {strides = array<i32>} : memref<64x128xf32, #tpu.memory_space<vmem>>, vector<16xf32>,
      %swap3A_90 = arith.index_cast %add3A_72 : i32 to index
      %swap3A_91 = arith.constant 96 : index
      %swap3A_92 = tpu.vector_load %arg16[%swap3A_90, %swap3A_91] {strides = array<i32>} : memref<64x128xf32, #tpu.memory_space<vmem>>, vector<16xf32>,
      tpu.vector_store %arg16[%swap3A_90, %swap3A_91], %broadcast_in_dim3A_0 {strides = array<i32>} : memref<64x128xf32, #tpu.memory_space<vmem>>, vector<16xf32>,
      %swap3A_93 = arith.index_cast %add3A_72 : i32 to index
      %swap3A_94 = arith.constant 112 : index
      %swap3A_95 = tpu.vector_load %arg16[%swap3A_93, %swap3A_94] {strides = array<i32>} : memref<64x128xf32, #tpu.memory_space<vmem>>, vector<16xf32>,
      tpu.vector_store %arg16[%swap3A_93, %swap3A_94], %broadcast_in_dim3A_0 {strides = array<i32>} : memref<64x128xf32, #tpu.memory_space<vmem>>, vector<16xf32>,
    }
    %scan3A_9 = arith.constant 64 : i32
    %mul3A = arith.constant 640 : i32
    %mul3A_10 = arith.muli %arg1, %mul3A : i32
    "tpu.region"() ({
      %run_scoped3A = tpu.sem_alloc : memref<!tpu.dma_semaphore, #tpu.memory_space<semaphore_mem>>
      %dma_start3A = tpu.memref_slice %arg19[%mul3A_10] : memref<10240xf32, #tpu.memory_space<vmem_shared>> -> memref<640xf32, #tpu.memory_space<vmem_shared>>
      %dma_start3A_68 = tpu.memref_slice %arg19[%mul3A_10] : memref<10240xf32, #tpu.memory_space<vmem_shared>> -> memref<640xf32, #tpu.memory_space<vmem_shared>>
      tpu.enqueue_dma source(%arg18 : memref<640xf32, #tpu.memory_space<vmem>>) target(%dma_start3A_68 : memref<640xf32, #tpu.memory_space<vmem_shared>>) target_semaphore(%run_scoped3A : memref<!tpu.dma_semaphore, #tpu.memory_space<semaphore_mem>>)
      %dma_wait3A = tpu.memref_slice %arg19[%mul3A_10] : memref<10240xf32, #tpu.memory_space<vmem_shared>> -> memref<640xf32, #tpu.memory_space<vmem_shared>>
      %dma_wait3A_69 = tpu.memref_slice %arg19[%mul3A_10] : memref<10240xf32, #tpu.memory_space<vmem_shared>> -> memref<640xf32, #tpu.memory_space<vmem_shared>>
      tpu.wait_dma2 semaphore(%run_scoped3A : memref<!tpu.dma_semaphore, #tpu.memory_space<semaphore_mem>>) src(%arg18 : memref<640xf32, #tpu.memory_space<vmem>>) dst(%dma_wait3A_69 : memref<640xf32, #tpu.memory_space<vmem_shared>>)
      tpu.yield
    }) : () -> ()
    %mul3A_11 = arith.constant 640 : i32
    %mul3A_12 = arith.muli %arg1, %mul3A_11 : i32
    %add3A = arith.constant 0 : i32
    %add3A_13 = arith.addi %mul3A_12, %add3A : i32
    "tpu.region"() ({
      %run_scoped3A = tpu.sem_alloc : memref<!tpu.dma_semaphore, #tpu.memory_space<semaphore_mem>>
      %dma_start3A = arith.constant 0 : i32
      %dma_start3A_68 = tpu.memref_slice %arg20[%add3A_13, %dma_start3A] : memref<10240x128xf32, #tpu.memory_space<vmem_shared>> -> memref<64x128xf32, #tpu.memory_space<vmem_shared>>
      %dma_start3A_69 = arith.constant 0 : i32
      %dma_start3A_70 = tpu.memref_slice %arg20[%add3A_13, %dma_start3A_69] : memref<10240x128xf32, #tpu.memory_space<vmem_shared>> -> memref<64x128xf32, #tpu.memory_space<vmem_shared>>
      tpu.enqueue_dma source(%arg16 : memref<64x128xf32, #tpu.memory_space<vmem>>) target(%dma_start3A_70 : memref<64x128xf32, #tpu.memory_space<vmem_shared>>) target_semaphore(%run_scoped3A : memref<!tpu.dma_semaphore, #tpu.memory_space<semaphore_mem>>)
      %dma_wait3A = arith.constant 0 : i32
      %dma_wait3A_71 = tpu.memref_slice %arg20[%add3A_13, %dma_wait3A] : memref<10240x128xf32, #tpu.memory_space<vmem_shared>> -> memref<64x128xf32, #tpu.memory_space<vmem_shared>>
      %dma_wait3A_72 = arith.constant 0 : i32
      %dma_wait3A_73 = tpu.memref_slice %arg20[%add3A_13, %dma_wait3A_72] : memref<10240x128xf32, #tpu.memory_space<vmem_shared>> -> memref<64x128xf32, #tpu.memory_space<vmem_shared>>
      tpu.wait_dma2 semaphore(%run_scoped3A : memref<!tpu.dma_semaphore, #tpu.memory_space<semaphore_mem>>) src(%arg16 : memref<64x128xf32, #tpu.memory_space<vmem>>) dst(%dma_wait3A_73 : memref<64x128xf32, #tpu.memory_space<vmem_shared>>)
      tpu.yield
    }) : () -> ()
    %mul3A_14 = arith.constant 640 : i32
    %mul3A_15 = arith.muli %arg1, %mul3A_14 : i32
    %add3A_16 = arith.constant 64 : i32
    %add3A_17 = arith.addi %mul3A_15, %add3A_16 : i32
    "tpu.region"() ({
      %run_scoped3A = tpu.sem_alloc : memref<!tpu.dma_semaphore, #tpu.memory_space<semaphore_mem>>
      %dma_start3A = arith.constant 0 : i32
      %dma_start3A_68 = tpu.memref_slice %arg20[%add3A_17, %dma_start3A] : memref<10240x128xf32, #tpu.memory_space<vmem_shared>> -> memref<64x128xf32, #tpu.memory_space<vmem_shared>>
      %dma_start3A_69 = arith.constant 0 : i32
      %dma_start3A_70 = tpu.memref_slice %arg20[%add3A_17, %dma_start3A_69] : memref<10240x128xf32, #tpu.memory_space<vmem_shared>> -> memref<64x128xf32, #tpu.memory_space<vmem_shared>>
      tpu.enqueue_dma source(%arg16 : memref<64x128xf32, #tpu.memory_space<vmem>>) target(%dma_start3A_70 : memref<64x128xf32, #tpu.memory_space<vmem_shared>>) target_semaphore(%run_scoped3A : memref<!tpu.dma_semaphore, #tpu.memory_space<semaphore_mem>>)
      %dma_wait3A = arith.constant 0 : i32
      %dma_wait3A_71 = tpu.memref_slice %arg20[%add3A_17, %dma_wait3A] : memref<10240x128xf32, #tpu.memory_space<vmem_shared>> -> memref<64x128xf32, #tpu.memory_space<vmem_shared>>
      %dma_wait3A_72 = arith.constant 0 : i32
      %dma_wait3A_73 = tpu.memref_slice %arg20[%add3A_17, %dma_wait3A_72] : memref<10240x128xf32, #tpu.memory_space<vmem_shared>> -> memref<64x128xf32, #tpu.memory_space<vmem_shared>>
      tpu.wait_dma2 semaphore(%run_scoped3A : memref<!tpu.dma_semaphore, #tpu.memory_space<semaphore_mem>>) src(%arg16 : memref<64x128xf32, #tpu.memory_space<vmem>>) dst(%dma_wait3A_73 : memref<64x128xf32, #tpu.memory_space<vmem_shared>>)
      tpu.yield
    }) : () -> ()
    %mul3A_18 = arith.constant 640 : i32
    %mul3A_19 = arith.muli %arg1, %mul3A_18 : i32
    %add3A_20 = arith.constant 128 : i32
    %add3A_21 = arith.addi %mul3A_19, %add3A_20 : i32
    "tpu.region"() ({
      %run_scoped3A = tpu.sem_alloc : memref<!tpu.dma_semaphore, #tpu.memory_space<semaphore_mem>>
      %dma_start3A = arith.constant 0 : i32
      %dma_start3A_68 = tpu.memref_slice %arg20[%add3A_21, %dma_start3A] : memref<10240x128xf32, #tpu.memory_space<vmem_shared>> -> memref<64x128xf32, #tpu.memory_space<vmem_shared>>
      %dma_start3A_69 = arith.constant 0 : i32
      %dma_start3A_70 = tpu.memref_slice %arg20[%add3A_21, %dma_start3A_69] : memref<10240x128xf32, #tpu.memory_space<vmem_shared>> -> memref<64x128xf32, #tpu.memory_space<vmem_shared>>
      tpu.enqueue_dma source(%arg16 : memref<64x128xf32, #tpu.memory_space<vmem>>) target(%dma_start3A_70 : memref<64x128xf32, #tpu.memory_space<vmem_shared>>) target_semaphore(%run_scoped3A : memref<!tpu.dma_semaphore, #tpu.memory_space<semaphore_mem>>)
      %dma_wait3A = arith.constant 0 : i32
      %dma_wait3A_71 = tpu.memref_slice %arg20[%add3A_21, %dma_wait3A] : memref<10240x128xf32, #tpu.memory_space<vmem_shared>> -> memref<64x128xf32, #tpu.memory_space<vmem_shared>>
      %dma_wait3A_72 = arith.constant 0 : i32
      %dma_wait3A_73 = tpu.memref_slice %arg20[%add3A_21, %dma_wait3A_72] : memref<10240x128xf32, #tpu.memory_space<vmem_shared>> -> memref<64x128xf32, #tpu.memory_space<vmem_shared>>
      tpu.wait_dma2 semaphore(%run_scoped3A : memref<!tpu.dma_semaphore, #tpu.memory_space<semaphore_mem>>) src(%arg16 : memref<64x128xf32, #tpu.memory_space<vmem>>) dst(%dma_wait3A_73 : memref<64x128xf32, #tpu.memory_space<vmem_shared>>)
      tpu.yield
    }) : () -> ()
    %mul3A_22 = arith.constant 640 : i32
    %mul3A_23 = arith.muli %arg1, %mul3A_22 : i32
    %add3A_24 = arith.constant 192 : i32
    %add3A_25 = arith.addi %mul3A_23, %add3A_24 : i32
    "tpu.region"() ({
      %run_scoped3A = tpu.sem_alloc : memref<!tpu.dma_semaphore, #tpu.memory_space<semaphore_mem>>
      %dma_start3A = arith.constant 0 : i32
      %dma_start3A_68 = tpu.memref_slice %arg20[%add3A_25, %dma_start3A] : memref<10240x128xf32, #tpu.memory_space<vmem_shared>> -> memref<64x128xf32, #tpu.memory_space<vmem_shared>>
      %dma_start3A_69 = arith.constant 0 : i32
      %dma_start3A_70 = tpu.memref_slice %arg20[%add3A_25, %dma_start3A_69] : memref<10240x128xf32, #tpu.memory_space<vmem_shared>> -> memref<64x128xf32, #tpu.memory_space<vmem_shared>>
      tpu.enqueue_dma source(%arg16 : memref<64x128xf32, #tpu.memory_space<vmem>>) target(%dma_start3A_70 : memref<64x128xf32, #tpu.memory_space<vmem_shared>>) target_semaphore(%run_scoped3A : memref<!tpu.dma_semaphore, #tpu.memory_space<semaphore_mem>>)
      %dma_wait3A = arith.constant 0 : i32
      %dma_wait3A_71 = tpu.memref_slice %arg20[%add3A_25, %dma_wait3A] : memref<10240x128xf32, #tpu.memory_space<vmem_shared>> -> memref<64x128xf32, #tpu.memory_space<vmem_shared>>
      %dma_wait3A_72 = arith.constant 0 : i32
      %dma_wait3A_73 = tpu.memref_slice %arg20[%add3A_25, %dma_wait3A_72] : memref<10240x128xf32, #tpu.memory_space<vmem_shared>> -> memref<64x128xf32, #tpu.memory_space<vmem_shared>>
      tpu.wait_dma2 semaphore(%run_scoped3A : memref<!tpu.dma_semaphore, #tpu.memory_space<semaphore_mem>>) src(%arg16 : memref<64x128xf32, #tpu.memory_space<vmem>>) dst(%dma_wait3A_73 : memref<64x128xf32, #tpu.memory_space<vmem_shared>>)
      tpu.yield
    }) : () -> ()
    %mul3A_26 = arith.constant 640 : i32
    %mul3A_27 = arith.muli %arg1, %mul3A_26 : i32
    %add3A_28 = arith.constant 256 : i32
    %add3A_29 = arith.addi %mul3A_27, %add3A_28 : i32
    "tpu.region"() ({
      %run_scoped3A = tpu.sem_alloc : memref<!tpu.dma_semaphore, #tpu.memory_space<semaphore_mem>>
      %dma_start3A = arith.constant 0 : i32
      %dma_start3A_68 = tpu.memref_slice %arg20[%add3A_29, %dma_start3A] : memref<10240x128xf32, #tpu.memory_space<vmem_shared>> -> memref<64x128xf32, #tpu.memory_space<vmem_shared>>
      %dma_start3A_69 = arith.constant 0 : i32
      %dma_start3A_70 = tpu.memref_slice %arg20[%add3A_29, %dma_start3A_69] : memref<10240x128xf32, #tpu.memory_space<vmem_shared>> -> memref<64x128xf32, #tpu.memory_space<vmem_shared>>
      tpu.enqueue_dma source(%arg16 : memref<64x128xf32, #tpu.memory_space<vmem>>) target(%dma_start3A_70 : memref<64x128xf32, #tpu.memory_space<vmem_shared>>) target_semaphore(%run_scoped3A : memref<!tpu.dma_semaphore, #tpu.memory_space<semaphore_mem>>)
      %dma_wait3A = arith.constant 0 : i32
      %dma_wait3A_71 = tpu.memref_slice %arg20[%add3A_29, %dma_wait3A] : memref<10240x128xf32, #tpu.memory_space<vmem_shared>> -> memref<64x128xf32, #tpu.memory_space<vmem_shared>>
      %dma_wait3A_72 = arith.constant 0 : i32
      %dma_wait3A_73 = tpu.memref_slice %arg20[%add3A_29, %dma_wait3A_72] : memref<10240x128xf32, #tpu.memory_space<vmem_shared>> -> memref<64x128xf32, #tpu.memory_space<vmem_shared>>
      tpu.wait_dma2 semaphore(%run_scoped3A : memref<!tpu.dma_semaphore, #tpu.memory_space<semaphore_mem>>) src(%arg16 : memref<64x128xf32, #tpu.memory_space<vmem>>) dst(%dma_wait3A_73 : memref<64x128xf32, #tpu.memory_space<vmem_shared>>)
      tpu.yield
    }) : () -> ()
    %mul3A_30 = arith.constant 640 : i32
    %mul3A_31 = arith.muli %arg1, %mul3A_30 : i32
    %add3A_32 = arith.constant 320 : i32
    %add3A_33 = arith.addi %mul3A_31, %add3A_32 : i32
    "tpu.region"() ({
      %run_scoped3A = tpu.sem_alloc : memref<!tpu.dma_semaphore, #tpu.memory_space<semaphore_mem>>
      %dma_start3A = arith.constant 0 : i32
      %dma_start3A_68 = tpu.memref_slice %arg20[%add3A_33, %dma_start3A] : memref<10240x128xf32, #tpu.memory_space<vmem_shared>> -> memref<64x128xf32, #tpu.memory_space<vmem_shared>>
      %dma_start3A_69 = arith.constant 0 : i32
      %dma_start3A_70 = tpu.memref_slice %arg20[%add3A_33, %dma_start3A_69] : memref<10240x128xf32, #tpu.memory_space<vmem_shared>> -> memref<64x128xf32, #tpu.memory_space<vmem_shared>>
      tpu.enqueue_dma source(%arg16 : memref<64x128xf32, #tpu.memory_space<vmem>>) target(%dma_start3A_70 : memref<64x128xf32, #tpu.memory_space<vmem_shared>>) target_semaphore(%run_scoped3A : memref<!tpu.dma_semaphore, #tpu.memory_space<semaphore_mem>>)
      %dma_wait3A = arith.constant 0 : i32
      %dma_wait3A_71 = tpu.memref_slice %arg20[%add3A_33, %dma_wait3A] : memref<10240x128xf32, #tpu.memory_space<vmem_shared>> -> memref<64x128xf32, #tpu.memory_space<vmem_shared>>
      %dma_wait3A_72 = arith.constant 0 : i32
      %dma_wait3A_73 = tpu.memref_slice %arg20[%add3A_33, %dma_wait3A_72] : memref<10240x128xf32, #tpu.memory_space<vmem_shared>> -> memref<64x128xf32, #tpu.memory_space<vmem_shared>>
      tpu.wait_dma2 semaphore(%run_scoped3A : memref<!tpu.dma_semaphore, #tpu.memory_space<semaphore_mem>>) src(%arg16 : memref<64x128xf32, #tpu.memory_space<vmem>>) dst(%dma_wait3A_73 : memref<64x128xf32, #tpu.memory_space<vmem_shared>>)
      tpu.yield
    }) : () -> ()
    %mul3A_34 = arith.constant 640 : i32
    %mul3A_35 = arith.muli %arg1, %mul3A_34 : i32
    %add3A_36 = arith.constant 384 : i32
    %add3A_37 = arith.addi %mul3A_35, %add3A_36 : i32
    "tpu.region"() ({
      %run_scoped3A = tpu.sem_alloc : memref<!tpu.dma_semaphore, #tpu.memory_space<semaphore_mem>>
      %dma_start3A = arith.constant 0 : i32
      %dma_start3A_68 = tpu.memref_slice %arg20[%add3A_37, %dma_start3A] : memref<10240x128xf32, #tpu.memory_space<vmem_shared>> -> memref<64x128xf32, #tpu.memory_space<vmem_shared>>
      %dma_start3A_69 = arith.constant 0 : i32
      %dma_start3A_70 = tpu.memref_slice %arg20[%add3A_37, %dma_start3A_69] : memref<10240x128xf32, #tpu.memory_space<vmem_shared>> -> memref<64x128xf32, #tpu.memory_space<vmem_shared>>
      tpu.enqueue_dma source(%arg16 : memref<64x128xf32, #tpu.memory_space<vmem>>) target(%dma_start3A_70 : memref<64x128xf32, #tpu.memory_space<vmem_shared>>) target_semaphore(%run_scoped3A : memref<!tpu.dma_semaphore, #tpu.memory_space<semaphore_mem>>)
      %dma_wait3A = arith.constant 0 : i32
      %dma_wait3A_71 = tpu.memref_slice %arg20[%add3A_37, %dma_wait3A] : memref<10240x128xf32, #tpu.memory_space<vmem_shared>> -> memref<64x128xf32, #tpu.memory_space<vmem_shared>>
      %dma_wait3A_72 = arith.constant 0 : i32
      %dma_wait3A_73 = tpu.memref_slice %arg20[%add3A_37, %dma_wait3A_72] : memref<10240x128xf32, #tpu.memory_space<vmem_shared>> -> memref<64x128xf32, #tpu.memory_space<vmem_shared>>
      tpu.wait_dma2 semaphore(%run_scoped3A : memref<!tpu.dma_semaphore, #tpu.memory_space<semaphore_mem>>) src(%arg16 : memref<64x128xf32, #tpu.memory_space<vmem>>) dst(%dma_wait3A_73 : memref<64x128xf32, #tpu.memory_space<vmem_shared>>)
      tpu.yield
    }) : () -> ()
    %mul3A_38 = arith.constant 640 : i32
    %mul3A_39 = arith.muli %arg1, %mul3A_38 : i32
    %add3A_40 = arith.constant 448 : i32
    %add3A_41 = arith.addi %mul3A_39, %add3A_40 : i32
    "tpu.region"() ({
      %run_scoped3A = tpu.sem_alloc : memref<!tpu.dma_semaphore, #tpu.memory_space<semaphore_mem>>
      %dma_start3A = arith.constant 0 : i32
      %dma_start3A_68 = tpu.memref_slice %arg20[%add3A_41, %dma_start3A] : memref<10240x128xf32, #tpu.memory_space<vmem_shared>> -> memref<64x128xf32, #tpu.memory_space<vmem_shared>>
      %dma_start3A_69 = arith.constant 0 : i32
      %dma_start3A_70 = tpu.memref_slice %arg20[%add3A_41, %dma_start3A_69] : memref<10240x128xf32, #tpu.memory_space<vmem_shared>> -> memref<64x128xf32, #tpu.memory_space<vmem_shared>>
      tpu.enqueue_dma source(%arg16 : memref<64x128xf32, #tpu.memory_space<vmem>>) target(%dma_start3A_70 : memref<64x128xf32, #tpu.memory_space<vmem_shared>>) target_semaphore(%run_scoped3A : memref<!tpu.dma_semaphore, #tpu.memory_space<semaphore_mem>>)
      %dma_wait3A = arith.constant 0 : i32
      %dma_wait3A_71 = tpu.memref_slice %arg20[%add3A_41, %dma_wait3A] : memref<10240x128xf32, #tpu.memory_space<vmem_shared>> -> memref<64x128xf32, #tpu.memory_space<vmem_shared>>
      %dma_wait3A_72 = arith.constant 0 : i32
      %dma_wait3A_73 = tpu.memref_slice %arg20[%add3A_41, %dma_wait3A_72] : memref<10240x128xf32, #tpu.memory_space<vmem_shared>> -> memref<64x128xf32, #tpu.memory_space<vmem_shared>>
      tpu.wait_dma2 semaphore(%run_scoped3A : memref<!tpu.dma_semaphore, #tpu.memory_space<semaphore_mem>>) src(%arg16 : memref<64x128xf32, #tpu.memory_space<vmem>>) dst(%dma_wait3A_73 : memref<64x128xf32, #tpu.memory_space<vmem_shared>>)
      tpu.yield
    }) : () -> ()
    %mul3A_42 = arith.constant 640 : i32
    %mul3A_43 = arith.muli %arg1, %mul3A_42 : i32
    %add3A_44 = arith.constant 512 : i32
    %add3A_45 = arith.addi %mul3A_43, %add3A_44 : i32
    "tpu.region"() ({
      %run_scoped3A = tpu.sem_alloc : memref<!tpu.dma_semaphore, #tpu.memory_space<semaphore_mem>>
      %dma_start3A = arith.constant 0 : i32
      %dma_start3A_68 = tpu.memref_slice %arg20[%add3A_45, %dma_start3A] : memref<10240x128xf32, #tpu.memory_space<vmem_shared>> -> memref<64x128xf32, #tpu.memory_space<vmem_shared>>
      %dma_start3A_69 = arith.constant 0 : i32
      %dma_start3A_70 = tpu.memref_slice %arg20[%add3A_45, %dma_start3A_69] : memref<10240x128xf32, #tpu.memory_space<vmem_shared>> -> memref<64x128xf32, #tpu.memory_space<vmem_shared>>
      tpu.enqueue_dma source(%arg16 : memref<64x128xf32, #tpu.memory_space<vmem>>) target(%dma_start3A_70 : memref<64x128xf32, #tpu.memory_space<vmem_shared>>) target_semaphore(%run_scoped3A : memref<!tpu.dma_semaphore, #tpu.memory_space<semaphore_mem>>)
      %dma_wait3A = arith.constant 0 : i32
      %dma_wait3A_71 = tpu.memref_slice %arg20[%add3A_45, %dma_wait3A] : memref<10240x128xf32, #tpu.memory_space<vmem_shared>> -> memref<64x128xf32, #tpu.memory_space<vmem_shared>>
      %dma_wait3A_72 = arith.constant 0 : i32
      %dma_wait3A_73 = tpu.memref_slice %arg20[%add3A_45, %dma_wait3A_72] : memref<10240x128xf32, #tpu.memory_space<vmem_shared>> -> memref<64x128xf32, #tpu.memory_space<vmem_shared>>
      tpu.wait_dma2 semaphore(%run_scoped3A : memref<!tpu.dma_semaphore, #tpu.memory_space<semaphore_mem>>) src(%arg16 : memref<64x128xf32, #tpu.memory_space<vmem>>) dst(%dma_wait3A_73 : memref<64x128xf32, #tpu.memory_space<vmem_shared>>)
      tpu.yield
    }) : () -> ()
    %mul3A_46 = arith.constant 640 : i32
    %mul3A_47 = arith.muli %arg1, %mul3A_46 : i32
    %add3A_48 = arith.constant 576 : i32
    %add3A_49 = arith.addi %mul3A_47, %add3A_48 : i32
    "tpu.region"() ({
      %run_scoped3A = tpu.sem_alloc : memref<!tpu.dma_semaphore, #tpu.memory_space<semaphore_mem>>
      %dma_start3A = arith.constant 0 : i32
      %dma_start3A_68 = tpu.memref_slice %arg20[%add3A_49, %dma_start3A] : memref<10240x128xf32, #tpu.memory_space<vmem_shared>> -> memref<64x128xf32, #tpu.memory_space<vmem_shared>>
      %dma_start3A_69 = arith.constant 0 : i32
      %dma_start3A_70 = tpu.memref_slice %arg20[%add3A_49, %dma_start3A_69] : memref<10240x128xf32, #tpu.memory_space<vmem_shared>> -> memref<64x128xf32, #tpu.memory_space<vmem_shared>>
      tpu.enqueue_dma source(%arg16 : memref<64x128xf32, #tpu.memory_space<vmem>>) target(%dma_start3A_70 : memref<64x128xf32, #tpu.memory_space<vmem_shared>>) target_semaphore(%run_scoped3A : memref<!tpu.dma_semaphore, #tpu.memory_space<semaphore_mem>>)
      %dma_wait3A = arith.constant 0 : i32
      %dma_wait3A_71 = tpu.memref_slice %arg20[%add3A_49, %dma_wait3A] : memref<10240x128xf32, #tpu.memory_space<vmem_shared>> -> memref<64x128xf32, #tpu.memory_space<vmem_shared>>
      %dma_wait3A_72 = arith.constant 0 : i32
      %dma_wait3A_73 = tpu.memref_slice %arg20[%add3A_49, %dma_wait3A_72] : memref<10240x128xf32, #tpu.memory_space<vmem_shared>> -> memref<64x128xf32, #tpu.memory_space<vmem_shared>>
      tpu.wait_dma2 semaphore(%run_scoped3A : memref<!tpu.dma_semaphore, #tpu.memory_space<semaphore_mem>>) src(%arg16 : memref<64x128xf32, #tpu.memory_space<vmem>>) dst(%dma_wait3A_73 : memref<64x128xf32, #tpu.memory_space<vmem_shared>>)
      tpu.yield
    }) : () -> ()
    %barrier3A = arith.constant 0 : index
    tpu.barrier barrier_id(%barrier3A)
    %mul3A_50 = arith.constant 16 : i32
    %mul3A_51 = arith.muli %arg0, %mul3A_50 : i32
    %add3A_52 = arith.addi %mul3A_51, %arg1 : i32
    %mul3A_53 = arith.constant 160 : i32
    %mul3A_54 = arith.muli %add3A_52, %mul3A_53 : i32
    %scan3A_55 = arith.constant 0 : i32
    %scan3A_56 = arith.constant 10 : i32
    %scan3A_57 = arith.addi %scan3A_55, %scan3A_56 : i32
    %scan3A_58 = arith.constant 1 : i32
    scf.for %scan3A_68 = %scan3A_55 to %scan3A_57 step %scan3A_58  : i32 {
      %mul3A_69 = arith.constant 1 : i32
      %mul3A_70 = arith.muli %scan3A_68, %mul3A_69 : i32
      %add3A_71 = arith.constant 0 : i32
      %add3A_72 = arith.addi %add3A_71, %mul3A_70 : i32
      %mul3A_73 = arith.constant 16 : i32
      %mul3A_74 = arith.muli %add3A_72, %mul3A_73 : i32
      %add3A_75 = arith.addi %mul3A_54, %mul3A_74 : i32
      "tpu.region"() ({
        %run_scoped3A = tpu.sem_alloc : memref<!tpu.dma_semaphore, #tpu.memory_space<semaphore_mem>>
        %dma_start3A_107 = arith.constant 0 : i32
        %dma_start3A_108 = tpu.memref_slice %arg5[%add3A_75, %dma_start3A_107] : memref<5120x64xi32, #tpu.memory_space<hbm>> -> memref<16x64xi32, #tpu.memory_space<hbm>>
        %dma_start3A_109 = arith.constant 0 : i32
        %dma_start3A_110 = tpu.memref_slice %arg5[%add3A_75, %dma_start3A_109] : memref<5120x64xi32, #tpu.memory_space<hbm>> -> memref<16x64xi32, #tpu.memory_space<hbm>>
        tpu.enqueue_dma source(%dma_start3A_110 : memref<16x64xi32, #tpu.memory_space<hbm>>) target(%arg13 : memref<16x64xi32, #tpu.memory_space<vmem>>) target_semaphore(%run_scoped3A : memref<!tpu.dma_semaphore, #tpu.memory_space<semaphore_mem>>)
        %dma_wait3A = arith.constant 0 : i32
        %dma_wait3A_111 = tpu.memref_slice %arg5[%add3A_75, %dma_wait3A] : memref<5120x64xi32, #tpu.memory_space<hbm>> -> memref<16x64xi32, #tpu.memory_space<hbm>>
        %dma_wait3A_112 = arith.constant 0 : i32
        %dma_wait3A_113 = tpu.memref_slice %arg5[%add3A_75, %dma_wait3A_112] : memref<5120x64xi32, #tpu.memory_space<hbm>> -> memref<16x64xi32, #tpu.memory_space<hbm>>
        tpu.wait_dma2 semaphore(%run_scoped3A : memref<!tpu.dma_semaphore, #tpu.memory_space<semaphore_mem>>) src(%dma_wait3A_113 : memref<16x64xi32, #tpu.memory_space<hbm>>) dst(%arg13 : memref<16x64xi32, #tpu.memory_space<vmem>>)
        tpu.yield
      }) : () -> ()
      %mul3A_76 = arith.constant 16 : i32
      %mul3A_77 = arith.muli %add3A_72, %mul3A_76 : i32
      %add3A_78 = arith.addi %mul3A_54, %mul3A_77 : i32
      "tpu.region"() ({
        %run_scoped3A = tpu.sem_alloc : memref<!tpu.dma_semaphore, #tpu.memory_space<semaphore_mem>>
        %dma_start3A_107 = arith.constant 0 : i32
        %dma_start3A_108 = tpu.memref_slice %arg6[%add3A_78, %dma_start3A_107] : memref<5120x64xi32, #tpu.memory_space<hbm>> -> memref<16x64xi32, #tpu.memory_space<hbm>>
        %dma_start3A_109 = arith.constant 0 : i32
        %dma_start3A_110 = tpu.memref_slice %arg6[%add3A_78, %dma_start3A_109] : memref<5120x64xi32, #tpu.memory_space<hbm>> -> memref<16x64xi32, #tpu.memory_space<hbm>>
        tpu.enqueue_dma source(%dma_start3A_110 : memref<16x64xi32, #tpu.memory_space<hbm>>) target(%arg14 : memref<16x64xi32, #tpu.memory_space<vmem>>) target_semaphore(%run_scoped3A : memref<!tpu.dma_semaphore, #tpu.memory_space<semaphore_mem>>)
        %dma_wait3A = arith.constant 0 : i32
        %dma_wait3A_111 = tpu.memref_slice %arg6[%add3A_78, %dma_wait3A] : memref<5120x64xi32, #tpu.memory_space<hbm>> -> memref<16x64xi32, #tpu.memory_space<hbm>>
        %dma_wait3A_112 = arith.constant 0 : i32
        %dma_wait3A_113 = tpu.memref_slice %arg6[%add3A_78, %dma_wait3A_112] : memref<5120x64xi32, #tpu.memory_space<hbm>> -> memref<16x64xi32, #tpu.memory_space<hbm>>
        tpu.wait_dma2 semaphore(%run_scoped3A : memref<!tpu.dma_semaphore, #tpu.memory_space<semaphore_mem>>) src(%dma_wait3A_113 : memref<16x64xi32, #tpu.memory_space<hbm>>) dst(%arg14 : memref<16x64xi32, #tpu.memory_space<vmem>>)
        tpu.yield
      }) : () -> ()
      %scan3A_79 = arith.constant 0 : i32
      %scan3A_80 = arith.constant 16 : i32
      %scan3A_81 = arith.addi %scan3A_79, %scan3A_80 : i32
      %scan3A_82 = arith.constant 1 : i32
      scf.for %scan3A_107 = %scan3A_79 to %scan3A_81 step %scan3A_82  : i32 {
        %mul3A_108 = arith.constant 1 : i32
        %mul3A_109 = arith.muli %scan3A_107, %mul3A_108 : i32
        %add3A_110 = arith.constant 0 : i32
        %add3A_111 = arith.addi %add3A_110, %mul3A_109 : i32
        %get3A = arith.index_cast %add3A_111 : i32 to index
        %get3A_112 = arith.constant 0 : index
        %get3A_113 = tpu.vector_load %arg13[%get3A, %get3A_112] {strides = array<i32>} : memref<16x64xi32, #tpu.memory_space<vmem>>, vector<16xi32>,
        %get3A_114 = arith.index_cast %add3A_111 : i32 to index
        %get3A_115 = arith.constant 0 : index
        %get3A_116 = tpu.vector_load %arg14[%get3A_114, %get3A_115] {strides = array<i32>} : memref<16x64xi32, #tpu.memory_space<vmem>>, vector<16xi32>,
        %gather3A = tpu.vector_load_idx %arg11[%get3A_113] : memref<10240xf32, #tpu.memory_space<vmem>>[vector<16xi32>], vector<16xf32>,
        %gather3A_117 = tpu.vector_load_idx %arg12[%get3A_116] : memref<10240xf32, #tpu.memory_space<vmem>>[vector<16xi32>], vector<16xf32>,
        %add3A_118 = arith.addf %gather3A, %gather3A_117 : vector<16xf32>
        %ge3A = arith.constant 0.000000e+00 : f32
        %ge3A_119 = vector.broadcast %ge3A : f32 to vector<16xf32>
        %ge3A_120 = arith.cmpf oge, %add3A_118, %ge3A_119 : vector<16xf32>
        %mul3A_121 = arith.constant 2.000000e-01 : f32
        %mul3A_122 = vector.broadcast %mul3A_121 : f32 to vector<16xf32>
        %mul3A_123 = arith.mulf %add3A_118, %mul3A_122 : vector<16xf32>
        %select_n3A = arith.select %ge3A_120, %add3A_118, %mul3A_123 : vector<16xi1>, vector<16xf32>
        %exp3A = math.exp %select_n3A : vector<16xf32>
        %swap3A = arith.index_cast %add3A_111 : i32 to index
        %swap3A_124 = arith.constant 0 : index
        %swap3A_125 = tpu.vector_load %arg15[%swap3A, %swap3A_124] {strides = array<i32>} : memref<16x64xf32, #tpu.memory_space<vmem>>, vector<16xf32>,
        tpu.vector_store %arg15[%swap3A, %swap3A_124], %exp3A {strides = array<i32>} : memref<16x64xf32, #tpu.memory_space<vmem>>, vector<16xf32>,
        %get3A_126 = arith.index_cast %add3A_111 : i32 to index
        %get3A_127 = arith.constant 16 : index
        %get3A_128 = tpu.vector_load %arg13[%get3A_126, %get3A_127] {strides = array<i32>} : memref<16x64xi32, #tpu.memory_space<vmem>>, vector<16xi32>,
        %get3A_129 = arith.index_cast %add3A_111 : i32 to index
        %get3A_130 = arith.constant 16 : index
        %get3A_131 = tpu.vector_load %arg14[%get3A_129, %get3A_130] {strides = array<i32>} : memref<16x64xi32, #tpu.memory_space<vmem>>, vector<16xi32>,
        %gather3A_132 = tpu.vector_load_idx %arg11[%get3A_128] : memref<10240xf32, #tpu.memory_space<vmem>>[vector<16xi32>], vector<16xf32>,
        %gather3A_133 = tpu.vector_load_idx %arg12[%get3A_131] : memref<10240xf32, #tpu.memory_space<vmem>>[vector<16xi32>], vector<16xf32>,
        %add3A_134 = arith.addf %gather3A_132, %gather3A_133 : vector<16xf32>
        %ge3A_135 = arith.constant 0.000000e+00 : f32
        %ge3A_136 = vector.broadcast %ge3A_135 : f32 to vector<16xf32>
        %ge3A_137 = arith.cmpf oge, %add3A_134, %ge3A_136 : vector<16xf32>
        %mul3A_138 = arith.constant 2.000000e-01 : f32
        %mul3A_139 = vector.broadcast %mul3A_138 : f32 to vector<16xf32>
        %mul3A_140 = arith.mulf %add3A_134, %mul3A_139 : vector<16xf32>
        %select_n3A_141 = arith.select %ge3A_137, %add3A_134, %mul3A_140 : vector<16xi1>, vector<16xf32>
        %exp3A_142 = math.exp %select_n3A_141 : vector<16xf32>
        %swap3A_143 = arith.index_cast %add3A_111 : i32 to index
        %swap3A_144 = arith.constant 16 : index
        %swap3A_145 = tpu.vector_load %arg15[%swap3A_143, %swap3A_144] {strides = array<i32>} : memref<16x64xf32, #tpu.memory_space<vmem>>, vector<16xf32>,
        tpu.vector_store %arg15[%swap3A_143, %swap3A_144], %exp3A_142 {strides = array<i32>} : memref<16x64xf32, #tpu.memory_space<vmem>>, vector<16xf32>,
        %get3A_146 = arith.index_cast %add3A_111 : i32 to index
        %get3A_147 = arith.constant 32 : index
        %get3A_148 = tpu.vector_load %arg13[%get3A_146, %get3A_147] {strides = array<i32>} : memref<16x64xi32, #tpu.memory_space<vmem>>, vector<16xi32>,
        %get3A_149 = arith.index_cast %add3A_111 : i32 to index
        %get3A_150 = arith.constant 32 : index
        %get3A_151 = tpu.vector_load %arg14[%get3A_149, %get3A_150] {strides = array<i32>} : memref<16x64xi32, #tpu.memory_space<vmem>>, vector<16xi32>,
        %gather3A_152 = tpu.vector_load_idx %arg11[%get3A_148] : memref<10240xf32, #tpu.memory_space<vmem>>[vector<16xi32>], vector<16xf32>,
        %gather3A_153 = tpu.vector_load_idx %arg12[%get3A_151] : memref<10240xf32, #tpu.memory_space<vmem>>[vector<16xi32>], vector<16xf32>,
        %add3A_154 = arith.addf %gather3A_152, %gather3A_153 : vector<16xf32>
        %ge3A_155 = arith.constant 0.000000e+00 : f32
        %ge3A_156 = vector.broadcast %ge3A_155 : f32 to vector<16xf32>
        %ge3A_157 = arith.cmpf oge, %add3A_154, %ge3A_156 : vector<16xf32>
        %mul3A_158 = arith.constant 2.000000e-01 : f32
        %mul3A_159 = vector.broadcast %mul3A_158 : f32 to vector<16xf32>
        %mul3A_160 = arith.mulf %add3A_154, %mul3A_159 : vector<16xf32>
        %select_n3A_161 = arith.select %ge3A_157, %add3A_154, %mul3A_160 : vector<16xi1>, vector<16xf32>
        %exp3A_162 = math.exp %select_n3A_161 : vector<16xf32>
        %swap3A_163 = arith.index_cast %add3A_111 : i32 to index
        %swap3A_164 = arith.constant 32 : index
        %swap3A_165 = tpu.vector_load %arg15[%swap3A_163, %swap3A_164] {strides = array<i32>} : memref<16x64xf32, #tpu.memory_space<vmem>>, vector<16xf32>,
        tpu.vector_store %arg15[%swap3A_163, %swap3A_164], %exp3A_162 {strides = array<i32>} : memref<16x64xf32, #tpu.memory_space<vmem>>, vector<16xf32>,
        %get3A_166 = arith.index_cast %add3A_111 : i32 to index
        %get3A_167 = arith.constant 48 : index
        %get3A_168 = tpu.vector_load %arg13[%get3A_166, %get3A_167] {strides = array<i32>} : memref<16x64xi32, #tpu.memory_space<vmem>>, vector<16xi32>,
        %get3A_169 = arith.index_cast %add3A_111 : i32 to index
        %get3A_170 = arith.constant 48 : index
        %get3A_171 = tpu.vector_load %arg14[%get3A_169, %get3A_170] {strides = array<i32>} : memref<16x64xi32, #tpu.memory_space<vmem>>, vector<16xi32>,
        %gather3A_172 = tpu.vector_load_idx %arg11[%get3A_168] : memref<10240xf32, #tpu.memory_space<vmem>>[vector<16xi32>], vector<16xf32>,
        %gather3A_173 = tpu.vector_load_idx %arg12[%get3A_171] : memref<10240xf32, #tpu.memory_space<vmem>>[vector<16xi32>], vector<16xf32>,
        %add3A_174 = arith.addf %gather3A_172, %gather3A_173 : vector<16xf32>
        %ge3A_175 = arith.constant 0.000000e+00 : f32
        %ge3A_176 = vector.broadcast %ge3A_175 : f32 to vector<16xf32>
        %ge3A_177 = arith.cmpf oge, %add3A_174, %ge3A_176 : vector<16xf32>
        %mul3A_178 = arith.constant 2.000000e-01 : f32
        %mul3A_179 = vector.broadcast %mul3A_178 : f32 to vector<16xf32>
        %mul3A_180 = arith.mulf %add3A_174, %mul3A_179 : vector<16xf32>
        %select_n3A_181 = arith.select %ge3A_177, %add3A_174, %mul3A_180 : vector<16xi1>, vector<16xf32>
        %exp3A_182 = math.exp %select_n3A_181 : vector<16xf32>
        %swap3A_183 = arith.index_cast %add3A_111 : i32 to index
        %swap3A_184 = arith.constant 48 : index
        %swap3A_185 = tpu.vector_load %arg15[%swap3A_183, %swap3A_184] {strides = array<i32>} : memref<16x64xf32, #tpu.memory_space<vmem>>, vector<16xf32>,
        tpu.vector_store %arg15[%swap3A_183, %swap3A_184], %exp3A_182 {strides = array<i32>} : memref<16x64xf32, #tpu.memory_space<vmem>>, vector<16xf32>,
      }
      %scan3A_83 = arith.constant 16 : i32
      %scan3A_84 = arith.constant 0 : i32
      %scan3A_85 = arith.constant 16 : i32
      %scan3A_86 = arith.addi %scan3A_84, %scan3A_85 : i32
      %scan3A_87 = arith.constant 1 : i32
      scf.for %scan3A_107 = %scan3A_84 to %scan3A_86 step %scan3A_87  : i32 {
        %mul3A_108 = arith.constant 1 : i32
        %mul3A_109 = arith.muli %scan3A_107, %mul3A_108 : i32
        %add3A_110 = arith.constant 0 : i32
        %add3A_111 = arith.addi %add3A_110, %mul3A_109 : i32
        "tpu.region"() ({
          %run_scoped3A = tpu.sem_alloc : memref<!tpu.dma_semaphore, #tpu.memory_space<semaphore_mem>>
          %dma_start3A_112 = arith.constant 0 : i32
          %dma_start3A_113 = tpu.memref_slice %arg15[%add3A_111, %dma_start3A_112] : memref<16x64xf32, #tpu.memory_space<vmem>> -> memref<1x64xf32, #tpu.memory_space<vmem>>
          %dma_start3A_114 = tpu.memref_squeeze %dma_start3A_113 : memref<1x64xf32, #tpu.memory_space<vmem>> -> memref<64xf32, #tpu.memory_space<vmem>>
          %dma_start3A_115 = arith.constant 0 : i32
          %dma_start3A_116 = tpu.memref_slice %arg14[%add3A_111, %dma_start3A_115] : memref<16x64xi32, #tpu.memory_space<vmem>> -> memref<1x64xi32, #tpu.memory_space<vmem>>
          %dma_start3A_117 = tpu.memref_squeeze %dma_start3A_116 : memref<1x64xi32, #tpu.memory_space<vmem>> -> memref<64xi32, #tpu.memory_space<vmem>>
          %dma_start3A_118 = arith.constant 0 : i32
          %dma_start3A_119 = tpu.memref_slice %arg19[%dma_start3A_118] : memref<10240xf32, #tpu.memory_space<vmem_shared>> -> memref<10240xf32, #tpu.memory_space<vmem_shared>>
          tpu.enqueue_indirect_dma source(%dma_start3A_114 : memref<64xf32, #tpu.memory_space<vmem>>) target(%dma_start3A_119 : memref<10240xf32, #tpu.memory_space<vmem_shared>>) offsets(%dma_start3A_117 : memref<64xi32, #tpu.memory_space<vmem>>) semaphore(%run_scoped3A : memref<!tpu.dma_semaphore, #tpu.memory_space<semaphore_mem>>) {add = true}
          %dma_wait3A = arith.constant 0 : i32
          %dma_wait3A_120 = tpu.memref_slice %arg15[%add3A_111, %dma_wait3A] : memref<16x64xf32, #tpu.memory_space<vmem>> -> memref<1x64xf32, #tpu.memory_space<vmem>>
          %dma_wait3A_121 = tpu.memref_squeeze %dma_wait3A_120 : memref<1x64xf32, #tpu.memory_space<vmem>> -> memref<64xf32, #tpu.memory_space<vmem>>
          %dma_wait3A_122 = arith.constant 0 : i32
          %dma_wait3A_123 = tpu.memref_slice %arg14[%add3A_111, %dma_wait3A_122] : memref<16x64xi32, #tpu.memory_space<vmem>> -> memref<1x64xi32, #tpu.memory_space<vmem>>
          %dma_wait3A_124 = tpu.memref_squeeze %dma_wait3A_123 : memref<1x64xi32, #tpu.memory_space<vmem>> -> memref<64xi32, #tpu.memory_space<vmem>>
          %dma_wait3A_125 = arith.constant 0 : i32
          %dma_wait3A_126 = tpu.memref_slice %arg19[%dma_wait3A_125] : memref<10240xf32, #tpu.memory_space<vmem_shared>> -> memref<10240xf32, #tpu.memory_space<vmem_shared>>
          tpu.wait_indirect_dma semaphore(%run_scoped3A : memref<!tpu.dma_semaphore, #tpu.memory_space<semaphore_mem>>) src(%dma_wait3A_121 : memref<64xf32, #tpu.memory_space<vmem>>) dst(%dma_wait3A_126 : memref<10240xf32, #tpu.memory_space<vmem_shared>>)
          tpu.yield
        }) : () -> ()
      }
      %scan3A_88 = arith.constant 16 : i32
      %dma_start3A = arith.constant 0 : i32
      %dma_start3A_89 = arith.constant 0 : i32
      %dma_start3A_90 = tpu.memref_slice %arg13[%dma_start3A, %dma_start3A_89] : memref<16x64xi32, #tpu.memory_space<vmem>> -> memref<1x64xi32, #tpu.memory_space<vmem>>
      %dma_start3A_91 = tpu.memref_squeeze %dma_start3A_90 : memref<1x64xi32, #tpu.memory_space<vmem>> -> memref<64xi32, #tpu.memory_space<vmem>>
      %dma_start3A_92 = arith.constant 0 : i32
      %dma_start3A_93 = arith.constant 0 : i32
      %dma_start3A_94 = tpu.memref_slice %arg2[%dma_start3A_92, %dma_start3A_93] : memref<10240x128xf32, #tpu.memory_space<hbm>> -> memref<10240x128xf32, #tpu.memory_space<hbm>>
      tpu.enqueue_indirect_dma source(%dma_start3A_94 : memref<10240x128xf32, #tpu.memory_space<hbm>>) target(%arg16 : memref<64x128xf32, #tpu.memory_space<vmem>>) offsets(%dma_start3A_91 : memref<64xi32, #tpu.memory_space<vmem>>) semaphore(%arg21 : memref<!tpu.dma_semaphore, #tpu.memory_space<semaphore_mem>>)
      %dma_start3A_95 = arith.constant 1 : i32
      %dma_start3A_96 = arith.constant 0 : i32
      %dma_start3A_97 = tpu.memref_slice %arg13[%dma_start3A_95, %dma_start3A_96] : memref<16x64xi32, #tpu.memory_space<vmem>> -> memref<1x64xi32, #tpu.memory_space<vmem>>
      %dma_start3A_98 = tpu.memref_squeeze %dma_start3A_97 : memref<1x64xi32, #tpu.memory_space<vmem>> -> memref<64xi32, #tpu.memory_space<vmem>>
      %dma_start3A_99 = arith.constant 0 : i32
      %dma_start3A_100 = arith.constant 0 : i32
      %dma_start3A_101 = tpu.memref_slice %arg2[%dma_start3A_99, %dma_start3A_100] : memref<10240x128xf32, #tpu.memory_space<hbm>> -> memref<10240x128xf32, #tpu.memory_space<hbm>>
      tpu.enqueue_indirect_dma source(%dma_start3A_101 : memref<10240x128xf32, #tpu.memory_space<hbm>>) target(%arg17 : memref<64x128xf32, #tpu.memory_space<vmem>>) offsets(%dma_start3A_98 : memref<64xi32, #tpu.memory_space<vmem>>) semaphore(%arg22 : memref<!tpu.dma_semaphore, #tpu.memory_space<semaphore_mem>>)
      %scan3A_102 = arith.constant 0 : i32
      %scan3A_103 = arith.constant 8 : i32
      %scan3A_104 = arith.addi %scan3A_102, %scan3A_103 : i32
      %scan3A_105 = arith.constant 1 : i32
      scf.for %scan3A_107 = %scan3A_102 to %scan3A_104 step %scan3A_105  : i32 {
        %mul3A_108 = arith.constant 2 : i32
        %mul3A_109 = arith.muli %scan3A_107, %mul3A_108 : i32
        %add3A_110 = arith.constant 0 : i32
        %add3A_111 = arith.addi %add3A_110, %mul3A_109 : i32
        %add3A_112 = arith.constant 0 : i32
        %add3A_113 = arith.addi %add3A_111, %add3A_112 : i32
        %dma_wait3A = arith.constant 0 : i32
        %dma_wait3A_114 = tpu.memref_slice %arg13[%add3A_113, %dma_wait3A] : memref<16x64xi32, #tpu.memory_space<vmem>> -> memref<1x64xi32, #tpu.memory_space<vmem>>
        %dma_wait3A_115 = tpu.memref_squeeze %dma_wait3A_114 : memref<1x64xi32, #tpu.memory_space<vmem>> -> memref<64xi32, #tpu.memory_space<vmem>>
        %dma_wait3A_116 = arith.constant 0 : i32
        %dma_wait3A_117 = arith.constant 0 : i32
        %dma_wait3A_118 = tpu.memref_slice %arg2[%dma_wait3A_116, %dma_wait3A_117] : memref<10240x128xf32, #tpu.memory_space<hbm>> -> memref<10240x128xf32, #tpu.memory_space<hbm>>
        tpu.wait_indirect_dma semaphore(%arg21 : memref<!tpu.dma_semaphore, #tpu.memory_space<semaphore_mem>>) src(%dma_wait3A_118 : memref<10240x128xf32, #tpu.memory_space<hbm>>) dst(%arg16 : memref<64x128xf32, #tpu.memory_space<vmem>>)
        %scan3A_119 = arith.constant 0 : i32
        %scan3A_120 = arith.constant 64 : i32
        %scan3A_121 = arith.addi %scan3A_119, %scan3A_120 : i32
        %scan3A_122 = arith.constant 1 : i32
        scf.for %scan3A_150 = %scan3A_119 to %scan3A_121 step %scan3A_122  : i32 {
          %mul3A_151 = arith.constant 1 : i32
          %mul3A_152 = arith.muli %scan3A_150, %mul3A_151 : i32
          %add3A_153 = arith.constant 0 : i32
          %add3A_154 = arith.addi %add3A_153, %mul3A_152 : i32
          %broadcast_in_dim3A_155 = vector.broadcast %add3A_113 : i32 to vector<16xi32>
          %broadcast_in_dim3A_156 = vector.broadcast %add3A_154 : i32 to vector<16xi32>
          %gather3A = tpu.vector_load_idx %arg15[%broadcast_in_dim3A_155, %broadcast_in_dim3A_156] : memref<16x64xf32, #tpu.memory_space<vmem>>[vector<16xi32>, vector<16xi32>], vector<16xf32>,
          %get3A = arith.index_cast %add3A_154 : i32 to index
          %get3A_157 = arith.constant 0 : index
          %get3A_158 = tpu.vector_load %arg16[%get3A, %get3A_157] {strides = array<i32>} : memref<64x128xf32, #tpu.memory_space<vmem>>, vector<16xf32>,
          %mul3A_159 = arith.mulf %get3A_158, %gather3A : vector<16xf32>
          %swap3A = arith.index_cast %add3A_154 : i32 to index
          %swap3A_160 = arith.constant 0 : index
          %swap3A_161 = tpu.vector_load %arg16[%swap3A, %swap3A_160] {strides = array<i32>} : memref<64x128xf32, #tpu.memory_space<vmem>>, vector<16xf32>,
          tpu.vector_store %arg16[%swap3A, %swap3A_160], %mul3A_159 {strides = array<i32>} : memref<64x128xf32, #tpu.memory_space<vmem>>, vector<16xf32>,
          %get3A_162 = arith.index_cast %add3A_154 : i32 to index
          %get3A_163 = arith.constant 16 : index
          %get3A_164 = tpu.vector_load %arg16[%get3A_162, %get3A_163] {strides = array<i32>} : memref<64x128xf32, #tpu.memory_space<vmem>>, vector<16xf32>,
          %mul3A_165 = arith.mulf %get3A_164, %gather3A : vector<16xf32>
          %swap3A_166 = arith.index_cast %add3A_154 : i32 to index
          %swap3A_167 = arith.constant 16 : index
          %swap3A_168 = tpu.vector_load %arg16[%swap3A_166, %swap3A_167] {strides = array<i32>} : memref<64x128xf32, #tpu.memory_space<vmem>>, vector<16xf32>,
          tpu.vector_store %arg16[%swap3A_166, %swap3A_167], %mul3A_165 {strides = array<i32>} : memref<64x128xf32, #tpu.memory_space<vmem>>, vector<16xf32>,
          %get3A_169 = arith.index_cast %add3A_154 : i32 to index
          %get3A_170 = arith.constant 32 : index
          %get3A_171 = tpu.vector_load %arg16[%get3A_169, %get3A_170] {strides = array<i32>} : memref<64x128xf32, #tpu.memory_space<vmem>>, vector<16xf32>,
          %mul3A_172 = arith.mulf %get3A_171, %gather3A : vector<16xf32>
          %swap3A_173 = arith.index_cast %add3A_154 : i32 to index
          %swap3A_174 = arith.constant 32 : index
          %swap3A_175 = tpu.vector_load %arg16[%swap3A_173, %swap3A_174] {strides = array<i32>} : memref<64x128xf32, #tpu.memory_space<vmem>>, vector<16xf32>,
          tpu.vector_store %arg16[%swap3A_173, %swap3A_174], %mul3A_172 {strides = array<i32>} : memref<64x128xf32, #tpu.memory_space<vmem>>, vector<16xf32>,
          %get3A_176 = arith.index_cast %add3A_154 : i32 to index
          %get3A_177 = arith.constant 48 : index
          %get3A_178 = tpu.vector_load %arg16[%get3A_176, %get3A_177] {strides = array<i32>} : memref<64x128xf32, #tpu.memory_space<vmem>>, vector<16xf32>,
          %mul3A_179 = arith.mulf %get3A_178, %gather3A : vector<16xf32>
          %swap3A_180 = arith.index_cast %add3A_154 : i32 to index
          %swap3A_181 = arith.constant 48 : index
          %swap3A_182 = tpu.vector_load %arg16[%swap3A_180, %swap3A_181] {strides = array<i32>} : memref<64x128xf32, #tpu.memory_space<vmem>>, vector<16xf32>,
          tpu.vector_store %arg16[%swap3A_180, %swap3A_181], %mul3A_179 {strides = array<i32>} : memref<64x128xf32, #tpu.memory_space<vmem>>, vector<16xf32>,
          %get3A_183 = arith.index_cast %add3A_154 : i32 to index
          %get3A_184 = arith.constant 64 : index
          %get3A_185 = tpu.vector_load %arg16[%get3A_183, %get3A_184] {strides = array<i32>} : memref<64x128xf32, #tpu.memory_space<vmem>>, vector<16xf32>,
          %mul3A_186 = arith.mulf %get3A_185, %gather3A : vector<16xf32>
          %swap3A_187 = arith.index_cast %add3A_154 : i32 to index
          %swap3A_188 = arith.constant 64 : index
          %swap3A_189 = tpu.vector_load %arg16[%swap3A_187, %swap3A_188] {strides = array<i32>} : memref<64x128xf32, #tpu.memory_space<vmem>>, vector<16xf32>,
          tpu.vector_store %arg16[%swap3A_187, %swap3A_188], %mul3A_186 {strides = array<i32>} : memref<64x128xf32, #tpu.memory_space<vmem>>, vector<16xf32>,
          %get3A_190 = arith.index_cast %add3A_154 : i32 to index
          %get3A_191 = arith.constant 80 : index
          %get3A_192 = tpu.vector_load %arg16[%get3A_190, %get3A_191] {strides = array<i32>} : memref<64x128xf32, #tpu.memory_space<vmem>>, vector<16xf32>,
          %mul3A_193 = arith.mulf %get3A_192, %gather3A : vector<16xf32>
          %swap3A_194 = arith.index_cast %add3A_154 : i32 to index
          %swap3A_195 = arith.constant 80 : index
          %swap3A_196 = tpu.vector_load %arg16[%swap3A_194, %swap3A_195] {strides = array<i32>} : memref<64x128xf32, #tpu.memory_space<vmem>>, vector<16xf32>,
          tpu.vector_store %arg16[%swap3A_194, %swap3A_195], %mul3A_193 {strides = array<i32>} : memref<64x128xf32, #tpu.memory_space<vmem>>, vector<16xf32>,
          %get3A_197 = arith.index_cast %add3A_154 : i32 to index
          %get3A_198 = arith.constant 96 : index
          %get3A_199 = tpu.vector_load %arg16[%get3A_197, %get3A_198] {strides = array<i32>} : memref<64x128xf32, #tpu.memory_space<vmem>>, vector<16xf32>,
          %mul3A_200 = arith.mulf %get3A_199, %gather3A : vector<16xf32>
          %swap3A_201 = arith.index_cast %add3A_154 : i32 to index
          %swap3A_202 = arith.constant 96 : index
          %swap3A_203 = tpu.vector_load %arg16[%swap3A_201, %swap3A_202] {strides = array<i32>} : memref<64x128xf32, #tpu.memory_space<vmem>>, vector<16xf32>,
          tpu.vector_store %arg16[%swap3A_201, %swap3A_202], %mul3A_200 {strides = array<i32>} : memref<64x128xf32, #tpu.memory_space<vmem>>, vector<16xf32>,
          %get3A_204 = arith.index_cast %add3A_154 : i32 to index
          %get3A_205 = arith.constant 112 : index
          %get3A_206 = tpu.vector_load %arg16[%get3A_204, %get3A_205] {strides = array<i32>} : memref<64x128xf32, #tpu.memory_space<vmem>>, vector<16xf32>,
          %mul3A_207 = arith.mulf %get3A_206, %gather3A : vector<16xf32>
          %swap3A_208 = arith.index_cast %add3A_154 : i32 to index
          %swap3A_209 = arith.constant 112 : index
          %swap3A_210 = tpu.vector_load %arg16[%swap3A_208, %swap3A_209] {strides = array<i32>} : memref<64x128xf32, #tpu.memory_space<vmem>>, vector<16xf32>,
          tpu.vector_store %arg16[%swap3A_208, %swap3A_209], %mul3A_207 {strides = array<i32>} : memref<64x128xf32, #tpu.memory_space<vmem>>, vector<16xf32>,
        }
        %scan3A_123 = arith.constant 64 : i32
        "tpu.region"() ({
          %run_scoped3A = tpu.sem_alloc : memref<!tpu.dma_semaphore, #tpu.memory_space<semaphore_mem>>
          %dma_start3A_150 = arith.constant 0 : i32
          %dma_start3A_151 = tpu.memref_slice %arg14[%add3A_113, %dma_start3A_150] : memref<16x64xi32, #tpu.memory_space<vmem>> -> memref<1x64xi32, #tpu.memory_space<vmem>>
          %dma_start3A_152 = tpu.memref_squeeze %dma_start3A_151 : memref<1x64xi32, #tpu.memory_space<vmem>> -> memref<64xi32, #tpu.memory_space<vmem>>
          %dma_start3A_153 = arith.constant 0 : i32
          %dma_start3A_154 = arith.constant 0 : i32
          %dma_start3A_155 = tpu.memref_slice %arg20[%dma_start3A_153, %dma_start3A_154] : memref<10240x128xf32, #tpu.memory_space<vmem_shared>> -> memref<10240x128xf32, #tpu.memory_space<vmem_shared>>
          tpu.enqueue_indirect_dma source(%arg16 : memref<64x128xf32, #tpu.memory_space<vmem>>) target(%dma_start3A_155 : memref<10240x128xf32, #tpu.memory_space<vmem_shared>>) offsets(%dma_start3A_152 : memref<64xi32, #tpu.memory_space<vmem>>) semaphore(%run_scoped3A : memref<!tpu.dma_semaphore, #tpu.memory_space<semaphore_mem>>) {add = true}
          %dma_wait3A_156 = arith.constant 0 : i32
          %dma_wait3A_157 = tpu.memref_slice %arg14[%add3A_113, %dma_wait3A_156] : memref<16x64xi32, #tpu.memory_space<vmem>> -> memref<1x64xi32, #tpu.memory_space<vmem>>
          %dma_wait3A_158 = tpu.memref_squeeze %dma_wait3A_157 : memref<1x64xi32, #tpu.memory_space<vmem>> -> memref<64xi32, #tpu.memory_space<vmem>>
          %dma_wait3A_159 = arith.constant 0 : i32
          %dma_wait3A_160 = arith.constant 0 : i32
          %dma_wait3A_161 = tpu.memref_slice %arg20[%dma_wait3A_159, %dma_wait3A_160] : memref<10240x128xf32, #tpu.memory_space<vmem_shared>> -> memref<10240x128xf32, #tpu.memory_space<vmem_shared>>
          tpu.wait_indirect_dma semaphore(%run_scoped3A : memref<!tpu.dma_semaphore, #tpu.memory_space<semaphore_mem>>) src(%arg16 : memref<64x128xf32, #tpu.memory_space<vmem>>) dst(%dma_wait3A_161 : memref<10240x128xf32, #tpu.memory_space<vmem_shared>>)
          tpu.yield
        }) : () -> ()
        %add3A_124 = arith.constant 2 : i32
        %add3A_125 = arith.addi %add3A_113, %add3A_124 : i32
        %lt3A = arith.constant 16 : i32
        %lt3A_126 = arith.cmpi slt, %add3A_125, %lt3A : i32
        %convert_element_type3A_127 = arith.extui %lt3A_126 : i1 to i32
        %cond3A_128 = arith.constant 0 : i32
        %cond3A_129 = arith.cmpi ne, %convert_element_type3A_127, %cond3A_128 : i32
        scf.if %cond3A_129 {
          %add3A_150 = arith.constant 2 : i32
          %add3A_151 = arith.addi %add3A_113, %add3A_150 : i32
          %dma_start3A_152 = arith.constant 0 : i32
          %dma_start3A_153 = tpu.memref_slice %arg13[%add3A_151, %dma_start3A_152] : memref<16x64xi32, #tpu.memory_space<vmem>> -> memref<1x64xi32, #tpu.memory_space<vmem>>
          %dma_start3A_154 = tpu.memref_squeeze %dma_start3A_153 : memref<1x64xi32, #tpu.memory_space<vmem>> -> memref<64xi32, #tpu.memory_space<vmem>>
          %dma_start3A_155 = arith.constant 0 : i32
          %dma_start3A_156 = arith.constant 0 : i32
          %dma_start3A_157 = tpu.memref_slice %arg2[%dma_start3A_155, %dma_start3A_156] : memref<10240x128xf32, #tpu.memory_space<hbm>> -> memref<10240x128xf32, #tpu.memory_space<hbm>>
          tpu.enqueue_indirect_dma source(%dma_start3A_157 : memref<10240x128xf32, #tpu.memory_space<hbm>>) target(%arg16 : memref<64x128xf32, #tpu.memory_space<vmem>>) offsets(%dma_start3A_154 : memref<64xi32, #tpu.memory_space<vmem>>) semaphore(%arg21 : memref<!tpu.dma_semaphore, #tpu.memory_space<semaphore_mem>>)
        } else {
        }
        %add3A_130 = arith.constant 1 : i32
        %add3A_131 = arith.addi %add3A_111, %add3A_130 : i32
        %dma_wait3A_132 = arith.constant 0 : i32
        %dma_wait3A_133 = tpu.memref_slice %arg13[%add3A_131, %dma_wait3A_132] : memref<16x64xi32, #tpu.memory_space<vmem>> -> memref<1x64xi32, #tpu.memory_space<vmem>>
        %dma_wait3A_134 = tpu.memref_squeeze %dma_wait3A_133 : memref<1x64xi32, #tpu.memory_space<vmem>> -> memref<64xi32, #tpu.memory_space<vmem>>
        %dma_wait3A_135 = arith.constant 0 : i32
        %dma_wait3A_136 = arith.constant 0 : i32
        %dma_wait3A_137 = tpu.memref_slice %arg2[%dma_wait3A_135, %dma_wait3A_136] : memref<10240x128xf32, #tpu.memory_space<hbm>> -> memref<10240x128xf32, #tpu.memory_space<hbm>>
        tpu.wait_indirect_dma semaphore(%arg22 : memref<!tpu.dma_semaphore, #tpu.memory_space<semaphore_mem>>) src(%dma_wait3A_137 : memref<10240x128xf32, #tpu.memory_space<hbm>>) dst(%arg17 : memref<64x128xf32, #tpu.memory_space<vmem>>)
        %scan3A_138 = arith.constant 0 : i32
        %scan3A_139 = arith.constant 64 : i32
        %scan3A_140 = arith.addi %scan3A_138, %scan3A_139 : i32
        %scan3A_141 = arith.constant 1 : i32
        scf.for %scan3A_150 = %scan3A_138 to %scan3A_140 step %scan3A_141  : i32 {
          %mul3A_151 = arith.constant 1 : i32
          %mul3A_152 = arith.muli %scan3A_150, %mul3A_151 : i32
          %add3A_153 = arith.constant 0 : i32
          %add3A_154 = arith.addi %add3A_153, %mul3A_152 : i32
          %broadcast_in_dim3A_155 = vector.broadcast %add3A_131 : i32 to vector<16xi32>
          %broadcast_in_dim3A_156 = vector.broadcast %add3A_154 : i32 to vector<16xi32>
          %gather3A = tpu.vector_load_idx %arg15[%broadcast_in_dim3A_155, %broadcast_in_dim3A_156] : memref<16x64xf32, #tpu.memory_space<vmem>>[vector<16xi32>, vector<16xi32>], vector<16xf32>,
          %get3A = arith.index_cast %add3A_154 : i32 to index
          %get3A_157 = arith.constant 0 : index
          %get3A_158 = tpu.vector_load %arg17[%get3A, %get3A_157] {strides = array<i32>} : memref<64x128xf32, #tpu.memory_space<vmem>>, vector<16xf32>,
          %mul3A_159 = arith.mulf %get3A_158, %gather3A : vector<16xf32>
          %swap3A = arith.index_cast %add3A_154 : i32 to index
          %swap3A_160 = arith.constant 0 : index
          %swap3A_161 = tpu.vector_load %arg17[%swap3A, %swap3A_160] {strides = array<i32>} : memref<64x128xf32, #tpu.memory_space<vmem>>, vector<16xf32>,
          tpu.vector_store %arg17[%swap3A, %swap3A_160], %mul3A_159 {strides = array<i32>} : memref<64x128xf32, #tpu.memory_space<vmem>>, vector<16xf32>,
          %get3A_162 = arith.index_cast %add3A_154 : i32 to index
          %get3A_163 = arith.constant 16 : index
          %get3A_164 = tpu.vector_load %arg17[%get3A_162, %get3A_163] {strides = array<i32>} : memref<64x128xf32, #tpu.memory_space<vmem>>, vector<16xf32>,
          %mul3A_165 = arith.mulf %get3A_164, %gather3A : vector<16xf32>
          %swap3A_166 = arith.index_cast %add3A_154 : i32 to index
          %swap3A_167 = arith.constant 16 : index
          %swap3A_168 = tpu.vector_load %arg17[%swap3A_166, %swap3A_167] {strides = array<i32>} : memref<64x128xf32, #tpu.memory_space<vmem>>, vector<16xf32>,
          tpu.vector_store %arg17[%swap3A_166, %swap3A_167], %mul3A_165 {strides = array<i32>} : memref<64x128xf32, #tpu.memory_space<vmem>>, vector<16xf32>,
          %get3A_169 = arith.index_cast %add3A_154 : i32 to index
          %get3A_170 = arith.constant 32 : index
          %get3A_171 = tpu.vector_load %arg17[%get3A_169, %get3A_170] {strides = array<i32>} : memref<64x128xf32, #tpu.memory_space<vmem>>, vector<16xf32>,
          %mul3A_172 = arith.mulf %get3A_171, %gather3A : vector<16xf32>
          %swap3A_173 = arith.index_cast %add3A_154 : i32 to index
          %swap3A_174 = arith.constant 32 : index
          %swap3A_175 = tpu.vector_load %arg17[%swap3A_173, %swap3A_174] {strides = array<i32>} : memref<64x128xf32, #tpu.memory_space<vmem>>, vector<16xf32>,
          tpu.vector_store %arg17[%swap3A_173, %swap3A_174], %mul3A_172 {strides = array<i32>} : memref<64x128xf32, #tpu.memory_space<vmem>>, vector<16xf32>,
          %get3A_176 = arith.index_cast %add3A_154 : i32 to index
          %get3A_177 = arith.constant 48 : index
          %get3A_178 = tpu.vector_load %arg17[%get3A_176, %get3A_177] {strides = array<i32>} : memref<64x128xf32, #tpu.memory_space<vmem>>, vector<16xf32>,
          %mul3A_179 = arith.mulf %get3A_178, %gather3A : vector<16xf32>
          %swap3A_180 = arith.index_cast %add3A_154 : i32 to index
          %swap3A_181 = arith.constant 48 : index
          %swap3A_182 = tpu.vector_load %arg17[%swap3A_180, %swap3A_181] {strides = array<i32>} : memref<64x128xf32, #tpu.memory_space<vmem>>, vector<16xf32>,
          tpu.vector_store %arg17[%swap3A_180, %swap3A_181], %mul3A_179 {strides = array<i32>} : memref<64x128xf32, #tpu.memory_space<vmem>>, vector<16xf32>,
          %get3A_183 = arith.index_cast %add3A_154 : i32 to index
          %get3A_184 = arith.constant 64 : index
          %get3A_185 = tpu.vector_load %arg17[%get3A_183, %get3A_184] {strides = array<i32>} : memref<64x128xf32, #tpu.memory_space<vmem>>, vector<16xf32>,
          %mul3A_186 = arith.mulf %get3A_185, %gather3A : vector<16xf32>
          %swap3A_187 = arith.index_cast %add3A_154 : i32 to index
          %swap3A_188 = arith.constant 64 : index
          %swap3A_189 = tpu.vector_load %arg17[%swap3A_187, %swap3A_188] {strides = array<i32>} : memref<64x128xf32, #tpu.memory_space<vmem>>, vector<16xf32>,
          tpu.vector_store %arg17[%swap3A_187, %swap3A_188], %mul3A_186 {strides = array<i32>} : memref<64x128xf32, #tpu.memory_space<vmem>>, vector<16xf32>,
          %get3A_190 = arith.index_cast %add3A_154 : i32 to index
          %get3A_191 = arith.constant 80 : index
          %get3A_192 = tpu.vector_load %arg17[%get3A_190, %get3A_191] {strides = array<i32>} : memref<64x128xf32, #tpu.memory_space<vmem>>, vector<16xf32>,
          %mul3A_193 = arith.mulf %get3A_192, %gather3A : vector<16xf32>
          %swap3A_194 = arith.index_cast %add3A_154 : i32 to index
          %swap3A_195 = arith.constant 80 : index
          %swap3A_196 = tpu.vector_load %arg17[%swap3A_194, %swap3A_195] {strides = array<i32>} : memref<64x128xf32, #tpu.memory_space<vmem>>, vector<16xf32>,
          tpu.vector_store %arg17[%swap3A_194, %swap3A_195], %mul3A_193 {strides = array<i32>} : memref<64x128xf32, #tpu.memory_space<vmem>>, vector<16xf32>,
          %get3A_197 = arith.index_cast %add3A_154 : i32 to index
          %get3A_198 = arith.constant 96 : index
          %get3A_199 = tpu.vector_load %arg17[%get3A_197, %get3A_198] {strides = array<i32>} : memref<64x128xf32, #tpu.memory_space<vmem>>, vector<16xf32>,
          %mul3A_200 = arith.mulf %get3A_199, %gather3A : vector<16xf32>
          %swap3A_201 = arith.index_cast %add3A_154 : i32 to index
          %swap3A_202 = arith.constant 96 : index
          %swap3A_203 = tpu.vector_load %arg17[%swap3A_201, %swap3A_202] {strides = array<i32>} : memref<64x128xf32, #tpu.memory_space<vmem>>, vector<16xf32>,
          tpu.vector_store %arg17[%swap3A_201, %swap3A_202], %mul3A_200 {strides = array<i32>} : memref<64x128xf32, #tpu.memory_space<vmem>>, vector<16xf32>,
          %get3A_204 = arith.index_cast %add3A_154 : i32 to index
          %get3A_205 = arith.constant 112 : index
          %get3A_206 = tpu.vector_load %arg17[%get3A_204, %get3A_205] {strides = array<i32>} : memref<64x128xf32, #tpu.memory_space<vmem>>, vector<16xf32>,
          %mul3A_207 = arith.mulf %get3A_206, %gather3A : vector<16xf32>
          %swap3A_208 = arith.index_cast %add3A_154 : i32 to index
          %swap3A_209 = arith.constant 112 : index
          %swap3A_210 = tpu.vector_load %arg17[%swap3A_208, %swap3A_209] {strides = array<i32>} : memref<64x128xf32, #tpu.memory_space<vmem>>, vector<16xf32>,
          tpu.vector_store %arg17[%swap3A_208, %swap3A_209], %mul3A_207 {strides = array<i32>} : memref<64x128xf32, #tpu.memory_space<vmem>>, vector<16xf32>,
        }
        %scan3A_142 = arith.constant 64 : i32
        "tpu.region"() ({
          %run_scoped3A = tpu.sem_alloc : memref<!tpu.dma_semaphore, #tpu.memory_space<semaphore_mem>>
          %dma_start3A_150 = arith.constant 0 : i32
          %dma_start3A_151 = tpu.memref_slice %arg14[%add3A_131, %dma_start3A_150] : memref<16x64xi32, #tpu.memory_space<vmem>> -> memref<1x64xi32, #tpu.memory_space<vmem>>
          %dma_start3A_152 = tpu.memref_squeeze %dma_start3A_151 : memref<1x64xi32, #tpu.memory_space<vmem>> -> memref<64xi32, #tpu.memory_space<vmem>>
          %dma_start3A_153 = arith.constant 0 : i32
          %dma_start3A_154 = arith.constant 0 : i32
          %dma_start3A_155 = tpu.memref_slice %arg20[%dma_start3A_153, %dma_start3A_154] : memref<10240x128xf32, #tpu.memory_space<vmem_shared>> -> memref<10240x128xf32, #tpu.memory_space<vmem_shared>>
          tpu.enqueue_indirect_dma source(%arg17 : memref<64x128xf32, #tpu.memory_space<vmem>>) target(%dma_start3A_155 : memref<10240x128xf32, #tpu.memory_space<vmem_shared>>) offsets(%dma_start3A_152 : memref<64xi32, #tpu.memory_space<vmem>>) semaphore(%run_scoped3A : memref<!tpu.dma_semaphore, #tpu.memory_space<semaphore_mem>>) {add = true}
          %dma_wait3A_156 = arith.constant 0 : i32
          %dma_wait3A_157 = tpu.memref_slice %arg14[%add3A_131, %dma_wait3A_156] : memref<16x64xi32, #tpu.memory_space<vmem>> -> memref<1x64xi32, #tpu.memory_space<vmem>>
          %dma_wait3A_158 = tpu.memref_squeeze %dma_wait3A_157 : memref<1x64xi32, #tpu.memory_space<vmem>> -> memref<64xi32, #tpu.memory_space<vmem>>
          %dma_wait3A_159 = arith.constant 0 : i32
          %dma_wait3A_160 = arith.constant 0 : i32
          %dma_wait3A_161 = tpu.memref_slice %arg20[%dma_wait3A_159, %dma_wait3A_160] : memref<10240x128xf32, #tpu.memory_space<vmem_shared>> -> memref<10240x128xf32, #tpu.memory_space<vmem_shared>>
          tpu.wait_indirect_dma semaphore(%run_scoped3A : memref<!tpu.dma_semaphore, #tpu.memory_space<semaphore_mem>>) src(%arg17 : memref<64x128xf32, #tpu.memory_space<vmem>>) dst(%dma_wait3A_161 : memref<10240x128xf32, #tpu.memory_space<vmem_shared>>)
          tpu.yield
        }) : () -> ()
        %add3A_143 = arith.constant 2 : i32
        %add3A_144 = arith.addi %add3A_131, %add3A_143 : i32
        %lt3A_145 = arith.constant 16 : i32
        %lt3A_146 = arith.cmpi slt, %add3A_144, %lt3A_145 : i32
        %convert_element_type3A_147 = arith.extui %lt3A_146 : i1 to i32
        %cond3A_148 = arith.constant 0 : i32
        %cond3A_149 = arith.cmpi ne, %convert_element_type3A_147, %cond3A_148 : i32
        scf.if %cond3A_149 {
          %add3A_150 = arith.constant 2 : i32
          %add3A_151 = arith.addi %add3A_131, %add3A_150 : i32
          %dma_start3A_152 = arith.constant 0 : i32
          %dma_start3A_153 = tpu.memref_slice %arg13[%add3A_151, %dma_start3A_152] : memref<16x64xi32, #tpu.memory_space<vmem>> -> memref<1x64xi32, #tpu.memory_space<vmem>>
          %dma_start3A_154 = tpu.memref_squeeze %dma_start3A_153 : memref<1x64xi32, #tpu.memory_space<vmem>> -> memref<64xi32, #tpu.memory_space<vmem>>
          %dma_start3A_155 = arith.constant 0 : i32
          %dma_start3A_156 = arith.constant 0 : i32
          %dma_start3A_157 = tpu.memref_slice %arg2[%dma_start3A_155, %dma_start3A_156] : memref<10240x128xf32, #tpu.memory_space<hbm>> -> memref<10240x128xf32, #tpu.memory_space<hbm>>
          tpu.enqueue_indirect_dma source(%dma_start3A_157 : memref<10240x128xf32, #tpu.memory_space<hbm>>) target(%arg17 : memref<64x128xf32, #tpu.memory_space<vmem>>) offsets(%dma_start3A_154 : memref<64xi32, #tpu.memory_space<vmem>>) semaphore(%arg22 : memref<!tpu.dma_semaphore, #tpu.memory_space<semaphore_mem>>)
        } else {
        }
      }
      %scan3A_106 = arith.constant 8 : i32
    }
    %scan3A_59 = arith.constant 10 : i32
    %barrier3A_60 = arith.constant 0 : index
    tpu.barrier barrier_id(%barrier3A_60)
    %eq3A = arith.constant 0 : i32
    %eq3A_61 = arith.cmpi eq, %arg0, %eq3A : i32
    %convert_element_type3A = arith.extui %eq3A_61 : i1 to i32
    %cond3A = arith.constant 0 : i32
    %cond3A_62 = arith.cmpi ne, %convert_element_type3A, %cond3A : i32
    scf.if %cond3A_62 {
      %mul3A_68 = arith.constant 640 : i32
      %mul3A_69 = arith.muli %arg1, %mul3A_68 : i32
      %mul3A_70 = arith.constant 640 : i32
      %mul3A_71 = arith.muli %arg1, %mul3A_70 : i32
      "tpu.region"() ({
        %run_scoped3A = tpu.sem_alloc : memref<!tpu.dma_semaphore, #tpu.memory_space<semaphore_mem>>
        %dma_start3A = arith.constant 0 : i32
        %dma_start3A_76 = tpu.memref_slice %arg7[%mul3A_71, %dma_start3A] : memref<10240x128xf32, #tpu.memory_space<hbm>> -> memref<640x128xf32, #tpu.memory_space<hbm>>
        %dma_start3A_77 = arith.constant 0 : i32
        %dma_start3A_78 = tpu.memref_slice %arg20[%mul3A_69, %dma_start3A_77] : memref<10240x128xf32, #tpu.memory_space<vmem_shared>> -> memref<640x128xf32, #tpu.memory_space<vmem_shared>>
        tpu.enqueue_dma source(%dma_start3A_78 : memref<640x128xf32, #tpu.memory_space<vmem_shared>>) target(%dma_start3A_76 : memref<640x128xf32, #tpu.memory_space<hbm>>) target_semaphore(%run_scoped3A : memref<!tpu.dma_semaphore, #tpu.memory_space<semaphore_mem>>)
        %dma_wait3A = arith.constant 0 : i32
        %dma_wait3A_79 = tpu.memref_slice %arg7[%mul3A_71, %dma_wait3A] : memref<10240x128xf32, #tpu.memory_space<hbm>> -> memref<640x128xf32, #tpu.memory_space<hbm>>
        %dma_wait3A_80 = arith.constant 0 : i32
        %dma_wait3A_81 = tpu.memref_slice %arg20[%mul3A_69, %dma_wait3A_80] : memref<10240x128xf32, #tpu.memory_space<vmem_shared>> -> memref<640x128xf32, #tpu.memory_space<vmem_shared>>
        tpu.wait_dma2 semaphore(%run_scoped3A : memref<!tpu.dma_semaphore, #tpu.memory_space<semaphore_mem>>) src(%dma_wait3A_81 : memref<640x128xf32, #tpu.memory_space<vmem_shared>>) dst(%dma_wait3A_79 : memref<640x128xf32, #tpu.memory_space<hbm>>)
        tpu.yield
      }) : () -> ()
      %mul3A_72 = arith.constant 640 : i32
      %mul3A_73 = arith.muli %arg1, %mul3A_72 : i32
      %mul3A_74 = arith.constant 640 : i32
      %mul3A_75 = arith.muli %arg1, %mul3A_74 : i32
      "tpu.region"() ({
        %run_scoped3A = tpu.sem_alloc : memref<!tpu.dma_semaphore, #tpu.memory_space<semaphore_mem>>
        %dma_start3A = tpu.memref_slice %arg9[%mul3A_75] : memref<10240xf32, #tpu.memory_space<hbm>> -> memref<640xf32, #tpu.memory_space<hbm>>
        %dma_start3A_76 = tpu.memref_slice %arg19[%mul3A_73] : memref<10240xf32, #tpu.memory_space<vmem_shared>> -> memref<640xf32, #tpu.memory_space<vmem_shared>>
        tpu.enqueue_dma source(%dma_start3A_76 : memref<640xf32, #tpu.memory_space<vmem_shared>>) target(%dma_start3A : memref<640xf32, #tpu.memory_space<hbm>>) target_semaphore(%run_scoped3A : memref<!tpu.dma_semaphore, #tpu.memory_space<semaphore_mem>>)
        %dma_wait3A = tpu.memref_slice %arg9[%mul3A_75] : memref<10240xf32, #tpu.memory_space<hbm>> -> memref<640xf32, #tpu.memory_space<hbm>>
        %dma_wait3A_77 = tpu.memref_slice %arg19[%mul3A_73] : memref<10240xf32, #tpu.memory_space<vmem_shared>> -> memref<640xf32, #tpu.memory_space<vmem_shared>>
        tpu.wait_dma2 semaphore(%run_scoped3A : memref<!tpu.dma_semaphore, #tpu.memory_space<semaphore_mem>>) src(%dma_wait3A_77 : memref<640xf32, #tpu.memory_space<vmem_shared>>) dst(%dma_wait3A : memref<640xf32, #tpu.memory_space<hbm>>)
        tpu.yield
      }) : () -> ()
    } else {
    }
    %eq3A_63 = arith.constant 1 : i32
    %eq3A_64 = arith.cmpi eq, %arg0, %eq3A_63 : i32
    %convert_element_type3A_65 = arith.extui %eq3A_64 : i1 to i32
    %cond3A_66 = arith.constant 0 : i32
    %cond3A_67 = arith.cmpi ne, %convert_element_type3A_65, %cond3A_66 : i32
    scf.if %cond3A_67 {
      %mul3A_68 = arith.constant 640 : i32
      %mul3A_69 = arith.muli %arg1, %mul3A_68 : i32
      %mul3A_70 = arith.constant 640 : i32
      %mul3A_71 = arith.muli %arg1, %mul3A_70 : i32
      "tpu.region"() ({
        %run_scoped3A = tpu.sem_alloc : memref<!tpu.dma_semaphore, #tpu.memory_space<semaphore_mem>>
        %dma_start3A = arith.constant 0 : i32
        %dma_start3A_76 = tpu.memref_slice %arg8[%mul3A_71, %dma_start3A] : memref<10240x128xf32, #tpu.memory_space<hbm>> -> memref<640x128xf32, #tpu.memory_space<hbm>>
        %dma_start3A_77 = arith.constant 0 : i32
        %dma_start3A_78 = tpu.memref_slice %arg20[%mul3A_69, %dma_start3A_77] : memref<10240x128xf32, #tpu.memory_space<vmem_shared>> -> memref<640x128xf32, #tpu.memory_space<vmem_shared>>
        tpu.enqueue_dma source(%dma_start3A_78 : memref<640x128xf32, #tpu.memory_space<vmem_shared>>) target(%dma_start3A_76 : memref<640x128xf32, #tpu.memory_space<hbm>>) target_semaphore(%run_scoped3A : memref<!tpu.dma_semaphore, #tpu.memory_space<semaphore_mem>>)
        %dma_wait3A = arith.constant 0 : i32
        %dma_wait3A_79 = tpu.memref_slice %arg8[%mul3A_71, %dma_wait3A] : memref<10240x128xf32, #tpu.memory_space<hbm>> -> memref<640x128xf32, #tpu.memory_space<hbm>>
        %dma_wait3A_80 = arith.constant 0 : i32
        %dma_wait3A_81 = tpu.memref_slice %arg20[%mul3A_69, %dma_wait3A_80] : memref<10240x128xf32, #tpu.memory_space<vmem_shared>> -> memref<640x128xf32, #tpu.memory_space<vmem_shared>>
        tpu.wait_dma2 semaphore(%run_scoped3A : memref<!tpu.dma_semaphore, #tpu.memory_space<semaphore_mem>>) src(%dma_wait3A_81 : memref<640x128xf32, #tpu.memory_space<vmem_shared>>) dst(%dma_wait3A_79 : memref<640x128xf32, #tpu.memory_space<hbm>>)
        tpu.yield
      }) : () -> ()
      %mul3A_72 = arith.constant 640 : i32
      %mul3A_73 = arith.muli %arg1, %mul3A_72 : i32
      %mul3A_74 = arith.constant 640 : i32
      %mul3A_75 = arith.muli %arg1, %mul3A_74 : i32
      "tpu.region"() ({
        %run_scoped3A = tpu.sem_alloc : memref<!tpu.dma_semaphore, #tpu.memory_space<semaphore_mem>>
        %dma_start3A = tpu.memref_slice %arg10[%mul3A_75] : memref<10240xf32, #tpu.memory_space<hbm>> -> memref<640xf32, #tpu.memory_space<hbm>>
        %dma_start3A_76 = tpu.memref_slice %arg19[%mul3A_73] : memref<10240xf32, #tpu.memory_space<vmem_shared>> -> memref<640xf32, #tpu.memory_space<vmem_shared>>
        tpu.enqueue_dma source(%dma_start3A_76 : memref<640xf32, #tpu.memory_space<vmem_shared>>) target(%dma_start3A : memref<640xf32, #tpu.memory_space<hbm>>) target_semaphore(%run_scoped3A : memref<!tpu.dma_semaphore, #tpu.memory_space<semaphore_mem>>)
        %dma_wait3A = tpu.memref_slice %arg10[%mul3A_75] : memref<10240xf32, #tpu.memory_space<hbm>> -> memref<640xf32, #tpu.memory_space<hbm>>
        %dma_wait3A_77 = tpu.memref_slice %arg19[%mul3A_73] : memref<10240xf32, #tpu.memory_space<vmem_shared>> -> memref<640xf32, #tpu.memory_space<vmem_shared>>
        tpu.wait_dma2 semaphore(%run_scoped3A : memref<!tpu.dma_semaphore, #tpu.memory_space<semaphore_mem>>) src(%dma_wait3A_77 : memref<640xf32, #tpu.memory_space<vmem_shared>>) dst(%dma_wait3A : memref<640xf32, #tpu.memory_space<hbm>>)
        tpu.yield
      }) : () -> ()
    } else {
    }
    return
  }
}

#map = affine_map<(d0, d1) -> (0, 0)>
#map1 = affine_map<(d0, d1) -> (0)>
module attributes {stable_mosaic.version = 14 : i64} {
  func.func @_sc_body(%arg0: i32, %arg1: i32, %arg2: memref<10240x128xf32, #tpu.memory_space<hbm>>, %arg3: memref<10240xf32, #tpu.memory_space<hbm>>, %arg4: memref<10240xf32, #tpu.memory_space<hbm>>, %arg5: memref<5120x64xi32, #tpu.memory_space<hbm>>, %arg6: memref<5120x64xi32, #tpu.memory_space<hbm>>, %arg7: memref<10240x128xf32, #tpu.memory_space<hbm>>, %arg8: memref<10240x128xf32, #tpu.memory_space<hbm>>, %arg9: memref<10240xf32, #tpu.memory_space<hbm>>, %arg10: memref<10240xf32, #tpu.memory_space<hbm>>, %arg11: memref<10240xf32, #tpu.memory_space<vmem>>, %arg12: memref<10240xf32, #tpu.memory_space<vmem>>, %arg13: memref<16x64xi32, #tpu.memory_space<vmem>>, %arg14: memref<16x64xi32, #tpu.memory_space<vmem>>, %arg15: memref<16x64xf32, #tpu.memory_space<vmem>>, %arg16: memref<64x128xf32, #tpu.memory_space<vmem>>, %arg17: memref<64x128xf32, #tpu.memory_space<vmem>>, %arg18: memref<640xf32, #tpu.memory_space<vmem>>, %arg19: memref<10240xf32, #tpu.memory_space<vmem_shared>>, %arg20: memref<10240x128xf32, #tpu.memory_space<vmem_shared>>, %arg21: memref<!tpu.dma_semaphore, #tpu.memory_space<semaphore_mem>>, %arg22: memref<!tpu.dma_semaphore, #tpu.memory_space<semaphore_mem>>) attributes {dimension_semantics = [#tpu.dimension_semantics<core_parallel>, #tpu.dimension_semantics<subcore_parallel>], iteration_bounds = array<i64: 2, 16>, scalar_prefetch = 0 : i64, scratch_operands = 12 : i64, tpu.core_type = #tpu.core_type<sc_vector_subcore>, window_params = [{transform_indices = #map}, {transform_indices = #map1}, {transform_indices = #map1}, {transform_indices = #map}, {transform_indices = #map}, {transform_indices = #map}, {transform_indices = #map}, {transform_indices = #map1}, {transform_indices = #map1}]} {
    %broadcast_in_dim3A = arith.constant 0.000000e+00 : f32
    %broadcast_in_dim3A_0 = vector.broadcast %broadcast_in_dim3A : f32 to vector<16xf32>
    "tpu.region"() ({
      %run_scoped3A = tpu.sem_alloc : memref<!tpu.dma_semaphore, #tpu.memory_space<semaphore_mem>>
      tpu.enqueue_dma source(%arg3 : memref<10240xf32, #tpu.memory_space<hbm>>) target(%arg11 : memref<10240xf32, #tpu.memory_space<vmem>>) target_semaphore(%run_scoped3A : memref<!tpu.dma_semaphore, #tpu.memory_space<semaphore_mem>>)
      tpu.wait_dma2 semaphore(%run_scoped3A : memref<!tpu.dma_semaphore, #tpu.memory_space<semaphore_mem>>) src(%arg3 : memref<10240xf32, #tpu.memory_space<hbm>>) dst(%arg11 : memref<10240xf32, #tpu.memory_space<vmem>>)
      tpu.yield
    }) : () -> ()
    "tpu.region"() ({
      %run_scoped3A = tpu.sem_alloc : memref<!tpu.dma_semaphore, #tpu.memory_space<semaphore_mem>>
      tpu.enqueue_dma source(%arg4 : memref<10240xf32, #tpu.memory_space<hbm>>) target(%arg12 : memref<10240xf32, #tpu.memory_space<vmem>>) target_semaphore(%run_scoped3A : memref<!tpu.dma_semaphore, #tpu.memory_space<semaphore_mem>>)
      tpu.wait_dma2 semaphore(%run_scoped3A : memref<!tpu.dma_semaphore, #tpu.memory_space<semaphore_mem>>) src(%arg4 : memref<10240xf32, #tpu.memory_space<hbm>>) dst(%arg12 : memref<10240xf32, #tpu.memory_space<vmem>>)
      tpu.yield
    }) : () -> ()
    %scan3A = arith.constant 0 : i32
    %scan3A_1 = arith.constant 40 : i32
    %scan3A_2 = arith.addi %scan3A, %scan3A_1 : i32
    %scan3A_3 = arith.constant 1 : i32
    scf.for %scan3A_68 = %scan3A to %scan3A_2 step %scan3A_3  : i32 {
      %mul3A_69 = arith.constant 1 : i32
      %mul3A_70 = arith.muli %scan3A_68, %mul3A_69 : i32
      %add3A_71 = arith.constant 0 : i32
      %add3A_72 = arith.addi %add3A_71, %mul3A_70 : i32
      %mul3A_73 = arith.constant 16 : i32
      %mul3A_74 = arith.muli %add3A_72, %mul3A_73 : i32
      %swap3A = arith.index_cast %mul3A_74 : i32 to index
      %swap3A_75 = tpu.vector_load %arg18[%swap3A] {strides = array<i32>} : memref<640xf32, #tpu.memory_space<vmem>>, vector<16xf32>,
      tpu.vector_store %arg18[%swap3A], %broadcast_in_dim3A_0 {strides = array<i32>} : memref<640xf32, #tpu.memory_space<vmem>>, vector<16xf32>,
    }
    %scan3A_4 = arith.constant 40 : i32
    %scan3A_5 = arith.constant 0 : i32
    %scan3A_6 = arith.constant 64 : i32
    %scan3A_7 = arith.addi %scan3A_5, %scan3A_6 : i32
    %scan3A_8 = arith.constant 1 : i32
    scf.for %scan3A_68 = %scan3A_5 to %scan3A_7 step %scan3A_8  : i32 {
      %mul3A_69 = arith.constant 1 : i32
      %mul3A_70 = arith.muli %scan3A_68, %mul3A_69 : i32
      %add3A_71 = arith.constant 0 : i32
      %add3A_72 = arith.addi %add3A_71, %mul3A_70 : i32
      %swap3A = arith.index_cast %add3A_72 : i32 to index
      %swap3A_73 = arith.constant 0 : index
      %swap3A_74 = tpu.vector_load %arg16[%swap3A, %swap3A_73] {strides = array<i32>} : memref<64x128xf32, #tpu.memory_space<vmem>>, vector<16xf32>,
      tpu.vector_store %arg16[%swap3A, %swap3A_73], %broadcast_in_dim3A_0 {strides = array<i32>} : memref<64x128xf32, #tpu.memory_space<vmem>>, vector<16xf32>,
      %swap3A_75 = arith.index_cast %add3A_72 : i32 to index
      %swap3A_76 = arith.constant 16 : index
      %swap3A_77 = tpu.vector_load %arg16[%swap3A_75, %swap3A_76] {strides = array<i32>} : memref<64x128xf32, #tpu.memory_space<vmem>>, vector<16xf32>,
      tpu.vector_store %arg16[%swap3A_75, %swap3A_76], %broadcast_in_dim3A_0 {strides = array<i32>} : memref<64x128xf32, #tpu.memory_space<vmem>>, vector<16xf32>,
      %swap3A_78 = arith.index_cast %add3A_72 : i32 to index
      %swap3A_79 = arith.constant 32 : index
      %swap3A_80 = tpu.vector_load %arg16[%swap3A_78, %swap3A_79] {strides = array<i32>} : memref<64x128xf32, #tpu.memory_space<vmem>>, vector<16xf32>,
      tpu.vector_store %arg16[%swap3A_78, %swap3A_79], %broadcast_in_dim3A_0 {strides = array<i32>} : memref<64x128xf32, #tpu.memory_space<vmem>>, vector<16xf32>,
      %swap3A_81 = arith.index_cast %add3A_72 : i32 to index
      %swap3A_82 = arith.constant 48 : index
      %swap3A_83 = tpu.vector_load %arg16[%swap3A_81, %swap3A_82] {strides = array<i32>} : memref<64x128xf32, #tpu.memory_space<vmem>>, vector<16xf32>,
      tpu.vector_store %arg16[%swap3A_81, %swap3A_82], %broadcast_in_dim3A_0 {strides = array<i32>} : memref<64x128xf32, #tpu.memory_space<vmem>>, vector<16xf32>,
      %swap3A_84 = arith.index_cast %add3A_72 : i32 to index
      %swap3A_85 = arith.constant 64 : index
      %swap3A_86 = tpu.vector_load %arg16[%swap3A_84, %swap3A_85] {strides = array<i32>} : memref<64x128xf32, #tpu.memory_space<vmem>>, vector<16xf32>,
      tpu.vector_store %arg16[%swap3A_84, %swap3A_85], %broadcast_in_dim3A_0 {strides = array<i32>} : memref<64x128xf32, #tpu.memory_space<vmem>>, vector<16xf32>,
      %swap3A_87 = arith.index_cast %add3A_72 : i32 to index
      %swap3A_88 = arith.constant 80 : index
      %swap3A_89 = tpu.vector_load %arg16[%swap3A_87, %swap3A_88] {strides = array<i32>} : memref<64x128xf32, #tpu.memory_space<vmem>>, vector<16xf32>,
      tpu.vector_store %arg16[%swap3A_87, %swap3A_88], %broadcast_in_dim3A_0 {strides = array<i32>} : memref<64x128xf32, #tpu.memory_space<vmem>>, vector<16xf32>,
      %swap3A_90 = arith.index_cast %add3A_72 : i32 to index
      %swap3A_91 = arith.constant 96 : index
      %swap3A_92 = tpu.vector_load %arg16[%swap3A_90, %swap3A_91] {strides = array<i32>} : memref<64x128xf32, #tpu.memory_space<vmem>>, vector<16xf32>,
      tpu.vector_store %arg16[%swap3A_90, %swap3A_91], %broadcast_in_dim3A_0 {strides = array<i32>} : memref<64x128xf32, #tpu.memory_space<vmem>>, vector<16xf32>,
      %swap3A_93 = arith.index_cast %add3A_72 : i32 to index
      %swap3A_94 = arith.constant 112 : index
      %swap3A_95 = tpu.vector_load %arg16[%swap3A_93, %swap3A_94] {strides = array<i32>} : memref<64x128xf32, #tpu.memory_space<vmem>>, vector<16xf32>,
      tpu.vector_store %arg16[%swap3A_93, %swap3A_94], %broadcast_in_dim3A_0 {strides = array<i32>} : memref<64x128xf32, #tpu.memory_space<vmem>>, vector<16xf32>,
    }
    %scan3A_9 = arith.constant 64 : i32
    %mul3A = arith.constant 640 : i32
    %mul3A_10 = arith.muli %arg1, %mul3A : i32
    "tpu.region"() ({
      %run_scoped3A = tpu.sem_alloc : memref<!tpu.dma_semaphore, #tpu.memory_space<semaphore_mem>>
      %dma_start3A = tpu.memref_slice %arg19[%mul3A_10] : memref<10240xf32, #tpu.memory_space<vmem_shared>> -> memref<640xf32, #tpu.memory_space<vmem_shared>>
      %dma_start3A_68 = tpu.memref_slice %arg19[%mul3A_10] : memref<10240xf32, #tpu.memory_space<vmem_shared>> -> memref<640xf32, #tpu.memory_space<vmem_shared>>
      tpu.enqueue_dma source(%arg18 : memref<640xf32, #tpu.memory_space<vmem>>) target(%dma_start3A_68 : memref<640xf32, #tpu.memory_space<vmem_shared>>) target_semaphore(%run_scoped3A : memref<!tpu.dma_semaphore, #tpu.memory_space<semaphore_mem>>)
      %dma_wait3A = tpu.memref_slice %arg19[%mul3A_10] : memref<10240xf32, #tpu.memory_space<vmem_shared>> -> memref<640xf32, #tpu.memory_space<vmem_shared>>
      %dma_wait3A_69 = tpu.memref_slice %arg19[%mul3A_10] : memref<10240xf32, #tpu.memory_space<vmem_shared>> -> memref<640xf32, #tpu.memory_space<vmem_shared>>
      tpu.wait_dma2 semaphore(%run_scoped3A : memref<!tpu.dma_semaphore, #tpu.memory_space<semaphore_mem>>) src(%arg18 : memref<640xf32, #tpu.memory_space<vmem>>) dst(%dma_wait3A_69 : memref<640xf32, #tpu.memory_space<vmem_shared>>)
      tpu.yield
    }) : () -> ()
    %mul3A_11 = arith.constant 640 : i32
    %mul3A_12 = arith.muli %arg1, %mul3A_11 : i32
    %add3A = arith.constant 0 : i32
    %add3A_13 = arith.addi %mul3A_12, %add3A : i32
    "tpu.region"() ({
      %run_scoped3A = tpu.sem_alloc : memref<!tpu.dma_semaphore, #tpu.memory_space<semaphore_mem>>
      %dma_start3A = arith.constant 0 : i32
      %dma_start3A_68 = tpu.memref_slice %arg20[%add3A_13, %dma_start3A] : memref<10240x128xf32, #tpu.memory_space<vmem_shared>> -> memref<64x128xf32, #tpu.memory_space<vmem_shared>>
      %dma_start3A_69 = arith.constant 0 : i32
      %dma_start3A_70 = tpu.memref_slice %arg20[%add3A_13, %dma_start3A_69] : memref<10240x128xf32, #tpu.memory_space<vmem_shared>> -> memref<64x128xf32, #tpu.memory_space<vmem_shared>>
      tpu.enqueue_dma source(%arg16 : memref<64x128xf32, #tpu.memory_space<vmem>>) target(%dma_start3A_70 : memref<64x128xf32, #tpu.memory_space<vmem_shared>>) target_semaphore(%run_scoped3A : memref<!tpu.dma_semaphore, #tpu.memory_space<semaphore_mem>>)
      %dma_wait3A = arith.constant 0 : i32
      %dma_wait3A_71 = tpu.memref_slice %arg20[%add3A_13, %dma_wait3A] : memref<10240x128xf32, #tpu.memory_space<vmem_shared>> -> memref<64x128xf32, #tpu.memory_space<vmem_shared>>
      %dma_wait3A_72 = arith.constant 0 : i32
      %dma_wait3A_73 = tpu.memref_slice %arg20[%add3A_13, %dma_wait3A_72] : memref<10240x128xf32, #tpu.memory_space<vmem_shared>> -> memref<64x128xf32, #tpu.memory_space<vmem_shared>>
      tpu.wait_dma2 semaphore(%run_scoped3A : memref<!tpu.dma_semaphore, #tpu.memory_space<semaphore_mem>>) src(%arg16 : memref<64x128xf32, #tpu.memory_space<vmem>>) dst(%dma_wait3A_73 : memref<64x128xf32, #tpu.memory_space<vmem_shared>>)
      tpu.yield
    }) : () -> ()
    %mul3A_14 = arith.constant 640 : i32
    %mul3A_15 = arith.muli %arg1, %mul3A_14 : i32
    %add3A_16 = arith.constant 64 : i32
    %add3A_17 = arith.addi %mul3A_15, %add3A_16 : i32
    "tpu.region"() ({
      %run_scoped3A = tpu.sem_alloc : memref<!tpu.dma_semaphore, #tpu.memory_space<semaphore_mem>>
      %dma_start3A = arith.constant 0 : i32
      %dma_start3A_68 = tpu.memref_slice %arg20[%add3A_17, %dma_start3A] : memref<10240x128xf32, #tpu.memory_space<vmem_shared>> -> memref<64x128xf32, #tpu.memory_space<vmem_shared>>
      %dma_start3A_69 = arith.constant 0 : i32
      %dma_start3A_70 = tpu.memref_slice %arg20[%add3A_17, %dma_start3A_69] : memref<10240x128xf32, #tpu.memory_space<vmem_shared>> -> memref<64x128xf32, #tpu.memory_space<vmem_shared>>
      tpu.enqueue_dma source(%arg16 : memref<64x128xf32, #tpu.memory_space<vmem>>) target(%dma_start3A_70 : memref<64x128xf32, #tpu.memory_space<vmem_shared>>) target_semaphore(%run_scoped3A : memref<!tpu.dma_semaphore, #tpu.memory_space<semaphore_mem>>)
      %dma_wait3A = arith.constant 0 : i32
      %dma_wait3A_71 = tpu.memref_slice %arg20[%add3A_17, %dma_wait3A] : memref<10240x128xf32, #tpu.memory_space<vmem_shared>> -> memref<64x128xf32, #tpu.memory_space<vmem_shared>>
      %dma_wait3A_72 = arith.constant 0 : i32
      %dma_wait3A_73 = tpu.memref_slice %arg20[%add3A_17, %dma_wait3A_72] : memref<10240x128xf32, #tpu.memory_space<vmem_shared>> -> memref<64x128xf32, #tpu.memory_space<vmem_shared>>
      tpu.wait_dma2 semaphore(%run_scoped3A : memref<!tpu.dma_semaphore, #tpu.memory_space<semaphore_mem>>) src(%arg16 : memref<64x128xf32, #tpu.memory_space<vmem>>) dst(%dma_wait3A_73 : memref<64x128xf32, #tpu.memory_space<vmem_shared>>)
      tpu.yield
    }) : () -> ()
    %mul3A_18 = arith.constant 640 : i32
    %mul3A_19 = arith.muli %arg1, %mul3A_18 : i32
    %add3A_20 = arith.constant 128 : i32
    %add3A_21 = arith.addi %mul3A_19, %add3A_20 : i32
    "tpu.region"() ({
      %run_scoped3A = tpu.sem_alloc : memref<!tpu.dma_semaphore, #tpu.memory_space<semaphore_mem>>
      %dma_start3A = arith.constant 0 : i32
      %dma_start3A_68 = tpu.memref_slice %arg20[%add3A_21, %dma_start3A] : memref<10240x128xf32, #tpu.memory_space<vmem_shared>> -> memref<64x128xf32, #tpu.memory_space<vmem_shared>>
      %dma_start3A_69 = arith.constant 0 : i32
      %dma_start3A_70 = tpu.memref_slice %arg20[%add3A_21, %dma_start3A_69] : memref<10240x128xf32, #tpu.memory_space<vmem_shared>> -> memref<64x128xf32, #tpu.memory_space<vmem_shared>>
      tpu.enqueue_dma source(%arg16 : memref<64x128xf32, #tpu.memory_space<vmem>>) target(%dma_start3A_70 : memref<64x128xf32, #tpu.memory_space<vmem_shared>>) target_semaphore(%run_scoped3A : memref<!tpu.dma_semaphore, #tpu.memory_space<semaphore_mem>>)
      %dma_wait3A = arith.constant 0 : i32
      %dma_wait3A_71 = tpu.memref_slice %arg20[%add3A_21, %dma_wait3A] : memref<10240x128xf32, #tpu.memory_space<vmem_shared>> -> memref<64x128xf32, #tpu.memory_space<vmem_shared>>
      %dma_wait3A_72 = arith.constant 0 : i32
      %dma_wait3A_73 = tpu.memref_slice %arg20[%add3A_21, %dma_wait3A_72] : memref<10240x128xf32, #tpu.memory_space<vmem_shared>> -> memref<64x128xf32, #tpu.memory_space<vmem_shared>>
      tpu.wait_dma2 semaphore(%run_scoped3A : memref<!tpu.dma_semaphore, #tpu.memory_space<semaphore_mem>>) src(%arg16 : memref<64x128xf32, #tpu.memory_space<vmem>>) dst(%dma_wait3A_73 : memref<64x128xf32, #tpu.memory_space<vmem_shared>>)
      tpu.yield
    }) : () -> ()
    %mul3A_22 = arith.constant 640 : i32
    %mul3A_23 = arith.muli %arg1, %mul3A_22 : i32
    %add3A_24 = arith.constant 192 : i32
    %add3A_25 = arith.addi %mul3A_23, %add3A_24 : i32
    "tpu.region"() ({
      %run_scoped3A = tpu.sem_alloc : memref<!tpu.dma_semaphore, #tpu.memory_space<semaphore_mem>>
      %dma_start3A = arith.constant 0 : i32
      %dma_start3A_68 = tpu.memref_slice %arg20[%add3A_25, %dma_start3A] : memref<10240x128xf32, #tpu.memory_space<vmem_shared>> -> memref<64x128xf32, #tpu.memory_space<vmem_shared>>
      %dma_start3A_69 = arith.constant 0 : i32
      %dma_start3A_70 = tpu.memref_slice %arg20[%add3A_25, %dma_start3A_69] : memref<10240x128xf32, #tpu.memory_space<vmem_shared>> -> memref<64x128xf32, #tpu.memory_space<vmem_shared>>
      tpu.enqueue_dma source(%arg16 : memref<64x128xf32, #tpu.memory_space<vmem>>) target(%dma_start3A_70 : memref<64x128xf32, #tpu.memory_space<vmem_shared>>) target_semaphore(%run_scoped3A : memref<!tpu.dma_semaphore, #tpu.memory_space<semaphore_mem>>)
      %dma_wait3A = arith.constant 0 : i32
      %dma_wait3A_71 = tpu.memref_slice %arg20[%add3A_25, %dma_wait3A] : memref<10240x128xf32, #tpu.memory_space<vmem_shared>> -> memref<64x128xf32, #tpu.memory_space<vmem_shared>>
      %dma_wait3A_72 = arith.constant 0 : i32
      %dma_wait3A_73 = tpu.memref_slice %arg20[%add3A_25, %dma_wait3A_72] : memref<10240x128xf32, #tpu.memory_space<vmem_shared>> -> memref<64x128xf32, #tpu.memory_space<vmem_shared>>
      tpu.wait_dma2 semaphore(%run_scoped3A : memref<!tpu.dma_semaphore, #tpu.memory_space<semaphore_mem>>) src(%arg16 : memref<64x128xf32, #tpu.memory_space<vmem>>) dst(%dma_wait3A_73 : memref<64x128xf32, #tpu.memory_space<vmem_shared>>)
      tpu.yield
    }) : () -> ()
    %mul3A_26 = arith.constant 640 : i32
    %mul3A_27 = arith.muli %arg1, %mul3A_26 : i32
    %add3A_28 = arith.constant 256 : i32
    %add3A_29 = arith.addi %mul3A_27, %add3A_28 : i32
    "tpu.region"() ({
      %run_scoped3A = tpu.sem_alloc : memref<!tpu.dma_semaphore, #tpu.memory_space<semaphore_mem>>
      %dma_start3A = arith.constant 0 : i32
      %dma_start3A_68 = tpu.memref_slice %arg20[%add3A_29, %dma_start3A] : memref<10240x128xf32, #tpu.memory_space<vmem_shared>> -> memref<64x128xf32, #tpu.memory_space<vmem_shared>>
      %dma_start3A_69 = arith.constant 0 : i32
      %dma_start3A_70 = tpu.memref_slice %arg20[%add3A_29, %dma_start3A_69] : memref<10240x128xf32, #tpu.memory_space<vmem_shared>> -> memref<64x128xf32, #tpu.memory_space<vmem_shared>>
      tpu.enqueue_dma source(%arg16 : memref<64x128xf32, #tpu.memory_space<vmem>>) target(%dma_start3A_70 : memref<64x128xf32, #tpu.memory_space<vmem_shared>>) target_semaphore(%run_scoped3A : memref<!tpu.dma_semaphore, #tpu.memory_space<semaphore_mem>>)
      %dma_wait3A = arith.constant 0 : i32
      %dma_wait3A_71 = tpu.memref_slice %arg20[%add3A_29, %dma_wait3A] : memref<10240x128xf32, #tpu.memory_space<vmem_shared>> -> memref<64x128xf32, #tpu.memory_space<vmem_shared>>
      %dma_wait3A_72 = arith.constant 0 : i32
      %dma_wait3A_73 = tpu.memref_slice %arg20[%add3A_29, %dma_wait3A_72] : memref<10240x128xf32, #tpu.memory_space<vmem_shared>> -> memref<64x128xf32, #tpu.memory_space<vmem_shared>>
      tpu.wait_dma2 semaphore(%run_scoped3A : memref<!tpu.dma_semaphore, #tpu.memory_space<semaphore_mem>>) src(%arg16 : memref<64x128xf32, #tpu.memory_space<vmem>>) dst(%dma_wait3A_73 : memref<64x128xf32, #tpu.memory_space<vmem_shared>>)
      tpu.yield
    }) : () -> ()
    %mul3A_30 = arith.constant 640 : i32
    %mul3A_31 = arith.muli %arg1, %mul3A_30 : i32
    %add3A_32 = arith.constant 320 : i32
    %add3A_33 = arith.addi %mul3A_31, %add3A_32 : i32
    "tpu.region"() ({
      %run_scoped3A = tpu.sem_alloc : memref<!tpu.dma_semaphore, #tpu.memory_space<semaphore_mem>>
      %dma_start3A = arith.constant 0 : i32
      %dma_start3A_68 = tpu.memref_slice %arg20[%add3A_33, %dma_start3A] : memref<10240x128xf32, #tpu.memory_space<vmem_shared>> -> memref<64x128xf32, #tpu.memory_space<vmem_shared>>
      %dma_start3A_69 = arith.constant 0 : i32
      %dma_start3A_70 = tpu.memref_slice %arg20[%add3A_33, %dma_start3A_69] : memref<10240x128xf32, #tpu.memory_space<vmem_shared>> -> memref<64x128xf32, #tpu.memory_space<vmem_shared>>
      tpu.enqueue_dma source(%arg16 : memref<64x128xf32, #tpu.memory_space<vmem>>) target(%dma_start3A_70 : memref<64x128xf32, #tpu.memory_space<vmem_shared>>) target_semaphore(%run_scoped3A : memref<!tpu.dma_semaphore, #tpu.memory_space<semaphore_mem>>)
      %dma_wait3A = arith.constant 0 : i32
      %dma_wait3A_71 = tpu.memref_slice %arg20[%add3A_33, %dma_wait3A] : memref<10240x128xf32, #tpu.memory_space<vmem_shared>> -> memref<64x128xf32, #tpu.memory_space<vmem_shared>>
      %dma_wait3A_72 = arith.constant 0 : i32
      %dma_wait3A_73 = tpu.memref_slice %arg20[%add3A_33, %dma_wait3A_72] : memref<10240x128xf32, #tpu.memory_space<vmem_shared>> -> memref<64x128xf32, #tpu.memory_space<vmem_shared>>
      tpu.wait_dma2 semaphore(%run_scoped3A : memref<!tpu.dma_semaphore, #tpu.memory_space<semaphore_mem>>) src(%arg16 : memref<64x128xf32, #tpu.memory_space<vmem>>) dst(%dma_wait3A_73 : memref<64x128xf32, #tpu.memory_space<vmem_shared>>)
      tpu.yield
    }) : () -> ()
    %mul3A_34 = arith.constant 640 : i32
    %mul3A_35 = arith.muli %arg1, %mul3A_34 : i32
    %add3A_36 = arith.constant 384 : i32
    %add3A_37 = arith.addi %mul3A_35, %add3A_36 : i32
    "tpu.region"() ({
      %run_scoped3A = tpu.sem_alloc : memref<!tpu.dma_semaphore, #tpu.memory_space<semaphore_mem>>
      %dma_start3A = arith.constant 0 : i32
      %dma_start3A_68 = tpu.memref_slice %arg20[%add3A_37, %dma_start3A] : memref<10240x128xf32, #tpu.memory_space<vmem_shared>> -> memref<64x128xf32, #tpu.memory_space<vmem_shared>>
      %dma_start3A_69 = arith.constant 0 : i32
      %dma_start3A_70 = tpu.memref_slice %arg20[%add3A_37, %dma_start3A_69] : memref<10240x128xf32, #tpu.memory_space<vmem_shared>> -> memref<64x128xf32, #tpu.memory_space<vmem_shared>>
      tpu.enqueue_dma source(%arg16 : memref<64x128xf32, #tpu.memory_space<vmem>>) target(%dma_start3A_70 : memref<64x128xf32, #tpu.memory_space<vmem_shared>>) target_semaphore(%run_scoped3A : memref<!tpu.dma_semaphore, #tpu.memory_space<semaphore_mem>>)
      %dma_wait3A = arith.constant 0 : i32
      %dma_wait3A_71 = tpu.memref_slice %arg20[%add3A_37, %dma_wait3A] : memref<10240x128xf32, #tpu.memory_space<vmem_shared>> -> memref<64x128xf32, #tpu.memory_space<vmem_shared>>
      %dma_wait3A_72 = arith.constant 0 : i32
      %dma_wait3A_73 = tpu.memref_slice %arg20[%add3A_37, %dma_wait3A_72] : memref<10240x128xf32, #tpu.memory_space<vmem_shared>> -> memref<64x128xf32, #tpu.memory_space<vmem_shared>>
      tpu.wait_dma2 semaphore(%run_scoped3A : memref<!tpu.dma_semaphore, #tpu.memory_space<semaphore_mem>>) src(%arg16 : memref<64x128xf32, #tpu.memory_space<vmem>>) dst(%dma_wait3A_73 : memref<64x128xf32, #tpu.memory_space<vmem_shared>>)
      tpu.yield
    }) : () -> ()
    %mul3A_38 = arith.constant 640 : i32
    %mul3A_39 = arith.muli %arg1, %mul3A_38 : i32
    %add3A_40 = arith.constant 448 : i32
    %add3A_41 = arith.addi %mul3A_39, %add3A_40 : i32
    "tpu.region"() ({
      %run_scoped3A = tpu.sem_alloc : memref<!tpu.dma_semaphore, #tpu.memory_space<semaphore_mem>>
      %dma_start3A = arith.constant 0 : i32
      %dma_start3A_68 = tpu.memref_slice %arg20[%add3A_41, %dma_start3A] : memref<10240x128xf32, #tpu.memory_space<vmem_shared>> -> memref<64x128xf32, #tpu.memory_space<vmem_shared>>
      %dma_start3A_69 = arith.constant 0 : i32
      %dma_start3A_70 = tpu.memref_slice %arg20[%add3A_41, %dma_start3A_69] : memref<10240x128xf32, #tpu.memory_space<vmem_shared>> -> memref<64x128xf32, #tpu.memory_space<vmem_shared>>
      tpu.enqueue_dma source(%arg16 : memref<64x128xf32, #tpu.memory_space<vmem>>) target(%dma_start3A_70 : memref<64x128xf32, #tpu.memory_space<vmem_shared>>) target_semaphore(%run_scoped3A : memref<!tpu.dma_semaphore, #tpu.memory_space<semaphore_mem>>)
      %dma_wait3A = arith.constant 0 : i32
      %dma_wait3A_71 = tpu.memref_slice %arg20[%add3A_41, %dma_wait3A] : memref<10240x128xf32, #tpu.memory_space<vmem_shared>> -> memref<64x128xf32, #tpu.memory_space<vmem_shared>>
      %dma_wait3A_72 = arith.constant 0 : i32
      %dma_wait3A_73 = tpu.memref_slice %arg20[%add3A_41, %dma_wait3A_72] : memref<10240x128xf32, #tpu.memory_space<vmem_shared>> -> memref<64x128xf32, #tpu.memory_space<vmem_shared>>
      tpu.wait_dma2 semaphore(%run_scoped3A : memref<!tpu.dma_semaphore, #tpu.memory_space<semaphore_mem>>) src(%arg16 : memref<64x128xf32, #tpu.memory_space<vmem>>) dst(%dma_wait3A_73 : memref<64x128xf32, #tpu.memory_space<vmem_shared>>)
      tpu.yield
    }) : () -> ()
    %mul3A_42 = arith.constant 640 : i32
    %mul3A_43 = arith.muli %arg1, %mul3A_42 : i32
    %add3A_44 = arith.constant 512 : i32
    %add3A_45 = arith.addi %mul3A_43, %add3A_44 : i32
    "tpu.region"() ({
      %run_scoped3A = tpu.sem_alloc : memref<!tpu.dma_semaphore, #tpu.memory_space<semaphore_mem>>
      %dma_start3A = arith.constant 0 : i32
      %dma_start3A_68 = tpu.memref_slice %arg20[%add3A_45, %dma_start3A] : memref<10240x128xf32, #tpu.memory_space<vmem_shared>> -> memref<64x128xf32, #tpu.memory_space<vmem_shared>>
      %dma_start3A_69 = arith.constant 0 : i32
      %dma_start3A_70 = tpu.memref_slice %arg20[%add3A_45, %dma_start3A_69] : memref<10240x128xf32, #tpu.memory_space<vmem_shared>> -> memref<64x128xf32, #tpu.memory_space<vmem_shared>>
      tpu.enqueue_dma source(%arg16 : memref<64x128xf32, #tpu.memory_space<vmem>>) target(%dma_start3A_70 : memref<64x128xf32, #tpu.memory_space<vmem_shared>>) target_semaphore(%run_scoped3A : memref<!tpu.dma_semaphore, #tpu.memory_space<semaphore_mem>>)
      %dma_wait3A = arith.constant 0 : i32
      %dma_wait3A_71 = tpu.memref_slice %arg20[%add3A_45, %dma_wait3A] : memref<10240x128xf32, #tpu.memory_space<vmem_shared>> -> memref<64x128xf32, #tpu.memory_space<vmem_shared>>
      %dma_wait3A_72 = arith.constant 0 : i32
      %dma_wait3A_73 = tpu.memref_slice %arg20[%add3A_45, %dma_wait3A_72] : memref<10240x128xf32, #tpu.memory_space<vmem_shared>> -> memref<64x128xf32, #tpu.memory_space<vmem_shared>>
      tpu.wait_dma2 semaphore(%run_scoped3A : memref<!tpu.dma_semaphore, #tpu.memory_space<semaphore_mem>>) src(%arg16 : memref<64x128xf32, #tpu.memory_space<vmem>>) dst(%dma_wait3A_73 : memref<64x128xf32, #tpu.memory_space<vmem_shared>>)
      tpu.yield
    }) : () -> ()
    %mul3A_46 = arith.constant 640 : i32
    %mul3A_47 = arith.muli %arg1, %mul3A_46 : i32
    %add3A_48 = arith.constant 576 : i32
    %add3A_49 = arith.addi %mul3A_47, %add3A_48 : i32
    "tpu.region"() ({
      %run_scoped3A = tpu.sem_alloc : memref<!tpu.dma_semaphore, #tpu.memory_space<semaphore_mem>>
      %dma_start3A = arith.constant 0 : i32
      %dma_start3A_68 = tpu.memref_slice %arg20[%add3A_49, %dma_start3A] : memref<10240x128xf32, #tpu.memory_space<vmem_shared>> -> memref<64x128xf32, #tpu.memory_space<vmem_shared>>
      %dma_start3A_69 = arith.constant 0 : i32
      %dma_start3A_70 = tpu.memref_slice %arg20[%add3A_49, %dma_start3A_69] : memref<10240x128xf32, #tpu.memory_space<vmem_shared>> -> memref<64x128xf32, #tpu.memory_space<vmem_shared>>
      tpu.enqueue_dma source(%arg16 : memref<64x128xf32, #tpu.memory_space<vmem>>) target(%dma_start3A_70 : memref<64x128xf32, #tpu.memory_space<vmem_shared>>) target_semaphore(%run_scoped3A : memref<!tpu.dma_semaphore, #tpu.memory_space<semaphore_mem>>)
      %dma_wait3A = arith.constant 0 : i32
      %dma_wait3A_71 = tpu.memref_slice %arg20[%add3A_49, %dma_wait3A] : memref<10240x128xf32, #tpu.memory_space<vmem_shared>> -> memref<64x128xf32, #tpu.memory_space<vmem_shared>>
      %dma_wait3A_72 = arith.constant 0 : i32
      %dma_wait3A_73 = tpu.memref_slice %arg20[%add3A_49, %dma_wait3A_72] : memref<10240x128xf32, #tpu.memory_space<vmem_shared>> -> memref<64x128xf32, #tpu.memory_space<vmem_shared>>
      tpu.wait_dma2 semaphore(%run_scoped3A : memref<!tpu.dma_semaphore, #tpu.memory_space<semaphore_mem>>) src(%arg16 : memref<64x128xf32, #tpu.memory_space<vmem>>) dst(%dma_wait3A_73 : memref<64x128xf32, #tpu.memory_space<vmem_shared>>)
      tpu.yield
    }) : () -> ()
    %barrier3A = arith.constant 0 : index
    tpu.barrier barrier_id(%barrier3A)
    %mul3A_50 = arith.constant 16 : i32
    %mul3A_51 = arith.muli %arg0, %mul3A_50 : i32
    %add3A_52 = arith.addi %mul3A_51, %arg1 : i32
    %mul3A_53 = arith.constant 160 : i32
    %mul3A_54 = arith.muli %add3A_52, %mul3A_53 : i32
    %scan3A_55 = arith.constant 0 : i32
    %scan3A_56 = arith.constant 10 : i32
    %scan3A_57 = arith.addi %scan3A_55, %scan3A_56 : i32
    %scan3A_58 = arith.constant 1 : i32
    scf.for %scan3A_68 = %scan3A_55 to %scan3A_57 step %scan3A_58  : i32 {
      %mul3A_69 = arith.constant 1 : i32
      %mul3A_70 = arith.muli %scan3A_68, %mul3A_69 : i32
      %add3A_71 = arith.constant 0 : i32
      %add3A_72 = arith.addi %add3A_71, %mul3A_70 : i32
      %mul3A_73 = arith.constant 16 : i32
      %mul3A_74 = arith.muli %add3A_72, %mul3A_73 : i32
      %add3A_75 = arith.addi %mul3A_54, %mul3A_74 : i32
      "tpu.region"() ({
        %run_scoped3A = tpu.sem_alloc : memref<!tpu.dma_semaphore, #tpu.memory_space<semaphore_mem>>
        %dma_start3A_107 = arith.constant 0 : i32
        %dma_start3A_108 = tpu.memref_slice %arg5[%add3A_75, %dma_start3A_107] : memref<5120x64xi32, #tpu.memory_space<hbm>> -> memref<16x64xi32, #tpu.memory_space<hbm>>
        %dma_start3A_109 = arith.constant 0 : i32
        %dma_start3A_110 = tpu.memref_slice %arg5[%add3A_75, %dma_start3A_109] : memref<5120x64xi32, #tpu.memory_space<hbm>> -> memref<16x64xi32, #tpu.memory_space<hbm>>
        tpu.enqueue_dma source(%dma_start3A_110 : memref<16x64xi32, #tpu.memory_space<hbm>>) target(%arg13 : memref<16x64xi32, #tpu.memory_space<vmem>>) target_semaphore(%run_scoped3A : memref<!tpu.dma_semaphore, #tpu.memory_space<semaphore_mem>>)
        %dma_wait3A = arith.constant 0 : i32
        %dma_wait3A_111 = tpu.memref_slice %arg5[%add3A_75, %dma_wait3A] : memref<5120x64xi32, #tpu.memory_space<hbm>> -> memref<16x64xi32, #tpu.memory_space<hbm>>
        %dma_wait3A_112 = arith.constant 0 : i32
        %dma_wait3A_113 = tpu.memref_slice %arg5[%add3A_75, %dma_wait3A_112] : memref<5120x64xi32, #tpu.memory_space<hbm>> -> memref<16x64xi32, #tpu.memory_space<hbm>>
        tpu.wait_dma2 semaphore(%run_scoped3A : memref<!tpu.dma_semaphore, #tpu.memory_space<semaphore_mem>>) src(%dma_wait3A_113 : memref<16x64xi32, #tpu.memory_space<hbm>>) dst(%arg13 : memref<16x64xi32, #tpu.memory_space<vmem>>)
        tpu.yield
      }) : () -> ()
      %mul3A_76 = arith.constant 16 : i32
      %mul3A_77 = arith.muli %add3A_72, %mul3A_76 : i32
      %add3A_78 = arith.addi %mul3A_54, %mul3A_77 : i32
      "tpu.region"() ({
        %run_scoped3A = tpu.sem_alloc : memref<!tpu.dma_semaphore, #tpu.memory_space<semaphore_mem>>
        %dma_start3A_107 = arith.constant 0 : i32
        %dma_start3A_108 = tpu.memref_slice %arg6[%add3A_78, %dma_start3A_107] : memref<5120x64xi32, #tpu.memory_space<hbm>> -> memref<16x64xi32, #tpu.memory_space<hbm>>
        %dma_start3A_109 = arith.constant 0 : i32
        %dma_start3A_110 = tpu.memref_slice %arg6[%add3A_78, %dma_start3A_109] : memref<5120x64xi32, #tpu.memory_space<hbm>> -> memref<16x64xi32, #tpu.memory_space<hbm>>
        tpu.enqueue_dma source(%dma_start3A_110 : memref<16x64xi32, #tpu.memory_space<hbm>>) target(%arg14 : memref<16x64xi32, #tpu.memory_space<vmem>>) target_semaphore(%run_scoped3A : memref<!tpu.dma_semaphore, #tpu.memory_space<semaphore_mem>>)
        %dma_wait3A = arith.constant 0 : i32
        %dma_wait3A_111 = tpu.memref_slice %arg6[%add3A_78, %dma_wait3A] : memref<5120x64xi32, #tpu.memory_space<hbm>> -> memref<16x64xi32, #tpu.memory_space<hbm>>
        %dma_wait3A_112 = arith.constant 0 : i32
        %dma_wait3A_113 = tpu.memref_slice %arg6[%add3A_78, %dma_wait3A_112] : memref<5120x64xi32, #tpu.memory_space<hbm>> -> memref<16x64xi32, #tpu.memory_space<hbm>>
        tpu.wait_dma2 semaphore(%run_scoped3A : memref<!tpu.dma_semaphore, #tpu.memory_space<semaphore_mem>>) src(%dma_wait3A_113 : memref<16x64xi32, #tpu.memory_space<hbm>>) dst(%arg14 : memref<16x64xi32, #tpu.memory_space<vmem>>)
        tpu.yield
      }) : () -> ()
      %scan3A_79 = arith.constant 0 : i32
      %scan3A_80 = arith.constant 16 : i32
      %scan3A_81 = arith.addi %scan3A_79, %scan3A_80 : i32
      %scan3A_82 = arith.constant 1 : i32
      scf.for %scan3A_107 = %scan3A_79 to %scan3A_81 step %scan3A_82  : i32 {
        %mul3A_108 = arith.constant 1 : i32
        %mul3A_109 = arith.muli %scan3A_107, %mul3A_108 : i32
        %add3A_110 = arith.constant 0 : i32
        %add3A_111 = arith.addi %add3A_110, %mul3A_109 : i32
        %get3A = arith.index_cast %add3A_111 : i32 to index
        %get3A_112 = arith.constant 0 : index
        %get3A_113 = tpu.vector_load %arg13[%get3A, %get3A_112] {strides = array<i32>} : memref<16x64xi32, #tpu.memory_space<vmem>>, vector<16xi32>,
        %get3A_114 = arith.index_cast %add3A_111 : i32 to index
        %get3A_115 = arith.constant 0 : index
        %get3A_116 = tpu.vector_load %arg14[%get3A_114, %get3A_115] {strides = array<i32>} : memref<16x64xi32, #tpu.memory_space<vmem>>, vector<16xi32>,
        %gather3A = tpu.vector_load_idx %arg11[%get3A_113] : memref<10240xf32, #tpu.memory_space<vmem>>[vector<16xi32>], vector<16xf32>,
        %gather3A_117 = tpu.vector_load_idx %arg12[%get3A_116] : memref<10240xf32, #tpu.memory_space<vmem>>[vector<16xi32>], vector<16xf32>,
        %add3A_118 = arith.addf %gather3A, %gather3A_117 : vector<16xf32>
        %ge3A = arith.constant 0.000000e+00 : f32
        %ge3A_119 = vector.broadcast %ge3A : f32 to vector<16xf32>
        %ge3A_120 = arith.cmpf oge, %add3A_118, %ge3A_119 : vector<16xf32>
        %mul3A_121 = arith.constant 2.000000e-01 : f32
        %mul3A_122 = vector.broadcast %mul3A_121 : f32 to vector<16xf32>
        %mul3A_123 = arith.mulf %add3A_118, %mul3A_122 : vector<16xf32>
        %select_n3A = arith.select %ge3A_120, %add3A_118, %mul3A_123 : vector<16xi1>, vector<16xf32>
        %exp3A = math.exp %select_n3A : vector<16xf32>
        %swap3A = arith.index_cast %add3A_111 : i32 to index
        %swap3A_124 = arith.constant 0 : index
        %swap3A_125 = tpu.vector_load %arg15[%swap3A, %swap3A_124] {strides = array<i32>} : memref<16x64xf32, #tpu.memory_space<vmem>>, vector<16xf32>,
        tpu.vector_store %arg15[%swap3A, %swap3A_124], %exp3A {strides = array<i32>} : memref<16x64xf32, #tpu.memory_space<vmem>>, vector<16xf32>,
        %get3A_126 = arith.index_cast %add3A_111 : i32 to index
        %get3A_127 = arith.constant 16 : index
        %get3A_128 = tpu.vector_load %arg13[%get3A_126, %get3A_127] {strides = array<i32>} : memref<16x64xi32, #tpu.memory_space<vmem>>, vector<16xi32>,
        %get3A_129 = arith.index_cast %add3A_111 : i32 to index
        %get3A_130 = arith.constant 16 : index
        %get3A_131 = tpu.vector_load %arg14[%get3A_129, %get3A_130] {strides = array<i32>} : memref<16x64xi32, #tpu.memory_space<vmem>>, vector<16xi32>,
        %gather3A_132 = tpu.vector_load_idx %arg11[%get3A_128] : memref<10240xf32, #tpu.memory_space<vmem>>[vector<16xi32>], vector<16xf32>,
        %gather3A_133 = tpu.vector_load_idx %arg12[%get3A_131] : memref<10240xf32, #tpu.memory_space<vmem>>[vector<16xi32>], vector<16xf32>,
        %add3A_134 = arith.addf %gather3A_132, %gather3A_133 : vector<16xf32>
        %ge3A_135 = arith.constant 0.000000e+00 : f32
        %ge3A_136 = vector.broadcast %ge3A_135 : f32 to vector<16xf32>
        %ge3A_137 = arith.cmpf oge, %add3A_134, %ge3A_136 : vector<16xf32>
        %mul3A_138 = arith.constant 2.000000e-01 : f32
        %mul3A_139 = vector.broadcast %mul3A_138 : f32 to vector<16xf32>
        %mul3A_140 = arith.mulf %add3A_134, %mul3A_139 : vector<16xf32>
        %select_n3A_141 = arith.select %ge3A_137, %add3A_134, %mul3A_140 : vector<16xi1>, vector<16xf32>
        %exp3A_142 = math.exp %select_n3A_141 : vector<16xf32>
        %swap3A_143 = arith.index_cast %add3A_111 : i32 to index
        %swap3A_144 = arith.constant 16 : index
        %swap3A_145 = tpu.vector_load %arg15[%swap3A_143, %swap3A_144] {strides = array<i32>} : memref<16x64xf32, #tpu.memory_space<vmem>>, vector<16xf32>,
        tpu.vector_store %arg15[%swap3A_143, %swap3A_144], %exp3A_142 {strides = array<i32>} : memref<16x64xf32, #tpu.memory_space<vmem>>, vector<16xf32>,
        %get3A_146 = arith.index_cast %add3A_111 : i32 to index
        %get3A_147 = arith.constant 32 : index
        %get3A_148 = tpu.vector_load %arg13[%get3A_146, %get3A_147] {strides = array<i32>} : memref<16x64xi32, #tpu.memory_space<vmem>>, vector<16xi32>,
        %get3A_149 = arith.index_cast %add3A_111 : i32 to index
        %get3A_150 = arith.constant 32 : index
        %get3A_151 = tpu.vector_load %arg14[%get3A_149, %get3A_150] {strides = array<i32>} : memref<16x64xi32, #tpu.memory_space<vmem>>, vector<16xi32>,
        %gather3A_152 = tpu.vector_load_idx %arg11[%get3A_148] : memref<10240xf32, #tpu.memory_space<vmem>>[vector<16xi32>], vector<16xf32>,
        %gather3A_153 = tpu.vector_load_idx %arg12[%get3A_151] : memref<10240xf32, #tpu.memory_space<vmem>>[vector<16xi32>], vector<16xf32>,
        %add3A_154 = arith.addf %gather3A_152, %gather3A_153 : vector<16xf32>
        %ge3A_155 = arith.constant 0.000000e+00 : f32
        %ge3A_156 = vector.broadcast %ge3A_155 : f32 to vector<16xf32>
        %ge3A_157 = arith.cmpf oge, %add3A_154, %ge3A_156 : vector<16xf32>
        %mul3A_158 = arith.constant 2.000000e-01 : f32
        %mul3A_159 = vector.broadcast %mul3A_158 : f32 to vector<16xf32>
        %mul3A_160 = arith.mulf %add3A_154, %mul3A_159 : vector<16xf32>
        %select_n3A_161 = arith.select %ge3A_157, %add3A_154, %mul3A_160 : vector<16xi1>, vector<16xf32>
        %exp3A_162 = math.exp %select_n3A_161 : vector<16xf32>
        %swap3A_163 = arith.index_cast %add3A_111 : i32 to index
        %swap3A_164 = arith.constant 32 : index
        %swap3A_165 = tpu.vector_load %arg15[%swap3A_163, %swap3A_164] {strides = array<i32>} : memref<16x64xf32, #tpu.memory_space<vmem>>, vector<16xf32>,
        tpu.vector_store %arg15[%swap3A_163, %swap3A_164], %exp3A_162 {strides = array<i32>} : memref<16x64xf32, #tpu.memory_space<vmem>>, vector<16xf32>,
        %get3A_166 = arith.index_cast %add3A_111 : i32 to index
        %get3A_167 = arith.constant 48 : index
        %get3A_168 = tpu.vector_load %arg13[%get3A_166, %get3A_167] {strides = array<i32>} : memref<16x64xi32, #tpu.memory_space<vmem>>, vector<16xi32>,
        %get3A_169 = arith.index_cast %add3A_111 : i32 to index
        %get3A_170 = arith.constant 48 : index
        %get3A_171 = tpu.vector_load %arg14[%get3A_169, %get3A_170] {strides = array<i32>} : memref<16x64xi32, #tpu.memory_space<vmem>>, vector<16xi32>,
        %gather3A_172 = tpu.vector_load_idx %arg11[%get3A_168] : memref<10240xf32, #tpu.memory_space<vmem>>[vector<16xi32>], vector<16xf32>,
        %gather3A_173 = tpu.vector_load_idx %arg12[%get3A_171] : memref<10240xf32, #tpu.memory_space<vmem>>[vector<16xi32>], vector<16xf32>,
        %add3A_174 = arith.addf %gather3A_172, %gather3A_173 : vector<16xf32>
        %ge3A_175 = arith.constant 0.000000e+00 : f32
        %ge3A_176 = vector.broadcast %ge3A_175 : f32 to vector<16xf32>
        %ge3A_177 = arith.cmpf oge, %add3A_174, %ge3A_176 : vector<16xf32>
        %mul3A_178 = arith.constant 2.000000e-01 : f32
        %mul3A_179 = vector.broadcast %mul3A_178 : f32 to vector<16xf32>
        %mul3A_180 = arith.mulf %add3A_174, %mul3A_179 : vector<16xf32>
        %select_n3A_181 = arith.select %ge3A_177, %add3A_174, %mul3A_180 : vector<16xi1>, vector<16xf32>
        %exp3A_182 = math.exp %select_n3A_181 : vector<16xf32>
        %swap3A_183 = arith.index_cast %add3A_111 : i32 to index
        %swap3A_184 = arith.constant 48 : index
        %swap3A_185 = tpu.vector_load %arg15[%swap3A_183, %swap3A_184] {strides = array<i32>} : memref<16x64xf32, #tpu.memory_space<vmem>>, vector<16xf32>,
        tpu.vector_store %arg15[%swap3A_183, %swap3A_184], %exp3A_182 {strides = array<i32>} : memref<16x64xf32, #tpu.memory_space<vmem>>, vector<16xf32>,
      }
      %scan3A_83 = arith.constant 16 : i32
      %scan3A_84 = arith.constant 0 : i32
      %scan3A_85 = arith.constant 16 : i32
      %scan3A_86 = arith.addi %scan3A_84, %scan3A_85 : i32
      %scan3A_87 = arith.constant 1 : i32
      scf.for %scan3A_107 = %scan3A_84 to %scan3A_86 step %scan3A_87  : i32 {
        %mul3A_108 = arith.constant 1 : i32
        %mul3A_109 = arith.muli %scan3A_107, %mul3A_108 : i32
        %add3A_110 = arith.constant 0 : i32
        %add3A_111 = arith.addi %add3A_110, %mul3A_109 : i32
        "tpu.region"() ({
          %run_scoped3A = tpu.sem_alloc : memref<!tpu.dma_semaphore, #tpu.memory_space<semaphore_mem>>
          %dma_start3A_112 = arith.constant 0 : i32
          %dma_start3A_113 = tpu.memref_slice %arg15[%add3A_111, %dma_start3A_112] : memref<16x64xf32, #tpu.memory_space<vmem>> -> memref<1x64xf32, #tpu.memory_space<vmem>>
          %dma_start3A_114 = tpu.memref_squeeze %dma_start3A_113 : memref<1x64xf32, #tpu.memory_space<vmem>> -> memref<64xf32, #tpu.memory_space<vmem>>
          %dma_start3A_115 = arith.constant 0 : i32
          %dma_start3A_116 = tpu.memref_slice %arg14[%add3A_111, %dma_start3A_115] : memref<16x64xi32, #tpu.memory_space<vmem>> -> memref<1x64xi32, #tpu.memory_space<vmem>>
          %dma_start3A_117 = tpu.memref_squeeze %dma_start3A_116 : memref<1x64xi32, #tpu.memory_space<vmem>> -> memref<64xi32, #tpu.memory_space<vmem>>
          %dma_start3A_118 = arith.constant 0 : i32
          %dma_start3A_119 = tpu.memref_slice %arg19[%dma_start3A_118] : memref<10240xf32, #tpu.memory_space<vmem_shared>> -> memref<10240xf32, #tpu.memory_space<vmem_shared>>
          tpu.enqueue_indirect_dma source(%dma_start3A_114 : memref<64xf32, #tpu.memory_space<vmem>>) target(%dma_start3A_119 : memref<10240xf32, #tpu.memory_space<vmem_shared>>) offsets(%dma_start3A_117 : memref<64xi32, #tpu.memory_space<vmem>>) semaphore(%run_scoped3A : memref<!tpu.dma_semaphore, #tpu.memory_space<semaphore_mem>>) {add = true}
          %dma_wait3A = arith.constant 0 : i32
          %dma_wait3A_120 = tpu.memref_slice %arg15[%add3A_111, %dma_wait3A] : memref<16x64xf32, #tpu.memory_space<vmem>> -> memref<1x64xf32, #tpu.memory_space<vmem>>
          %dma_wait3A_121 = tpu.memref_squeeze %dma_wait3A_120 : memref<1x64xf32, #tpu.memory_space<vmem>> -> memref<64xf32, #tpu.memory_space<vmem>>
          %dma_wait3A_122 = arith.constant 0 : i32
          %dma_wait3A_123 = tpu.memref_slice %arg14[%add3A_111, %dma_wait3A_122] : memref<16x64xi32, #tpu.memory_space<vmem>> -> memref<1x64xi32, #tpu.memory_space<vmem>>
          %dma_wait3A_124 = tpu.memref_squeeze %dma_wait3A_123 : memref<1x64xi32, #tpu.memory_space<vmem>> -> memref<64xi32, #tpu.memory_space<vmem>>
          %dma_wait3A_125 = arith.constant 0 : i32
          %dma_wait3A_126 = tpu.memref_slice %arg19[%dma_wait3A_125] : memref<10240xf32, #tpu.memory_space<vmem_shared>> -> memref<10240xf32, #tpu.memory_space<vmem_shared>>
          tpu.wait_indirect_dma semaphore(%run_scoped3A : memref<!tpu.dma_semaphore, #tpu.memory_space<semaphore_mem>>) src(%dma_wait3A_121 : memref<64xf32, #tpu.memory_space<vmem>>) dst(%dma_wait3A_126 : memref<10240xf32, #tpu.memory_space<vmem_shared>>)
          tpu.yield
        }) : () -> ()
      }
      %scan3A_88 = arith.constant 16 : i32
      %dma_start3A = arith.constant 0 : i32
      %dma_start3A_89 = arith.constant 0 : i32
      %dma_start3A_90 = tpu.memref_slice %arg13[%dma_start3A, %dma_start3A_89] : memref<16x64xi32, #tpu.memory_space<vmem>> -> memref<1x64xi32, #tpu.memory_space<vmem>>
      %dma_start3A_91 = tpu.memref_squeeze %dma_start3A_90 : memref<1x64xi32, #tpu.memory_space<vmem>> -> memref<64xi32, #tpu.memory_space<vmem>>
      %dma_start3A_92 = arith.constant 0 : i32
      %dma_start3A_93 = arith.constant 0 : i32
      %dma_start3A_94 = tpu.memref_slice %arg2[%dma_start3A_92, %dma_start3A_93] : memref<10240x128xf32, #tpu.memory_space<hbm>> -> memref<10240x128xf32, #tpu.memory_space<hbm>>
      tpu.enqueue_indirect_dma source(%dma_start3A_94 : memref<10240x128xf32, #tpu.memory_space<hbm>>) target(%arg16 : memref<64x128xf32, #tpu.memory_space<vmem>>) offsets(%dma_start3A_91 : memref<64xi32, #tpu.memory_space<vmem>>) semaphore(%arg21 : memref<!tpu.dma_semaphore, #tpu.memory_space<semaphore_mem>>)
      %dma_start3A_95 = arith.constant 1 : i32
      %dma_start3A_96 = arith.constant 0 : i32
      %dma_start3A_97 = tpu.memref_slice %arg13[%dma_start3A_95, %dma_start3A_96] : memref<16x64xi32, #tpu.memory_space<vmem>> -> memref<1x64xi32, #tpu.memory_space<vmem>>
      %dma_start3A_98 = tpu.memref_squeeze %dma_start3A_97 : memref<1x64xi32, #tpu.memory_space<vmem>> -> memref<64xi32, #tpu.memory_space<vmem>>
      %dma_start3A_99 = arith.constant 0 : i32
      %dma_start3A_100 = arith.constant 0 : i32
      %dma_start3A_101 = tpu.memref_slice %arg2[%dma_start3A_99, %dma_start3A_100] : memref<10240x128xf32, #tpu.memory_space<hbm>> -> memref<10240x128xf32, #tpu.memory_space<hbm>>
      tpu.enqueue_indirect_dma source(%dma_start3A_101 : memref<10240x128xf32, #tpu.memory_space<hbm>>) target(%arg17 : memref<64x128xf32, #tpu.memory_space<vmem>>) offsets(%dma_start3A_98 : memref<64xi32, #tpu.memory_space<vmem>>) semaphore(%arg22 : memref<!tpu.dma_semaphore, #tpu.memory_space<semaphore_mem>>)
      %scan3A_102 = arith.constant 0 : i32
      %scan3A_103 = arith.constant 8 : i32
      %scan3A_104 = arith.addi %scan3A_102, %scan3A_103 : i32
      %scan3A_105 = arith.constant 1 : i32
      scf.for %scan3A_107 = %scan3A_102 to %scan3A_104 step %scan3A_105  : i32 {
        %mul3A_108 = arith.constant 2 : i32
        %mul3A_109 = arith.muli %scan3A_107, %mul3A_108 : i32
        %add3A_110 = arith.constant 0 : i32
        %add3A_111 = arith.addi %add3A_110, %mul3A_109 : i32
        %add3A_112 = arith.constant 0 : i32
        %add3A_113 = arith.addi %add3A_111, %add3A_112 : i32
        %dma_wait3A = arith.constant 0 : i32
        %dma_wait3A_114 = tpu.memref_slice %arg13[%add3A_113, %dma_wait3A] : memref<16x64xi32, #tpu.memory_space<vmem>> -> memref<1x64xi32, #tpu.memory_space<vmem>>
        %dma_wait3A_115 = tpu.memref_squeeze %dma_wait3A_114 : memref<1x64xi32, #tpu.memory_space<vmem>> -> memref<64xi32, #tpu.memory_space<vmem>>
        %dma_wait3A_116 = arith.constant 0 : i32
        %dma_wait3A_117 = arith.constant 0 : i32
        %dma_wait3A_118 = tpu.memref_slice %arg2[%dma_wait3A_116, %dma_wait3A_117] : memref<10240x128xf32, #tpu.memory_space<hbm>> -> memref<10240x128xf32, #tpu.memory_space<hbm>>
        tpu.wait_indirect_dma semaphore(%arg21 : memref<!tpu.dma_semaphore, #tpu.memory_space<semaphore_mem>>) src(%dma_wait3A_118 : memref<10240x128xf32, #tpu.memory_space<hbm>>) dst(%arg16 : memref<64x128xf32, #tpu.memory_space<vmem>>)
        %scan3A_119 = arith.constant 0 : i32
        %scan3A_120 = arith.constant 64 : i32
        %scan3A_121 = arith.addi %scan3A_119, %scan3A_120 : i32
        %scan3A_122 = arith.constant 1 : i32
        scf.for %scan3A_150 = %scan3A_119 to %scan3A_121 step %scan3A_122  : i32 {
          %mul3A_151 = arith.constant 1 : i32
          %mul3A_152 = arith.muli %scan3A_150, %mul3A_151 : i32
          %add3A_153 = arith.constant 0 : i32
          %add3A_154 = arith.addi %add3A_153, %mul3A_152 : i32
          %broadcast_in_dim3A_155 = vector.broadcast %add3A_113 : i32 to vector<16xi32>
          %broadcast_in_dim3A_156 = vector.broadcast %add3A_154 : i32 to vector<16xi32>
          %gather3A = tpu.vector_load_idx %arg15[%broadcast_in_dim3A_155, %broadcast_in_dim3A_156] : memref<16x64xf32, #tpu.memory_space<vmem>>[vector<16xi32>, vector<16xi32>], vector<16xf32>,
          %get3A = arith.index_cast %add3A_154 : i32 to index
          %get3A_157 = arith.constant 0 : index
          %get3A_158 = tpu.vector_load %arg16[%get3A, %get3A_157] {strides = array<i32>} : memref<64x128xf32, #tpu.memory_space<vmem>>, vector<16xf32>,
          %mul3A_159 = arith.mulf %get3A_158, %gather3A : vector<16xf32>
          %swap3A = arith.index_cast %add3A_154 : i32 to index
          %swap3A_160 = arith.constant 0 : index
          %swap3A_161 = tpu.vector_load %arg16[%swap3A, %swap3A_160] {strides = array<i32>} : memref<64x128xf32, #tpu.memory_space<vmem>>, vector<16xf32>,
          tpu.vector_store %arg16[%swap3A, %swap3A_160], %mul3A_159 {strides = array<i32>} : memref<64x128xf32, #tpu.memory_space<vmem>>, vector<16xf32>,
          %get3A_162 = arith.index_cast %add3A_154 : i32 to index
          %get3A_163 = arith.constant 16 : index
          %get3A_164 = tpu.vector_load %arg16[%get3A_162, %get3A_163] {strides = array<i32>} : memref<64x128xf32, #tpu.memory_space<vmem>>, vector<16xf32>,
          %mul3A_165 = arith.mulf %get3A_164, %gather3A : vector<16xf32>
          %swap3A_166 = arith.index_cast %add3A_154 : i32 to index
          %swap3A_167 = arith.constant 16 : index
          %swap3A_168 = tpu.vector_load %arg16[%swap3A_166, %swap3A_167] {strides = array<i32>} : memref<64x128xf32, #tpu.memory_space<vmem>>, vector<16xf32>,
          tpu.vector_store %arg16[%swap3A_166, %swap3A_167], %mul3A_165 {strides = array<i32>} : memref<64x128xf32, #tpu.memory_space<vmem>>, vector<16xf32>,
          %get3A_169 = arith.index_cast %add3A_154 : i32 to index
          %get3A_170 = arith.constant 32 : index
          %get3A_171 = tpu.vector_load %arg16[%get3A_169, %get3A_170] {strides = array<i32>} : memref<64x128xf32, #tpu.memory_space<vmem>>, vector<16xf32>,
          %mul3A_172 = arith.mulf %get3A_171, %gather3A : vector<16xf32>
          %swap3A_173 = arith.index_cast %add3A_154 : i32 to index
          %swap3A_174 = arith.constant 32 : index
          %swap3A_175 = tpu.vector_load %arg16[%swap3A_173, %swap3A_174] {strides = array<i32>} : memref<64x128xf32, #tpu.memory_space<vmem>>, vector<16xf32>,
          tpu.vector_store %arg16[%swap3A_173, %swap3A_174], %mul3A_172 {strides = array<i32>} : memref<64x128xf32, #tpu.memory_space<vmem>>, vector<16xf32>,
          %get3A_176 = arith.index_cast %add3A_154 : i32 to index
          %get3A_177 = arith.constant 48 : index
          %get3A_178 = tpu.vector_load %arg16[%get3A_176, %get3A_177] {strides = array<i32>} : memref<64x128xf32, #tpu.memory_space<vmem>>, vector<16xf32>,
          %mul3A_179 = arith.mulf %get3A_178, %gather3A : vector<16xf32>
          %swap3A_180 = arith.index_cast %add3A_154 : i32 to index
          %swap3A_181 = arith.constant 48 : index
          %swap3A_182 = tpu.vector_load %arg16[%swap3A_180, %swap3A_181] {strides = array<i32>} : memref<64x128xf32, #tpu.memory_space<vmem>>, vector<16xf32>,
          tpu.vector_store %arg16[%swap3A_180, %swap3A_181], %mul3A_179 {strides = array<i32>} : memref<64x128xf32, #tpu.memory_space<vmem>>, vector<16xf32>,
          %get3A_183 = arith.index_cast %add3A_154 : i32 to index
          %get3A_184 = arith.constant 64 : index
          %get3A_185 = tpu.vector_load %arg16[%get3A_183, %get3A_184] {strides = array<i32>} : memref<64x128xf32, #tpu.memory_space<vmem>>, vector<16xf32>,
          %mul3A_186 = arith.mulf %get3A_185, %gather3A : vector<16xf32>
          %swap3A_187 = arith.index_cast %add3A_154 : i32 to index
          %swap3A_188 = arith.constant 64 : index
          %swap3A_189 = tpu.vector_load %arg16[%swap3A_187, %swap3A_188] {strides = array<i32>} : memref<64x128xf32, #tpu.memory_space<vmem>>, vector<16xf32>,
          tpu.vector_store %arg16[%swap3A_187, %swap3A_188], %mul3A_186 {strides = array<i32>} : memref<64x128xf32, #tpu.memory_space<vmem>>, vector<16xf32>,
          %get3A_190 = arith.index_cast %add3A_154 : i32 to index
          %get3A_191 = arith.constant 80 : index
          %get3A_192 = tpu.vector_load %arg16[%get3A_190, %get3A_191] {strides = array<i32>} : memref<64x128xf32, #tpu.memory_space<vmem>>, vector<16xf32>,
          %mul3A_193 = arith.mulf %get3A_192, %gather3A : vector<16xf32>
          %swap3A_194 = arith.index_cast %add3A_154 : i32 to index
          %swap3A_195 = arith.constant 80 : index
          %swap3A_196 = tpu.vector_load %arg16[%swap3A_194, %swap3A_195] {strides = array<i32>} : memref<64x128xf32, #tpu.memory_space<vmem>>, vector<16xf32>,
          tpu.vector_store %arg16[%swap3A_194, %swap3A_195], %mul3A_193 {strides = array<i32>} : memref<64x128xf32, #tpu.memory_space<vmem>>, vector<16xf32>,
          %get3A_197 = arith.index_cast %add3A_154 : i32 to index
          %get3A_198 = arith.constant 96 : index
          %get3A_199 = tpu.vector_load %arg16[%get3A_197, %get3A_198] {strides = array<i32>} : memref<64x128xf32, #tpu.memory_space<vmem>>, vector<16xf32>,
          %mul3A_200 = arith.mulf %get3A_199, %gather3A : vector<16xf32>
          %swap3A_201 = arith.index_cast %add3A_154 : i32 to index
          %swap3A_202 = arith.constant 96 : index
          %swap3A_203 = tpu.vector_load %arg16[%swap3A_201, %swap3A_202] {strides = array<i32>} : memref<64x128xf32, #tpu.memory_space<vmem>>, vector<16xf32>,
          tpu.vector_store %arg16[%swap3A_201, %swap3A_202], %mul3A_200 {strides = array<i32>} : memref<64x128xf32, #tpu.memory_space<vmem>>, vector<16xf32>,
          %get3A_204 = arith.index_cast %add3A_154 : i32 to index
          %get3A_205 = arith.constant 112 : index
          %get3A_206 = tpu.vector_load %arg16[%get3A_204, %get3A_205] {strides = array<i32>} : memref<64x128xf32, #tpu.memory_space<vmem>>, vector<16xf32>,
          %mul3A_207 = arith.mulf %get3A_206, %gather3A : vector<16xf32>
          %swap3A_208 = arith.index_cast %add3A_154 : i32 to index
          %swap3A_209 = arith.constant 112 : index
          %swap3A_210 = tpu.vector_load %arg16[%swap3A_208, %swap3A_209] {strides = array<i32>} : memref<64x128xf32, #tpu.memory_space<vmem>>, vector<16xf32>,
          tpu.vector_store %arg16[%swap3A_208, %swap3A_209], %mul3A_207 {strides = array<i32>} : memref<64x128xf32, #tpu.memory_space<vmem>>, vector<16xf32>,
        }
        %scan3A_123 = arith.constant 64 : i32
        "tpu.region"() ({
          %run_scoped3A = tpu.sem_alloc : memref<!tpu.dma_semaphore, #tpu.memory_space<semaphore_mem>>
          %dma_start3A_150 = arith.constant 0 : i32
          %dma_start3A_151 = tpu.memref_slice %arg14[%add3A_113, %dma_start3A_150] : memref<16x64xi32, #tpu.memory_space<vmem>> -> memref<1x64xi32, #tpu.memory_space<vmem>>
          %dma_start3A_152 = tpu.memref_squeeze %dma_start3A_151 : memref<1x64xi32, #tpu.memory_space<vmem>> -> memref<64xi32, #tpu.memory_space<vmem>>
          %dma_start3A_153 = arith.constant 0 : i32
          %dma_start3A_154 = arith.constant 0 : i32
          %dma_start3A_155 = tpu.memref_slice %arg20[%dma_start3A_153, %dma_start3A_154] : memref<10240x128xf32, #tpu.memory_space<vmem_shared>> -> memref<10240x128xf32, #tpu.memory_space<vmem_shared>>
          tpu.enqueue_indirect_dma source(%arg16 : memref<64x128xf32, #tpu.memory_space<vmem>>) target(%dma_start3A_155 : memref<10240x128xf32, #tpu.memory_space<vmem_shared>>) offsets(%dma_start3A_152 : memref<64xi32, #tpu.memory_space<vmem>>) semaphore(%run_scoped3A : memref<!tpu.dma_semaphore, #tpu.memory_space<semaphore_mem>>) {add = true}
          %dma_wait3A_156 = arith.constant 0 : i32
          %dma_wait3A_157 = tpu.memref_slice %arg14[%add3A_113, %dma_wait3A_156] : memref<16x64xi32, #tpu.memory_space<vmem>> -> memref<1x64xi32, #tpu.memory_space<vmem>>
          %dma_wait3A_158 = tpu.memref_squeeze %dma_wait3A_157 : memref<1x64xi32, #tpu.memory_space<vmem>> -> memref<64xi32, #tpu.memory_space<vmem>>
          %dma_wait3A_159 = arith.constant 0 : i32
          %dma_wait3A_160 = arith.constant 0 : i32
          %dma_wait3A_161 = tpu.memref_slice %arg20[%dma_wait3A_159, %dma_wait3A_160] : memref<10240x128xf32, #tpu.memory_space<vmem_shared>> -> memref<10240x128xf32, #tpu.memory_space<vmem_shared>>
          tpu.wait_indirect_dma semaphore(%run_scoped3A : memref<!tpu.dma_semaphore, #tpu.memory_space<semaphore_mem>>) src(%arg16 : memref<64x128xf32, #tpu.memory_space<vmem>>) dst(%dma_wait3A_161 : memref<10240x128xf32, #tpu.memory_space<vmem_shared>>)
          tpu.yield
        }) : () -> ()
        %add3A_124 = arith.constant 2 : i32
        %add3A_125 = arith.addi %add3A_113, %add3A_124 : i32
        %lt3A = arith.constant 16 : i32
        %lt3A_126 = arith.cmpi slt, %add3A_125, %lt3A : i32
        %convert_element_type3A_127 = arith.extui %lt3A_126 : i1 to i32
        %cond3A_128 = arith.constant 0 : i32
        %cond3A_129 = arith.cmpi ne, %convert_element_type3A_127, %cond3A_128 : i32
        scf.if %cond3A_129 {
          %add3A_150 = arith.constant 2 : i32
          %add3A_151 = arith.addi %add3A_113, %add3A_150 : i32
          %dma_start3A_152 = arith.constant 0 : i32
          %dma_start3A_153 = tpu.memref_slice %arg13[%add3A_151, %dma_start3A_152] : memref<16x64xi32, #tpu.memory_space<vmem>> -> memref<1x64xi32, #tpu.memory_space<vmem>>
          %dma_start3A_154 = tpu.memref_squeeze %dma_start3A_153 : memref<1x64xi32, #tpu.memory_space<vmem>> -> memref<64xi32, #tpu.memory_space<vmem>>
          %dma_start3A_155 = arith.constant 0 : i32
          %dma_start3A_156 = arith.constant 0 : i32
          %dma_start3A_157 = tpu.memref_slice %arg2[%dma_start3A_155, %dma_start3A_156] : memref<10240x128xf32, #tpu.memory_space<hbm>> -> memref<10240x128xf32, #tpu.memory_space<hbm>>
          tpu.enqueue_indirect_dma source(%dma_start3A_157 : memref<10240x128xf32, #tpu.memory_space<hbm>>) target(%arg16 : memref<64x128xf32, #tpu.memory_space<vmem>>) offsets(%dma_start3A_154 : memref<64xi32, #tpu.memory_space<vmem>>) semaphore(%arg21 : memref<!tpu.dma_semaphore, #tpu.memory_space<semaphore_mem>>)
        } else {
        }
        %add3A_130 = arith.constant 1 : i32
        %add3A_131 = arith.addi %add3A_111, %add3A_130 : i32
        %dma_wait3A_132 = arith.constant 0 : i32
        %dma_wait3A_133 = tpu.memref_slice %arg13[%add3A_131, %dma_wait3A_132] : memref<16x64xi32, #tpu.memory_space<vmem>> -> memref<1x64xi32, #tpu.memory_space<vmem>>
        %dma_wait3A_134 = tpu.memref_squeeze %dma_wait3A_133 : memref<1x64xi32, #tpu.memory_space<vmem>> -> memref<64xi32, #tpu.memory_space<vmem>>
        %dma_wait3A_135 = arith.constant 0 : i32
        %dma_wait3A_136 = arith.constant 0 : i32
        %dma_wait3A_137 = tpu.memref_slice %arg2[%dma_wait3A_135, %dma_wait3A_136] : memref<10240x128xf32, #tpu.memory_space<hbm>> -> memref<10240x128xf32, #tpu.memory_space<hbm>>
        tpu.wait_indirect_dma semaphore(%arg22 : memref<!tpu.dma_semaphore, #tpu.memory_space<semaphore_mem>>) src(%dma_wait3A_137 : memref<10240x128xf32, #tpu.memory_space<hbm>>) dst(%arg17 : memref<64x128xf32, #tpu.memory_space<vmem>>)
        %scan3A_138 = arith.constant 0 : i32
        %scan3A_139 = arith.constant 64 : i32
        %scan3A_140 = arith.addi %scan3A_138, %scan3A_139 : i32
        %scan3A_141 = arith.constant 1 : i32
        scf.for %scan3A_150 = %scan3A_138 to %scan3A_140 step %scan3A_141  : i32 {
          %mul3A_151 = arith.constant 1 : i32
          %mul3A_152 = arith.muli %scan3A_150, %mul3A_151 : i32
          %add3A_153 = arith.constant 0 : i32
          %add3A_154 = arith.addi %add3A_153, %mul3A_152 : i32
          %broadcast_in_dim3A_155 = vector.broadcast %add3A_131 : i32 to vector<16xi32>
          %broadcast_in_dim3A_156 = vector.broadcast %add3A_154 : i32 to vector<16xi32>
          %gather3A = tpu.vector_load_idx %arg15[%broadcast_in_dim3A_155, %broadcast_in_dim3A_156] : memref<16x64xf32, #tpu.memory_space<vmem>>[vector<16xi32>, vector<16xi32>], vector<16xf32>,
          %get3A = arith.index_cast %add3A_154 : i32 to index
          %get3A_157 = arith.constant 0 : index
          %get3A_158 = tpu.vector_load %arg17[%get3A, %get3A_157] {strides = array<i32>} : memref<64x128xf32, #tpu.memory_space<vmem>>, vector<16xf32>,
          %mul3A_159 = arith.mulf %get3A_158, %gather3A : vector<16xf32>
          %swap3A = arith.index_cast %add3A_154 : i32 to index
          %swap3A_160 = arith.constant 0 : index
          %swap3A_161 = tpu.vector_load %arg17[%swap3A, %swap3A_160] {strides = array<i32>} : memref<64x128xf32, #tpu.memory_space<vmem>>, vector<16xf32>,
          tpu.vector_store %arg17[%swap3A, %swap3A_160], %mul3A_159 {strides = array<i32>} : memref<64x128xf32, #tpu.memory_space<vmem>>, vector<16xf32>,
          %get3A_162 = arith.index_cast %add3A_154 : i32 to index
          %get3A_163 = arith.constant 16 : index
          %get3A_164 = tpu.vector_load %arg17[%get3A_162, %get3A_163] {strides = array<i32>} : memref<64x128xf32, #tpu.memory_space<vmem>>, vector<16xf32>,
          %mul3A_165 = arith.mulf %get3A_164, %gather3A : vector<16xf32>
          %swap3A_166 = arith.index_cast %add3A_154 : i32 to index
          %swap3A_167 = arith.constant 16 : index
          %swap3A_168 = tpu.vector_load %arg17[%swap3A_166, %swap3A_167] {strides = array<i32>} : memref<64x128xf32, #tpu.memory_space<vmem>>, vector<16xf32>,
          tpu.vector_store %arg17[%swap3A_166, %swap3A_167], %mul3A_165 {strides = array<i32>} : memref<64x128xf32, #tpu.memory_space<vmem>>, vector<16xf32>,
          %get3A_169 = arith.index_cast %add3A_154 : i32 to index
          %get3A_170 = arith.constant 32 : index
          %get3A_171 = tpu.vector_load %arg17[%get3A_169, %get3A_170] {strides = array<i32>} : memref<64x128xf32, #tpu.memory_space<vmem>>, vector<16xf32>,
          %mul3A_172 = arith.mulf %get3A_171, %gather3A : vector<16xf32>
          %swap3A_173 = arith.index_cast %add3A_154 : i32 to index
          %swap3A_174 = arith.constant 32 : index
          %swap3A_175 = tpu.vector_load %arg17[%swap3A_173, %swap3A_174] {strides = array<i32>} : memref<64x128xf32, #tpu.memory_space<vmem>>, vector<16xf32>,
          tpu.vector_store %arg17[%swap3A_173, %swap3A_174], %mul3A_172 {strides = array<i32>} : memref<64x128xf32, #tpu.memory_space<vmem>>, vector<16xf32>,
          %get3A_176 = arith.index_cast %add3A_154 : i32 to index
          %get3A_177 = arith.constant 48 : index
          %get3A_178 = tpu.vector_load %arg17[%get3A_176, %get3A_177] {strides = array<i32>} : memref<64x128xf32, #tpu.memory_space<vmem>>, vector<16xf32>,
          %mul3A_179 = arith.mulf %get3A_178, %gather3A : vector<16xf32>
          %swap3A_180 = arith.index_cast %add3A_154 : i32 to index
          %swap3A_181 = arith.constant 48 : index
          %swap3A_182 = tpu.vector_load %arg17[%swap3A_180, %swap3A_181] {strides = array<i32>} : memref<64x128xf32, #tpu.memory_space<vmem>>, vector<16xf32>,
          tpu.vector_store %arg17[%swap3A_180, %swap3A_181], %mul3A_179 {strides = array<i32>} : memref<64x128xf32, #tpu.memory_space<vmem>>, vector<16xf32>,
          %get3A_183 = arith.index_cast %add3A_154 : i32 to index
          %get3A_184 = arith.constant 64 : index
          %get3A_185 = tpu.vector_load %arg17[%get3A_183, %get3A_184] {strides = array<i32>} : memref<64x128xf32, #tpu.memory_space<vmem>>, vector<16xf32>,
          %mul3A_186 = arith.mulf %get3A_185, %gather3A : vector<16xf32>
          %swap3A_187 = arith.index_cast %add3A_154 : i32 to index
          %swap3A_188 = arith.constant 64 : index
          %swap3A_189 = tpu.vector_load %arg17[%swap3A_187, %swap3A_188] {strides = array<i32>} : memref<64x128xf32, #tpu.memory_space<vmem>>, vector<16xf32>,
          tpu.vector_store %arg17[%swap3A_187, %swap3A_188], %mul3A_186 {strides = array<i32>} : memref<64x128xf32, #tpu.memory_space<vmem>>, vector<16xf32>,
          %get3A_190 = arith.index_cast %add3A_154 : i32 to index
          %get3A_191 = arith.constant 80 : index
          %get3A_192 = tpu.vector_load %arg17[%get3A_190, %get3A_191] {strides = array<i32>} : memref<64x128xf32, #tpu.memory_space<vmem>>, vector<16xf32>,
          %mul3A_193 = arith.mulf %get3A_192, %gather3A : vector<16xf32>
          %swap3A_194 = arith.index_cast %add3A_154 : i32 to index
          %swap3A_195 = arith.constant 80 : index
          %swap3A_196 = tpu.vector_load %arg17[%swap3A_194, %swap3A_195] {strides = array<i32>} : memref<64x128xf32, #tpu.memory_space<vmem>>, vector<16xf32>,
          tpu.vector_store %arg17[%swap3A_194, %swap3A_195], %mul3A_193 {strides = array<i32>} : memref<64x128xf32, #tpu.memory_space<vmem>>, vector<16xf32>,
          %get3A_197 = arith.index_cast %add3A_154 : i32 to index
          %get3A_198 = arith.constant 96 : index
          %get3A_199 = tpu.vector_load %arg17[%get3A_197, %get3A_198] {strides = array<i32>} : memref<64x128xf32, #tpu.memory_space<vmem>>, vector<16xf32>,
          %mul3A_200 = arith.mulf %get3A_199, %gather3A : vector<16xf32>
          %swap3A_201 = arith.index_cast %add3A_154 : i32 to index
          %swap3A_202 = arith.constant 96 : index
          %swap3A_203 = tpu.vector_load %arg17[%swap3A_201, %swap3A_202] {strides = array<i32>} : memref<64x128xf32, #tpu.memory_space<vmem>>, vector<16xf32>,
          tpu.vector_store %arg17[%swap3A_201, %swap3A_202], %mul3A_200 {strides = array<i32>} : memref<64x128xf32, #tpu.memory_space<vmem>>, vector<16xf32>,
          %get3A_204 = arith.index_cast %add3A_154 : i32 to index
          %get3A_205 = arith.constant 112 : index
          %get3A_206 = tpu.vector_load %arg17[%get3A_204, %get3A_205] {strides = array<i32>} : memref<64x128xf32, #tpu.memory_space<vmem>>, vector<16xf32>,
          %mul3A_207 = arith.mulf %get3A_206, %gather3A : vector<16xf32>
          %swap3A_208 = arith.index_cast %add3A_154 : i32 to index
          %swap3A_209 = arith.constant 112 : index
          %swap3A_210 = tpu.vector_load %arg17[%swap3A_208, %swap3A_209] {strides = array<i32>} : memref<64x128xf32, #tpu.memory_space<vmem>>, vector<16xf32>,
          tpu.vector_store %arg17[%swap3A_208, %swap3A_209], %mul3A_207 {strides = array<i32>} : memref<64x128xf32, #tpu.memory_space<vmem>>, vector<16xf32>,
        }
        %scan3A_142 = arith.constant 64 : i32
        "tpu.region"() ({
          %run_scoped3A = tpu.sem_alloc : memref<!tpu.dma_semaphore, #tpu.memory_space<semaphore_mem>>
          %dma_start3A_150 = arith.constant 0 : i32
          %dma_start3A_151 = tpu.memref_slice %arg14[%add3A_131, %dma_start3A_150] : memref<16x64xi32, #tpu.memory_space<vmem>> -> memref<1x64xi32, #tpu.memory_space<vmem>>
          %dma_start3A_152 = tpu.memref_squeeze %dma_start3A_151 : memref<1x64xi32, #tpu.memory_space<vmem>> -> memref<64xi32, #tpu.memory_space<vmem>>
          %dma_start3A_153 = arith.constant 0 : i32
          %dma_start3A_154 = arith.constant 0 : i32
          %dma_start3A_155 = tpu.memref_slice %arg20[%dma_start3A_153, %dma_start3A_154] : memref<10240x128xf32, #tpu.memory_space<vmem_shared>> -> memref<10240x128xf32, #tpu.memory_space<vmem_shared>>
          tpu.enqueue_indirect_dma source(%arg17 : memref<64x128xf32, #tpu.memory_space<vmem>>) target(%dma_start3A_155 : memref<10240x128xf32, #tpu.memory_space<vmem_shared>>) offsets(%dma_start3A_152 : memref<64xi32, #tpu.memory_space<vmem>>) semaphore(%run_scoped3A : memref<!tpu.dma_semaphore, #tpu.memory_space<semaphore_mem>>) {add = true}
          %dma_wait3A_156 = arith.constant 0 : i32
          %dma_wait3A_157 = tpu.memref_slice %arg14[%add3A_131, %dma_wait3A_156] : memref<16x64xi32, #tpu.memory_space<vmem>> -> memref<1x64xi32, #tpu.memory_space<vmem>>
          %dma_wait3A_158 = tpu.memref_squeeze %dma_wait3A_157 : memref<1x64xi32, #tpu.memory_space<vmem>> -> memref<64xi32, #tpu.memory_space<vmem>>
          %dma_wait3A_159 = arith.constant 0 : i32
          %dma_wait3A_160 = arith.constant 0 : i32
          %dma_wait3A_161 = tpu.memref_slice %arg20[%dma_wait3A_159, %dma_wait3A_160] : memref<10240x128xf32, #tpu.memory_space<vmem_shared>> -> memref<10240x128xf32, #tpu.memory_space<vmem_shared>>
          tpu.wait_indirect_dma semaphore(%run_scoped3A : memref<!tpu.dma_semaphore, #tpu.memory_space<semaphore_mem>>) src(%arg17 : memref<64x128xf32, #tpu.memory_space<vmem>>) dst(%dma_wait3A_161 : memref<10240x128xf32, #tpu.memory_space<vmem_shared>>)
          tpu.yield
        }) : () -> ()
        %add3A_143 = arith.constant 2 : i32
        %add3A_144 = arith.addi %add3A_131, %add3A_143 : i32
        %lt3A_145 = arith.constant 16 : i32
        %lt3A_146 = arith.cmpi slt, %add3A_144, %lt3A_145 : i32
        %convert_element_type3A_147 = arith.extui %lt3A_146 : i1 to i32
        %cond3A_148 = arith.constant 0 : i32
        %cond3A_149 = arith.cmpi ne, %convert_element_type3A_147, %cond3A_148 : i32
        scf.if %cond3A_149 {
          %add3A_150 = arith.constant 2 : i32
          %add3A_151 = arith.addi %add3A_131, %add3A_150 : i32
          %dma_start3A_152 = arith.constant 0 : i32
          %dma_start3A_153 = tpu.memref_slice %arg13[%add3A_151, %dma_start3A_152] : memref<16x64xi32, #tpu.memory_space<vmem>> -> memref<1x64xi32, #tpu.memory_space<vmem>>
          %dma_start3A_154 = tpu.memref_squeeze %dma_start3A_153 : memref<1x64xi32, #tpu.memory_space<vmem>> -> memref<64xi32, #tpu.memory_space<vmem>>
          %dma_start3A_155 = arith.constant 0 : i32
          %dma_start3A_156 = arith.constant 0 : i32
          %dma_start3A_157 = tpu.memref_slice %arg2[%dma_start3A_155, %dma_start3A_156] : memref<10240x128xf32, #tpu.memory_space<hbm>> -> memref<10240x128xf32, #tpu.memory_space<hbm>>
          tpu.enqueue_indirect_dma source(%dma_start3A_157 : memref<10240x128xf32, #tpu.memory_space<hbm>>) target(%arg17 : memref<64x128xf32, #tpu.memory_space<vmem>>) offsets(%dma_start3A_154 : memref<64xi32, #tpu.memory_space<vmem>>) semaphore(%arg22 : memref<!tpu.dma_semaphore, #tpu.memory_space<semaphore_mem>>)
        } else {
        }
      }
      %scan3A_106 = arith.constant 8 : i32
    }
    %scan3A_59 = arith.constant 10 : i32
    %barrier3A_60 = arith.constant 0 : index
    tpu.barrier barrier_id(%barrier3A_60)
    %eq3A = arith.constant 0 : i32
    %eq3A_61 = arith.cmpi eq, %arg0, %eq3A : i32
    %convert_element_type3A = arith.extui %eq3A_61 : i1 to i32
    %cond3A = arith.constant 0 : i32
    %cond3A_62 = arith.cmpi ne, %convert_element_type3A, %cond3A : i32
    scf.if %cond3A_62 {
      %mul3A_68 = arith.constant 640 : i32
      %mul3A_69 = arith.muli %arg1, %mul3A_68 : i32
      %mul3A_70 = arith.constant 640 : i32
      %mul3A_71 = arith.muli %arg1, %mul3A_70 : i32
      "tpu.region"() ({
        %run_scoped3A = tpu.sem_alloc : memref<!tpu.dma_semaphore, #tpu.memory_space<semaphore_mem>>
        %dma_start3A = arith.constant 0 : i32
        %dma_start3A_76 = tpu.memref_slice %arg7[%mul3A_71, %dma_start3A] : memref<10240x128xf32, #tpu.memory_space<hbm>> -> memref<640x128xf32, #tpu.memory_space<hbm>>
        %dma_start3A_77 = arith.constant 0 : i32
        %dma_start3A_78 = tpu.memref_slice %arg20[%mul3A_69, %dma_start3A_77] : memref<10240x128xf32, #tpu.memory_space<vmem_shared>> -> memref<640x128xf32, #tpu.memory_space<vmem_shared>>
        tpu.enqueue_dma source(%dma_start3A_78 : memref<640x128xf32, #tpu.memory_space<vmem_shared>>) target(%dma_start3A_76 : memref<640x128xf32, #tpu.memory_space<hbm>>) target_semaphore(%run_scoped3A : memref<!tpu.dma_semaphore, #tpu.memory_space<semaphore_mem>>)
        %dma_wait3A = arith.constant 0 : i32
        %dma_wait3A_79 = tpu.memref_slice %arg7[%mul3A_71, %dma_wait3A] : memref<10240x128xf32, #tpu.memory_space<hbm>> -> memref<640x128xf32, #tpu.memory_space<hbm>>
        %dma_wait3A_80 = arith.constant 0 : i32
        %dma_wait3A_81 = tpu.memref_slice %arg20[%mul3A_69, %dma_wait3A_80] : memref<10240x128xf32, #tpu.memory_space<vmem_shared>> -> memref<640x128xf32, #tpu.memory_space<vmem_shared>>
        tpu.wait_dma2 semaphore(%run_scoped3A : memref<!tpu.dma_semaphore, #tpu.memory_space<semaphore_mem>>) src(%dma_wait3A_81 : memref<640x128xf32, #tpu.memory_space<vmem_shared>>) dst(%dma_wait3A_79 : memref<640x128xf32, #tpu.memory_space<hbm>>)
        tpu.yield
      }) : () -> ()
      %mul3A_72 = arith.constant 640 : i32
      %mul3A_73 = arith.muli %arg1, %mul3A_72 : i32
      %mul3A_74 = arith.constant 640 : i32
      %mul3A_75 = arith.muli %arg1, %mul3A_74 : i32
      "tpu.region"() ({
        %run_scoped3A = tpu.sem_alloc : memref<!tpu.dma_semaphore, #tpu.memory_space<semaphore_mem>>
        %dma_start3A = tpu.memref_slice %arg9[%mul3A_75] : memref<10240xf32, #tpu.memory_space<hbm>> -> memref<640xf32, #tpu.memory_space<hbm>>
        %dma_start3A_76 = tpu.memref_slice %arg19[%mul3A_73] : memref<10240xf32, #tpu.memory_space<vmem_shared>> -> memref<640xf32, #tpu.memory_space<vmem_shared>>
        tpu.enqueue_dma source(%dma_start3A_76 : memref<640xf32, #tpu.memory_space<vmem_shared>>) target(%dma_start3A : memref<640xf32, #tpu.memory_space<hbm>>) target_semaphore(%run_scoped3A : memref<!tpu.dma_semaphore, #tpu.memory_space<semaphore_mem>>)
        %dma_wait3A = tpu.memref_slice %arg9[%mul3A_75] : memref<10240xf32, #tpu.memory_space<hbm>> -> memref<640xf32, #tpu.memory_space<hbm>>
        %dma_wait3A_77 = tpu.memref_slice %arg19[%mul3A_73] : memref<10240xf32, #tpu.memory_space<vmem_shared>> -> memref<640xf32, #tpu.memory_space<vmem_shared>>
        tpu.wait_dma2 semaphore(%run_scoped3A : memref<!tpu.dma_semaphore, #tpu.memory_space<semaphore_mem>>) src(%dma_wait3A_77 : memref<640xf32, #tpu.memory_space<vmem_shared>>) dst(%dma_wait3A : memref<640xf32, #tpu.memory_space<hbm>>)
        tpu.yield
      }) : () -> ()
    } else {
    }
    %eq3A_63 = arith.constant 1 : i32
    %eq3A_64 = arith.cmpi eq, %arg0, %eq3A_63 : i32
    %convert_element_type3A_65 = arith.extui %eq3A_64 : i1 to i32
    %cond3A_66 = arith.constant 0 : i32
    %cond3A_67 = arith.cmpi ne, %convert_element_type3A_65, %cond3A_66 : i32
    scf.if %cond3A_67 {
      %mul3A_68 = arith.constant 640 : i32
      %mul3A_69 = arith.muli %arg1, %mul3A_68 : i32
      %mul3A_70 = arith.constant 640 : i32
      %mul3A_71 = arith.muli %arg1, %mul3A_70 : i32
      "tpu.region"() ({
        %run_scoped3A = tpu.sem_alloc : memref<!tpu.dma_semaphore, #tpu.memory_space<semaphore_mem>>
        %dma_start3A = arith.constant 0 : i32
        %dma_start3A_76 = tpu.memref_slice %arg8[%mul3A_71, %dma_start3A] : memref<10240x128xf32, #tpu.memory_space<hbm>> -> memref<640x128xf32, #tpu.memory_space<hbm>>
        %dma_start3A_77 = arith.constant 0 : i32
        %dma_start3A_78 = tpu.memref_slice %arg20[%mul3A_69, %dma_start3A_77] : memref<10240x128xf32, #tpu.memory_space<vmem_shared>> -> memref<640x128xf32, #tpu.memory_space<vmem_shared>>
        tpu.enqueue_dma source(%dma_start3A_78 : memref<640x128xf32, #tpu.memory_space<vmem_shared>>) target(%dma_start3A_76 : memref<640x128xf32, #tpu.memory_space<hbm>>) target_semaphore(%run_scoped3A : memref<!tpu.dma_semaphore, #tpu.memory_space<semaphore_mem>>)
        %dma_wait3A = arith.constant 0 : i32
        %dma_wait3A_79 = tpu.memref_slice %arg8[%mul3A_71, %dma_wait3A] : memref<10240x128xf32, #tpu.memory_space<hbm>> -> memref<640x128xf32, #tpu.memory_space<hbm>>
        %dma_wait3A_80 = arith.constant 0 : i32
        %dma_wait3A_81 = tpu.memref_slice %arg20[%mul3A_69, %dma_wait3A_80] : memref<10240x128xf32, #tpu.memory_space<vmem_shared>> -> memref<640x128xf32, #tpu.memory_space<vmem_shared>>
        tpu.wait_dma2 semaphore(%run_scoped3A : memref<!tpu.dma_semaphore, #tpu.memory_space<semaphore_mem>>) src(%dma_wait3A_81 : memref<640x128xf32, #tpu.memory_space<vmem_shared>>) dst(%dma_wait3A_79 : memref<640x128xf32, #tpu.memory_space<hbm>>)
        tpu.yield
      }) : () -> ()
      %mul3A_72 = arith.constant 640 : i32
      %mul3A_73 = arith.muli %arg1, %mul3A_72 : i32
      %mul3A_74 = arith.constant 640 : i32
      %mul3A_75 = arith.muli %arg1, %mul3A_74 : i32
      "tpu.region"() ({
        %run_scoped3A = tpu.sem_alloc : memref<!tpu.dma_semaphore, #tpu.memory_space<semaphore_mem>>
        %dma_start3A = tpu.memref_slice %arg10[%mul3A_75] : memref<10240xf32, #tpu.memory_space<hbm>> -> memref<640xf32, #tpu.memory_space<hbm>>
        %dma_start3A_76 = tpu.memref_slice %arg19[%mul3A_73] : memref<10240xf32, #tpu.memory_space<vmem_shared>> -> memref<640xf32, #tpu.memory_space<vmem_shared>>
        tpu.enqueue_dma source(%dma_start3A_76 : memref<640xf32, #tpu.memory_space<vmem_shared>>) target(%dma_start3A : memref<640xf32, #tpu.memory_space<hbm>>) target_semaphore(%run_scoped3A : memref<!tpu.dma_semaphore, #tpu.memory_space<semaphore_mem>>)
        %dma_wait3A = tpu.memref_slice %arg10[%mul3A_75] : memref<10240xf32, #tpu.memory_space<hbm>> -> memref<640xf32, #tpu.memory_space<hbm>>
        %dma_wait3A_77 = tpu.memref_slice %arg19[%mul3A_73] : memref<10240xf32, #tpu.memory_space<vmem_shared>> -> memref<640xf32, #tpu.memory_space<vmem_shared>>
        tpu.wait_dma2 semaphore(%run_scoped3A : memref<!tpu.dma_semaphore, #tpu.memory_space<semaphore_mem>>) src(%dma_wait3A_77 : memref<640xf32, #tpu.memory_space<vmem_shared>>) dst(%dma_wait3A : memref<640xf32, #tpu.memory_space<hbm>>)
        tpu.yield
      }) : () -> ()
    } else {
    }
    return
  }
}

#map = affine_map<(d0, d1) -> (0, 0)>
#map1 = affine_map<(d0, d1) -> (0)>
module attributes {stable_mosaic.version = 14 : i64} {
  func.func @_sc_body(%arg0: i32, %arg1: i32, %arg2: memref<10240x128xf32, #tpu.memory_space<hbm>>, %arg3: memref<10240xf32, #tpu.memory_space<hbm>>, %arg4: memref<10240xf32, #tpu.memory_space<hbm>>, %arg5: memref<5120x64xi32, #tpu.memory_space<hbm>>, %arg6: memref<5120x64xi32, #tpu.memory_space<hbm>>, %arg7: memref<10240x128xf32, #tpu.memory_space<hbm>>, %arg8: memref<10240x128xf32, #tpu.memory_space<hbm>>, %arg9: memref<10240xf32, #tpu.memory_space<hbm>>, %arg10: memref<10240xf32, #tpu.memory_space<hbm>>, %arg11: memref<10240xf32, #tpu.memory_space<vmem>>, %arg12: memref<10240xf32, #tpu.memory_space<vmem>>, %arg13: memref<16x64xi32, #tpu.memory_space<vmem>>, %arg14: memref<16x64xi32, #tpu.memory_space<vmem>>, %arg15: memref<16x64xf32, #tpu.memory_space<vmem>>, %arg16: memref<64x128xf32, #tpu.memory_space<vmem>>, %arg17: memref<64x128xf32, #tpu.memory_space<vmem>>, %arg18: memref<640xf32, #tpu.memory_space<vmem>>, %arg19: memref<10240xf32, #tpu.memory_space<vmem_shared>>, %arg20: memref<10240x128xf32, #tpu.memory_space<vmem_shared>>, %arg21: memref<!tpu.dma_semaphore, #tpu.memory_space<semaphore_mem>>, %arg22: memref<!tpu.dma_semaphore, #tpu.memory_space<semaphore_mem>>) attributes {dimension_semantics = [#tpu.dimension_semantics<core_parallel>, #tpu.dimension_semantics<subcore_parallel>], iteration_bounds = array<i64: 2, 16>, scalar_prefetch = 0 : i64, scratch_operands = 12 : i64, tpu.core_type = #tpu.core_type<sc_vector_subcore>, window_params = [{transform_indices = #map}, {transform_indices = #map1}, {transform_indices = #map1}, {transform_indices = #map}, {transform_indices = #map}, {transform_indices = #map}, {transform_indices = #map}, {transform_indices = #map1}, {transform_indices = #map1}]} {
    %broadcast_in_dim3A = arith.constant 0.000000e+00 : f32
    %broadcast_in_dim3A_0 = vector.broadcast %broadcast_in_dim3A : f32 to vector<16xf32>
    "tpu.region"() ({
      %run_scoped3A = tpu.sem_alloc : memref<!tpu.dma_semaphore, #tpu.memory_space<semaphore_mem>>
      tpu.enqueue_dma source(%arg3 : memref<10240xf32, #tpu.memory_space<hbm>>) target(%arg11 : memref<10240xf32, #tpu.memory_space<vmem>>) target_semaphore(%run_scoped3A : memref<!tpu.dma_semaphore, #tpu.memory_space<semaphore_mem>>)
      tpu.wait_dma2 semaphore(%run_scoped3A : memref<!tpu.dma_semaphore, #tpu.memory_space<semaphore_mem>>) src(%arg3 : memref<10240xf32, #tpu.memory_space<hbm>>) dst(%arg11 : memref<10240xf32, #tpu.memory_space<vmem>>)
      tpu.yield
    }) : () -> ()
    "tpu.region"() ({
      %run_scoped3A = tpu.sem_alloc : memref<!tpu.dma_semaphore, #tpu.memory_space<semaphore_mem>>
      tpu.enqueue_dma source(%arg4 : memref<10240xf32, #tpu.memory_space<hbm>>) target(%arg12 : memref<10240xf32, #tpu.memory_space<vmem>>) target_semaphore(%run_scoped3A : memref<!tpu.dma_semaphore, #tpu.memory_space<semaphore_mem>>)
      tpu.wait_dma2 semaphore(%run_scoped3A : memref<!tpu.dma_semaphore, #tpu.memory_space<semaphore_mem>>) src(%arg4 : memref<10240xf32, #tpu.memory_space<hbm>>) dst(%arg12 : memref<10240xf32, #tpu.memory_space<vmem>>)
      tpu.yield
    }) : () -> ()
    %scan3A = arith.constant 0 : i32
    %scan3A_1 = arith.constant 40 : i32
    %scan3A_2 = arith.addi %scan3A, %scan3A_1 : i32
    %scan3A_3 = arith.constant 1 : i32
    scf.for %scan3A_68 = %scan3A to %scan3A_2 step %scan3A_3  : i32 {
      %mul3A_69 = arith.constant 1 : i32
      %mul3A_70 = arith.muli %scan3A_68, %mul3A_69 : i32
      %add3A_71 = arith.constant 0 : i32
      %add3A_72 = arith.addi %add3A_71, %mul3A_70 : i32
      %mul3A_73 = arith.constant 16 : i32
      %mul3A_74 = arith.muli %add3A_72, %mul3A_73 : i32
      %swap3A = arith.index_cast %mul3A_74 : i32 to index
      %swap3A_75 = tpu.vector_load %arg18[%swap3A] {strides = array<i32>} : memref<640xf32, #tpu.memory_space<vmem>>, vector<16xf32>,
      tpu.vector_store %arg18[%swap3A], %broadcast_in_dim3A_0 {strides = array<i32>} : memref<640xf32, #tpu.memory_space<vmem>>, vector<16xf32>,
    }
    %scan3A_4 = arith.constant 40 : i32
    %scan3A_5 = arith.constant 0 : i32
    %scan3A_6 = arith.constant 64 : i32
    %scan3A_7 = arith.addi %scan3A_5, %scan3A_6 : i32
    %scan3A_8 = arith.constant 1 : i32
    scf.for %scan3A_68 = %scan3A_5 to %scan3A_7 step %scan3A_8  : i32 {
      %mul3A_69 = arith.constant 1 : i32
      %mul3A_70 = arith.muli %scan3A_68, %mul3A_69 : i32
      %add3A_71 = arith.constant 0 : i32
      %add3A_72 = arith.addi %add3A_71, %mul3A_70 : i32
      %swap3A = arith.index_cast %add3A_72 : i32 to index
      %swap3A_73 = arith.constant 0 : index
      %swap3A_74 = tpu.vector_load %arg16[%swap3A, %swap3A_73] {strides = array<i32>} : memref<64x128xf32, #tpu.memory_space<vmem>>, vector<16xf32>,
      tpu.vector_store %arg16[%swap3A, %swap3A_73], %broadcast_in_dim3A_0 {strides = array<i32>} : memref<64x128xf32, #tpu.memory_space<vmem>>, vector<16xf32>,
      %swap3A_75 = arith.index_cast %add3A_72 : i32 to index
      %swap3A_76 = arith.constant 16 : index
      %swap3A_77 = tpu.vector_load %arg16[%swap3A_75, %swap3A_76] {strides = array<i32>} : memref<64x128xf32, #tpu.memory_space<vmem>>, vector<16xf32>,
      tpu.vector_store %arg16[%swap3A_75, %swap3A_76], %broadcast_in_dim3A_0 {strides = array<i32>} : memref<64x128xf32, #tpu.memory_space<vmem>>, vector<16xf32>,
      %swap3A_78 = arith.index_cast %add3A_72 : i32 to index
      %swap3A_79 = arith.constant 32 : index
      %swap3A_80 = tpu.vector_load %arg16[%swap3A_78, %swap3A_79] {strides = array<i32>} : memref<64x128xf32, #tpu.memory_space<vmem>>, vector<16xf32>,
      tpu.vector_store %arg16[%swap3A_78, %swap3A_79], %broadcast_in_dim3A_0 {strides = array<i32>} : memref<64x128xf32, #tpu.memory_space<vmem>>, vector<16xf32>,
      %swap3A_81 = arith.index_cast %add3A_72 : i32 to index
      %swap3A_82 = arith.constant 48 : index
      %swap3A_83 = tpu.vector_load %arg16[%swap3A_81, %swap3A_82] {strides = array<i32>} : memref<64x128xf32, #tpu.memory_space<vmem>>, vector<16xf32>,
      tpu.vector_store %arg16[%swap3A_81, %swap3A_82], %broadcast_in_dim3A_0 {strides = array<i32>} : memref<64x128xf32, #tpu.memory_space<vmem>>, vector<16xf32>,
      %swap3A_84 = arith.index_cast %add3A_72 : i32 to index
      %swap3A_85 = arith.constant 64 : index
      %swap3A_86 = tpu.vector_load %arg16[%swap3A_84, %swap3A_85] {strides = array<i32>} : memref<64x128xf32, #tpu.memory_space<vmem>>, vector<16xf32>,
      tpu.vector_store %arg16[%swap3A_84, %swap3A_85], %broadcast_in_dim3A_0 {strides = array<i32>} : memref<64x128xf32, #tpu.memory_space<vmem>>, vector<16xf32>,
      %swap3A_87 = arith.index_cast %add3A_72 : i32 to index
      %swap3A_88 = arith.constant 80 : index
      %swap3A_89 = tpu.vector_load %arg16[%swap3A_87, %swap3A_88] {strides = array<i32>} : memref<64x128xf32, #tpu.memory_space<vmem>>, vector<16xf32>,
      tpu.vector_store %arg16[%swap3A_87, %swap3A_88], %broadcast_in_dim3A_0 {strides = array<i32>} : memref<64x128xf32, #tpu.memory_space<vmem>>, vector<16xf32>,
      %swap3A_90 = arith.index_cast %add3A_72 : i32 to index
      %swap3A_91 = arith.constant 96 : index
      %swap3A_92 = tpu.vector_load %arg16[%swap3A_90, %swap3A_91] {strides = array<i32>} : memref<64x128xf32, #tpu.memory_space<vmem>>, vector<16xf32>,
      tpu.vector_store %arg16[%swap3A_90, %swap3A_91], %broadcast_in_dim3A_0 {strides = array<i32>} : memref<64x128xf32, #tpu.memory_space<vmem>>, vector<16xf32>,
      %swap3A_93 = arith.index_cast %add3A_72 : i32 to index
      %swap3A_94 = arith.constant 112 : index
      %swap3A_95 = tpu.vector_load %arg16[%swap3A_93, %swap3A_94] {strides = array<i32>} : memref<64x128xf32, #tpu.memory_space<vmem>>, vector<16xf32>,
      tpu.vector_store %arg16[%swap3A_93, %swap3A_94], %broadcast_in_dim3A_0 {strides = array<i32>} : memref<64x128xf32, #tpu.memory_space<vmem>>, vector<16xf32>,
    }
    %scan3A_9 = arith.constant 64 : i32
    %mul3A = arith.constant 640 : i32
    %mul3A_10 = arith.muli %arg1, %mul3A : i32
    "tpu.region"() ({
      %run_scoped3A = tpu.sem_alloc : memref<!tpu.dma_semaphore, #tpu.memory_space<semaphore_mem>>
      %dma_start3A = tpu.memref_slice %arg19[%mul3A_10] : memref<10240xf32, #tpu.memory_space<vmem_shared>> -> memref<640xf32, #tpu.memory_space<vmem_shared>>
      %dma_start3A_68 = tpu.memref_slice %arg19[%mul3A_10] : memref<10240xf32, #tpu.memory_space<vmem_shared>> -> memref<640xf32, #tpu.memory_space<vmem_shared>>
      tpu.enqueue_dma source(%arg18 : memref<640xf32, #tpu.memory_space<vmem>>) target(%dma_start3A_68 : memref<640xf32, #tpu.memory_space<vmem_shared>>) target_semaphore(%run_scoped3A : memref<!tpu.dma_semaphore, #tpu.memory_space<semaphore_mem>>)
      %dma_wait3A = tpu.memref_slice %arg19[%mul3A_10] : memref<10240xf32, #tpu.memory_space<vmem_shared>> -> memref<640xf32, #tpu.memory_space<vmem_shared>>
      %dma_wait3A_69 = tpu.memref_slice %arg19[%mul3A_10] : memref<10240xf32, #tpu.memory_space<vmem_shared>> -> memref<640xf32, #tpu.memory_space<vmem_shared>>
      tpu.wait_dma2 semaphore(%run_scoped3A : memref<!tpu.dma_semaphore, #tpu.memory_space<semaphore_mem>>) src(%arg18 : memref<640xf32, #tpu.memory_space<vmem>>) dst(%dma_wait3A_69 : memref<640xf32, #tpu.memory_space<vmem_shared>>)
      tpu.yield
    }) : () -> ()
    %mul3A_11 = arith.constant 640 : i32
    %mul3A_12 = arith.muli %arg1, %mul3A_11 : i32
    %add3A = arith.constant 0 : i32
    %add3A_13 = arith.addi %mul3A_12, %add3A : i32
    "tpu.region"() ({
      %run_scoped3A = tpu.sem_alloc : memref<!tpu.dma_semaphore, #tpu.memory_space<semaphore_mem>>
      %dma_start3A = arith.constant 0 : i32
      %dma_start3A_68 = tpu.memref_slice %arg20[%add3A_13, %dma_start3A] : memref<10240x128xf32, #tpu.memory_space<vmem_shared>> -> memref<64x128xf32, #tpu.memory_space<vmem_shared>>
      %dma_start3A_69 = arith.constant 0 : i32
      %dma_start3A_70 = tpu.memref_slice %arg20[%add3A_13, %dma_start3A_69] : memref<10240x128xf32, #tpu.memory_space<vmem_shared>> -> memref<64x128xf32, #tpu.memory_space<vmem_shared>>
      tpu.enqueue_dma source(%arg16 : memref<64x128xf32, #tpu.memory_space<vmem>>) target(%dma_start3A_70 : memref<64x128xf32, #tpu.memory_space<vmem_shared>>) target_semaphore(%run_scoped3A : memref<!tpu.dma_semaphore, #tpu.memory_space<semaphore_mem>>)
      %dma_wait3A = arith.constant 0 : i32
      %dma_wait3A_71 = tpu.memref_slice %arg20[%add3A_13, %dma_wait3A] : memref<10240x128xf32, #tpu.memory_space<vmem_shared>> -> memref<64x128xf32, #tpu.memory_space<vmem_shared>>
      %dma_wait3A_72 = arith.constant 0 : i32
      %dma_wait3A_73 = tpu.memref_slice %arg20[%add3A_13, %dma_wait3A_72] : memref<10240x128xf32, #tpu.memory_space<vmem_shared>> -> memref<64x128xf32, #tpu.memory_space<vmem_shared>>
      tpu.wait_dma2 semaphore(%run_scoped3A : memref<!tpu.dma_semaphore, #tpu.memory_space<semaphore_mem>>) src(%arg16 : memref<64x128xf32, #tpu.memory_space<vmem>>) dst(%dma_wait3A_73 : memref<64x128xf32, #tpu.memory_space<vmem_shared>>)
      tpu.yield
    }) : () -> ()
    %mul3A_14 = arith.constant 640 : i32
    %mul3A_15 = arith.muli %arg1, %mul3A_14 : i32
    %add3A_16 = arith.constant 64 : i32
    %add3A_17 = arith.addi %mul3A_15, %add3A_16 : i32
    "tpu.region"() ({
      %run_scoped3A = tpu.sem_alloc : memref<!tpu.dma_semaphore, #tpu.memory_space<semaphore_mem>>
      %dma_start3A = arith.constant 0 : i32
      %dma_start3A_68 = tpu.memref_slice %arg20[%add3A_17, %dma_start3A] : memref<10240x128xf32, #tpu.memory_space<vmem_shared>> -> memref<64x128xf32, #tpu.memory_space<vmem_shared>>
      %dma_start3A_69 = arith.constant 0 : i32
      %dma_start3A_70 = tpu.memref_slice %arg20[%add3A_17, %dma_start3A_69] : memref<10240x128xf32, #tpu.memory_space<vmem_shared>> -> memref<64x128xf32, #tpu.memory_space<vmem_shared>>
      tpu.enqueue_dma source(%arg16 : memref<64x128xf32, #tpu.memory_space<vmem>>) target(%dma_start3A_70 : memref<64x128xf32, #tpu.memory_space<vmem_shared>>) target_semaphore(%run_scoped3A : memref<!tpu.dma_semaphore, #tpu.memory_space<semaphore_mem>>)
      %dma_wait3A = arith.constant 0 : i32
      %dma_wait3A_71 = tpu.memref_slice %arg20[%add3A_17, %dma_wait3A] : memref<10240x128xf32, #tpu.memory_space<vmem_shared>> -> memref<64x128xf32, #tpu.memory_space<vmem_shared>>
      %dma_wait3A_72 = arith.constant 0 : i32
      %dma_wait3A_73 = tpu.memref_slice %arg20[%add3A_17, %dma_wait3A_72] : memref<10240x128xf32, #tpu.memory_space<vmem_shared>> -> memref<64x128xf32, #tpu.memory_space<vmem_shared>>
      tpu.wait_dma2 semaphore(%run_scoped3A : memref<!tpu.dma_semaphore, #tpu.memory_space<semaphore_mem>>) src(%arg16 : memref<64x128xf32, #tpu.memory_space<vmem>>) dst(%dma_wait3A_73 : memref<64x128xf32, #tpu.memory_space<vmem_shared>>)
      tpu.yield
    }) : () -> ()
    %mul3A_18 = arith.constant 640 : i32
    %mul3A_19 = arith.muli %arg1, %mul3A_18 : i32
    %add3A_20 = arith.constant 128 : i32
    %add3A_21 = arith.addi %mul3A_19, %add3A_20 : i32
    "tpu.region"() ({
      %run_scoped3A = tpu.sem_alloc : memref<!tpu.dma_semaphore, #tpu.memory_space<semaphore_mem>>
      %dma_start3A = arith.constant 0 : i32
      %dma_start3A_68 = tpu.memref_slice %arg20[%add3A_21, %dma_start3A] : memref<10240x128xf32, #tpu.memory_space<vmem_shared>> -> memref<64x128xf32, #tpu.memory_space<vmem_shared>>
      %dma_start3A_69 = arith.constant 0 : i32
      %dma_start3A_70 = tpu.memref_slice %arg20[%add3A_21, %dma_start3A_69] : memref<10240x128xf32, #tpu.memory_space<vmem_shared>> -> memref<64x128xf32, #tpu.memory_space<vmem_shared>>
      tpu.enqueue_dma source(%arg16 : memref<64x128xf32, #tpu.memory_space<vmem>>) target(%dma_start3A_70 : memref<64x128xf32, #tpu.memory_space<vmem_shared>>) target_semaphore(%run_scoped3A : memref<!tpu.dma_semaphore, #tpu.memory_space<semaphore_mem>>)
      %dma_wait3A = arith.constant 0 : i32
      %dma_wait3A_71 = tpu.memref_slice %arg20[%add3A_21, %dma_wait3A] : memref<10240x128xf32, #tpu.memory_space<vmem_shared>> -> memref<64x128xf32, #tpu.memory_space<vmem_shared>>
      %dma_wait3A_72 = arith.constant 0 : i32
      %dma_wait3A_73 = tpu.memref_slice %arg20[%add3A_21, %dma_wait3A_72] : memref<10240x128xf32, #tpu.memory_space<vmem_shared>> -> memref<64x128xf32, #tpu.memory_space<vmem_shared>>
      tpu.wait_dma2 semaphore(%run_scoped3A : memref<!tpu.dma_semaphore, #tpu.memory_space<semaphore_mem>>) src(%arg16 : memref<64x128xf32, #tpu.memory_space<vmem>>) dst(%dma_wait3A_73 : memref<64x128xf32, #tpu.memory_space<vmem_shared>>)
      tpu.yield
    }) : () -> ()
    %mul3A_22 = arith.constant 640 : i32
    %mul3A_23 = arith.muli %arg1, %mul3A_22 : i32
    %add3A_24 = arith.constant 192 : i32
    %add3A_25 = arith.addi %mul3A_23, %add3A_24 : i32
    "tpu.region"() ({
      %run_scoped3A = tpu.sem_alloc : memref<!tpu.dma_semaphore, #tpu.memory_space<semaphore_mem>>
      %dma_start3A = arith.constant 0 : i32
      %dma_start3A_68 = tpu.memref_slice %arg20[%add3A_25, %dma_start3A] : memref<10240x128xf32, #tpu.memory_space<vmem_shared>> -> memref<64x128xf32, #tpu.memory_space<vmem_shared>>
      %dma_start3A_69 = arith.constant 0 : i32
      %dma_start3A_70 = tpu.memref_slice %arg20[%add3A_25, %dma_start3A_69] : memref<10240x128xf32, #tpu.memory_space<vmem_shared>> -> memref<64x128xf32, #tpu.memory_space<vmem_shared>>
      tpu.enqueue_dma source(%arg16 : memref<64x128xf32, #tpu.memory_space<vmem>>) target(%dma_start3A_70 : memref<64x128xf32, #tpu.memory_space<vmem_shared>>) target_semaphore(%run_scoped3A : memref<!tpu.dma_semaphore, #tpu.memory_space<semaphore_mem>>)
      %dma_wait3A = arith.constant 0 : i32
      %dma_wait3A_71 = tpu.memref_slice %arg20[%add3A_25, %dma_wait3A] : memref<10240x128xf32, #tpu.memory_space<vmem_shared>> -> memref<64x128xf32, #tpu.memory_space<vmem_shared>>
      %dma_wait3A_72 = arith.constant 0 : i32
      %dma_wait3A_73 = tpu.memref_slice %arg20[%add3A_25, %dma_wait3A_72] : memref<10240x128xf32, #tpu.memory_space<vmem_shared>> -> memref<64x128xf32, #tpu.memory_space<vmem_shared>>
      tpu.wait_dma2 semaphore(%run_scoped3A : memref<!tpu.dma_semaphore, #tpu.memory_space<semaphore_mem>>) src(%arg16 : memref<64x128xf32, #tpu.memory_space<vmem>>) dst(%dma_wait3A_73 : memref<64x128xf32, #tpu.memory_space<vmem_shared>>)
      tpu.yield
    }) : () -> ()
    %mul3A_26 = arith.constant 640 : i32
    %mul3A_27 = arith.muli %arg1, %mul3A_26 : i32
    %add3A_28 = arith.constant 256 : i32
    %add3A_29 = arith.addi %mul3A_27, %add3A_28 : i32
    "tpu.region"() ({
      %run_scoped3A = tpu.sem_alloc : memref<!tpu.dma_semaphore, #tpu.memory_space<semaphore_mem>>
      %dma_start3A = arith.constant 0 : i32
      %dma_start3A_68 = tpu.memref_slice %arg20[%add3A_29, %dma_start3A] : memref<10240x128xf32, #tpu.memory_space<vmem_shared>> -> memref<64x128xf32, #tpu.memory_space<vmem_shared>>
      %dma_start3A_69 = arith.constant 0 : i32
      %dma_start3A_70 = tpu.memref_slice %arg20[%add3A_29, %dma_start3A_69] : memref<10240x128xf32, #tpu.memory_space<vmem_shared>> -> memref<64x128xf32, #tpu.memory_space<vmem_shared>>
      tpu.enqueue_dma source(%arg16 : memref<64x128xf32, #tpu.memory_space<vmem>>) target(%dma_start3A_70 : memref<64x128xf32, #tpu.memory_space<vmem_shared>>) target_semaphore(%run_scoped3A : memref<!tpu.dma_semaphore, #tpu.memory_space<semaphore_mem>>)
      %dma_wait3A = arith.constant 0 : i32
      %dma_wait3A_71 = tpu.memref_slice %arg20[%add3A_29, %dma_wait3A] : memref<10240x128xf32, #tpu.memory_space<vmem_shared>> -> memref<64x128xf32, #tpu.memory_space<vmem_shared>>
      %dma_wait3A_72 = arith.constant 0 : i32
      %dma_wait3A_73 = tpu.memref_slice %arg20[%add3A_29, %dma_wait3A_72] : memref<10240x128xf32, #tpu.memory_space<vmem_shared>> -> memref<64x128xf32, #tpu.memory_space<vmem_shared>>
      tpu.wait_dma2 semaphore(%run_scoped3A : memref<!tpu.dma_semaphore, #tpu.memory_space<semaphore_mem>>) src(%arg16 : memref<64x128xf32, #tpu.memory_space<vmem>>) dst(%dma_wait3A_73 : memref<64x128xf32, #tpu.memory_space<vmem_shared>>)
      tpu.yield
    }) : () -> ()
    %mul3A_30 = arith.constant 640 : i32
    %mul3A_31 = arith.muli %arg1, %mul3A_30 : i32
    %add3A_32 = arith.constant 320 : i32
    %add3A_33 = arith.addi %mul3A_31, %add3A_32 : i32
    "tpu.region"() ({
      %run_scoped3A = tpu.sem_alloc : memref<!tpu.dma_semaphore, #tpu.memory_space<semaphore_mem>>
      %dma_start3A = arith.constant 0 : i32
      %dma_start3A_68 = tpu.memref_slice %arg20[%add3A_33, %dma_start3A] : memref<10240x128xf32, #tpu.memory_space<vmem_shared>> -> memref<64x128xf32, #tpu.memory_space<vmem_shared>>
      %dma_start3A_69 = arith.constant 0 : i32
      %dma_start3A_70 = tpu.memref_slice %arg20[%add3A_33, %dma_start3A_69] : memref<10240x128xf32, #tpu.memory_space<vmem_shared>> -> memref<64x128xf32, #tpu.memory_space<vmem_shared>>
      tpu.enqueue_dma source(%arg16 : memref<64x128xf32, #tpu.memory_space<vmem>>) target(%dma_start3A_70 : memref<64x128xf32, #tpu.memory_space<vmem_shared>>) target_semaphore(%run_scoped3A : memref<!tpu.dma_semaphore, #tpu.memory_space<semaphore_mem>>)
      %dma_wait3A = arith.constant 0 : i32
      %dma_wait3A_71 = tpu.memref_slice %arg20[%add3A_33, %dma_wait3A] : memref<10240x128xf32, #tpu.memory_space<vmem_shared>> -> memref<64x128xf32, #tpu.memory_space<vmem_shared>>
      %dma_wait3A_72 = arith.constant 0 : i32
      %dma_wait3A_73 = tpu.memref_slice %arg20[%add3A_33, %dma_wait3A_72] : memref<10240x128xf32, #tpu.memory_space<vmem_shared>> -> memref<64x128xf32, #tpu.memory_space<vmem_shared>>
      tpu.wait_dma2 semaphore(%run_scoped3A : memref<!tpu.dma_semaphore, #tpu.memory_space<semaphore_mem>>) src(%arg16 : memref<64x128xf32, #tpu.memory_space<vmem>>) dst(%dma_wait3A_73 : memref<64x128xf32, #tpu.memory_space<vmem_shared>>)
      tpu.yield
    }) : () -> ()
    %mul3A_34 = arith.constant 640 : i32
    %mul3A_35 = arith.muli %arg1, %mul3A_34 : i32
    %add3A_36 = arith.constant 384 : i32
    %add3A_37 = arith.addi %mul3A_35, %add3A_36 : i32
    "tpu.region"() ({
      %run_scoped3A = tpu.sem_alloc : memref<!tpu.dma_semaphore, #tpu.memory_space<semaphore_mem>>
      %dma_start3A = arith.constant 0 : i32
      %dma_start3A_68 = tpu.memref_slice %arg20[%add3A_37, %dma_start3A] : memref<10240x128xf32, #tpu.memory_space<vmem_shared>> -> memref<64x128xf32, #tpu.memory_space<vmem_shared>>
      %dma_start3A_69 = arith.constant 0 : i32
      %dma_start3A_70 = tpu.memref_slice %arg20[%add3A_37, %dma_start3A_69] : memref<10240x128xf32, #tpu.memory_space<vmem_shared>> -> memref<64x128xf32, #tpu.memory_space<vmem_shared>>
      tpu.enqueue_dma source(%arg16 : memref<64x128xf32, #tpu.memory_space<vmem>>) target(%dma_start3A_70 : memref<64x128xf32, #tpu.memory_space<vmem_shared>>) target_semaphore(%run_scoped3A : memref<!tpu.dma_semaphore, #tpu.memory_space<semaphore_mem>>)
      %dma_wait3A = arith.constant 0 : i32
      %dma_wait3A_71 = tpu.memref_slice %arg20[%add3A_37, %dma_wait3A] : memref<10240x128xf32, #tpu.memory_space<vmem_shared>> -> memref<64x128xf32, #tpu.memory_space<vmem_shared>>
      %dma_wait3A_72 = arith.constant 0 : i32
      %dma_wait3A_73 = tpu.memref_slice %arg20[%add3A_37, %dma_wait3A_72] : memref<10240x128xf32, #tpu.memory_space<vmem_shared>> -> memref<64x128xf32, #tpu.memory_space<vmem_shared>>
      tpu.wait_dma2 semaphore(%run_scoped3A : memref<!tpu.dma_semaphore, #tpu.memory_space<semaphore_mem>>) src(%arg16 : memref<64x128xf32, #tpu.memory_space<vmem>>) dst(%dma_wait3A_73 : memref<64x128xf32, #tpu.memory_space<vmem_shared>>)
      tpu.yield
    }) : () -> ()
    %mul3A_38 = arith.constant 640 : i32
    %mul3A_39 = arith.muli %arg1, %mul3A_38 : i32
    %add3A_40 = arith.constant 448 : i32
    %add3A_41 = arith.addi %mul3A_39, %add3A_40 : i32
    "tpu.region"() ({
      %run_scoped3A = tpu.sem_alloc : memref<!tpu.dma_semaphore, #tpu.memory_space<semaphore_mem>>
      %dma_start3A = arith.constant 0 : i32
      %dma_start3A_68 = tpu.memref_slice %arg20[%add3A_41, %dma_start3A] : memref<10240x128xf32, #tpu.memory_space<vmem_shared>> -> memref<64x128xf32, #tpu.memory_space<vmem_shared>>
      %dma_start3A_69 = arith.constant 0 : i32
      %dma_start3A_70 = tpu.memref_slice %arg20[%add3A_41, %dma_start3A_69] : memref<10240x128xf32, #tpu.memory_space<vmem_shared>> -> memref<64x128xf32, #tpu.memory_space<vmem_shared>>
      tpu.enqueue_dma source(%arg16 : memref<64x128xf32, #tpu.memory_space<vmem>>) target(%dma_start3A_70 : memref<64x128xf32, #tpu.memory_space<vmem_shared>>) target_semaphore(%run_scoped3A : memref<!tpu.dma_semaphore, #tpu.memory_space<semaphore_mem>>)
      %dma_wait3A = arith.constant 0 : i32
      %dma_wait3A_71 = tpu.memref_slice %arg20[%add3A_41, %dma_wait3A] : memref<10240x128xf32, #tpu.memory_space<vmem_shared>> -> memref<64x128xf32, #tpu.memory_space<vmem_shared>>
      %dma_wait3A_72 = arith.constant 0 : i32
      %dma_wait3A_73 = tpu.memref_slice %arg20[%add3A_41, %dma_wait3A_72] : memref<10240x128xf32, #tpu.memory_space<vmem_shared>> -> memref<64x128xf32, #tpu.memory_space<vmem_shared>>
      tpu.wait_dma2 semaphore(%run_scoped3A : memref<!tpu.dma_semaphore, #tpu.memory_space<semaphore_mem>>) src(%arg16 : memref<64x128xf32, #tpu.memory_space<vmem>>) dst(%dma_wait3A_73 : memref<64x128xf32, #tpu.memory_space<vmem_shared>>)
      tpu.yield
    }) : () -> ()
    %mul3A_42 = arith.constant 640 : i32
    %mul3A_43 = arith.muli %arg1, %mul3A_42 : i32
    %add3A_44 = arith.constant 512 : i32
    %add3A_45 = arith.addi %mul3A_43, %add3A_44 : i32
    "tpu.region"() ({
      %run_scoped3A = tpu.sem_alloc : memref<!tpu.dma_semaphore, #tpu.memory_space<semaphore_mem>>
      %dma_start3A = arith.constant 0 : i32
      %dma_start3A_68 = tpu.memref_slice %arg20[%add3A_45, %dma_start3A] : memref<10240x128xf32, #tpu.memory_space<vmem_shared>> -> memref<64x128xf32, #tpu.memory_space<vmem_shared>>
      %dma_start3A_69 = arith.constant 0 : i32
      %dma_start3A_70 = tpu.memref_slice %arg20[%add3A_45, %dma_start3A_69] : memref<10240x128xf32, #tpu.memory_space<vmem_shared>> -> memref<64x128xf32, #tpu.memory_space<vmem_shared>>
      tpu.enqueue_dma source(%arg16 : memref<64x128xf32, #tpu.memory_space<vmem>>) target(%dma_start3A_70 : memref<64x128xf32, #tpu.memory_space<vmem_shared>>) target_semaphore(%run_scoped3A : memref<!tpu.dma_semaphore, #tpu.memory_space<semaphore_mem>>)
      %dma_wait3A = arith.constant 0 : i32
      %dma_wait3A_71 = tpu.memref_slice %arg20[%add3A_45, %dma_wait3A] : memref<10240x128xf32, #tpu.memory_space<vmem_shared>> -> memref<64x128xf32, #tpu.memory_space<vmem_shared>>
      %dma_wait3A_72 = arith.constant 0 : i32
      %dma_wait3A_73 = tpu.memref_slice %arg20[%add3A_45, %dma_wait3A_72] : memref<10240x128xf32, #tpu.memory_space<vmem_shared>> -> memref<64x128xf32, #tpu.memory_space<vmem_shared>>
      tpu.wait_dma2 semaphore(%run_scoped3A : memref<!tpu.dma_semaphore, #tpu.memory_space<semaphore_mem>>) src(%arg16 : memref<64x128xf32, #tpu.memory_space<vmem>>) dst(%dma_wait3A_73 : memref<64x128xf32, #tpu.memory_space<vmem_shared>>)
      tpu.yield
    }) : () -> ()
    %mul3A_46 = arith.constant 640 : i32
    %mul3A_47 = arith.muli %arg1, %mul3A_46 : i32
    %add3A_48 = arith.constant 576 : i32
    %add3A_49 = arith.addi %mul3A_47, %add3A_48 : i32
    "tpu.region"() ({
      %run_scoped3A = tpu.sem_alloc : memref<!tpu.dma_semaphore, #tpu.memory_space<semaphore_mem>>
      %dma_start3A = arith.constant 0 : i32
      %dma_start3A_68 = tpu.memref_slice %arg20[%add3A_49, %dma_start3A] : memref<10240x128xf32, #tpu.memory_space<vmem_shared>> -> memref<64x128xf32, #tpu.memory_space<vmem_shared>>
      %dma_start3A_69 = arith.constant 0 : i32
      %dma_start3A_70 = tpu.memref_slice %arg20[%add3A_49, %dma_start3A_69] : memref<10240x128xf32, #tpu.memory_space<vmem_shared>> -> memref<64x128xf32, #tpu.memory_space<vmem_shared>>
      tpu.enqueue_dma source(%arg16 : memref<64x128xf32, #tpu.memory_space<vmem>>) target(%dma_start3A_70 : memref<64x128xf32, #tpu.memory_space<vmem_shared>>) target_semaphore(%run_scoped3A : memref<!tpu.dma_semaphore, #tpu.memory_space<semaphore_mem>>)
      %dma_wait3A = arith.constant 0 : i32
      %dma_wait3A_71 = tpu.memref_slice %arg20[%add3A_49, %dma_wait3A] : memref<10240x128xf32, #tpu.memory_space<vmem_shared>> -> memref<64x128xf32, #tpu.memory_space<vmem_shared>>
      %dma_wait3A_72 = arith.constant 0 : i32
      %dma_wait3A_73 = tpu.memref_slice %arg20[%add3A_49, %dma_wait3A_72] : memref<10240x128xf32, #tpu.memory_space<vmem_shared>> -> memref<64x128xf32, #tpu.memory_space<vmem_shared>>
      tpu.wait_dma2 semaphore(%run_scoped3A : memref<!tpu.dma_semaphore, #tpu.memory_space<semaphore_mem>>) src(%arg16 : memref<64x128xf32, #tpu.memory_space<vmem>>) dst(%dma_wait3A_73 : memref<64x128xf32, #tpu.memory_space<vmem_shared>>)
      tpu.yield
    }) : () -> ()
    %barrier3A = arith.constant 0 : index
    tpu.barrier barrier_id(%barrier3A)
    %mul3A_50 = arith.constant 16 : i32
    %mul3A_51 = arith.muli %arg0, %mul3A_50 : i32
    %add3A_52 = arith.addi %mul3A_51, %arg1 : i32
    %mul3A_53 = arith.constant 160 : i32
    %mul3A_54 = arith.muli %add3A_52, %mul3A_53 : i32
    %scan3A_55 = arith.constant 0 : i32
    %scan3A_56 = arith.constant 10 : i32
    %scan3A_57 = arith.addi %scan3A_55, %scan3A_56 : i32
    %scan3A_58 = arith.constant 1 : i32
    scf.for %scan3A_68 = %scan3A_55 to %scan3A_57 step %scan3A_58  : i32 {
      %mul3A_69 = arith.constant 1 : i32
      %mul3A_70 = arith.muli %scan3A_68, %mul3A_69 : i32
      %add3A_71 = arith.constant 0 : i32
      %add3A_72 = arith.addi %add3A_71, %mul3A_70 : i32
      %mul3A_73 = arith.constant 16 : i32
      %mul3A_74 = arith.muli %add3A_72, %mul3A_73 : i32
      %add3A_75 = arith.addi %mul3A_54, %mul3A_74 : i32
      "tpu.region"() ({
        %run_scoped3A = tpu.sem_alloc : memref<!tpu.dma_semaphore, #tpu.memory_space<semaphore_mem>>
        %dma_start3A_107 = arith.constant 0 : i32
        %dma_start3A_108 = tpu.memref_slice %arg5[%add3A_75, %dma_start3A_107] : memref<5120x64xi32, #tpu.memory_space<hbm>> -> memref<16x64xi32, #tpu.memory_space<hbm>>
        %dma_start3A_109 = arith.constant 0 : i32
        %dma_start3A_110 = tpu.memref_slice %arg5[%add3A_75, %dma_start3A_109] : memref<5120x64xi32, #tpu.memory_space<hbm>> -> memref<16x64xi32, #tpu.memory_space<hbm>>
        tpu.enqueue_dma source(%dma_start3A_110 : memref<16x64xi32, #tpu.memory_space<hbm>>) target(%arg13 : memref<16x64xi32, #tpu.memory_space<vmem>>) target_semaphore(%run_scoped3A : memref<!tpu.dma_semaphore, #tpu.memory_space<semaphore_mem>>)
        %dma_wait3A = arith.constant 0 : i32
        %dma_wait3A_111 = tpu.memref_slice %arg5[%add3A_75, %dma_wait3A] : memref<5120x64xi32, #tpu.memory_space<hbm>> -> memref<16x64xi32, #tpu.memory_space<hbm>>
        %dma_wait3A_112 = arith.constant 0 : i32
        %dma_wait3A_113 = tpu.memref_slice %arg5[%add3A_75, %dma_wait3A_112] : memref<5120x64xi32, #tpu.memory_space<hbm>> -> memref<16x64xi32, #tpu.memory_space<hbm>>
        tpu.wait_dma2 semaphore(%run_scoped3A : memref<!tpu.dma_semaphore, #tpu.memory_space<semaphore_mem>>) src(%dma_wait3A_113 : memref<16x64xi32, #tpu.memory_space<hbm>>) dst(%arg13 : memref<16x64xi32, #tpu.memory_space<vmem>>)
        tpu.yield
      }) : () -> ()
      %mul3A_76 = arith.constant 16 : i32
      %mul3A_77 = arith.muli %add3A_72, %mul3A_76 : i32
      %add3A_78 = arith.addi %mul3A_54, %mul3A_77 : i32
      "tpu.region"() ({
        %run_scoped3A = tpu.sem_alloc : memref<!tpu.dma_semaphore, #tpu.memory_space<semaphore_mem>>
        %dma_start3A_107 = arith.constant 0 : i32
        %dma_start3A_108 = tpu.memref_slice %arg6[%add3A_78, %dma_start3A_107] : memref<5120x64xi32, #tpu.memory_space<hbm>> -> memref<16x64xi32, #tpu.memory_space<hbm>>
        %dma_start3A_109 = arith.constant 0 : i32
        %dma_start3A_110 = tpu.memref_slice %arg6[%add3A_78, %dma_start3A_109] : memref<5120x64xi32, #tpu.memory_space<hbm>> -> memref<16x64xi32, #tpu.memory_space<hbm>>
        tpu.enqueue_dma source(%dma_start3A_110 : memref<16x64xi32, #tpu.memory_space<hbm>>) target(%arg14 : memref<16x64xi32, #tpu.memory_space<vmem>>) target_semaphore(%run_scoped3A : memref<!tpu.dma_semaphore, #tpu.memory_space<semaphore_mem>>)
        %dma_wait3A = arith.constant 0 : i32
        %dma_wait3A_111 = tpu.memref_slice %arg6[%add3A_78, %dma_wait3A] : memref<5120x64xi32, #tpu.memory_space<hbm>> -> memref<16x64xi32, #tpu.memory_space<hbm>>
        %dma_wait3A_112 = arith.constant 0 : i32
        %dma_wait3A_113 = tpu.memref_slice %arg6[%add3A_78, %dma_wait3A_112] : memref<5120x64xi32, #tpu.memory_space<hbm>> -> memref<16x64xi32, #tpu.memory_space<hbm>>
        tpu.wait_dma2 semaphore(%run_scoped3A : memref<!tpu.dma_semaphore, #tpu.memory_space<semaphore_mem>>) src(%dma_wait3A_113 : memref<16x64xi32, #tpu.memory_space<hbm>>) dst(%arg14 : memref<16x64xi32, #tpu.memory_space<vmem>>)
        tpu.yield
      }) : () -> ()
      %scan3A_79 = arith.constant 0 : i32
      %scan3A_80 = arith.constant 16 : i32
      %scan3A_81 = arith.addi %scan3A_79, %scan3A_80 : i32
      %scan3A_82 = arith.constant 1 : i32
      scf.for %scan3A_107 = %scan3A_79 to %scan3A_81 step %scan3A_82  : i32 {
        %mul3A_108 = arith.constant 1 : i32
        %mul3A_109 = arith.muli %scan3A_107, %mul3A_108 : i32
        %add3A_110 = arith.constant 0 : i32
        %add3A_111 = arith.addi %add3A_110, %mul3A_109 : i32
        %get3A = arith.index_cast %add3A_111 : i32 to index
        %get3A_112 = arith.constant 0 : index
        %get3A_113 = tpu.vector_load %arg13[%get3A, %get3A_112] {strides = array<i32>} : memref<16x64xi32, #tpu.memory_space<vmem>>, vector<16xi32>,
        %get3A_114 = arith.index_cast %add3A_111 : i32 to index
        %get3A_115 = arith.constant 0 : index
        %get3A_116 = tpu.vector_load %arg14[%get3A_114, %get3A_115] {strides = array<i32>} : memref<16x64xi32, #tpu.memory_space<vmem>>, vector<16xi32>,
        %gather3A = tpu.vector_load_idx %arg11[%get3A_113] : memref<10240xf32, #tpu.memory_space<vmem>>[vector<16xi32>], vector<16xf32>,
        %gather3A_117 = tpu.vector_load_idx %arg12[%get3A_116] : memref<10240xf32, #tpu.memory_space<vmem>>[vector<16xi32>], vector<16xf32>,
        %add3A_118 = arith.addf %gather3A, %gather3A_117 : vector<16xf32>
        %ge3A = arith.constant 0.000000e+00 : f32
        %ge3A_119 = vector.broadcast %ge3A : f32 to vector<16xf32>
        %ge3A_120 = arith.cmpf oge, %add3A_118, %ge3A_119 : vector<16xf32>
        %mul3A_121 = arith.constant 2.000000e-01 : f32
        %mul3A_122 = vector.broadcast %mul3A_121 : f32 to vector<16xf32>
        %mul3A_123 = arith.mulf %add3A_118, %mul3A_122 : vector<16xf32>
        %select_n3A = arith.select %ge3A_120, %add3A_118, %mul3A_123 : vector<16xi1>, vector<16xf32>
        %exp3A = math.exp %select_n3A : vector<16xf32>
        %swap3A = arith.index_cast %add3A_111 : i32 to index
        %swap3A_124 = arith.constant 0 : index
        %swap3A_125 = tpu.vector_load %arg15[%swap3A, %swap3A_124] {strides = array<i32>} : memref<16x64xf32, #tpu.memory_space<vmem>>, vector<16xf32>,
        tpu.vector_store %arg15[%swap3A, %swap3A_124], %exp3A {strides = array<i32>} : memref<16x64xf32, #tpu.memory_space<vmem>>, vector<16xf32>,
        %get3A_126 = arith.index_cast %add3A_111 : i32 to index
        %get3A_127 = arith.constant 16 : index
        %get3A_128 = tpu.vector_load %arg13[%get3A_126, %get3A_127] {strides = array<i32>} : memref<16x64xi32, #tpu.memory_space<vmem>>, vector<16xi32>,
        %get3A_129 = arith.index_cast %add3A_111 : i32 to index
        %get3A_130 = arith.constant 16 : index
        %get3A_131 = tpu.vector_load %arg14[%get3A_129, %get3A_130] {strides = array<i32>} : memref<16x64xi32, #tpu.memory_space<vmem>>, vector<16xi32>,
        %gather3A_132 = tpu.vector_load_idx %arg11[%get3A_128] : memref<10240xf32, #tpu.memory_space<vmem>>[vector<16xi32>], vector<16xf32>,
        %gather3A_133 = tpu.vector_load_idx %arg12[%get3A_131] : memref<10240xf32, #tpu.memory_space<vmem>>[vector<16xi32>], vector<16xf32>,
        %add3A_134 = arith.addf %gather3A_132, %gather3A_133 : vector<16xf32>
        %ge3A_135 = arith.constant 0.000000e+00 : f32
        %ge3A_136 = vector.broadcast %ge3A_135 : f32 to vector<16xf32>
        %ge3A_137 = arith.cmpf oge, %add3A_134, %ge3A_136 : vector<16xf32>
        %mul3A_138 = arith.constant 2.000000e-01 : f32
        %mul3A_139 = vector.broadcast %mul3A_138 : f32 to vector<16xf32>
        %mul3A_140 = arith.mulf %add3A_134, %mul3A_139 : vector<16xf32>
        %select_n3A_141 = arith.select %ge3A_137, %add3A_134, %mul3A_140 : vector<16xi1>, vector<16xf32>
        %exp3A_142 = math.exp %select_n3A_141 : vector<16xf32>
        %swap3A_143 = arith.index_cast %add3A_111 : i32 to index
        %swap3A_144 = arith.constant 16 : index
        %swap3A_145 = tpu.vector_load %arg15[%swap3A_143, %swap3A_144] {strides = array<i32>} : memref<16x64xf32, #tpu.memory_space<vmem>>, vector<16xf32>,
        tpu.vector_store %arg15[%swap3A_143, %swap3A_144], %exp3A_142 {strides = array<i32>} : memref<16x64xf32, #tpu.memory_space<vmem>>, vector<16xf32>,
        %get3A_146 = arith.index_cast %add3A_111 : i32 to index
        %get3A_147 = arith.constant 32 : index
        %get3A_148 = tpu.vector_load %arg13[%get3A_146, %get3A_147] {strides = array<i32>} : memref<16x64xi32, #tpu.memory_space<vmem>>, vector<16xi32>,
        %get3A_149 = arith.index_cast %add3A_111 : i32 to index
        %get3A_150 = arith.constant 32 : index
        %get3A_151 = tpu.vector_load %arg14[%get3A_149, %get3A_150] {strides = array<i32>} : memref<16x64xi32, #tpu.memory_space<vmem>>, vector<16xi32>,
        %gather3A_152 = tpu.vector_load_idx %arg11[%get3A_148] : memref<10240xf32, #tpu.memory_space<vmem>>[vector<16xi32>], vector<16xf32>,
        %gather3A_153 = tpu.vector_load_idx %arg12[%get3A_151] : memref<10240xf32, #tpu.memory_space<vmem>>[vector<16xi32>], vector<16xf32>,
        %add3A_154 = arith.addf %gather3A_152, %gather3A_153 : vector<16xf32>
        %ge3A_155 = arith.constant 0.000000e+00 : f32
        %ge3A_156 = vector.broadcast %ge3A_155 : f32 to vector<16xf32>
        %ge3A_157 = arith.cmpf oge, %add3A_154, %ge3A_156 : vector<16xf32>
        %mul3A_158 = arith.constant 2.000000e-01 : f32
        %mul3A_159 = vector.broadcast %mul3A_158 : f32 to vector<16xf32>
        %mul3A_160 = arith.mulf %add3A_154, %mul3A_159 : vector<16xf32>
        %select_n3A_161 = arith.select %ge3A_157, %add3A_154, %mul3A_160 : vector<16xi1>, vector<16xf32>
        %exp3A_162 = math.exp %select_n3A_161 : vector<16xf32>
        %swap3A_163 = arith.index_cast %add3A_111 : i32 to index
        %swap3A_164 = arith.constant 32 : index
        %swap3A_165 = tpu.vector_load %arg15[%swap3A_163, %swap3A_164] {strides = array<i32>} : memref<16x64xf32, #tpu.memory_space<vmem>>, vector<16xf32>,
        tpu.vector_store %arg15[%swap3A_163, %swap3A_164], %exp3A_162 {strides = array<i32>} : memref<16x64xf32, #tpu.memory_space<vmem>>, vector<16xf32>,
        %get3A_166 = arith.index_cast %add3A_111 : i32 to index
        %get3A_167 = arith.constant 48 : index
        %get3A_168 = tpu.vector_load %arg13[%get3A_166, %get3A_167] {strides = array<i32>} : memref<16x64xi32, #tpu.memory_space<vmem>>, vector<16xi32>,
        %get3A_169 = arith.index_cast %add3A_111 : i32 to index
        %get3A_170 = arith.constant 48 : index
        %get3A_171 = tpu.vector_load %arg14[%get3A_169, %get3A_170] {strides = array<i32>} : memref<16x64xi32, #tpu.memory_space<vmem>>, vector<16xi32>,
        %gather3A_172 = tpu.vector_load_idx %arg11[%get3A_168] : memref<10240xf32, #tpu.memory_space<vmem>>[vector<16xi32>], vector<16xf32>,
        %gather3A_173 = tpu.vector_load_idx %arg12[%get3A_171] : memref<10240xf32, #tpu.memory_space<vmem>>[vector<16xi32>], vector<16xf32>,
        %add3A_174 = arith.addf %gather3A_172, %gather3A_173 : vector<16xf32>
        %ge3A_175 = arith.constant 0.000000e+00 : f32
        %ge3A_176 = vector.broadcast %ge3A_175 : f32 to vector<16xf32>
        %ge3A_177 = arith.cmpf oge, %add3A_174, %ge3A_176 : vector<16xf32>
        %mul3A_178 = arith.constant 2.000000e-01 : f32
        %mul3A_179 = vector.broadcast %mul3A_178 : f32 to vector<16xf32>
        %mul3A_180 = arith.mulf %add3A_174, %mul3A_179 : vector<16xf32>
        %select_n3A_181 = arith.select %ge3A_177, %add3A_174, %mul3A_180 : vector<16xi1>, vector<16xf32>
        %exp3A_182 = math.exp %select_n3A_181 : vector<16xf32>
        %swap3A_183 = arith.index_cast %add3A_111 : i32 to index
        %swap3A_184 = arith.constant 48 : index
        %swap3A_185 = tpu.vector_load %arg15[%swap3A_183, %swap3A_184] {strides = array<i32>} : memref<16x64xf32, #tpu.memory_space<vmem>>, vector<16xf32>,
        tpu.vector_store %arg15[%swap3A_183, %swap3A_184], %exp3A_182 {strides = array<i32>} : memref<16x64xf32, #tpu.memory_space<vmem>>, vector<16xf32>,
      }
      %scan3A_83 = arith.constant 16 : i32
      %scan3A_84 = arith.constant 0 : i32
      %scan3A_85 = arith.constant 16 : i32
      %scan3A_86 = arith.addi %scan3A_84, %scan3A_85 : i32
      %scan3A_87 = arith.constant 1 : i32
      scf.for %scan3A_107 = %scan3A_84 to %scan3A_86 step %scan3A_87  : i32 {
        %mul3A_108 = arith.constant 1 : i32
        %mul3A_109 = arith.muli %scan3A_107, %mul3A_108 : i32
        %add3A_110 = arith.constant 0 : i32
        %add3A_111 = arith.addi %add3A_110, %mul3A_109 : i32
        "tpu.region"() ({
          %run_scoped3A = tpu.sem_alloc : memref<!tpu.dma_semaphore, #tpu.memory_space<semaphore_mem>>
          %dma_start3A_112 = arith.constant 0 : i32
          %dma_start3A_113 = tpu.memref_slice %arg15[%add3A_111, %dma_start3A_112] : memref<16x64xf32, #tpu.memory_space<vmem>> -> memref<1x64xf32, #tpu.memory_space<vmem>>
          %dma_start3A_114 = tpu.memref_squeeze %dma_start3A_113 : memref<1x64xf32, #tpu.memory_space<vmem>> -> memref<64xf32, #tpu.memory_space<vmem>>
          %dma_start3A_115 = arith.constant 0 : i32
          %dma_start3A_116 = tpu.memref_slice %arg14[%add3A_111, %dma_start3A_115] : memref<16x64xi32, #tpu.memory_space<vmem>> -> memref<1x64xi32, #tpu.memory_space<vmem>>
          %dma_start3A_117 = tpu.memref_squeeze %dma_start3A_116 : memref<1x64xi32, #tpu.memory_space<vmem>> -> memref<64xi32, #tpu.memory_space<vmem>>
          %dma_start3A_118 = arith.constant 0 : i32
          %dma_start3A_119 = tpu.memref_slice %arg19[%dma_start3A_118] : memref<10240xf32, #tpu.memory_space<vmem_shared>> -> memref<10240xf32, #tpu.memory_space<vmem_shared>>
          tpu.enqueue_indirect_dma source(%dma_start3A_114 : memref<64xf32, #tpu.memory_space<vmem>>) target(%dma_start3A_119 : memref<10240xf32, #tpu.memory_space<vmem_shared>>) offsets(%dma_start3A_117 : memref<64xi32, #tpu.memory_space<vmem>>) semaphore(%run_scoped3A : memref<!tpu.dma_semaphore, #tpu.memory_space<semaphore_mem>>) {add = true}
          %dma_wait3A = arith.constant 0 : i32
          %dma_wait3A_120 = tpu.memref_slice %arg15[%add3A_111, %dma_wait3A] : memref<16x64xf32, #tpu.memory_space<vmem>> -> memref<1x64xf32, #tpu.memory_space<vmem>>
          %dma_wait3A_121 = tpu.memref_squeeze %dma_wait3A_120 : memref<1x64xf32, #tpu.memory_space<vmem>> -> memref<64xf32, #tpu.memory_space<vmem>>
          %dma_wait3A_122 = arith.constant 0 : i32
          %dma_wait3A_123 = tpu.memref_slice %arg14[%add3A_111, %dma_wait3A_122] : memref<16x64xi32, #tpu.memory_space<vmem>> -> memref<1x64xi32, #tpu.memory_space<vmem>>
          %dma_wait3A_124 = tpu.memref_squeeze %dma_wait3A_123 : memref<1x64xi32, #tpu.memory_space<vmem>> -> memref<64xi32, #tpu.memory_space<vmem>>
          %dma_wait3A_125 = arith.constant 0 : i32
          %dma_wait3A_126 = tpu.memref_slice %arg19[%dma_wait3A_125] : memref<10240xf32, #tpu.memory_space<vmem_shared>> -> memref<10240xf32, #tpu.memory_space<vmem_shared>>
          tpu.wait_indirect_dma semaphore(%run_scoped3A : memref<!tpu.dma_semaphore, #tpu.memory_space<semaphore_mem>>) src(%dma_wait3A_121 : memref<64xf32, #tpu.memory_space<vmem>>) dst(%dma_wait3A_126 : memref<10240xf32, #tpu.memory_space<vmem_shared>>)
          tpu.yield
        }) : () -> ()
      }
      %scan3A_88 = arith.constant 16 : i32
      %dma_start3A = arith.constant 0 : i32
      %dma_start3A_89 = arith.constant 0 : i32
      %dma_start3A_90 = tpu.memref_slice %arg13[%dma_start3A, %dma_start3A_89] : memref<16x64xi32, #tpu.memory_space<vmem>> -> memref<1x64xi32, #tpu.memory_space<vmem>>
      %dma_start3A_91 = tpu.memref_squeeze %dma_start3A_90 : memref<1x64xi32, #tpu.memory_space<vmem>> -> memref<64xi32, #tpu.memory_space<vmem>>
      %dma_start3A_92 = arith.constant 0 : i32
      %dma_start3A_93 = arith.constant 0 : i32
      %dma_start3A_94 = tpu.memref_slice %arg2[%dma_start3A_92, %dma_start3A_93] : memref<10240x128xf32, #tpu.memory_space<hbm>> -> memref<10240x128xf32, #tpu.memory_space<hbm>>
      tpu.enqueue_indirect_dma source(%dma_start3A_94 : memref<10240x128xf32, #tpu.memory_space<hbm>>) target(%arg16 : memref<64x128xf32, #tpu.memory_space<vmem>>) offsets(%dma_start3A_91 : memref<64xi32, #tpu.memory_space<vmem>>) semaphore(%arg21 : memref<!tpu.dma_semaphore, #tpu.memory_space<semaphore_mem>>)
      %dma_start3A_95 = arith.constant 1 : i32
      %dma_start3A_96 = arith.constant 0 : i32
      %dma_start3A_97 = tpu.memref_slice %arg13[%dma_start3A_95, %dma_start3A_96] : memref<16x64xi32, #tpu.memory_space<vmem>> -> memref<1x64xi32, #tpu.memory_space<vmem>>
      %dma_start3A_98 = tpu.memref_squeeze %dma_start3A_97 : memref<1x64xi32, #tpu.memory_space<vmem>> -> memref<64xi32, #tpu.memory_space<vmem>>
      %dma_start3A_99 = arith.constant 0 : i32
      %dma_start3A_100 = arith.constant 0 : i32
      %dma_start3A_101 = tpu.memref_slice %arg2[%dma_start3A_99, %dma_start3A_100] : memref<10240x128xf32, #tpu.memory_space<hbm>> -> memref<10240x128xf32, #tpu.memory_space<hbm>>
      tpu.enqueue_indirect_dma source(%dma_start3A_101 : memref<10240x128xf32, #tpu.memory_space<hbm>>) target(%arg17 : memref<64x128xf32, #tpu.memory_space<vmem>>) offsets(%dma_start3A_98 : memref<64xi32, #tpu.memory_space<vmem>>) semaphore(%arg22 : memref<!tpu.dma_semaphore, #tpu.memory_space<semaphore_mem>>)
      %scan3A_102 = arith.constant 0 : i32
      %scan3A_103 = arith.constant 8 : i32
      %scan3A_104 = arith.addi %scan3A_102, %scan3A_103 : i32
      %scan3A_105 = arith.constant 1 : i32
      scf.for %scan3A_107 = %scan3A_102 to %scan3A_104 step %scan3A_105  : i32 {
        %mul3A_108 = arith.constant 2 : i32
        %mul3A_109 = arith.muli %scan3A_107, %mul3A_108 : i32
        %add3A_110 = arith.constant 0 : i32
        %add3A_111 = arith.addi %add3A_110, %mul3A_109 : i32
        %add3A_112 = arith.constant 0 : i32
        %add3A_113 = arith.addi %add3A_111, %add3A_112 : i32
        %dma_wait3A = arith.constant 0 : i32
        %dma_wait3A_114 = tpu.memref_slice %arg13[%add3A_113, %dma_wait3A] : memref<16x64xi32, #tpu.memory_space<vmem>> -> memref<1x64xi32, #tpu.memory_space<vmem>>
        %dma_wait3A_115 = tpu.memref_squeeze %dma_wait3A_114 : memref<1x64xi32, #tpu.memory_space<vmem>> -> memref<64xi32, #tpu.memory_space<vmem>>
        %dma_wait3A_116 = arith.constant 0 : i32
        %dma_wait3A_117 = arith.constant 0 : i32
        %dma_wait3A_118 = tpu.memref_slice %arg2[%dma_wait3A_116, %dma_wait3A_117] : memref<10240x128xf32, #tpu.memory_space<hbm>> -> memref<10240x128xf32, #tpu.memory_space<hbm>>
        tpu.wait_indirect_dma semaphore(%arg21 : memref<!tpu.dma_semaphore, #tpu.memory_space<semaphore_mem>>) src(%dma_wait3A_118 : memref<10240x128xf32, #tpu.memory_space<hbm>>) dst(%arg16 : memref<64x128xf32, #tpu.memory_space<vmem>>)
        %scan3A_119 = arith.constant 0 : i32
        %scan3A_120 = arith.constant 64 : i32
        %scan3A_121 = arith.addi %scan3A_119, %scan3A_120 : i32
        %scan3A_122 = arith.constant 1 : i32
        scf.for %scan3A_150 = %scan3A_119 to %scan3A_121 step %scan3A_122  : i32 {
          %mul3A_151 = arith.constant 1 : i32
          %mul3A_152 = arith.muli %scan3A_150, %mul3A_151 : i32
          %add3A_153 = arith.constant 0 : i32
          %add3A_154 = arith.addi %add3A_153, %mul3A_152 : i32
          %broadcast_in_dim3A_155 = vector.broadcast %add3A_113 : i32 to vector<16xi32>
          %broadcast_in_dim3A_156 = vector.broadcast %add3A_154 : i32 to vector<16xi32>
          %gather3A = tpu.vector_load_idx %arg15[%broadcast_in_dim3A_155, %broadcast_in_dim3A_156] : memref<16x64xf32, #tpu.memory_space<vmem>>[vector<16xi32>, vector<16xi32>], vector<16xf32>,
          %get3A = arith.index_cast %add3A_154 : i32 to index
          %get3A_157 = arith.constant 0 : index
          %get3A_158 = tpu.vector_load %arg16[%get3A, %get3A_157] {strides = array<i32>} : memref<64x128xf32, #tpu.memory_space<vmem>>, vector<16xf32>,
          %mul3A_159 = arith.mulf %get3A_158, %gather3A : vector<16xf32>
          %swap3A = arith.index_cast %add3A_154 : i32 to index
          %swap3A_160 = arith.constant 0 : index
          %swap3A_161 = tpu.vector_load %arg16[%swap3A, %swap3A_160] {strides = array<i32>} : memref<64x128xf32, #tpu.memory_space<vmem>>, vector<16xf32>,
          tpu.vector_store %arg16[%swap3A, %swap3A_160], %mul3A_159 {strides = array<i32>} : memref<64x128xf32, #tpu.memory_space<vmem>>, vector<16xf32>,
          %get3A_162 = arith.index_cast %add3A_154 : i32 to index
          %get3A_163 = arith.constant 16 : index
          %get3A_164 = tpu.vector_load %arg16[%get3A_162, %get3A_163] {strides = array<i32>} : memref<64x128xf32, #tpu.memory_space<vmem>>, vector<16xf32>,
          %mul3A_165 = arith.mulf %get3A_164, %gather3A : vector<16xf32>
          %swap3A_166 = arith.index_cast %add3A_154 : i32 to index
          %swap3A_167 = arith.constant 16 : index
          %swap3A_168 = tpu.vector_load %arg16[%swap3A_166, %swap3A_167] {strides = array<i32>} : memref<64x128xf32, #tpu.memory_space<vmem>>, vector<16xf32>,
          tpu.vector_store %arg16[%swap3A_166, %swap3A_167], %mul3A_165 {strides = array<i32>} : memref<64x128xf32, #tpu.memory_space<vmem>>, vector<16xf32>,
          %get3A_169 = arith.index_cast %add3A_154 : i32 to index
          %get3A_170 = arith.constant 32 : index
          %get3A_171 = tpu.vector_load %arg16[%get3A_169, %get3A_170] {strides = array<i32>} : memref<64x128xf32, #tpu.memory_space<vmem>>, vector<16xf32>,
          %mul3A_172 = arith.mulf %get3A_171, %gather3A : vector<16xf32>
          %swap3A_173 = arith.index_cast %add3A_154 : i32 to index
          %swap3A_174 = arith.constant 32 : index
          %swap3A_175 = tpu.vector_load %arg16[%swap3A_173, %swap3A_174] {strides = array<i32>} : memref<64x128xf32, #tpu.memory_space<vmem>>, vector<16xf32>,
          tpu.vector_store %arg16[%swap3A_173, %swap3A_174], %mul3A_172 {strides = array<i32>} : memref<64x128xf32, #tpu.memory_space<vmem>>, vector<16xf32>,
          %get3A_176 = arith.index_cast %add3A_154 : i32 to index
          %get3A_177 = arith.constant 48 : index
          %get3A_178 = tpu.vector_load %arg16[%get3A_176, %get3A_177] {strides = array<i32>} : memref<64x128xf32, #tpu.memory_space<vmem>>, vector<16xf32>,
          %mul3A_179 = arith.mulf %get3A_178, %gather3A : vector<16xf32>
          %swap3A_180 = arith.index_cast %add3A_154 : i32 to index
          %swap3A_181 = arith.constant 48 : index
          %swap3A_182 = tpu.vector_load %arg16[%swap3A_180, %swap3A_181] {strides = array<i32>} : memref<64x128xf32, #tpu.memory_space<vmem>>, vector<16xf32>,
          tpu.vector_store %arg16[%swap3A_180, %swap3A_181], %mul3A_179 {strides = array<i32>} : memref<64x128xf32, #tpu.memory_space<vmem>>, vector<16xf32>,
          %get3A_183 = arith.index_cast %add3A_154 : i32 to index
          %get3A_184 = arith.constant 64 : index
          %get3A_185 = tpu.vector_load %arg16[%get3A_183, %get3A_184] {strides = array<i32>} : memref<64x128xf32, #tpu.memory_space<vmem>>, vector<16xf32>,
          %mul3A_186 = arith.mulf %get3A_185, %gather3A : vector<16xf32>
          %swap3A_187 = arith.index_cast %add3A_154 : i32 to index
          %swap3A_188 = arith.constant 64 : index
          %swap3A_189 = tpu.vector_load %arg16[%swap3A_187, %swap3A_188] {strides = array<i32>} : memref<64x128xf32, #tpu.memory_space<vmem>>, vector<16xf32>,
          tpu.vector_store %arg16[%swap3A_187, %swap3A_188], %mul3A_186 {strides = array<i32>} : memref<64x128xf32, #tpu.memory_space<vmem>>, vector<16xf32>,
          %get3A_190 = arith.index_cast %add3A_154 : i32 to index
          %get3A_191 = arith.constant 80 : index
          %get3A_192 = tpu.vector_load %arg16[%get3A_190, %get3A_191] {strides = array<i32>} : memref<64x128xf32, #tpu.memory_space<vmem>>, vector<16xf32>,
          %mul3A_193 = arith.mulf %get3A_192, %gather3A : vector<16xf32>
          %swap3A_194 = arith.index_cast %add3A_154 : i32 to index
          %swap3A_195 = arith.constant 80 : index
          %swap3A_196 = tpu.vector_load %arg16[%swap3A_194, %swap3A_195] {strides = array<i32>} : memref<64x128xf32, #tpu.memory_space<vmem>>, vector<16xf32>,
          tpu.vector_store %arg16[%swap3A_194, %swap3A_195], %mul3A_193 {strides = array<i32>} : memref<64x128xf32, #tpu.memory_space<vmem>>, vector<16xf32>,
          %get3A_197 = arith.index_cast %add3A_154 : i32 to index
          %get3A_198 = arith.constant 96 : index
          %get3A_199 = tpu.vector_load %arg16[%get3A_197, %get3A_198] {strides = array<i32>} : memref<64x128xf32, #tpu.memory_space<vmem>>, vector<16xf32>,
          %mul3A_200 = arith.mulf %get3A_199, %gather3A : vector<16xf32>
          %swap3A_201 = arith.index_cast %add3A_154 : i32 to index
          %swap3A_202 = arith.constant 96 : index
          %swap3A_203 = tpu.vector_load %arg16[%swap3A_201, %swap3A_202] {strides = array<i32>} : memref<64x128xf32, #tpu.memory_space<vmem>>, vector<16xf32>,
          tpu.vector_store %arg16[%swap3A_201, %swap3A_202], %mul3A_200 {strides = array<i32>} : memref<64x128xf32, #tpu.memory_space<vmem>>, vector<16xf32>,
          %get3A_204 = arith.index_cast %add3A_154 : i32 to index
          %get3A_205 = arith.constant 112 : index
          %get3A_206 = tpu.vector_load %arg16[%get3A_204, %get3A_205] {strides = array<i32>} : memref<64x128xf32, #tpu.memory_space<vmem>>, vector<16xf32>,
          %mul3A_207 = arith.mulf %get3A_206, %gather3A : vector<16xf32>
          %swap3A_208 = arith.index_cast %add3A_154 : i32 to index
          %swap3A_209 = arith.constant 112 : index
          %swap3A_210 = tpu.vector_load %arg16[%swap3A_208, %swap3A_209] {strides = array<i32>} : memref<64x128xf32, #tpu.memory_space<vmem>>, vector<16xf32>,
          tpu.vector_store %arg16[%swap3A_208, %swap3A_209], %mul3A_207 {strides = array<i32>} : memref<64x128xf32, #tpu.memory_space<vmem>>, vector<16xf32>,
        }
        %scan3A_123 = arith.constant 64 : i32
        "tpu.region"() ({
          %run_scoped3A = tpu.sem_alloc : memref<!tpu.dma_semaphore, #tpu.memory_space<semaphore_mem>>
          %dma_start3A_150 = arith.constant 0 : i32
          %dma_start3A_151 = tpu.memref_slice %arg14[%add3A_113, %dma_start3A_150] : memref<16x64xi32, #tpu.memory_space<vmem>> -> memref<1x64xi32, #tpu.memory_space<vmem>>
          %dma_start3A_152 = tpu.memref_squeeze %dma_start3A_151 : memref<1x64xi32, #tpu.memory_space<vmem>> -> memref<64xi32, #tpu.memory_space<vmem>>
          %dma_start3A_153 = arith.constant 0 : i32
          %dma_start3A_154 = arith.constant 0 : i32
          %dma_start3A_155 = tpu.memref_slice %arg20[%dma_start3A_153, %dma_start3A_154] : memref<10240x128xf32, #tpu.memory_space<vmem_shared>> -> memref<10240x128xf32, #tpu.memory_space<vmem_shared>>
          tpu.enqueue_indirect_dma source(%arg16 : memref<64x128xf32, #tpu.memory_space<vmem>>) target(%dma_start3A_155 : memref<10240x128xf32, #tpu.memory_space<vmem_shared>>) offsets(%dma_start3A_152 : memref<64xi32, #tpu.memory_space<vmem>>) semaphore(%run_scoped3A : memref<!tpu.dma_semaphore, #tpu.memory_space<semaphore_mem>>) {add = true}
          %dma_wait3A_156 = arith.constant 0 : i32
          %dma_wait3A_157 = tpu.memref_slice %arg14[%add3A_113, %dma_wait3A_156] : memref<16x64xi32, #tpu.memory_space<vmem>> -> memref<1x64xi32, #tpu.memory_space<vmem>>
          %dma_wait3A_158 = tpu.memref_squeeze %dma_wait3A_157 : memref<1x64xi32, #tpu.memory_space<vmem>> -> memref<64xi32, #tpu.memory_space<vmem>>
          %dma_wait3A_159 = arith.constant 0 : i32
          %dma_wait3A_160 = arith.constant 0 : i32
          %dma_wait3A_161 = tpu.memref_slice %arg20[%dma_wait3A_159, %dma_wait3A_160] : memref<10240x128xf32, #tpu.memory_space<vmem_shared>> -> memref<10240x128xf32, #tpu.memory_space<vmem_shared>>
          tpu.wait_indirect_dma semaphore(%run_scoped3A : memref<!tpu.dma_semaphore, #tpu.memory_space<semaphore_mem>>) src(%arg16 : memref<64x128xf32, #tpu.memory_space<vmem>>) dst(%dma_wait3A_161 : memref<10240x128xf32, #tpu.memory_space<vmem_shared>>)
          tpu.yield
        }) : () -> ()
        %add3A_124 = arith.constant 2 : i32
        %add3A_125 = arith.addi %add3A_113, %add3A_124 : i32
        %lt3A = arith.constant 16 : i32
        %lt3A_126 = arith.cmpi slt, %add3A_125, %lt3A : i32
        %convert_element_type3A_127 = arith.extui %lt3A_126 : i1 to i32
        %cond3A_128 = arith.constant 0 : i32
        %cond3A_129 = arith.cmpi ne, %convert_element_type3A_127, %cond3A_128 : i32
        scf.if %cond3A_129 {
          %add3A_150 = arith.constant 2 : i32
          %add3A_151 = arith.addi %add3A_113, %add3A_150 : i32
          %dma_start3A_152 = arith.constant 0 : i32
          %dma_start3A_153 = tpu.memref_slice %arg13[%add3A_151, %dma_start3A_152] : memref<16x64xi32, #tpu.memory_space<vmem>> -> memref<1x64xi32, #tpu.memory_space<vmem>>
          %dma_start3A_154 = tpu.memref_squeeze %dma_start3A_153 : memref<1x64xi32, #tpu.memory_space<vmem>> -> memref<64xi32, #tpu.memory_space<vmem>>
          %dma_start3A_155 = arith.constant 0 : i32
          %dma_start3A_156 = arith.constant 0 : i32
          %dma_start3A_157 = tpu.memref_slice %arg2[%dma_start3A_155, %dma_start3A_156] : memref<10240x128xf32, #tpu.memory_space<hbm>> -> memref<10240x128xf32, #tpu.memory_space<hbm>>
          tpu.enqueue_indirect_dma source(%dma_start3A_157 : memref<10240x128xf32, #tpu.memory_space<hbm>>) target(%arg16 : memref<64x128xf32, #tpu.memory_space<vmem>>) offsets(%dma_start3A_154 : memref<64xi32, #tpu.memory_space<vmem>>) semaphore(%arg21 : memref<!tpu.dma_semaphore, #tpu.memory_space<semaphore_mem>>)
        } else {
        }
        %add3A_130 = arith.constant 1 : i32
        %add3A_131 = arith.addi %add3A_111, %add3A_130 : i32
        %dma_wait3A_132 = arith.constant 0 : i32
        %dma_wait3A_133 = tpu.memref_slice %arg13[%add3A_131, %dma_wait3A_132] : memref<16x64xi32, #tpu.memory_space<vmem>> -> memref<1x64xi32, #tpu.memory_space<vmem>>
        %dma_wait3A_134 = tpu.memref_squeeze %dma_wait3A_133 : memref<1x64xi32, #tpu.memory_space<vmem>> -> memref<64xi32, #tpu.memory_space<vmem>>
        %dma_wait3A_135 = arith.constant 0 : i32
        %dma_wait3A_136 = arith.constant 0 : i32
        %dma_wait3A_137 = tpu.memref_slice %arg2[%dma_wait3A_135, %dma_wait3A_136] : memref<10240x128xf32, #tpu.memory_space<hbm>> -> memref<10240x128xf32, #tpu.memory_space<hbm>>
        tpu.wait_indirect_dma semaphore(%arg22 : memref<!tpu.dma_semaphore, #tpu.memory_space<semaphore_mem>>) src(%dma_wait3A_137 : memref<10240x128xf32, #tpu.memory_space<hbm>>) dst(%arg17 : memref<64x128xf32, #tpu.memory_space<vmem>>)
        %scan3A_138 = arith.constant 0 : i32
        %scan3A_139 = arith.constant 64 : i32
        %scan3A_140 = arith.addi %scan3A_138, %scan3A_139 : i32
        %scan3A_141 = arith.constant 1 : i32
        scf.for %scan3A_150 = %scan3A_138 to %scan3A_140 step %scan3A_141  : i32 {
          %mul3A_151 = arith.constant 1 : i32
          %mul3A_152 = arith.muli %scan3A_150, %mul3A_151 : i32
          %add3A_153 = arith.constant 0 : i32
          %add3A_154 = arith.addi %add3A_153, %mul3A_152 : i32
          %broadcast_in_dim3A_155 = vector.broadcast %add3A_131 : i32 to vector<16xi32>
          %broadcast_in_dim3A_156 = vector.broadcast %add3A_154 : i32 to vector<16xi32>
          %gather3A = tpu.vector_load_idx %arg15[%broadcast_in_dim3A_155, %broadcast_in_dim3A_156] : memref<16x64xf32, #tpu.memory_space<vmem>>[vector<16xi32>, vector<16xi32>], vector<16xf32>,
          %get3A = arith.index_cast %add3A_154 : i32 to index
          %get3A_157 = arith.constant 0 : index
          %get3A_158 = tpu.vector_load %arg17[%get3A, %get3A_157] {strides = array<i32>} : memref<64x128xf32, #tpu.memory_space<vmem>>, vector<16xf32>,
          %mul3A_159 = arith.mulf %get3A_158, %gather3A : vector<16xf32>
          %swap3A = arith.index_cast %add3A_154 : i32 to index
          %swap3A_160 = arith.constant 0 : index
          %swap3A_161 = tpu.vector_load %arg17[%swap3A, %swap3A_160] {strides = array<i32>} : memref<64x128xf32, #tpu.memory_space<vmem>>, vector<16xf32>,
          tpu.vector_store %arg17[%swap3A, %swap3A_160], %mul3A_159 {strides = array<i32>} : memref<64x128xf32, #tpu.memory_space<vmem>>, vector<16xf32>,
          %get3A_162 = arith.index_cast %add3A_154 : i32 to index
          %get3A_163 = arith.constant 16 : index
          %get3A_164 = tpu.vector_load %arg17[%get3A_162, %get3A_163] {strides = array<i32>} : memref<64x128xf32, #tpu.memory_space<vmem>>, vector<16xf32>,
          %mul3A_165 = arith.mulf %get3A_164, %gather3A : vector<16xf32>
          %swap3A_166 = arith.index_cast %add3A_154 : i32 to index
          %swap3A_167 = arith.constant 16 : index
          %swap3A_168 = tpu.vector_load %arg17[%swap3A_166, %swap3A_167] {strides = array<i32>} : memref<64x128xf32, #tpu.memory_space<vmem>>, vector<16xf32>,
          tpu.vector_store %arg17[%swap3A_166, %swap3A_167], %mul3A_165 {strides = array<i32>} : memref<64x128xf32, #tpu.memory_space<vmem>>, vector<16xf32>,
          %get3A_169 = arith.index_cast %add3A_154 : i32 to index
          %get3A_170 = arith.constant 32 : index
          %get3A_171 = tpu.vector_load %arg17[%get3A_169, %get3A_170] {strides = array<i32>} : memref<64x128xf32, #tpu.memory_space<vmem>>, vector<16xf32>,
          %mul3A_172 = arith.mulf %get3A_171, %gather3A : vector<16xf32>
          %swap3A_173 = arith.index_cast %add3A_154 : i32 to index
          %swap3A_174 = arith.constant 32 : index
          %swap3A_175 = tpu.vector_load %arg17[%swap3A_173, %swap3A_174] {strides = array<i32>} : memref<64x128xf32, #tpu.memory_space<vmem>>, vector<16xf32>,
          tpu.vector_store %arg17[%swap3A_173, %swap3A_174], %mul3A_172 {strides = array<i32>} : memref<64x128xf32, #tpu.memory_space<vmem>>, vector<16xf32>,
          %get3A_176 = arith.index_cast %add3A_154 : i32 to index
          %get3A_177 = arith.constant 48 : index
          %get3A_178 = tpu.vector_load %arg17[%get3A_176, %get3A_177] {strides = array<i32>} : memref<64x128xf32, #tpu.memory_space<vmem>>, vector<16xf32>,
          %mul3A_179 = arith.mulf %get3A_178, %gather3A : vector<16xf32>
          %swap3A_180 = arith.index_cast %add3A_154 : i32 to index
          %swap3A_181 = arith.constant 48 : index
          %swap3A_182 = tpu.vector_load %arg17[%swap3A_180, %swap3A_181] {strides = array<i32>} : memref<64x128xf32, #tpu.memory_space<vmem>>, vector<16xf32>,
          tpu.vector_store %arg17[%swap3A_180, %swap3A_181], %mul3A_179 {strides = array<i32>} : memref<64x128xf32, #tpu.memory_space<vmem>>, vector<16xf32>,
          %get3A_183 = arith.index_cast %add3A_154 : i32 to index
          %get3A_184 = arith.constant 64 : index
          %get3A_185 = tpu.vector_load %arg17[%get3A_183, %get3A_184] {strides = array<i32>} : memref<64x128xf32, #tpu.memory_space<vmem>>, vector<16xf32>,
          %mul3A_186 = arith.mulf %get3A_185, %gather3A : vector<16xf32>
          %swap3A_187 = arith.index_cast %add3A_154 : i32 to index
          %swap3A_188 = arith.constant 64 : index
          %swap3A_189 = tpu.vector_load %arg17[%swap3A_187, %swap3A_188] {strides = array<i32>} : memref<64x128xf32, #tpu.memory_space<vmem>>, vector<16xf32>,
          tpu.vector_store %arg17[%swap3A_187, %swap3A_188], %mul3A_186 {strides = array<i32>} : memref<64x128xf32, #tpu.memory_space<vmem>>, vector<16xf32>,
          %get3A_190 = arith.index_cast %add3A_154 : i32 to index
          %get3A_191 = arith.constant 80 : index
          %get3A_192 = tpu.vector_load %arg17[%get3A_190, %get3A_191] {strides = array<i32>} : memref<64x128xf32, #tpu.memory_space<vmem>>, vector<16xf32>,
          %mul3A_193 = arith.mulf %get3A_192, %gather3A : vector<16xf32>
          %swap3A_194 = arith.index_cast %add3A_154 : i32 to index
          %swap3A_195 = arith.constant 80 : index
          %swap3A_196 = tpu.vector_load %arg17[%swap3A_194, %swap3A_195] {strides = array<i32>} : memref<64x128xf32, #tpu.memory_space<vmem>>, vector<16xf32>,
          tpu.vector_store %arg17[%swap3A_194, %swap3A_195], %mul3A_193 {strides = array<i32>} : memref<64x128xf32, #tpu.memory_space<vmem>>, vector<16xf32>,
          %get3A_197 = arith.index_cast %add3A_154 : i32 to index
          %get3A_198 = arith.constant 96 : index
          %get3A_199 = tpu.vector_load %arg17[%get3A_197, %get3A_198] {strides = array<i32>} : memref<64x128xf32, #tpu.memory_space<vmem>>, vector<16xf32>,
          %mul3A_200 = arith.mulf %get3A_199, %gather3A : vector<16xf32>
          %swap3A_201 = arith.index_cast %add3A_154 : i32 to index
          %swap3A_202 = arith.constant 96 : index
          %swap3A_203 = tpu.vector_load %arg17[%swap3A_201, %swap3A_202] {strides = array<i32>} : memref<64x128xf32, #tpu.memory_space<vmem>>, vector<16xf32>,
          tpu.vector_store %arg17[%swap3A_201, %swap3A_202], %mul3A_200 {strides = array<i32>} : memref<64x128xf32, #tpu.memory_space<vmem>>, vector<16xf32>,
          %get3A_204 = arith.index_cast %add3A_154 : i32 to index
          %get3A_205 = arith.constant 112 : index
          %get3A_206 = tpu.vector_load %arg17[%get3A_204, %get3A_205] {strides = array<i32>} : memref<64x128xf32, #tpu.memory_space<vmem>>, vector<16xf32>,
          %mul3A_207 = arith.mulf %get3A_206, %gather3A : vector<16xf32>
          %swap3A_208 = arith.index_cast %add3A_154 : i32 to index
          %swap3A_209 = arith.constant 112 : index
          %swap3A_210 = tpu.vector_load %arg17[%swap3A_208, %swap3A_209] {strides = array<i32>} : memref<64x128xf32, #tpu.memory_space<vmem>>, vector<16xf32>,
          tpu.vector_store %arg17[%swap3A_208, %swap3A_209], %mul3A_207 {strides = array<i32>} : memref<64x128xf32, #tpu.memory_space<vmem>>, vector<16xf32>,
        }
        %scan3A_142 = arith.constant 64 : i32
        "tpu.region"() ({
          %run_scoped3A = tpu.sem_alloc : memref<!tpu.dma_semaphore, #tpu.memory_space<semaphore_mem>>
          %dma_start3A_150 = arith.constant 0 : i32
          %dma_start3A_151 = tpu.memref_slice %arg14[%add3A_131, %dma_start3A_150] : memref<16x64xi32, #tpu.memory_space<vmem>> -> memref<1x64xi32, #tpu.memory_space<vmem>>
          %dma_start3A_152 = tpu.memref_squeeze %dma_start3A_151 : memref<1x64xi32, #tpu.memory_space<vmem>> -> memref<64xi32, #tpu.memory_space<vmem>>
          %dma_start3A_153 = arith.constant 0 : i32
          %dma_start3A_154 = arith.constant 0 : i32
          %dma_start3A_155 = tpu.memref_slice %arg20[%dma_start3A_153, %dma_start3A_154] : memref<10240x128xf32, #tpu.memory_space<vmem_shared>> -> memref<10240x128xf32, #tpu.memory_space<vmem_shared>>
          tpu.enqueue_indirect_dma source(%arg17 : memref<64x128xf32, #tpu.memory_space<vmem>>) target(%dma_start3A_155 : memref<10240x128xf32, #tpu.memory_space<vmem_shared>>) offsets(%dma_start3A_152 : memref<64xi32, #tpu.memory_space<vmem>>) semaphore(%run_scoped3A : memref<!tpu.dma_semaphore, #tpu.memory_space<semaphore_mem>>) {add = true}
          %dma_wait3A_156 = arith.constant 0 : i32
          %dma_wait3A_157 = tpu.memref_slice %arg14[%add3A_131, %dma_wait3A_156] : memref<16x64xi32, #tpu.memory_space<vmem>> -> memref<1x64xi32, #tpu.memory_space<vmem>>
          %dma_wait3A_158 = tpu.memref_squeeze %dma_wait3A_157 : memref<1x64xi32, #tpu.memory_space<vmem>> -> memref<64xi32, #tpu.memory_space<vmem>>
          %dma_wait3A_159 = arith.constant 0 : i32
          %dma_wait3A_160 = arith.constant 0 : i32
          %dma_wait3A_161 = tpu.memref_slice %arg20[%dma_wait3A_159, %dma_wait3A_160] : memref<10240x128xf32, #tpu.memory_space<vmem_shared>> -> memref<10240x128xf32, #tpu.memory_space<vmem_shared>>
          tpu.wait_indirect_dma semaphore(%run_scoped3A : memref<!tpu.dma_semaphore, #tpu.memory_space<semaphore_mem>>) src(%arg17 : memref<64x128xf32, #tpu.memory_space<vmem>>) dst(%dma_wait3A_161 : memref<10240x128xf32, #tpu.memory_space<vmem_shared>>)
          tpu.yield
        }) : () -> ()
        %add3A_143 = arith.constant 2 : i32
        %add3A_144 = arith.addi %add3A_131, %add3A_143 : i32
        %lt3A_145 = arith.constant 16 : i32
        %lt3A_146 = arith.cmpi slt, %add3A_144, %lt3A_145 : i32
        %convert_element_type3A_147 = arith.extui %lt3A_146 : i1 to i32
        %cond3A_148 = arith.constant 0 : i32
        %cond3A_149 = arith.cmpi ne, %convert_element_type3A_147, %cond3A_148 : i32
        scf.if %cond3A_149 {
          %add3A_150 = arith.constant 2 : i32
          %add3A_151 = arith.addi %add3A_131, %add3A_150 : i32
          %dma_start3A_152 = arith.constant 0 : i32
          %dma_start3A_153 = tpu.memref_slice %arg13[%add3A_151, %dma_start3A_152] : memref<16x64xi32, #tpu.memory_space<vmem>> -> memref<1x64xi32, #tpu.memory_space<vmem>>
          %dma_start3A_154 = tpu.memref_squeeze %dma_start3A_153 : memref<1x64xi32, #tpu.memory_space<vmem>> -> memref<64xi32, #tpu.memory_space<vmem>>
          %dma_start3A_155 = arith.constant 0 : i32
          %dma_start3A_156 = arith.constant 0 : i32
          %dma_start3A_157 = tpu.memref_slice %arg2[%dma_start3A_155, %dma_start3A_156] : memref<10240x128xf32, #tpu.memory_space<hbm>> -> memref<10240x128xf32, #tpu.memory_space<hbm>>
          tpu.enqueue_indirect_dma source(%dma_start3A_157 : memref<10240x128xf32, #tpu.memory_space<hbm>>) target(%arg17 : memref<64x128xf32, #tpu.memory_space<vmem>>) offsets(%dma_start3A_154 : memref<64xi32, #tpu.memory_space<vmem>>) semaphore(%arg22 : memref<!tpu.dma_semaphore, #tpu.memory_space<semaphore_mem>>)
        } else {
        }
      }
      %scan3A_106 = arith.constant 8 : i32
    }
    %scan3A_59 = arith.constant 10 : i32
    %barrier3A_60 = arith.constant 0 : index
    tpu.barrier barrier_id(%barrier3A_60)
    %eq3A = arith.constant 0 : i32
    %eq3A_61 = arith.cmpi eq, %arg0, %eq3A : i32
    %convert_element_type3A = arith.extui %eq3A_61 : i1 to i32
    %cond3A = arith.constant 0 : i32
    %cond3A_62 = arith.cmpi ne, %convert_element_type3A, %cond3A : i32
    scf.if %cond3A_62 {
      %mul3A_68 = arith.constant 640 : i32
      %mul3A_69 = arith.muli %arg1, %mul3A_68 : i32
      %mul3A_70 = arith.constant 640 : i32
      %mul3A_71 = arith.muli %arg1, %mul3A_70 : i32
      "tpu.region"() ({
        %run_scoped3A = tpu.sem_alloc : memref<!tpu.dma_semaphore, #tpu.memory_space<semaphore_mem>>
        %dma_start3A = arith.constant 0 : i32
        %dma_start3A_76 = tpu.memref_slice %arg7[%mul3A_71, %dma_start3A] : memref<10240x128xf32, #tpu.memory_space<hbm>> -> memref<640x128xf32, #tpu.memory_space<hbm>>
        %dma_start3A_77 = arith.constant 0 : i32
        %dma_start3A_78 = tpu.memref_slice %arg20[%mul3A_69, %dma_start3A_77] : memref<10240x128xf32, #tpu.memory_space<vmem_shared>> -> memref<640x128xf32, #tpu.memory_space<vmem_shared>>
        tpu.enqueue_dma source(%dma_start3A_78 : memref<640x128xf32, #tpu.memory_space<vmem_shared>>) target(%dma_start3A_76 : memref<640x128xf32, #tpu.memory_space<hbm>>) target_semaphore(%run_scoped3A : memref<!tpu.dma_semaphore, #tpu.memory_space<semaphore_mem>>)
        %dma_wait3A = arith.constant 0 : i32
        %dma_wait3A_79 = tpu.memref_slice %arg7[%mul3A_71, %dma_wait3A] : memref<10240x128xf32, #tpu.memory_space<hbm>> -> memref<640x128xf32, #tpu.memory_space<hbm>>
        %dma_wait3A_80 = arith.constant 0 : i32
        %dma_wait3A_81 = tpu.memref_slice %arg20[%mul3A_69, %dma_wait3A_80] : memref<10240x128xf32, #tpu.memory_space<vmem_shared>> -> memref<640x128xf32, #tpu.memory_space<vmem_shared>>
        tpu.wait_dma2 semaphore(%run_scoped3A : memref<!tpu.dma_semaphore, #tpu.memory_space<semaphore_mem>>) src(%dma_wait3A_81 : memref<640x128xf32, #tpu.memory_space<vmem_shared>>) dst(%dma_wait3A_79 : memref<640x128xf32, #tpu.memory_space<hbm>>)
        tpu.yield
      }) : () -> ()
      %mul3A_72 = arith.constant 640 : i32
      %mul3A_73 = arith.muli %arg1, %mul3A_72 : i32
      %mul3A_74 = arith.constant 640 : i32
      %mul3A_75 = arith.muli %arg1, %mul3A_74 : i32
      "tpu.region"() ({
        %run_scoped3A = tpu.sem_alloc : memref<!tpu.dma_semaphore, #tpu.memory_space<semaphore_mem>>
        %dma_start3A = tpu.memref_slice %arg9[%mul3A_75] : memref<10240xf32, #tpu.memory_space<hbm>> -> memref<640xf32, #tpu.memory_space<hbm>>
        %dma_start3A_76 = tpu.memref_slice %arg19[%mul3A_73] : memref<10240xf32, #tpu.memory_space<vmem_shared>> -> memref<640xf32, #tpu.memory_space<vmem_shared>>
        tpu.enqueue_dma source(%dma_start3A_76 : memref<640xf32, #tpu.memory_space<vmem_shared>>) target(%dma_start3A : memref<640xf32, #tpu.memory_space<hbm>>) target_semaphore(%run_scoped3A : memref<!tpu.dma_semaphore, #tpu.memory_space<semaphore_mem>>)
        %dma_wait3A = tpu.memref_slice %arg9[%mul3A_75] : memref<10240xf32, #tpu.memory_space<hbm>> -> memref<640xf32, #tpu.memory_space<hbm>>
        %dma_wait3A_77 = tpu.memref_slice %arg19[%mul3A_73] : memref<10240xf32, #tpu.memory_space<vmem_shared>> -> memref<640xf32, #tpu.memory_space<vmem_shared>>
        tpu.wait_dma2 semaphore(%run_scoped3A : memref<!tpu.dma_semaphore, #tpu.memory_space<semaphore_mem>>) src(%dma_wait3A_77 : memref<640xf32, #tpu.memory_space<vmem_shared>>) dst(%dma_wait3A : memref<640xf32, #tpu.memory_space<hbm>>)
        tpu.yield
      }) : () -> ()
    } else {
    }
    %eq3A_63 = arith.constant 1 : i32
    %eq3A_64 = arith.cmpi eq, %arg0, %eq3A_63 : i32
    %convert_element_type3A_65 = arith.extui %eq3A_64 : i1 to i32
    %cond3A_66 = arith.constant 0 : i32
    %cond3A_67 = arith.cmpi ne, %convert_element_type3A_65, %cond3A_66 : i32
    scf.if %cond3A_67 {
      %mul3A_68 = arith.constant 640 : i32
      %mul3A_69 = arith.muli %arg1, %mul3A_68 : i32
      %mul3A_70 = arith.constant 640 : i32
      %mul3A_71 = arith.muli %arg1, %mul3A_70 : i32
      "tpu.region"() ({
        %run_scoped3A = tpu.sem_alloc : memref<!tpu.dma_semaphore, #tpu.memory_space<semaphore_mem>>
        %dma_start3A = arith.constant 0 : i32
        %dma_start3A_76 = tpu.memref_slice %arg8[%mul3A_71, %dma_start3A] : memref<10240x128xf32, #tpu.memory_space<hbm>> -> memref<640x128xf32, #tpu.memory_space<hbm>>
        %dma_start3A_77 = arith.constant 0 : i32
        %dma_start3A_78 = tpu.memref_slice %arg20[%mul3A_69, %dma_start3A_77] : memref<10240x128xf32, #tpu.memory_space<vmem_shared>> -> memref<640x128xf32, #tpu.memory_space<vmem_shared>>
        tpu.enqueue_dma source(%dma_start3A_78 : memref<640x128xf32, #tpu.memory_space<vmem_shared>>) target(%dma_start3A_76 : memref<640x128xf32, #tpu.memory_space<hbm>>) target_semaphore(%run_scoped3A : memref<!tpu.dma_semaphore, #tpu.memory_space<semaphore_mem>>)
        %dma_wait3A = arith.constant 0 : i32
        %dma_wait3A_79 = tpu.memref_slice %arg8[%mul3A_71, %dma_wait3A] : memref<10240x128xf32, #tpu.memory_space<hbm>> -> memref<640x128xf32, #tpu.memory_space<hbm>>
        %dma_wait3A_80 = arith.constant 0 : i32
        %dma_wait3A_81 = tpu.memref_slice %arg20[%mul3A_69, %dma_wait3A_80] : memref<10240x128xf32, #tpu.memory_space<vmem_shared>> -> memref<640x128xf32, #tpu.memory_space<vmem_shared>>
        tpu.wait_dma2 semaphore(%run_scoped3A : memref<!tpu.dma_semaphore, #tpu.memory_space<semaphore_mem>>) src(%dma_wait3A_81 : memref<640x128xf32, #tpu.memory_space<vmem_shared>>) dst(%dma_wait3A_79 : memref<640x128xf32, #tpu.memory_space<hbm>>)
        tpu.yield
      }) : () -> ()
      %mul3A_72 = arith.constant 640 : i32
      %mul3A_73 = arith.muli %arg1, %mul3A_72 : i32
      %mul3A_74 = arith.constant 640 : i32
      %mul3A_75 = arith.muli %arg1, %mul3A_74 : i32
      "tpu.region"() ({
        %run_scoped3A = tpu.sem_alloc : memref<!tpu.dma_semaphore, #tpu.memory_space<semaphore_mem>>
        %dma_start3A = tpu.memref_slice %arg10[%mul3A_75] : memref<10240xf32, #tpu.memory_space<hbm>> -> memref<640xf32, #tpu.memory_space<hbm>>
        %dma_start3A_76 = tpu.memref_slice %arg19[%mul3A_73] : memref<10240xf32, #tpu.memory_space<vmem_shared>> -> memref<640xf32, #tpu.memory_space<vmem_shared>>
        tpu.enqueue_dma source(%dma_start3A_76 : memref<640xf32, #tpu.memory_space<vmem_shared>>) target(%dma_start3A : memref<640xf32, #tpu.memory_space<hbm>>) target_semaphore(%run_scoped3A : memref<!tpu.dma_semaphore, #tpu.memory_space<semaphore_mem>>)
        %dma_wait3A = tpu.memref_slice %arg10[%mul3A_75] : memref<10240xf32, #tpu.memory_space<hbm>> -> memref<640xf32, #tpu.memory_space<hbm>>
        %dma_wait3A_77 = tpu.memref_slice %arg19[%mul3A_73] : memref<10240xf32, #tpu.memory_space<vmem_shared>> -> memref<640xf32, #tpu.memory_space<vmem_shared>>
        tpu.wait_dma2 semaphore(%run_scoped3A : memref<!tpu.dma_semaphore, #tpu.memory_space<semaphore_mem>>) src(%dma_wait3A_77 : memref<640xf32, #tpu.memory_space<vmem_shared>>) dst(%dma_wait3A : memref<640xf32, #tpu.memory_space<hbm>>)
        tpu.yield
      }) : () -> ()
    } else {
    }
    return
  }
}

module attributes {stable_mosaic.version = 14 : i64} {
  func.func @_mm_body(%arg0: i32, %arg1: memref<1024x128xf32, #tpu.memory_space<vmem>>, %arg2: memref<1024x128xf32, #tpu.memory_space<vmem>>, %arg3: memref<1024x1xf32, #tpu.memory_space<vmem>>, %arg4: memref<1024x1xf32, #tpu.memory_space<vmem>>, %arg5: memref<128x128xf32, #tpu.memory_space<vmem>>, %arg6: memref<1x128xf32, #tpu.memory_space<vmem>>, %arg7: memref<1x128xf32, #tpu.memory_space<vmem>>, %arg8: memref<1024x128xf32, #tpu.memory_space<vmem>>, %arg9: memref<1x1024xf32, #tpu.memory_space<vmem>>, %arg10: memref<1x1024xf32, #tpu.memory_space<vmem>>) attributes {dimension_semantics = [#tpu.dimension_semantics<arbitrary>], iteration_bounds = array<i64: 10>, scalar_prefetch = 0 : i64, scratch_operands = 0 : i64, tpu.core_type = #tpu.core_type<tc>, window_params = [{transform_indices = @transform_0, window_bounds = array<i64: 1024, 128>}, {transform_indices = @transform_1, window_bounds = array<i64: 1024, 128>}, {transform_indices = @transform_2, window_bounds = array<i64: 1024, 1>}, {transform_indices = @transform_3, window_bounds = array<i64: 1024, 1>}, {pipeline_mode = #tpu.pipeline_mode<synchronous>, transform_indices = @transform_4, window_bounds = array<i64: 128, 128>}, {pipeline_mode = #tpu.pipeline_mode<synchronous>, transform_indices = @transform_5, window_bounds = array<i64: 1, 128>}, {pipeline_mode = #tpu.pipeline_mode<synchronous>, transform_indices = @transform_6, window_bounds = array<i64: 1, 128>}, {transform_indices = @transform_7, window_bounds = array<i64: 1024, 128>}, {transform_indices = @transform_8, window_bounds = array<i64: 1, 1024>}, {transform_indices = @transform_9, window_bounds = array<i64: 1, 1024>}]} {
    %get3A = arith.constant 0 : index
    %get3A_0 = arith.constant 0 : index
    %get3A_1 = vector.load %arg1[%get3A, %get3A_0] : memref<1024x128xf32, #tpu.memory_space<vmem>>, vector<1024x128xf32>
    %get3A_2 = arith.constant 0 : index
    %get3A_3 = arith.constant 0 : index
    %get3A_4 = vector.load %arg5[%get3A_2, %get3A_3] : memref<128x128xf32, #tpu.memory_space<vmem>>, vector<128x128xf32>
    %dot_general3A = arith.constant dense<0.000000e+00> : vector<1024x128xf32>
    %dot_general3A_5 = tpu.matmul %get3A_1, %get3A_4, %dot_general3A {dimension_numbers = #tpu.dot_dimension_numbers<[1], [0], [0], [1], [0, 0, 1, 1], [], []>, transpose_lhs_hint = false} : vector<1024x128xf32>, vector<128x128xf32>, vector<1024x128xf32> -> vector<1024x128xf32>
    %swap3A = arith.constant 0 : index
    %swap3A_6 = arith.constant 0 : index
    %swap3A_7 = vector.load %arg8[%swap3A, %swap3A_6] : memref<1024x128xf32, #tpu.memory_space<vmem>>, vector<1024x128xf32>
    tpu.vector_store %arg8[%swap3A, %swap3A_6], %dot_general3A_5 {strides = array<i32>} : memref<1024x128xf32, #tpu.memory_space<vmem>>, vector<1024x128xf32>,
    %get3A_8 = arith.constant 0 : index
    %get3A_9 = arith.constant 0 : index
    %get3A_10 = vector.load %arg6[%get3A_8, %get3A_9] : memref<1x128xf32, #tpu.memory_space<vmem>>, vector<1x128xf32>
    %mul3A = vector.broadcast %get3A_10 : vector<1x128xf32> to vector<1024x128xf32>
    %mul3A_11 = arith.mulf %dot_general3A_5, %mul3A : vector<1024x128xf32>
    %reduce_sum3A = arith.constant dense<0.000000e+00> : vector<1024xf32>
    %reduce_sum3A_12 = vector.multi_reduction <add>, %mul3A_11, %reduce_sum3A [1] : vector<1024x128xf32> to vector<1024xf32>
    %broadcast_in_dim3A = vector.shape_cast %reduce_sum3A_12 : vector<1024xf32> to vector<1x1024xf32>
    %swap3A_13 = arith.constant 0 : index
    %swap3A_14 = arith.constant 0 : index
    %swap3A_15 = vector.load %arg9[%swap3A_13, %swap3A_14] : memref<1x1024xf32, #tpu.memory_space<vmem>>, vector<1x1024xf32>
    tpu.vector_store %arg9[%swap3A_13, %swap3A_14], %broadcast_in_dim3A {strides = array<i32>} : memref<1x1024xf32, #tpu.memory_space<vmem>>, vector<1x1024xf32>,
    %get3A_16 = arith.constant 0 : index
    %get3A_17 = arith.constant 0 : index
    %get3A_18 = vector.load %arg7[%get3A_16, %get3A_17] : memref<1x128xf32, #tpu.memory_space<vmem>>, vector<1x128xf32>
    %mul3A_19 = vector.broadcast %get3A_18 : vector<1x128xf32> to vector<1024x128xf32>
    %mul3A_20 = arith.mulf %dot_general3A_5, %mul3A_19 : vector<1024x128xf32>
    %reduce_sum3A_21 = arith.constant dense<0.000000e+00> : vector<1024xf32>
    %reduce_sum3A_22 = vector.multi_reduction <add>, %mul3A_20, %reduce_sum3A_21 [1] : vector<1024x128xf32> to vector<1024xf32>
    %broadcast_in_dim3A_23 = vector.shape_cast %reduce_sum3A_22 : vector<1024xf32> to vector<1x1024xf32>
    %swap3A_24 = arith.constant 0 : index
    %swap3A_25 = arith.constant 0 : index
    %swap3A_26 = vector.load %arg10[%swap3A_24, %swap3A_25] : memref<1x1024xf32, #tpu.memory_space<vmem>>, vector<1x1024xf32>
    tpu.vector_store %arg10[%swap3A_24, %swap3A_25], %broadcast_in_dim3A_23 {strides = array<i32>} : memref<1x1024xf32, #tpu.memory_space<vmem>>, vector<1x1024xf32>,
    return
  }
  func.func @transform_0(%arg0: i32) -> (i32, i32) {
    %c0_i32 = arith.constant 0 : i32
    %c0_i32_0 = arith.constant 0 : i32
    return %arg0, %c0_i32 : i32, i32
  }
  func.func @transform_1(%arg0: i32) -> (i32, i32) {
    %c0_i32 = arith.constant 0 : i32
    %c0_i32_0 = arith.constant 0 : i32
    return %arg0, %c0_i32 : i32, i32
  }
  func.func @transform_2(%arg0: i32) -> (i32, i32) {
    %c0_i32 = arith.constant 0 : i32
    %c0_i32_0 = arith.constant 0 : i32
    return %arg0, %c0_i32 : i32, i32
  }
  func.func @transform_3(%arg0: i32) -> (i32, i32) {
    %c0_i32 = arith.constant 0 : i32
    %c0_i32_0 = arith.constant 0 : i32
    return %arg0, %c0_i32 : i32, i32
  }
  func.func @transform_4(%arg0: i32) -> (i32, i32) {
    %c0_i32 = arith.constant 0 : i32
    %c0_i32_0 = arith.constant 0 : i32
    %c0_i32_1 = arith.constant 0 : i32
    return %c0_i32, %c0_i32_0 : i32, i32
  }
  func.func @transform_5(%arg0: i32) -> (i32, i32) {
    %c0_i32 = arith.constant 0 : i32
    %c0_i32_0 = arith.constant 0 : i32
    %c0_i32_1 = arith.constant 0 : i32
    return %c0_i32, %c0_i32_0 : i32, i32
  }
  func.func @transform_6(%arg0: i32) -> (i32, i32) {
    %c0_i32 = arith.constant 0 : i32
    %c0_i32_0 = arith.constant 0 : i32
    %c0_i32_1 = arith.constant 0 : i32
    return %c0_i32, %c0_i32_0 : i32, i32
  }
  func.func @transform_7(%arg0: i32) -> (i32, i32) {
    %c0_i32 = arith.constant 0 : i32
    %c0_i32_0 = arith.constant 0 : i32
    return %arg0, %c0_i32 : i32, i32
  }
  func.func @transform_8(%arg0: i32) -> (i32, i32) {
    %c0_i32 = arith.constant 0 : i32
    %c0_i32_0 = arith.constant 0 : i32
    return %c0_i32, %arg0 : i32, i32
  }
  func.func @transform_9(%arg0: i32) -> (i32, i32) {
    %c0_i32 = arith.constant 0 : i32
    %c0_i32_0 = arith.constant 0 : i32
    return %c0_i32, %arg0 : i32, i32
  }
}

module attributes {stable_mosaic.version = 14 : i64} {
  func.func @_mm_body(%arg0: i32, %arg1: memref<1024x128xf32, #tpu.memory_space<vmem>>, %arg2: memref<1024x128xf32, #tpu.memory_space<vmem>>, %arg3: memref<1024x1xf32, #tpu.memory_space<vmem>>, %arg4: memref<1024x1xf32, #tpu.memory_space<vmem>>, %arg5: memref<128x128xf32, #tpu.memory_space<vmem>>, %arg6: memref<1x128xf32, #tpu.memory_space<vmem>>, %arg7: memref<1x128xf32, #tpu.memory_space<vmem>>, %arg8: memref<1024x128xf32, #tpu.memory_space<vmem>>, %arg9: memref<1x1024xf32, #tpu.memory_space<vmem>>, %arg10: memref<1x1024xf32, #tpu.memory_space<vmem>>) attributes {dimension_semantics = [#tpu.dimension_semantics<arbitrary>], iteration_bounds = array<i64: 10>, scalar_prefetch = 0 : i64, scratch_operands = 0 : i64, tpu.core_type = #tpu.core_type<tc>, window_params = [{transform_indices = @transform_0, window_bounds = array<i64: 1024, 128>}, {transform_indices = @transform_1, window_bounds = array<i64: 1024, 128>}, {transform_indices = @transform_2, window_bounds = array<i64: 1024, 1>}, {transform_indices = @transform_3, window_bounds = array<i64: 1024, 1>}, {pipeline_mode = #tpu.pipeline_mode<synchronous>, transform_indices = @transform_4, window_bounds = array<i64: 128, 128>}, {pipeline_mode = #tpu.pipeline_mode<synchronous>, transform_indices = @transform_5, window_bounds = array<i64: 1, 128>}, {pipeline_mode = #tpu.pipeline_mode<synchronous>, transform_indices = @transform_6, window_bounds = array<i64: 1, 128>}, {transform_indices = @transform_7, window_bounds = array<i64: 1024, 128>}, {transform_indices = @transform_8, window_bounds = array<i64: 1, 1024>}, {transform_indices = @transform_9, window_bounds = array<i64: 1, 1024>}]} {
    %get3A = arith.constant 0 : index
    %get3A_0 = arith.constant 0 : index
    %get3A_1 = vector.load %arg3[%get3A, %get3A_0] : memref<1024x1xf32, #tpu.memory_space<vmem>>, vector<1024x1xf32>
    %get3A_2 = arith.constant 0 : index
    %get3A_3 = arith.constant 0 : index
    %get3A_4 = vector.load %arg4[%get3A_2, %get3A_3] : memref<1024x1xf32, #tpu.memory_space<vmem>>, vector<1024x1xf32>
    %add3A = arith.addf %get3A_1, %get3A_4 : vector<1024x1xf32>
    %gt3A = arith.constant 0.000000e+00 : f32
    %gt3A_5 = vector.broadcast %gt3A : f32 to vector<1024x1xf32>
    %gt3A_6 = arith.cmpf ogt, %add3A, %gt3A_5 : vector<1024x1xf32>
    %div3A = arith.constant 1.000000e+00 : f32
    %div3A_7 = vector.broadcast %div3A : f32 to vector<1024x1xf32>
    %div3A_8 = arith.divf %div3A_7, %add3A : vector<1024x1xf32>
    %jit3A = arith.constant 0.000000e+00 : f32
    %broadcast_in_dim3A = vector.broadcast %jit3A : f32 to vector<1024x1xf32>
    %select_n3A = arith.select %gt3A_6, %div3A_8, %broadcast_in_dim3A : vector<1024x1xi1>, vector<1024x1xf32>
    %get3A_9 = arith.constant 0 : index
    %get3A_10 = arith.constant 0 : index
    %get3A_11 = vector.load %arg1[%get3A_9, %get3A_10] : memref<1024x128xf32, #tpu.memory_space<vmem>>, vector<1024x128xf32>
    %get3A_12 = arith.constant 0 : index
    %get3A_13 = arith.constant 0 : index
    %get3A_14 = vector.load %arg2[%get3A_12, %get3A_13] : memref<1024x128xf32, #tpu.memory_space<vmem>>, vector<1024x128xf32>
    %add3A_15 = arith.addf %get3A_11, %get3A_14 : vector<1024x128xf32>
    %mul3A = vector.broadcast %select_n3A : vector<1024x1xf32> to vector<1024x128xf32>
    %mul3A_16 = arith.mulf %add3A_15, %mul3A : vector<1024x128xf32>
    %max3A = arith.constant 0.000000e+00 : f32
    %max3A_17 = vector.broadcast %max3A : f32 to vector<1024x128xf32>
    %max3A_18 = arith.maximumf %mul3A_16, %max3A_17 : vector<1024x128xf32>
    %get3A_19 = arith.constant 0 : index
    %get3A_20 = arith.constant 0 : index
    %get3A_21 = vector.load %arg5[%get3A_19, %get3A_20] : memref<128x128xf32, #tpu.memory_space<vmem>>, vector<128x128xf32>
    %dot_general3A = arith.constant dense<0.000000e+00> : vector<1024x128xf32>
    %dot_general3A_22 = tpu.matmul %max3A_18, %get3A_21, %dot_general3A {dimension_numbers = #tpu.dot_dimension_numbers<[1], [0], [0], [1], [0, 0, 1, 1], [], []>, transpose_lhs_hint = false} : vector<1024x128xf32>, vector<128x128xf32>, vector<1024x128xf32> -> vector<1024x128xf32>
    %swap3A = arith.constant 0 : index
    %swap3A_23 = arith.constant 0 : index
    %swap3A_24 = vector.load %arg8[%swap3A, %swap3A_23] : memref<1024x128xf32, #tpu.memory_space<vmem>>, vector<1024x128xf32>
    tpu.vector_store %arg8[%swap3A, %swap3A_23], %dot_general3A_22 {strides = array<i32>} : memref<1024x128xf32, #tpu.memory_space<vmem>>, vector<1024x128xf32>,
    %get3A_25 = arith.constant 0 : index
    %get3A_26 = arith.constant 0 : index
    %get3A_27 = vector.load %arg6[%get3A_25, %get3A_26] : memref<1x128xf32, #tpu.memory_space<vmem>>, vector<1x128xf32>
    %mul3A_28 = vector.broadcast %get3A_27 : vector<1x128xf32> to vector<1024x128xf32>
    %mul3A_29 = arith.mulf %dot_general3A_22, %mul3A_28 : vector<1024x128xf32>
    %reduce_sum3A = arith.constant dense<0.000000e+00> : vector<1024xf32>
    %reduce_sum3A_30 = vector.multi_reduction <add>, %mul3A_29, %reduce_sum3A [1] : vector<1024x128xf32> to vector<1024xf32>
    %broadcast_in_dim3A_31 = vector.shape_cast %reduce_sum3A_30 : vector<1024xf32> to vector<1x1024xf32>
    %swap3A_32 = arith.constant 0 : index
    %swap3A_33 = arith.constant 0 : index
    %swap3A_34 = vector.load %arg9[%swap3A_32, %swap3A_33] : memref<1x1024xf32, #tpu.memory_space<vmem>>, vector<1x1024xf32>
    tpu.vector_store %arg9[%swap3A_32, %swap3A_33], %broadcast_in_dim3A_31 {strides = array<i32>} : memref<1x1024xf32, #tpu.memory_space<vmem>>, vector<1x1024xf32>,
    %get3A_35 = arith.constant 0 : index
    %get3A_36 = arith.constant 0 : index
    %get3A_37 = vector.load %arg7[%get3A_35, %get3A_36] : memref<1x128xf32, #tpu.memory_space<vmem>>, vector<1x128xf32>
    %mul3A_38 = vector.broadcast %get3A_37 : vector<1x128xf32> to vector<1024x128xf32>
    %mul3A_39 = arith.mulf %dot_general3A_22, %mul3A_38 : vector<1024x128xf32>
    %reduce_sum3A_40 = arith.constant dense<0.000000e+00> : vector<1024xf32>
    %reduce_sum3A_41 = vector.multi_reduction <add>, %mul3A_39, %reduce_sum3A_40 [1] : vector<1024x128xf32> to vector<1024xf32>
    %broadcast_in_dim3A_42 = vector.shape_cast %reduce_sum3A_41 : vector<1024xf32> to vector<1x1024xf32>
    %swap3A_43 = arith.constant 0 : index
    %swap3A_44 = arith.constant 0 : index
    %swap3A_45 = vector.load %arg10[%swap3A_43, %swap3A_44] : memref<1x1024xf32, #tpu.memory_space<vmem>>, vector<1x1024xf32>
    tpu.vector_store %arg10[%swap3A_43, %swap3A_44], %broadcast_in_dim3A_42 {strides = array<i32>} : memref<1x1024xf32, #tpu.memory_space<vmem>>, vector<1x1024xf32>,
    return
  }
  func.func @transform_0(%arg0: i32) -> (i32, i32) {
    %c0_i32 = arith.constant 0 : i32
    %c0_i32_0 = arith.constant 0 : i32
    return %arg0, %c0_i32 : i32, i32
  }
  func.func @transform_1(%arg0: i32) -> (i32, i32) {
    %c0_i32 = arith.constant 0 : i32
    %c0_i32_0 = arith.constant 0 : i32
    return %arg0, %c0_i32 : i32, i32
  }
  func.func @transform_2(%arg0: i32) -> (i32, i32) {
    %c0_i32 = arith.constant 0 : i32
    %c0_i32_0 = arith.constant 0 : i32
    return %arg0, %c0_i32 : i32, i32
  }
  func.func @transform_3(%arg0: i32) -> (i32, i32) {
    %c0_i32 = arith.constant 0 : i32
    %c0_i32_0 = arith.constant 0 : i32
    return %arg0, %c0_i32 : i32, i32
  }
  func.func @transform_4(%arg0: i32) -> (i32, i32) {
    %c0_i32 = arith.constant 0 : i32
    %c0_i32_0 = arith.constant 0 : i32
    %c0_i32_1 = arith.constant 0 : i32
    return %c0_i32, %c0_i32_0 : i32, i32
  }
  func.func @transform_5(%arg0: i32) -> (i32, i32) {
    %c0_i32 = arith.constant 0 : i32
    %c0_i32_0 = arith.constant 0 : i32
    %c0_i32_1 = arith.constant 0 : i32
    return %c0_i32, %c0_i32_0 : i32, i32
  }
  func.func @transform_6(%arg0: i32) -> (i32, i32) {
    %c0_i32 = arith.constant 0 : i32
    %c0_i32_0 = arith.constant 0 : i32
    %c0_i32_1 = arith.constant 0 : i32
    return %c0_i32, %c0_i32_0 : i32, i32
  }
  func.func @transform_7(%arg0: i32) -> (i32, i32) {
    %c0_i32 = arith.constant 0 : i32
    %c0_i32_0 = arith.constant 0 : i32
    return %arg0, %c0_i32 : i32, i32
  }
  func.func @transform_8(%arg0: i32) -> (i32, i32) {
    %c0_i32 = arith.constant 0 : i32
    %c0_i32_0 = arith.constant 0 : i32
    return %c0_i32, %arg0 : i32, i32
  }
  func.func @transform_9(%arg0: i32) -> (i32, i32) {
    %c0_i32 = arith.constant 0 : i32
    %c0_i32_0 = arith.constant 0 : i32
    return %c0_i32, %arg0 : i32, i32
  }
}

module attributes {stable_mosaic.version = 14 : i64} {
  func.func @_readout_body(%arg0: i32, %arg1: memref<1024x128xf32, #tpu.memory_space<vmem>>, %arg2: memref<1024x128xf32, #tpu.memory_space<vmem>>, %arg3: memref<1024x1xf32, #tpu.memory_space<vmem>>, %arg4: memref<1024x1xf32, #tpu.memory_space<vmem>>, %arg5: memref<1x128xf32, #tpu.memory_space<vmem>>) attributes {dimension_semantics = [#tpu.dimension_semantics<arbitrary>], iteration_bounds = array<i64: 10>, scalar_prefetch = 0 : i64, scratch_operands = 0 : i64, tpu.core_type = #tpu.core_type<tc>, window_params = [{transform_indices = @transform_0, window_bounds = array<i64: 1024, 128>}, {transform_indices = @transform_1, window_bounds = array<i64: 1024, 128>}, {transform_indices = @transform_2, window_bounds = array<i64: 1024, 1>}, {transform_indices = @transform_3, window_bounds = array<i64: 1024, 1>}, {pipeline_mode = #tpu.pipeline_mode<synchronous>, transform_indices = @transform_4, window_bounds = array<i64: 1, 128>}]} {
    %eq3A = arith.constant 0 : i32
    %eq3A_0 = arith.cmpi eq, %arg0, %eq3A : i32
    %convert_element_type3A = arith.extui %eq3A_0 : i1 to i32
    %cond3A = arith.constant 0 : i32
    %cond3A_1 = arith.cmpi ne, %convert_element_type3A, %cond3A : i32
    scf.if %cond3A_1 {
      %broadcast_in_dim3A_29 = arith.constant 0.000000e+00 : f32
      %broadcast_in_dim3A_30 = vector.broadcast %broadcast_in_dim3A_29 : f32 to vector<1x128xf32>
      %swap3A_31 = arith.constant 0 : index
      %swap3A_32 = arith.constant 0 : index
      %swap3A_33 = vector.load %arg5[%swap3A_31, %swap3A_32] : memref<1x128xf32, #tpu.memory_space<vmem>>, vector<1x128xf32>
      tpu.vector_store %arg5[%swap3A_31, %swap3A_32], %broadcast_in_dim3A_30 {strides = array<i32>} : memref<1x128xf32, #tpu.memory_space<vmem>>, vector<1x128xf32>,
    } else {
    }
    %get3A = arith.constant 0 : index
    %get3A_2 = arith.constant 0 : index
    %get3A_3 = vector.load %arg3[%get3A, %get3A_2] : memref<1024x1xf32, #tpu.memory_space<vmem>>, vector<1024x1xf32>
    %get3A_4 = arith.constant 0 : index
    %get3A_5 = arith.constant 0 : index
    %get3A_6 = vector.load %arg4[%get3A_4, %get3A_5] : memref<1024x1xf32, #tpu.memory_space<vmem>>, vector<1024x1xf32>
    %add3A = arith.addf %get3A_3, %get3A_6 : vector<1024x1xf32>
    %gt3A = arith.constant 0.000000e+00 : f32
    %gt3A_7 = vector.broadcast %gt3A : f32 to vector<1024x1xf32>
    %gt3A_8 = arith.cmpf ogt, %add3A, %gt3A_7 : vector<1024x1xf32>
    %div3A = arith.constant 1.000000e+00 : f32
    %div3A_9 = vector.broadcast %div3A : f32 to vector<1024x1xf32>
    %div3A_10 = arith.divf %div3A_9, %add3A : vector<1024x1xf32>
    %jit3A = arith.constant 0.000000e+00 : f32
    %broadcast_in_dim3A = vector.broadcast %jit3A : f32 to vector<1024x1xf32>
    %select_n3A = arith.select %gt3A_8, %div3A_10, %broadcast_in_dim3A : vector<1024x1xi1>, vector<1024x1xf32>
    %get3A_11 = arith.constant 0 : index
    %get3A_12 = arith.constant 0 : index
    %get3A_13 = vector.load %arg1[%get3A_11, %get3A_12] : memref<1024x128xf32, #tpu.memory_space<vmem>>, vector<1024x128xf32>
    %get3A_14 = arith.constant 0 : index
    %get3A_15 = arith.constant 0 : index
    %get3A_16 = vector.load %arg2[%get3A_14, %get3A_15] : memref<1024x128xf32, #tpu.memory_space<vmem>>, vector<1024x128xf32>
    %add3A_17 = arith.addf %get3A_13, %get3A_16 : vector<1024x128xf32>
    %mul3A = vector.broadcast %select_n3A : vector<1024x1xf32> to vector<1024x128xf32>
    %mul3A_18 = arith.mulf %add3A_17, %mul3A : vector<1024x128xf32>
    %max3A = arith.constant 0.000000e+00 : f32
    %max3A_19 = vector.broadcast %max3A : f32 to vector<1024x128xf32>
    %max3A_20 = arith.maximumf %mul3A_18, %max3A_19 : vector<1024x128xf32>
    %get3A_21 = arith.constant 0 : index
    %get3A_22 = arith.constant 0 : index
    %get3A_23 = vector.load %arg5[%get3A_21, %get3A_22] : memref<1x128xf32, #tpu.memory_space<vmem>>, vector<1x128xf32>
    %reduce_sum3A = arith.constant dense<0.000000e+00> : vector<128xf32>
    %reduce_sum3A_24 = vector.multi_reduction <add>, %max3A_20, %reduce_sum3A [0] : vector<1024x128xf32> to vector<128xf32>
    %broadcast_in_dim3A_25 = vector.shape_cast %reduce_sum3A_24 : vector<128xf32> to vector<1x128xf32>
    %add3A_26 = arith.addf %get3A_23, %broadcast_in_dim3A_25 : vector<1x128xf32>
    %swap3A = arith.constant 0 : index
    %swap3A_27 = arith.constant 0 : index
    %swap3A_28 = vector.load %arg5[%swap3A, %swap3A_27] : memref<1x128xf32, #tpu.memory_space<vmem>>, vector<1x128xf32>
    tpu.vector_store %arg5[%swap3A, %swap3A_27], %add3A_26 {strides = array<i32>} : memref<1x128xf32, #tpu.memory_space<vmem>>, vector<1x128xf32>,
    return
  }
  func.func @transform_0(%arg0: i32) -> (i32, i32) {
    %c0_i32 = arith.constant 0 : i32
    %c0_i32_0 = arith.constant 0 : i32
    return %arg0, %c0_i32 : i32, i32
  }
  func.func @transform_1(%arg0: i32) -> (i32, i32) {
    %c0_i32 = arith.constant 0 : i32
    %c0_i32_0 = arith.constant 0 : i32
    return %arg0, %c0_i32 : i32, i32
  }
  func.func @transform_2(%arg0: i32) -> (i32, i32) {
    %c0_i32 = arith.constant 0 : i32
    %c0_i32_0 = arith.constant 0 : i32
    return %arg0, %c0_i32 : i32, i32
  }
  func.func @transform_3(%arg0: i32) -> (i32, i32) {
    %c0_i32 = arith.constant 0 : i32
    %c0_i32_0 = arith.constant 0 : i32
    return %arg0, %c0_i32 : i32, i32
  }
  func.func @transform_4(%arg0: i32) -> (i32, i32) {
    %c0_i32 = arith.constant 0 : i32
    %c0_i32_0 = arith.constant 0 : i32
    %c0_i32_1 = arith.constant 0 : i32
    return %c0_i32, %c0_i32_0 : i32, i32
  }
}

</mosaic_0001>

<sc_bundles>
// kernel: kernel.12.cloned.1.call-start
scs
__scs_entry_jumppad:
0x0: {  	(pc) =	sbr.rel $0x88, $3  }
0x1: {  	(tag) =	ssettag $0x0;
	lr =	simm.s32 $0x1  }
0x2: {  	[smem:$0x3F96] =	sst lr;
	_ =	strace $0xD0000000  }
0x3: {  	_ = 	snop  }
0x4: {  	_ = 	snop  }
0x5: {  	_ = 	snop  }
0x6: {  	_ = 	snop  }
0x7: {  	_ = 	snop  }
__scs_overlays_trampoline_lowered:
0x8: {  	[smem:$0x3FA5] =	sst s0  }
0x9: {  	[smem:$0x3FA6] =	sst s1  }
0xa: {  	[smem:$0x3FA7] =	sst s2  }
0xb: {  	[smem:$0x3FA8] =	sst s3  }
0xc: {  	[smem:$0x3FA9] =	sst s4  }
0xd: {  	[smem:$0x3FAA] =	sst s5  }
0xe: {  	[smem:$0x3FAB] =	sst s6  }
0xf: {  	[smem:$0x3FAC] =	sst s7  }
0x10: {  	[smem:$0x3FAD] =	sst s8  }
0x11: {  	[smem:$0x3FAE] =	sst s9;
	s0 =	simm.s32 @!p0 $0x0  }
0x12: {  	s1 =	sld [smem:$0x3F94];
	s0 =	simm.s32 @p0 $0x1  }
0x13: {  	[smem:$0x3FAF] =	sst s0;
	s0 =	simm.s32 @!p1 $0x0  }
0x14: {  	s2 =	sld [smem:$0x3F93];
	s0 =	simm.s32 @p1 $0x1  }
0x15: {  	[smem:$0x3FB0] =	sst s0;
	s0 =	simm.s32 @!p2 $0x0  }
0x16: {  	s3 =	sld [smem:$0x3FDB];
	s0 =	simm.s32 @p2 $0x1  }
0x17: {  	s4 =	simm.s32 $0x1BF5;
	[smem:$0x3FB2] =	sst s0  }
0x18: {  	s0 =	sld [smem:$0x3F95];
	_ =	swait.ge [sflag:s4], $0x0  }
0x19: {  	s7 =	sld [smem:$0x3F96]  }
0x1a: {  	s8 =	sadd.s32 $0xFFFFE003, lr  }
0x1b: {  	s9 =	sadd.s32 $0xFFFFFEF7, lr;
	s5 =	simm.s32 $0xFFFFFFFF;
	p2 =	slt.u32 s8, $0xFFFFF086  }
0x1c: {  	p1 =	slt.u32 s9, $0xF7A;
	s5 =	simm.s32 @!p2 $0x0  }
0x1d: {  	s5 =	simm.s32 @p1 $0x1;
	p0 =	seq.s32 s7, s2  }
0x1e: {  	s7 =	smul.u32 @!p0 $0xF7A, s2;
	p2 =	seq.s32 @!p0 s5, $0x0  }
0x1f: {  	s9 =	smul.u32 $0xF7A, s1;
	s8 =	simm.s32 @!p0 $0x1BF5;
	p2 =	por !p2, p0  }
0x20: {  	[sflag:s8] =	ssyncset.s32 @!p0 $0xFFFFF086;
	s6 =	sadd.s32 @!p0 s3, s7;
	s7 =	simm.s32 @!p0 $0x108  }
0x21: {  	s3 =	sadd.s32 s3, s9;
	s6 =	sadd.s32 @!p0 $0x88, s6;
	s7 =	simm.s32 @p2 $0x1082  }
0x22: {  	[simem:s7], [sflag:s8] =	dma.local @!p0 [hbm:s6], $0xF7A  }
0x23: {  	s9 =	sor.u32 $0xD0000000, s2;
	s6 =	simm.s32 $0x108;
	_ =	swait.ge @!p0 [sflag:s8], $0x0  }
0x24: {  	s3 =	sadd.s32 $0x88, s3;
	s6 =	simm.s32 @!p1 $0x1082;
	[sflag:s4] =	ssyncset.s32 $0xFFFFF086  }
0x25: {  	[simem:s6], [sflag:s4] =	dma.local [hbm:s3], $0xF7A  }
0x26: {  	[smem:$0x3F96] =	sst s1;
	(tag) =	ssettag s2;
	_ =	strace s9  }
0x27: {  	s1 =	sld [smem:$0x3FA6]  }
0x28: {  	s2 =	sld [smem:$0x3FA7]  }
0x29: {  	s4 =	sld [smem:$0x3FA9]  }
0x2a: {  	p0 =	seq.s32 s5, $0x0;
	s5 =	sld [smem:$0x3FAA]  }
0x2b: {  	s6 =	sld [smem:$0x3FAB]  }
0x2c: {  	s7 =	sld [smem:$0x3FAC]  }
0x2d: {  	s3 =	simm.s32 $0x108;
	s8 =	sld [smem:$0x3FAD]  }
0x2e: {  	s3 =	simm.s32 @!p0 $0x1082;
	s9 =	sld [smem:$0x3FAE]  }
0x2f: {  	lr =	sadd.s32 s0, s3;
	s0 =	sld [smem:$0x3FA5]  }
0x30: {  	s3 =	sld [smem:$0x3FA8]  }
0x31: {  	[smem:$0x3FB1] =	sst s10  }
0x32: {  	s10 =	sld [smem:$0x3FAF];
	_ =	sdelay $0x3  }
0x33: {  	p0 =	seq.s32 s10, $0x1;
	s10 =	sld [smem:$0x3FB1];
	_ =	sdelay $0x3  }
0x34: {  	[smem:$0x3FB1] =	sst s10  }
0x35: {  	s10 =	sld [smem:$0x3FB0];
	_ =	sdelay $0x3  }
0x36: {  	p1 =	seq.s32 s10, $0x1;
	s10 =	sld [smem:$0x3FB1];
	_ =	sdelay $0x3  }
0x37: {  	[smem:$0x3FB1] =	sst s10  }
0x38: {  	s10 =	sld [smem:$0x3FB2]  }
0x39: {  	_ = 	snop;
	(pc) =	sbr.ind lr, $3  }
0x3a: {  	_ = 	snop  }
0x3b: {  	_ = 	snop  }
0x3c: {  	p2 =	seq.s32 s10, $0x1;
	s10 =	sld [smem:$0x3FB1]  }
0x3d: {  	_ =	shalt  }
0x3e: {  	_ =	shalt  }
0x3f: {  	_ =	shalt  }
0x40: {  	_ =	shalt  }
0x41: {  	_ =	shalt  }
0x42: {  	_ =	shalt  }
0x43: {  	_ =	shalt  }
0x44: {  	_ =	shalt  }
0x45: {  	_ =	shalt  }
0x46: {  	_ =	shalt  }
0x47: {  	_ =	shalt  }
0x48: {  	_ =	shalt  }
0x49: {  	_ =	shalt  }
0x4a: {  	_ =	shalt  }
0x4b: {  	_ =	shalt  }
0x4c: {  	_ =	shalt  }
0x4d: {  	_ =	shalt  }
0x4e: {  	_ =	shalt  }
0x4f: {  	_ =	shalt  }
0x50: {  	_ =	shalt  }
0x51: {  	_ =	shalt  }
0x52: {  	_ =	shalt  }
0x53: {  	_ =	shalt  }
0x54: {  	_ =	shalt  }
0x55: {  	_ =	shalt  }
0x56: {  	_ =	shalt  }
0x57: {  	_ =	shalt  }
0x58: {  	_ =	shalt  }
0x59: {  	_ =	shalt  }
0x5a: {  	_ =	shalt  }
0x5b: {  	_ =	shalt  }
0x5c: {  	_ =	shalt  }
0x5d: {  	_ =	shalt  }
0x5e: {  	_ =	shalt  }
0x5f: {  	_ =	shalt  }
0x60: {  	_ =	shalt  }
0x61: {  	_ =	shalt  }
0x62: {  	_ =	shalt  }
0x63: {  	_ =	shalt  }
0x64: {  	_ =	shalt  }
0x65: {  	_ =	shalt  }
0x66: {  	_ =	shalt  }
0x67: {  	_ =	shalt  }
0x68: {  	_ =	shalt  }
0x69: {  	_ =	shalt  }
0x6a: {  	_ =	shalt  }
0x6b: {  	_ =	shalt  }
0x6c: {  	_ =	shalt  }
0x6d: {  	_ =	shalt  }
0x6e: {  	_ =	shalt  }
0x6f: {  	_ =	shalt  }
0x70: {  	_ =	shalt  }
0x71: {  	_ =	shalt  }
0x72: {  	_ =	shalt  }
0x73: {  	_ =	shalt  }
0x74: {  	_ =	shalt  }
0x75: {  	_ =	shalt  }
0x76: {  	_ =	shalt  }
0x77: {  	_ =	shalt  }
0x78: {  	_ =	shalt  }
0x79: {  	_ =	shalt  }
0x7a: {  	_ =	shalt  }
0x7b: {  	_ =	shalt  }
0x7c: {  	_ =	shalt  }
0x7d: {  	_ =	shalt  }
0x7e: {  	_ =	shalt  }
0x7f: {  	_ =	shalt  }
0x80: {  	_ =	shalt  }
0x81: {  	_ =	shalt  }
0x82: {  	_ =	shalt  }
0x83: {  	_ =	shalt  }
0x84: {  	_ =	shalt  }
0x85: {  	_ =	shalt  }
0x86: {  	_ =	shalt  }
0x87: {  	_ =	shalt  }
.Lfunc_end0:
.L_simem_size_0:
called_computation.1_lowered:
.L_overlay_start_0:
0x88: {  	s2 =	sld [smem:$0x3FD9]  }
0x89: {  	s3 =	sld [smem:$0x3FFE];
	_ =	sdelay $0x1  }
0x8a: {  	s1 =	srdreg.scid  }
0x8b: {  	s0 =	sand.u32 $0x1, s1  }
0x8c: {  	s16 =	sshll.u32 s0, $0xA;
	s2 =	sadd.s32 s3, s2  }
0x8d: {  	s2 =	sadd.s32 s2, s16  }
0x8e: {  	[smem:$0x3FBD] =	sst s2  }
0x8f: {  	_ = 	snop  }
0x90: {  	(tm) =	ssettm $0x1  }
0x91: {  	s17 =	sld [smem:$0x3FFB];
	_ =	sdelay $0x3  }
0x92: {  	_ =	strace s17  }
0x93: {  	s2 =	sld [smem:$0x3FFC];
	_ =	sdelay $0x3  }
0x94: {  	_ =	strace s2  }
0x95: {  	s2 =	sld [smem:$0x3FFD];
	_ =	sdelay $0x3  }
0x96: {  	_ =	strace s2  }
0x97: {  	_ =	strace $0x8FFFFFFF  }
0x98: {  	s18 =	sld [smem:$0x3FDB];
	_ =	sdelay $0x1  }
0x99: {  	s19 =	simm.s32 $_scs_section_size  }
0x9a: {  	s4 =	simm.s32 $_size__tile_overlayer_lowered;
	s5 =	simm.s32 $_tile_overlayer_lowered  }
0x9b: {  	s22 =	simm.s32 $0x1BFF;
	s21 =	sshll.u32 s5, $0x1;
	s2 =	sadd.s32 s19, s18  }
0x9c: {  	s6 =	simm.s32 $0x0;
	s20 =	sshll.u32 s4, $0x1;
	s4 =	sadd.s32 s21, s2  }
0x9d: {  	[timem:s6], [sflag:s22] =	dma.local [hbm:s4], s20  }
0x9e: {  	_ =	swait.ge [sflag:s22], s20  }
0x9f: {  	s3 =	ssub.s32 $0x0, s20;
	[sflag:s22] =	ssyncset.done $0x0  }
0xa0: {  	[sflag:s22] =	ssyncadd.s32 s3;
	_ =	sdelay $0x1  }
0xa1: {  	s23 =	simm.s32 $0x1B8B  }
0xa2: {  	_ =	swait.ge [sflag:s23], $0x1  }
0xa3: {  	[sflag:s23] =	ssyncset.done $0x0  }
0xa4: {  	s25 =	simm.s32 $0x1B8E;
	s24 =	sld [smem:$0x3FFE];
	[sflag:s23] =	ssyncadd.s32 $0xFFFFFFFF  }
0xa5: {  	s26 =	simm.s32 $execute0_lowered;
	[smem:$0x3FD2] =	sst s25  }
0xa6: {  	s4 =	sshll.u32 s26, $0x1;
	_ =	strace $0x80000049;
	[dreg:$0x1] =	wrdreg $0xFFFFFFFF  }
0xa7: {  	s28 =	simm.s32 $_size_execute0_lowered;
	s2 =	sadd.s32 s2, s4;
	[dreg:$0x0] =	wrdreg $0x0  }
0xa8: {  	s4 =	sshll.u32 s28, $0x1;
	[dreg:$0x2] =	wrdreg s2  }
0xa9: {  	[dreg:$0x3] =	wrdreg s4  }
0xaa: {  	[dreg:$0x4] =	wrdreg $0xC0  }
0xab: {  	_ =	task [dreg:s6], $0x5FFFF  }
0xac: {  	[dreg:$0x1] =	wrdreg $0xFFFFFFFF  }
0xad: {  	[dreg:$0x0] =	wrdreg $0x60  }
0xae: {  	[dreg:$0x2] =	wrdreg s24  }
0xaf: {  	[dreg:$0x3] =	wrdreg $0xAD000  }
0xb0: {  	[dreg:$0x4] =	wrdreg $0xAA800  }
0xb1: {  	[dreg:$0x5] =	wrdreg $0x9  }
0xb2: {  	_ =	task.clear_ibuf [dreg:s6], $0x6FFFF;
	_ =	strace $0x90000049  }
0xb3: {  	s29 =	simm.s32 $0x9;
	_ =	strace $0x8000004B  }
0xb4: {  	_ =	swait.ge [sflag:s29], $0x1  }
0xb5: {  	[sflag:s29] =	ssyncadd.s32 $0xFFFFFFFF  }
0xb6: {  	_ =	strace $0x9000004B  }
0xb7: {  	_ =	sfence  }
0xb8: {  	s30 =	sld [smem:$0x0];
	_ =	sdelay $0x2  }
0xb9: {  	s31 =	sshll.u32 s1, $0xD;
	s1 =	sshrl.u32 s1, $0x2  }
0xba: {  	s3 =	sand.u32 $0x4000, s31;
	s1 =	sadd.s32 s1, s30  }
0xbb: {  	s0 =	sor.u32 s3, s0;
	s1 =	sshll.u32 s1, $0x11  }
0xbc: {  	s0 =	sor.u32 s1, s0  }
0xbd: {  	s0 =	sadd.s32 $0x8F2B, s0  }
0xbe: {  	[sflag:s0] =	ssyncadd.remote.s32 $0x1  }
0xbf: {  	_ =	sfence.sel $0xFFFF  }
0xc0: {  	[dreg:$0x0] =	wrdreg $0xFFFFFFFF;
	(pc) =	sbr.abs _section_cstart, $3  }
0xc1: {  	[dreg:$0x1] =	wrdreg $0xFFFFFFFF  }
0xc2: {  	_ =	task.clear_ibuf [dreg:s6], $0x2FFFF;
	_ =	strace $0x9FFFFFFF  }
0xc3: {  	(tm) =	ssettm $0x7FFFFFFF  }
tec
execute0_lowered:
.L_overlay_start_1:
0x0: {  	(tag) =	ssettag $0x1  }
0x1: {  	s0 =	rddreg [dreg:$0x0]  }
0x2: {  	s1 =	rddreg [dreg:$0x1]  }
0x3: {  	s2 =	rddreg [dreg:$0x2]  }
0x4: {  	s3 =	simm.s32 $0x0;
	s6 =	srdreg.scid;
	s15 =	stileid.u32  }
0x5: {  	s29 =	simm.s32 $0x6800;
	s30 =	simm.s32 $0x5000;
	s31 =	simm.s32 $0x5800  }
0x6: {  	s28 =	simm.s32 $0x6000;
	[smem:$0x7FF] =	sst s3;
	s4 =	sadd.s32 $0x2D200, s0  }
0x7: {  	s5 =	sadd.s32 $0x55200, s0;
	s25 =	sadd.s32 $0x55800, s0;
	s8 =	sadd.s32 $0x19200, s0  }
0x8: {  	s9 =	sadd.s32 $0x5200, s0;
	s7 =	sadd.s32 $0x56A00, s0;
	s10 =	smul.u32 $0x50000, s15  }
0x9: {  	s6 =	sand.u32 $0x1, s6;
	s11 =	sadd.s32 $0x55E00, s0;
	s13 =	smul.u32 $0x280, s15  }
0xa: {  	s19 =	smul.u32 $0x2800, s15;
	_ =	strace $0x8000004A;
	[dreg:$0x4] =	wrdreg s5  }
0xb: {  	[dreg:$0x5] =	wrdreg s25;
	s5 =	sadd.s32 $0x7EA00, s0;
	p0 =	seq.s32 s6, $0x1  }
0xc: {  	s12 =	ssub.s32 $0x2, s6;
	s0 =	sadd.s32 $0x56400, s0;
	s5 =	smov.u32 @p0 s7  }
0xd: {  	s10 =	sshrl.u32 s10, $0x2;
	s11 =	smov.u32 @p0 s0;
	s5 =	sadd.s32 s5, s19  }
0xe: {  	s25 =	sshrl.u32 s13, $0x3;
	s16 =	sadd.s32 s10, s1;
	[dreg:$0xf] =	wrdreg s5  }
0xf: {  	s14 =	sshrl.u32 s12, $0x1;
	s0 =	sadd.s32 s11, s25;
	[dreg:$0x7] =	wrdreg s16  }
0x10: {  	s12 =	ssub.s32 s12, s14;
	s14 =	sadd.s32 s13, s2;
	[dreg:$0x13] =	wrdreg s0  }
0x11: {  	s6 =	sshll.u32 s6, $0x4;
	s10 =	sadd.s32 $0x2000, s16;
	[dreg:$0x6] =	wrdreg s14  }
0x12: {  	s23 =	sor.u32 s15, s6;
	s26 =	sadd.s32 $0x4000, s16;
	[dreg:$0x8] =	wrdreg s10  }
0x13: {  	s6 =	simm.s32 $0x0;
	s17 =	sadd.s32 $0x6000, s16;
	[dreg:$0x9] =	wrdreg s26  }
0x14: {  	s25 =	simm.s32 $0x3;
	s18 =	sadd.s32 $0x8000, s16;
	[dreg:$0xa] =	wrdreg s17  }
0x15: {  	s19 =	simm.s32 $0x6700;
	s20 =	sadd.s32 $0xC000, s16;
	[dreg:$0xb] =	wrdreg s18  }
0x16: {  	s11 =	simm.s32 $0x2;
	s21 =	sadd.s32 $0xE000, s16;
	[dreg:$0xd] =	wrdreg s20  }
0x17: {  	s22 =	sadd.s32 $0x10000, s16;
	s24 =	sadd.s32 $0x12000, s16;
	[dreg:$0xe] =	wrdreg s21  }
.Ltmp0:
0x18: {  	s0 =	simm.s32 $0x40;
	[dreg:$0x10] =	wrdreg s22;
	(pc) =	sbr.rel .LBB2_1-.Ltmp0, $4  }
0x19: {  	s17 =	sadd.s32 $0xA000, s16;
	[dreg:$0x11] =	wrdreg s24;
	s22 =	smul.u32 $0x5000, s23  }
0x1a: {  	s26 =	smax.u32 s12, $0x1;
	s20 =	simm.s32 $0x5F80;
	s21 =	simm.s32 $0x6780  }
0x1b: {  	s23 =	simm.s32 $0x5080;
	s24 =	simm.s32 $0x8800;
	[dreg:$0xc] =	wrdreg s17  }
0x1c: {  	v0 =	vimm.f32 $0.0e+00;
	s10 =	simm.s32 $0x1;
	[dreg:$0x12] =	wrdreg s26;
	s26 =	simm.s32 $0x2800  }
.LBB2_14:
0x1d: {  	s5 =	stileid.u32;
	[bflag:$0x0] =	sbarrier.arrive $0xFFFF  }
0x1e: {  	s5 =	sshll.u32 s5, $0x6;
	s6 =	rddreg [dreg:$0x7]  }
0x1f: {  	s7 =	rddreg [dreg:$0xf];
	s5 =	sor.u32 $0x1C03, s5;
	s6 =	sshrl.u32 s6, $0x3  }
0x20: {  	[hbm:s7], [sflag:s5] =	dma.local [spmem:s6], $0x2800  }
0x21: {  	_ =	swait.ge [sflag:s25], $0x2800  }
0x22: {  	[sflag:s25] =	ssyncset.done $0x0;
	s14 =	rddreg [dreg:$0x6]  }
0x23: {  	s16 =	rddreg [dreg:$0x13];
	[sflag:s25] =	ssyncadd.s32 $0xFFFFD800;
	s15 =	sshrl.u32 s14, $0x3  }
0x24: {  	[hbm:s16], [sflag:s5] =	dma.local [spmem:s15], $0x50  }
0x25: {  	_ =	swait.ge [sflag:s25], $0x50  }
0x26: {  	s17 =	rddreg [dreg:$0x14]  }
0x27: {  	s18 =	rddreg [dreg:$0x12];
	s6 =	sadd.s32 $0x1, s17  }
0x28: {  	p0 =	sne.s32 s6, s18  }
.Ltmp1:
0x29: {  	_ = 	snop;
	(pc) =	sbr.rel @!p0 .LBB2_15-.Ltmp1, $3  }
0x2a: {  	_ =	sdelay $0x1  }
0x2b: {  	[sflag:s25] =	ssyncset.done $0x0  }
0x2c: {  	[sflag:s25] =	ssyncadd.s32 $0xFFFFFFB0  }
.LBB2_1:
0x2d: {  	[dreg:$0x14] =	wrdreg s6  }
0x2e: {  	s5 =	rddreg [dreg:$0x4]  }
0x2f: {  	[tilespmem:s3], [sflag:$0x3] =	stream.linear.gather [hbm4b:s5+s3], $0x2800, $0x38;
	[tilespmem:$0x1ED00] =	vst v63  }
0x30: {  	_ =	swait.ge [sflag:s25], $0x2800  }
0x31: {  	[sflag:s25] =	ssyncset.done $0x0  }
0x32: {  	s18 =	rddreg [dreg:$0x5];
	[sflag:s25] =	ssyncadd.s32 $0xFFFFD800  }
0x33: {  	[tilespmem:s26], [sflag:$0x3] =	stream.linear.gather [hbm4b:s18+s3], $0x2800, $0x38;
	[tilespmem:$0x1ED00] =	vst v63  }
0x34: {  	_ =	swait.ge [sflag:s25], $0x2800  }
0x35: {  	[sflag:s25] =	ssyncset.done $0x0  }
0x36: {  	[sflag:s25] =	ssyncadd.s32 $0xFFFFD800  }
0x37: {  	[tilespmem:$0xA800] =	vst v0  }
0x38: {  	[tilespmem:$0xA810] =	vst v0  }
0x39: {  	[tilespmem:$0xA820] =	vst v0  }
0x3a: {  	[tilespmem:$0xA830] =	vst v0  }
0x3b: {  	[tilespmem:$0xA840] =	vst v0  }
0x3c: {  	[tilespmem:$0xA850] =	vst v0  }
0x3d: {  	[tilespmem:$0xA860] =	vst v0  }
0x3e: {  	[tilespmem:$0xA870] =	vst v0  }
0x3f: {  	[tilespmem:$0xA880] =	vst v0  }
0x40: {  	[tilespmem:$0xA890] =	vst v0  }
0x41: {  	[tilespmem:$0xA8A0] =	vst v0  }
0x42: {  	[tilespmem:$0xA8B0] =	vst v0  }
0x43: {  	[tilespmem:$0xA8C0] =	vst v0  }
0x44: {  	[tilespmem:$0xA8D0] =	vst v0  }
0x45: {  	[tilespmem:$0xA8E0] =	vst v0  }
0x46: {  	[tilespmem:$0xA8F0] =	vst v0  }
0x47: {  	[tilespmem:$0xA900] =	vst v0  }
0x48: {  	[tilespmem:$0xA910] =	vst v0  }
0x49: {  	[tilespmem:$0xA920] =	vst v0  }
0x4a: {  	[tilespmem:$0xA930] =	vst v0  }
0x4b: {  	[tilespmem:$0xA940] =	vst v0  }
0x4c: {  	[tilespmem:$0xA950] =	vst v0  }
0x4d: {  	[tilespmem:$0xA960] =	vst v0  }
0x4e: {  	[tilespmem:$0xA970] =	vst v0  }
0x4f: {  	[tilespmem:$0xA980] =	vst v0  }
0x50: {  	[tilespmem:$0xA990] =	vst v0  }
0x51: {  	[tilespmem:$0xA9A0] =	vst v0  }
0x52: {  	[tilespmem:$0xA9B0] =	vst v0  }
0x53: {  	[tilespmem:$0xA9C0] =	vst v0  }
0x54: {  	[tilespmem:$0xA9D0] =	vst v0  }
0x55: {  	[tilespmem:$0xA9E0] =	vst v0  }
0x56: {  	[tilespmem:$0xA9F0] =	vst v0  }
0x57: {  	[tilespmem:$0xAA00] =	vst v0  }
0x58: {  	[tilespmem:$0xAA10] =	vst v0  }
0x59: {  	[tilespmem:$0xAA20] =	vst v0  }
0x5a: {  	[tilespmem:$0xAA30] =	vst v0  }
0x5b: {  	[tilespmem:$0xAA40] =	vst v0  }
0x5c: {  	[tilespmem:$0xAA50] =	vst v0  }
0x5d: {  	[tilespmem:$0xAA60] =	vst v0  }
0x5e: {  	s6 =	simm.s32 $0x200;
	s5 =	simm.s32 $0x0;
	[tilespmem:$0xAA70] =	vst v0  }
.LBB2_2:
0x5f: {  	p0 =	sne.s32 s6, $0x7E00;
	[tilespmem:s5+$0x6870] =	vst v0  }
0x60: {  	[tilespmem:s5+$0x6800] =	vst v0  }
0x61: {  	[tilespmem:s5+$0x6810] =	vst v0  }
.Ltmp2:
0x62: {  	[tilespmem:s5+$0x6820] =	vst v0;
	(pc) =	sbr.rel @p0 .LBB2_2-.Ltmp2, $4  }
0x63: {  	[tilespmem:s5+$0x6830] =	vst v0  }
0x64: {  	[tilespmem:s5+$0x6840] =	vst v0  }
0x65: {  	[tilespmem:s5+$0x6850] =	vst v0  }
0x66: {  	[tilespmem:s5+$0x6860] =	vst v0;
	s5 =	sshra.s32 s6, $0x2;
	s6 =	sadd.s32 $0x200, s6  }
0x67: {  	[tilespmem:s5+$0x6870] =	vst v0  }
0x68: {  	[tilespmem:s5+$0x6800] =	vst v0  }
0x69: {  	[tilespmem:s5+$0x6810] =	vst v0  }
0x6a: {  	[tilespmem:s5+$0x6820] =	vst v0  }
0x6b: {  	[tilespmem:s5+$0x6830] =	vst v0  }
0x6c: {  	[tilespmem:s5+$0x6840] =	vst v0  }
0x6d: {  	[tilespmem:s5+$0x6850] =	vst v0  }
0x6e: {  	[tilespmem:s5+$0x6860] =	vst v0;
	s17 =	simm.s32 $0xA800  }
0x6f: {  	[spmem:s14] =	stream.linear.scatter [tilespmem:s17], [sflag:$0x3], $0x280, $0x38;
	[tilespmem:$0x1ED00] =	vst v63  }
0x70: {  	_ =	swait.ge [sflag:s25], $0x280  }
0x71: {  	[sflag:s25] =	ssyncset.done $0x0  }
0x72: {  	s18 =	rddreg [dreg:$0x7];
	[sflag:s25] =	ssyncadd.s32 $0xFFFFFD80  }
0x73: {  	[spmem:s18] =	stream.linear.scatter [tilespmem:s29], [sflag:$0x3], $0x2000, $0x38;
	[tilespmem:$0x1ED00] =	vst v63  }
0x74: {  	_ =	swait.ge [sflag:s25], $0x2000  }
0x75: {  	[sflag:s25] =	ssyncset.done $0x0  }
0x76: {  	s6 =	rddreg [dreg:$0x8];
	[sflag:s25] =	ssyncadd.s32 $0xFFFFE000  }
0x77: {  	[spmem:s6] =	stream.linear.scatter [tilespmem:s29], [sflag:$0x3], $0x2000, $0x38;
	[tilespmem:$0x1ED00] =	vst v63  }
0x78: {  	_ =	swait.ge [sflag:s25], $0x2000  }
0x79: {  	[sflag:s25] =	ssyncset.done $0x0  }
0x7a: {  	s7 =	rddreg [dreg:$0x9];
	[sflag:s25] =	ssyncadd.s32 $0xFFFFE000  }
0x7b: {  	[spmem:s7] =	stream.linear.scatter [tilespmem:s29], [sflag:$0x3], $0x2000, $0x38;
	[tilespmem:$0x1ED00] =	vst v63  }
0x7c: {  	_ =	swait.ge [sflag:s25], $0x2000  }
0x7d: {  	[sflag:s25] =	ssyncset.done $0x0  }
0x7e: {  	s12 =	rddreg [dreg:$0xa];
	[sflag:s25] =	ssyncadd.s32 $0xFFFFE000  }
0x7f: {  	[spmem:s12] =	stream.linear.scatter [tilespmem:s29], [sflag:$0x3], $0x2000, $0x38;
	[tilespmem:$0x1ED00] =	vst v63  }
0x80: {  	_ =	swait.ge [sflag:s25], $0x2000  }
0x81: {  	[sflag:s25] =	ssyncset.done $0x0  }
0x82: {  	s13 =	rddreg [dreg:$0xb];
	[sflag:s25] =	ssyncadd.s32 $0xFFFFE000  }
0x83: {  	[spmem:s13] =	stream.linear.scatter [tilespmem:s29], [sflag:$0x3], $0x2000, $0x38;
	[tilespmem:$0x1ED00] =	vst v63  }
0x84: {  	_ =	swait.ge [sflag:s25], $0x2000  }
0x85: {  	[sflag:s25] =	ssyncset.done $0x0  }
0x86: {  	s14 =	rddreg [dreg:$0xc];
	[sflag:s25] =	ssyncadd.s32 $0xFFFFE000  }
0x87: {  	[spmem:s14] =	stream.linear.scatter [tilespmem:s29], [sflag:$0x3], $0x2000, $0x38;
	[tilespmem:$0x1ED00] =	vst v63  }
0x88: {  	_ =	swait.ge [sflag:s25], $0x2000  }
0x89: {  	[sflag:s25] =	ssyncset.done $0x0  }
0x8a: {  	s15 =	rddreg [dreg:$0xd];
	[sflag:s25] =	ssyncadd.s32 $0xFFFFE000  }
0x8b: {  	[spmem:s15] =	stream.linear.scatter [tilespmem:s29], [sflag:$0x3], $0x2000, $0x38;
	[tilespmem:$0x1ED00] =	vst v63  }
0x8c: {  	_ =	swait.ge [sflag:s25], $0x2000  }
0x8d: {  	[sflag:s25] =	ssyncset.done $0x0  }
0x8e: {  	s16 =	rddreg [dreg:$0xe];
	[sflag:s25] =	ssyncadd.s32 $0xFFFFE000  }
0x8f: {  	[spmem:s16] =	stream.linear.scatter [tilespmem:s29], [sflag:$0x3], $0x2000, $0x38;
	[tilespmem:$0x1ED00] =	vst v63  }
0x90: {  	_ =	swait.ge [sflag:s25], $0x2000  }
0x91: {  	[sflag:s25] =	ssyncset.done $0x0  }
0x92: {  	s17 =	rddreg [dreg:$0x10];
	[sflag:s25] =	ssyncadd.s32 $0xFFFFE000  }
0x93: {  	[spmem:s17] =	stream.linear.scatter [tilespmem:s29], [sflag:$0x3], $0x2000, $0x38;
	[tilespmem:$0x1ED00] =	vst v63  }
0x94: {  	_ =	swait.ge [sflag:s25], $0x2000  }
0x95: {  	[sflag:s25] =	ssyncset.done $0x0  }
0x96: {  	s18 =	rddreg [dreg:$0x11];
	[sflag:s25] =	ssyncadd.s32 $0xFFFFE000  }
0x97: {  	[spmem:s18] =	stream.linear.scatter [tilespmem:s29], [sflag:$0x3], $0x2000, $0x38;
	[tilespmem:$0x1ED00] =	vst v63  }
.Ltmp3:
0x98: {  	_ =	swait.ge [sflag:s25], $0x2000;
	(pc) =	sbr.rel .LBB2_4-.Ltmp3, $4  }
0x99: {  	[sflag:s25] =	ssyncset.done $0x0  }
0x9a: {  	[sflag:s25] =	ssyncadd.s32 $0xFFFFE000  }
0x9b: {  	[bflag:$0x0] =	sbarrier.arrive $0xFFFF  }
0x9c: {  	s5 =	simm.s32 $0x0;
	s7 =	simm.s32 $0x0  }
.LBB2_13:
0x9d: {  	s5 =	sadd.s32 $0x1, s5  }
0x9e: {  	p0 =	sne.s32 s5, $0xA  }
.Ltmp4:
0x9f: {  	_ = 	snop;
	(pc) =	sbr.rel @!p0 .LBB2_14-.Ltmp4, $1  }
0xa0: {  	_ =	sdelay $0x3  }
.LBB2_4:
0xa1: {  	s6 =	sshll.u32 s5, $0xB  }
0xa2: {  	s6 =	sadd.s32 s22, s6  }
0xa3: {  	s6 =	sshrl.u32 s6, $0x3  }
0xa4: {  	s12 =	sadd.s32 s8, s6  }
0xa5: {  	[tilespmem:s30], [sflag:$0x3] =	stream.linear.gather [hbm4b:s12+s7], $0x800, $0x38;
	[tilespmem:$0x1ED00] =	vst v63  }
0xa6: {  	_ =	swait.ge [sflag:s25], $0x800  }
0xa7: {  	[sflag:s25] =	ssyncset.done $0x0  }
0xa8: {  	s6 =	sadd.s32 s9, s6;
	[sflag:s25] =	ssyncadd.s32 $0xFFFFF800  }
0xa9: {  	[tilespmem:s31], [sflag:$0x3] =	stream.linear.gather [hbm4b:s6+s7], $0x800, $0x38;
	[tilespmem:$0x1ED00] =	vst v63  }
0xaa: {  	_ =	swait.ge [sflag:s25], $0x800  }
0xab: {  	[sflag:s25] =	ssyncset.done $0x0  }
0xac: {  	s6 =	simm.s32 $0x0;
	[sflag:s25] =	ssyncadd.s32 $0xFFFFF800  }
0xad: {  	v1 =	vld [tilespmem:s6+$0x5000]  }
0xae: {  	v2 =	vld [tilespmem:s6+$0x5800];
	_ =	sdelay $0x6  }
0xaf: {  	v1 =	vld.idx.msk [tilespmem:v1+s3+$0x0], $0xffff  }
0xb0: {  	v2 =	vld.idx.msk [tilespmem:v2+s26+$0x0], $0xffff;
	_ =	sdelay $0x4  }
0xb1: {  	v1 =	vadd.f32 v2, v1;
	_ =	sdelay $0x1  }
0xb2: {  	v2 =	vmul.f32 $2.000000030e-01, v1  }
0xb3: {  	vm0 =	vge.f32 v1, $0.0e+00  }
0xb4: {  	v1 =	vsel vm0, v1, v2  }
0xb5: {  	v1 =	vmul.f32 $1.442695020e+00, v1;
	_ =	sdelay $0x1  }
0xb6: {  	(erf) = vpow2.f32 v1;
	_ =	sdelay $0x2  }
0xb7: {  	v1 =	vld [tilespmem:s6+$0x5010]  }
0xb8: {  	v2 =	vld [tilespmem:s6+$0x5810];
	_ =	sdelay $0x4  }
0xb9: {  	v3 =	vpop (erf)  }
0xba: {  	[tilespmem:s6+$0x6000] =	vst v3  }
0xbb: {  	v1 =	vld.idx.msk [tilespmem:v1+s3+$0x0], $0xffff  }
0xbc: {  	v2 =	vld.idx.msk [tilespmem:v2+s26+$0x0], $0xffff;
	_ =	sdelay $0x4  }
0xbd: {  	v1 =	vadd.f32 v2, v1;
	_ =	sdelay $0x1  }
0xbe: {  	v2 =	vmul.f32 $2.000000030e-01, v1  }
0xbf: {  	vm13 =	vge.f32 v1, $0.0e+00  }
0xc0: {  	v1 =	vsel vm13, v1, v2  }
0xc1: {  	v1 =	vmul.f32 $1.442695020e+00, v1;
	_ =	sdelay $0x1  }
0xc2: {  	(erf) = vpow2.f32 v1;
	_ =	sdelay $0x2  }
0xc3: {  	v1 =	vld [tilespmem:s6+$0x5020]  }
0xc4: {  	v2 =	vld [tilespmem:s6+$0x5820];
	_ =	sdelay $0x4  }
0xc5: {  	v3 =	vpop (erf)  }
0xc6: {  	[tilespmem:s6+$0x6010] =	vst v3  }
0xc7: {  	v1 =	vld.idx.msk [tilespmem:v1+s3+$0x0], $0xffff  }
0xc8: {  	v2 =	vld.idx.msk [tilespmem:v2+s26+$0x0], $0xffff;
	_ =	sdelay $0x4  }
0xc9: {  	v1 =	vadd.f32 v2, v1;
	_ =	sdelay $0x1  }
0xca: {  	v2 =	vmul.f32 $2.000000030e-01, v1  }
0xcb: {  	vm14 =	vge.f32 v1, $0.0e+00  }
0xcc: {  	v1 =	vsel vm14, v1, v2  }
0xcd: {  	v1 =	vmul.f32 $1.442695020e+00, v1;
	_ =	sdelay $0x1  }
0xce: {  	(erf) = vpow2.f32 v1;
	_ =	sdelay $0x2  }
0xcf: {  	v1 =	vld [tilespmem:s6+$0x5030]  }
0xd0: {  	v2 =	vld [tilespmem:s6+$0x5830];
	_ =	sdelay $0x4  }
0xd1: {  	v3 =	vpop (erf)  }
0xd2: {  	[tilespmem:s6+$0x6020] =	vst v3  }
0xd3: {  	v1 =	vld.idx.msk [tilespmem:v1+s3+$0x0], $0xffff  }
0xd4: {  	v2 =	vld.idx.msk [tilespmem:v2+s26+$0x0], $0xffff;
	_ =	sdelay $0x4  }
0xd5: {  	v1 =	vadd.f32 v2, v1;
	_ =	sdelay $0x1  }
0xd6: {  	v2 =	vmul.f32 $2.000000030e-01, v1  }
0xd7: {  	vm15 =	vge.f32 v1, $0.0e+00  }
0xd8: {  	v1 =	vsel vm15, v1, v2  }
0xd9: {  	v2 =	vmul.f32 $1.442695020e+00, v1;
	_ =	sdelay $0x1  }
0xda: {  	(erf) = vpow2.f32 v2;
	_ =	sdelay $0x1  }
0xdb: {  	s14 =	simm.s32 $0x80  }
0xdc: {  	v1 =	vld [tilespmem:s14+$0x5000]  }
0xdd: {  	s12 =	simm.s32 $0x400;
	v2 =	vld [tilespmem:s14+$0x5800]  }
.LBB2_5:
0xde: {  	_ = 	snop  }
0xdf: {  	p0 =	sne.s32 s12, $0x1E00;
	s13 =	smov.u32 s12;
	s12 =	sadd.s32 $0x200, s12  }
0xe0: {  	_ =	sdelay $0x1  }
0xe1: {  	v3 =	vpop (erf)  }
0xe2: {  	[tilespmem:s6+$0x6030] =	vst v3;
	s6 =	smov.u32 s14  }
0xe3: {  	v1 =	vld.idx.msk [tilespmem:v1+s3+$0x0], $0xffff  }
0xe4: {  	v2 =	vld.idx.msk [tilespmem:v2+s26+$0x0], $0xffff;
	_ =	sdelay $0x5  }
0xe5: {  	v1 =	vadd.f32 v2, v1;
	_ =	sdelay $0x1  }
0xe6: {  	vm0 =	vge.f32 v1, $0.0e+00;
	v2 =	vmul.f32 $2.000000030e-01, v1;
	_ =	sdelay $0x1  }
0xe7: {  	v1 =	vsel vm0, v1, v2  }
0xe8: {  	v1 =	vmul.f32 $1.442695020e+00, v1;
	_ =	sdelay $0x1  }
0xe9: {  	(erf) = vpow2.f32 v1;
	_ =	sdelay $0x1  }
0xea: {  	v1 =	vld [tilespmem:s6+$0x5810]  }
0xeb: {  	v2 =	vld [tilespmem:s6+$0x5010];
	_ =	sdelay $0x5  }
0xec: {  	v3 =	vpop (erf)  }
0xed: {  	[tilespmem:s6+$0x6000] =	vst v3  }
0xee: {  	v2 =	vld.idx.msk [tilespmem:v2+s3+$0x0], $0xffff  }
0xef: {  	v1 =	vld.idx.msk [tilespmem:v1+s26+$0x0], $0xffff;
	_ =	sdelay $0x5  }
0xf0: {  	v1 =	vadd.f32 v1, v2;
	_ =	sdelay $0x1  }
0xf1: {  	vm0 =	vge.f32 v1, $0.0e+00;
	v2 =	vmul.f32 $2.000000030e-01, v1;
	_ =	sdelay $0x1  }
0xf2: {  	v1 =	vsel vm0, v1, v2  }
0xf3: {  	v1 =	vmul.f32 $1.442695020e+00, v1;
	_ =	sdelay $0x1  }
0xf4: {  	(erf) = vpow2.f32 v1;
	_ =	sdelay $0x1  }
0xf5: {  	v1 =	vld [tilespmem:s6+$0x5820]  }
0xf6: {  	v2 =	vld [tilespmem:s6+$0x5020];
	_ =	sdelay $0x5  }
0xf7: {  	v3 =	vpop (erf)  }
0xf8: {  	[tilespmem:s6+$0x6010] =	vst v3  }
0xf9: {  	v2 =	vld.idx.msk [tilespmem:v2+s3+$0x0], $0xffff  }
0xfa: {  	v1 =	vld.idx.msk [tilespmem:v1+s26+$0x0], $0xffff;
	_ =	sdelay $0x5  }
0xfb: {  	v1 =	vadd.f32 v1, v2;
	_ =	sdelay $0x1  }
0xfc: {  	vm0 =	vge.f32 v1, $0.0e+00;
	v2 =	vmul.f32 $2.000000030e-01, v1;
	_ =	sdelay $0x1  }
0xfd: {  	v1 =	vsel vm0, v1, v2  }
0xfe: {  	v1 =	vmul.f32 $1.442695020e+00, v1;
	_ =	sdelay $0x1  }
0xff: {  	(erf) = vpow2.f32 v1;
	_ =	sdelay $0x1  }
0x100: {  	v1 =	vld [tilespmem:s6+$0x5830]  }
0x101: {  	v2 =	vld [tilespmem:s6+$0x5030];
	_ =	sdelay $0x5  }
0x102: {  	v3 =	vpop (erf)  }
0x103: {  	[tilespmem:s6+$0x6020] =	vst v3  }
0x104: {  	v2 =	vld.idx.msk [tilespmem:v2+s3+$0x0], $0xffff  }
0x105: {  	v1 =	vld.idx.msk [tilespmem:v1+s26+$0x0], $0xffff;
	_ =	sdelay $0x5  }
0x106: {  	v1 =	vadd.f32 v1, v2;
	_ =	sdelay $0x1  }
0x107: {  	vm0 =	vge.f32 v1, $0.0e+00;
	v2 =	vmul.f32 $2.000000030e-01, v1;
	_ =	sdelay $0x1  }
0x108: {  	v1 =	vsel vm0, v1, v2  }
0x109: {  	v1 =	vmul.f32 $1.442695020e+00, v1;
	_ =	sdelay $0x1  }
.Ltmp5:
0x10a: {  	(erf) = vpow2.f32 v1;
	(pc) =	sbr.rel @p0 .LBB2_5-.Ltmp5, $4  }
0x10b: {  	_ = 	snop  }
0x10c: {  	s14 =	sshra.s32 s13, $0x2  }
0x10d: {  	v1 =	vld [tilespmem:s14+$0x5000]  }
0x10e: {  	v2 =	vld [tilespmem:s14+$0x5800]  }
0x10f: {  	_ =	sdelay $0x4  }
0x110: {  	v3 =	vpop (erf)  }
0x111: {  	[tilespmem:s6+$0x6030] =	vst v3  }
0x112: {  	v1 =	vld.idx.msk [tilespmem:v1+s3+$0x0], $0xffff  }
0x113: {  	v2 =	vld.idx.msk [tilespmem:v2+s26+$0x0], $0xffff;
	_ =	sdelay $0x4  }
0x114: {  	v1 =	vadd.f32 v2, v1;
	_ =	sdelay $0x1  }
0x115: {  	v2 =	vmul.f32 $2.000000030e-01, v1  }
0x116: {  	vm0 =	vge.f32 v1, $0.0e+00  }
0x117: {  	v1 =	vsel vm0, v1, v2  }
0x118: {  	v1 =	vmul.f32 $1.442695020e+00, v1;
	_ =	sdelay $0x1  }
0x119: {  	(erf) = vpow2.f32 v1;
	_ =	sdelay $0x2  }
0x11a: {  	v1 =	vld [tilespmem:s14+$0x5010]  }
0x11b: {  	v2 =	vld [tilespmem:s14+$0x5810];
	_ =	sdelay $0x4  }
0x11c: {  	v3 =	vpop (erf)  }
0x11d: {  	[tilespmem:s14+$0x6000] =	vst v3  }
0x11e: {  	v1 =	vld.idx.msk [tilespmem:v1+s3+$0x0], $0xffff  }
0x11f: {  	v2 =	vld.idx.msk [tilespmem:v2+s26+$0x0], $0xffff;
	_ =	sdelay $0x4  }
0x120: {  	v1 =	vadd.f32 v2, v1;
	_ =	sdelay $0x1  }
0x121: {  	v2 =	vmul.f32 $2.000000030e-01, v1  }
0x122: {  	vm13 =	vge.f32 v1, $0.0e+00  }
0x123: {  	v1 =	vsel vm13, v1, v2  }
0x124: {  	v1 =	vmul.f32 $1.442695020e+00, v1;
	_ =	sdelay $0x1  }
0x125: {  	(erf) = vpow2.f32 v1;
	_ =	sdelay $0x2  }
0x126: {  	v1 =	vld [tilespmem:s14+$0x5020]  }
0x127: {  	v2 =	vld [tilespmem:s14+$0x5820];
	_ =	sdelay $0x4  }
0x128: {  	v3 =	vpop (erf)  }
0x129: {  	[tilespmem:s14+$0x6010] =	vst v3  }
0x12a: {  	v1 =	vld.idx.msk [tilespmem:v1+s3+$0x0], $0xffff  }
0x12b: {  	v2 =	vld.idx.msk [tilespmem:v2+s26+$0x0], $0xffff;
	_ =	sdelay $0x4  }
0x12c: {  	v1 =	vadd.f32 v2, v1;
	_ =	sdelay $0x1  }
0x12d: {  	v2 =	vmul.f32 $2.000000030e-01, v1  }
0x12e: {  	vm14 =	vge.f32 v1, $0.0e+00  }
0x12f: {  	v1 =	vsel vm14, v1, v2  }
0x130: {  	v1 =	vmul.f32 $1.442695020e+00, v1;
	_ =	sdelay $0x1  }
0x131: {  	(erf) = vpow2.f32 v1;
	_ =	sdelay $0x2  }
0x132: {  	v1 =	vld [tilespmem:s14+$0x5030]  }
0x133: {  	v2 =	vld [tilespmem:s14+$0x5830];
	_ =	sdelay $0x4  }
0x134: {  	v3 =	vpop (erf)  }
0x135: {  	[tilespmem:s14+$0x6020] =	vst v3  }
0x136: {  	v1 =	vld.idx.msk [tilespmem:v1+s3+$0x0], $0xffff  }
0x137: {  	v2 =	vld.idx.msk [tilespmem:v2+s26+$0x0], $0xffff;
	_ =	sdelay $0x4  }
0x138: {  	v1 =	vadd.f32 v2, v1;
	_ =	sdelay $0x1  }
0x139: {  	v2 =	vmul.f32 $2.000000030e-01, v1  }
0x13a: {  	vm15 =	vge.f32 v1, $0.0e+00  }
0x13b: {  	v1 =	vsel vm15, v1, v2  }
0x13c: {  	v1 =	vmul.f32 $1.442695020e+00, v1;
	_ =	sdelay $0x1  }
0x13d: {  	(erf) = vpow2.f32 v1;
	_ =	sdelay $0x8  }
0x13e: {  	v1 =	vpop (erf)  }
0x13f: {  	[tilespmem:s14+$0x6030] =	vst v1  }
0x140: {  	[spmem:s2] =	stream.indirect.scatter.add.f32 [tilespmem:s28], [sflag:$0x3], $0x1, s31, s0, $0xb8;
	[tilespmem:$0x1ED00] =	vst v63  }
0x141: {  	_ =	swait.ge [sflag:s25], $0x40  }
0x142: {  	[sflag:s25] =	ssyncset.done $0x0  }
0x143: {  	s18 =	simm.s32 $0x5880;
	s12 =	simm.s32 $0x6080;
	[sflag:s25] =	ssyncadd.s32 $0xFFFFFFC0  }
0x144: {  	[spmem:s2] =	stream.indirect.scatter.add.f32 [tilespmem:s12], [sflag:$0x3], $0x1, s18, s0, $0xb8;
	[tilespmem:$0x1ED00] =	vst v63  }
0x145: {  	_ =	swait.ge [sflag:s25], $0x40  }
0x146: {  	[sflag:s25] =	ssyncset.done $0x0  }
0x147: {  	s13 =	simm.s32 $0x5900;
	s14 =	simm.s32 $0x6100;
	[sflag:s25] =	ssyncadd.s32 $0xFFFFFFC0  }
0x148: {  	[spmem:s2] =	stream.indirect.scatter.add.f32 [tilespmem:s14], [sflag:$0x3], $0x1, s13, s0, $0xb8;
	[tilespmem:$0x1ED00] =	vst v63  }
0x149: {  	_ =	swait.ge [sflag:s25], $0x40  }
0x14a: {  	[sflag:s25] =	ssyncset.done $0x0  }
0x14b: {  	s15 =	simm.s32 $0x5980;
	s16 =	simm.s32 $0x6180;
	[sflag:s25] =	ssyncadd.s32 $0xFFFFFFC0  }
0x14c: {  	[spmem:s2] =	stream.indirect.scatter.add.f32 [tilespmem:s16], [sflag:$0x3], $0x1, s15, s0, $0xb8;
	[tilespmem:$0x1ED00] =	vst v63  }
0x14d: {  	_ =	swait.ge [sflag:s25], $0x40  }
0x14e: {  	[sflag:s25] =	ssyncset.done $0x0  }
0x14f: {  	s17 =	simm.s32 $0x5A00;
	s18 =	simm.s32 $0x6200;
	[sflag:s25] =	ssyncadd.s32 $0xFFFFFFC0  }
0x150: {  	[spmem:s2] =	stream.indirect.scatter.add.f32 [tilespmem:s18], [sflag:$0x3], $0x1, s17, s0, $0xb8;
	[tilespmem:$0x1ED00] =	vst v63  }
0x151: {  	_ =	swait.ge [sflag:s25], $0x40  }
0x152: {  	[sflag:s25] =	ssyncset.done $0x0  }
0x153: {  	s13 =	simm.s32 $0x5A80;
	s14 =	simm.s32 $0x6280;
	[sflag:s25] =	ssyncadd.s32 $0xFFFFFFC0  }
0x154: {  	[spmem:s2] =	stream.indirect.scatter.add.f32 [tilespmem:s14], [sflag:$0x3], $0x1, s13, s0, $0xb8;
	[tilespmem:$0x1ED00] =	vst v63  }
0x155: {  	_ =	swait.ge [sflag:s25], $0x40  }
0x156: {  	[sflag:s25] =	ssyncset.done $0x0  }
0x157: {  	s15 =	simm.s32 $0x5B00;
	s16 =	simm.s32 $0x6300;
	[sflag:s25] =	ssyncadd.s32 $0xFFFFFFC0  }
0x158: {  	[spmem:s2] =	stream.indirect.scatter.add.f32 [tilespmem:s16], [sflag:$0x3], $0x1, s15, s0, $0xb8;
	[tilespmem:$0x1ED00] =	vst v63  }
0x159: {  	_ =	swait.ge [sflag:s25], $0x40  }
0x15a: {  	[sflag:s25] =	ssyncset.done $0x0  }
0x15b: {  	s17 =	simm.s32 $0x5B80;
	s18 =	simm.s32 $0x6380;
	[sflag:s25] =	ssyncadd.s32 $0xFFFFFFC0  }
0x15c: {  	[spmem:s2] =	stream.indirect.scatter.add.f32 [tilespmem:s18], [sflag:$0x3], $0x1, s17, s0, $0xb8;
	[tilespmem:$0x1ED00] =	vst v63  }
0x15d: {  	_ =	swait.ge [sflag:s25], $0x40  }
0x15e: {  	[sflag:s25] =	ssyncset.done $0x0  }
0x15f: {  	s13 =	simm.s32 $0x5C00;
	s14 =	simm.s32 $0x6400;
	[sflag:s25] =	ssyncadd.s32 $0xFFFFFFC0  }
0x160: {  	[spmem:s2] =	stream.indirect.scatter.add.f32 [tilespmem:s14], [sflag:$0x3], $0x1, s13, s0, $0xb8;
	[tilespmem:$0x1ED00] =	vst v63  }
0x161: {  	_ =	swait.ge [sflag:s25], $0x40  }
0x162: {  	[sflag:s25] =	ssyncset.done $0x0  }
0x163: {  	s15 =	simm.s32 $0x5C80;
	s16 =	simm.s32 $0x6480;
	[sflag:s25] =	ssyncadd.s32 $0xFFFFFFC0  }
0x164: {  	[spmem:s2] =	stream.indirect.scatter.add.f32 [tilespmem:s16], [sflag:$0x3], $0x1, s15, s0, $0xb8;
	[tilespmem:$0x1ED00] =	vst v63  }
0x165: {  	_ =	swait.ge [sflag:s25], $0x40  }
0x166: {  	[sflag:s25] =	ssyncset.done $0x0  }
0x167: {  	s17 =	simm.s32 $0x5D00;
	s18 =	simm.s32 $0x6500;
	[sflag:s25] =	ssyncadd.s32 $0xFFFFFFC0  }
0x168: {  	[spmem:s2] =	stream.indirect.scatter.add.f32 [tilespmem:s18], [sflag:$0x3], $0x1, s17, s0, $0xb8;
	[tilespmem:$0x1ED00] =	vst v63  }
0x169: {  	_ =	swait.ge [sflag:s25], $0x40  }
0x16a: {  	[sflag:s25] =	ssyncset.done $0x0  }
0x16b: {  	s12 =	simm.s32 $0x5D80;
	s13 =	simm.s32 $0x6580;
	[sflag:s25] =	ssyncadd.s32 $0xFFFFFFC0  }
0x16c: {  	[spmem:s2] =	stream.indirect.scatter.add.f32 [tilespmem:s13], [sflag:$0x3], $0x1, s12, s0, $0xb8;
	[tilespmem:$0x1ED00] =	vst v63  }
0x16d: {  	_ =	swait.ge [sflag:s25], $0x40  }
0x16e: {  	[sflag:s25] =	ssyncset.done $0x0  }
0x16f: {  	s14 =	simm.s32 $0x5E00;
	s15 =	simm.s32 $0x6600;
	[sflag:s25] =	ssyncadd.s32 $0xFFFFFFC0  }
0x170: {  	[spmem:s2] =	stream.indirect.scatter.add.f32 [tilespmem:s15], [sflag:$0x3], $0x1, s14, s0, $0xb8;
	[tilespmem:$0x1ED00] =	vst v63  }
0x171: {  	_ =	swait.ge [sflag:s25], $0x40  }
0x172: {  	[sflag:s25] =	ssyncset.done $0x0  }
0x173: {  	s16 =	simm.s32 $0x5E80;
	s17 =	simm.s32 $0x6680;
	[sflag:s25] =	ssyncadd.s32 $0xFFFFFFC0  }
0x174: {  	[spmem:s2] =	stream.indirect.scatter.add.f32 [tilespmem:s17], [sflag:$0x3], $0x1, s16, s0, $0xb8;
	[tilespmem:$0x1ED00] =	vst v63  }
0x175: {  	_ =	swait.ge [sflag:s25], $0x40  }
0x176: {  	[sflag:s25] =	ssyncset.done $0x0  }
0x177: {  	s18 =	simm.s32 $0x5F00;
	[sflag:s25] =	ssyncadd.s32 $0xFFFFFFC0  }
0x178: {  	[spmem:s2] =	stream.indirect.scatter.add.f32 [tilespmem:s19], [sflag:$0x3], $0x1, s18, s0, $0xb8;
	[tilespmem:$0x1ED00] =	vst v63  }
0x179: {  	_ =	swait.ge [sflag:s25], $0x40  }
0x17a: {  	[sflag:s25] =	ssyncset.done $0x0  }
0x17b: {  	[sflag:s25] =	ssyncadd.s32 $0xFFFFFFC0  }
0x17c: {  	[spmem:s2] =	stream.indirect.scatter.add.f32 [tilespmem:s21], [sflag:$0x3], $0x1, s20, s0, $0xb8;
	[tilespmem:$0x1ED00] =	vst v63  }
0x17d: {  	_ =	swait.ge [sflag:s25], $0x40  }
0x17e: {  	[sflag:s25] =	ssyncset.done $0x0  }
0x17f: {  	[sflag:s25] =	ssyncadd.s32 $0xFFFFFFC0  }
0x180: {  	[tilespmem:s29], [sflag:$0x1] =	stream.indirect.gather [hbm4b:s4+s0], $0x80, s30, s0, $0xb8;
	[tilespmem:$0x1ED00] =	vst v63  }
0x181: {  	s6 =	simm.s32 $0x0;
	s12 =	simm.s32 $0x0  }
0x182: {  	[tilespmem:s24], [sflag:$0x2] =	stream.indirect.gather [hbm4b:s4+s0], $0x80, s23, s0, $0xb8;
	[tilespmem:$0x1ED00] =	vst v63  }
.LBB2_7:
0x183: {  	s13 =	sshll.u32 s12, $0x8;
	v2 =	vmov s6  }
0x184: {  	v1 =	vmov s13;
	v2 =	vand.u32 $0x7F, v2  }
0x185: {  	v2 =	vadd.s32 v1, v2  }
0x186: {  	_ =	swait.ge [sflag:s10], $0x2000;
	v2 =	vbroadcast v2, $0x0  }
0x187: {  	[sflag:s10] =	ssyncset.done $0x0  }
0x188: {  	s13 =	simm.s32 $0x6840;
	[sflag:s10] =	ssyncadd.s32 $0xFFFFE000  }
0x189: {  	v6 =	vld [tilespmem:s13+$0x30]  }
0x18a: {  	v9 =	vld [tilespmem:s13+$0x10]  }
0x18b: {  	v7 =	vld [tilespmem:s13+$0xFFFFFFC0]  }
0x18c: {  	v3 =	vld.idx.msk [tilespmem:v2+s28+$0x0], $0xffff  }
0x18d: {  	v12 =	vld [tilespmem:s13+$0xFFFFFFE0]  }
0x18e: {  	v4 =	vld [tilespmem:s13+$0x20]  }
0x18f: {  	v5 =	vld [tilespmem:s13+$0xFFFFFFD0]  }
0x190: {  	v2 =	vld [tilespmem:s13+$0xFFFFFFF0]  }
0x191: {  	v10 =	vmul.f32 v6, v3;
	v6 =	vld [tilespmem:s13+$0x0]  }
0x192: {  	s15 =	simm.s32 $0x1;
	v8 =	vmul.f32 v7, v3  }
0x193: {  	s14 =	sshll.u32 s12, $0x1;
	s16 =	simm.s32 $0x2;
	v11 =	vmov s15;
	s15 =	simm.s32 $0x6840;
	v7 =	vmul.f32 v12, v3;
	v9 =	vmul.f32 v9, v3  }
.LBB2_8:
0x194: {  	p0 =	sne.s32 s16, $0x3F  }
0x195: {  	v11 =	vand.u32 $0x7F, v11;
	v5 =	vmul.f32 v5, v3;
	v4 =	vmul.f32 v4, v3;
	[tilespmem:s13+$0x30] =	vst v10;
	s15 =	sadd.s32 $0x80, s15;
	s17 =	smov.u32 s16;
	s16 =	sadd.s32 $0x1, s16  }
0x196: {  	v10 =	vadd.s32 v1, v11;
	[tilespmem:s13+$0xFFFFFFC0] =	vst v8;
	v8 =	vmul.f32 v2, v3;
	v3 =	vmul.f32 v6, v3  }
0x197: {  	v6 =	vbroadcast v10, $0x0;
	[tilespmem:s13+$0x10] =	vst v9  }
0x198: {  	[tilespmem:s13+$0xFFFFFFE0] =	vst v7  }
0x199: {  	v2 =	vld [tilespmem:s15+$0xFFFFFFF0];
	[tilespmem:s13+$0xFFFFFFF0] =	vst v8  }
0x19a: {  	v7 =	vld [tilespmem:s15+$0x30];
	[tilespmem:s13+$0x0] =	vst v3  }
0x19b: {  	v9 =	vld [tilespmem:s15+$0x10];
	[tilespmem:s13+$0x20] =	vst v4  }
0x19c: {  	v8 =	vld [tilespmem:s15+$0xFFFFFFC0];
	[tilespmem:s13+$0xFFFFFFD0] =	vst v5;
	s13 =	smov.u32 s15  }
0x19d: {  	v3 =	vld.idx.msk [tilespmem:v6+s28+$0x0], $0xffff  }
0x19e: {  	v12 =	vld [tilespmem:s15+$0xFFFFFFE0]  }
0x19f: {  	v4 =	vld [tilespmem:s15+$0x20]  }
.Ltmp6:
0x1a0: {  	v5 =	vld [tilespmem:s15+$0xFFFFFFD0];
	(pc) =	sbr.rel @p0 .LBB2_8-.Ltmp6, $3  }
0x1a1: {  	v6 =	vld [tilespmem:s15+$0x0];
	_ =	sdelay $0x1  }
0x1a2: {  	v8 =	vmul.f32 v8, v3;
	v10 =	vmul.f32 v7, v3  }
0x1a3: {  	v11 =	vmov s17;
	v9 =	vmul.f32 v9, v3;
	v7 =	vmul.f32 v12, v3  }
0x1a4: {  	[tilespmem:s13+$0xFFFFFFC0] =	vst v8;
	v8 =	vand.u32 $0x7F, v11  }
0x1a5: {  	[tilespmem:s13+$0x30] =	vst v10;
	v1 =	vadd.s32 v1, v8  }
0x1a6: {  	v2 =	vmul.f32 v2, v3;
	[tilespmem:s13+$0x10] =	vst v9;
	v1 =	vbroadcast v1, $0x0  }
0x1a7: {  	s15 =	sadd.s32 $0x80, s15;
	[tilespmem:s13+$0xFFFFFFE0] =	vst v7;
	v6 =	vmul.f32 v6, v3  }
0x1a8: {  	v4 =	vmul.f32 v4, v3;
	v7 =	vld [tilespmem:s15+$0xFFFFFFF0];
	[tilespmem:s13+$0xFFFFFFF0] =	vst v2  }
0x1a9: {  	v3 =	vmul.f32 v5, v3;
	v2 =	vld [tilespmem:s15+$0x30];
	[tilespmem:s13+$0x0] =	vst v6  }
0x1aa: {  	v5 =	vld [tilespmem:s15+$0x10];
	[tilespmem:s13+$0x20] =	vst v4  }
0x1ab: {  	v4 =	vld [tilespmem:s15+$0xFFFFFFC0];
	[tilespmem:s13+$0xFFFFFFD0] =	vst v3  }
0x1ac: {  	v1 =	vld.idx.msk [tilespmem:v1+s28+$0x0], $0xffff;
	_ =	sdelay $0x2  }
0x1ad: {  	v3 =	vld [tilespmem:s15+$0xFFFFFFE0];
	_ =	sdelay $0x1  }
0x1ae: {  	v6 =	vld [tilespmem:s15+$0x0];
	v2 =	vmul.f32 v2, v1  }
0x1af: {  	v8 =	vld [tilespmem:s15+$0x20];
	v4 =	vmul.f32 v4, v1  }
0x1b0: {  	v9 =	vld [tilespmem:s15+$0xFFFFFFD0];
	v5 =	vmul.f32 v5, v1;
	[tilespmem:s15+$0x30] =	vst v2  }
0x1b1: {  	v2 =	vmul.f32 v3, v1;
	[tilespmem:s15+$0xFFFFFFC0] =	vst v4  }
0x1b2: {  	v3 =	vmul.f32 v7, v1;
	[tilespmem:s15+$0x10] =	vst v5  }
0x1b3: {  	v4 =	vmul.f32 v6, v1;
	[tilespmem:s15+$0xFFFFFFE0] =	vst v2  }
0x1b4: {  	v2 =	vmul.f32 v8, v1;
	[tilespmem:s15+$0xFFFFFFF0] =	vst v3  }
0x1b5: {  	s16 =	sshll.u32 s12, $0xA;
	v1 =	vmul.f32 v9, v1;
	[tilespmem:s15+$0x0] =	vst v4  }
0x1b6: {  	s13 =	sshrl.u32 s16, $0x2;
	[tilespmem:s15+$0x20] =	vst v2  }
0x1b7: {  	p0 =	seq.s32 s12, $0x7;
	s14 =	sor.u32 $0x1, s14;
	s18 =	sadd.s32 $0x5800, s13;
	[tilespmem:s15+$0xFFFFFFD0] =	vst v1  }
0x1b8: {  	[spmem:s1] =	stream.indirect.scatter.add.f32 [tilespmem:s29], [sflag:$0x3], $0x80, s18, s0, $0xb8;
	[tilespmem:$0x1ED00] =	vst v63  }
0x1b9: {  	s17 =	simm.s32 $0x0;
	s16 =	sshrl.u32 @!p0 s16, $0x2;
	_ =	swait.ge [sflag:s25], $0x2000  }
0x1ba: {  	s14 =	sshll.u32 s14, $0x7;
	v2 =	vmov s17;
	s15 =	sadd.s32 @!p0 $0x5100, s16;
	[sflag:s25] =	ssyncset.done $0x0  }
0x1bb: {  	s16 =	simm.s32 @!p0 $0x40;
	s17 =	simm.s32 @!p0 $0x6800;
	v1 =	vmov s14;
	v2 =	vand.u32 $0x7F, v2;
	[sflag:s25] =	ssyncadd.s32 $0xFFFFE000  }
0x1bc: {  	v2 =	vadd.s32 v1, v2;
	[tilespmem:s17], [sflag:$0x1] =	stream.indirect.gather @!p0 [hbm4b:s4+s16], $0x80, s15, s16, $0xb8;
	[tilespmem:$0x1ED00] =	vst v63  }
0x1bd: {  	v2 =	vbroadcast v2, $0x0;
	_ =	swait.ge [sflag:s11], $0x2000  }
0x1be: {  	[sflag:s11] =	ssyncset.done $0x0  }
0x1bf: {  	s15 =	simm.s32 $0x8840;
	[sflag:s11] =	ssyncadd.s32 $0xFFFFE000  }
0x1c0: {  	v6 =	vld [tilespmem:s15+$0x30]  }
0x1c1: {  	v9 =	vld [tilespmem:s15+$0x10]  }
0x1c2: {  	v7 =	vld [tilespmem:s15+$0xFFFFFFC0]  }
0x1c3: {  	v3 =	vld.idx.msk [tilespmem:v2+s28+$0x0], $0xffff  }
0x1c4: {  	v12 =	vld [tilespmem:s15+$0xFFFFFFE0]  }
0x1c5: {  	v2 =	vld [tilespmem:s15+$0xFFFFFFF0]  }
0x1c6: {  	v4 =	vld [tilespmem:s15+$0x20]  }
0x1c7: {  	v5 =	vld [tilespmem:s15+$0xFFFFFFD0]  }
0x1c8: {  	v10 =	vmul.f32 v6, v3;
	v6 =	vld [tilespmem:s15+$0x0]  }
0x1c9: {  	s18 =	simm.s32 $0x1;
	v8 =	vmul.f32 v7, v3  }
0x1ca: {  	v11 =	vmov s18;
	s17 =	simm.s32 $0x2;
	s16 =	simm.s32 $0x8840;
	v7 =	vmul.f32 v12, v3;
	v9 =	vmul.f32 v9, v3  }
.LBB2_10:
0x1cb: {  	p1 =	sne.s32 s17, $0x3F  }
0x1cc: {  	v11 =	vand.u32 $0x7F, v11;
	v5 =	vmul.f32 v5, v3;
	v4 =	vmul.f32 v4, v3;
	[tilespmem:s15+$0x30] =	vst v10;
	s16 =	sadd.s32 $0x80, s16;
	s18 =	smov.u32 s17;
	s17 =	sadd.s32 $0x1, s17  }
0x1cd: {  	v10 =	vadd.s32 v1, v11;
	[tilespmem:s15+$0xFFFFFFC0] =	vst v8;
	v8 =	vmul.f32 v2, v3;
	v3 =	vmul.f32 v6, v3  }
0x1ce: {  	v6 =	vbroadcast v10, $0x0;
	[tilespmem:s15+$0x10] =	vst v9  }
0x1cf: {  	[tilespmem:s15+$0xFFFFFFE0] =	vst v7  }
0x1d0: {  	v2 =	vld [tilespmem:s16+$0xFFFFFFF0];
	[tilespmem:s15+$0xFFFFFFF0] =	vst v8  }
0x1d1: {  	v7 =	vld [tilespmem:s16+$0x30];
	[tilespmem:s15+$0x0] =	vst v3  }
0x1d2: {  	v9 =	vld [tilespmem:s16+$0x10];
	[tilespmem:s15+$0x20] =	vst v4  }
0x1d3: {  	v8 =	vld [tilespmem:s16+$0xFFFFFFC0];
	[tilespmem:s15+$0xFFFFFFD0] =	vst v5;
	s15 =	smov.u32 s16  }
0x1d4: {  	v3 =	vld.idx.msk [tilespmem:v6+s28+$0x0], $0xffff  }
0x1d5: {  	v12 =	vld [tilespmem:s16+$0xFFFFFFE0]  }
0x1d6: {  	v4 =	vld [tilespmem:s16+$0x20]  }
.Ltmp7:
0x1d7: {  	v5 =	vld [tilespmem:s16+$0xFFFFFFD0];
	(pc) =	sbr.rel @p1 .LBB2_10-.Ltmp7, $3  }
0x1d8: {  	v6 =	vld [tilespmem:s16+$0x0];
	_ =	sdelay $0x1  }
0x1d9: {  	v8 =	vmul.f32 v8, v3;
	v10 =	vmul.f32 v7, v3  }
0x1da: {  	v11 =	vmov s18;
	v9 =	vmul.f32 v9, v3;
	v7 =	vmul.f32 v12, v3  }
0x1db: {  	[tilespmem:s15+$0x30] =	vst v10;
	v58 =	vand.u32 $0x7F, v11  }
0x1dc: {  	[tilespmem:s15+$0xFFFFFFC0] =	vst v8;
	v1 =	vadd.s32 v1, v58  }
0x1dd: {  	v2 =	vmul.f32 v2, v3;
	[tilespmem:s15+$0x10] =	vst v9;
	v1 =	vbroadcast v1, $0x0  }
0x1de: {  	s16 =	sadd.s32 $0x80, s16;
	[tilespmem:s15+$0xFFFFFFE0] =	vst v7;
	v6 =	vmul.f32 v6, v3  }
0x1df: {  	v4 =	vmul.f32 v4, v3;
	v3 =	vmul.f32 v5, v3;
	v7 =	vld [tilespmem:s16+$0xFFFFFFF0];
	[tilespmem:s15+$0xFFFFFFF0] =	vst v2  }
0x1e0: {  	v2 =	vld [tilespmem:s16+$0x30];
	[tilespmem:s15+$0x0] =	vst v6  }
0x1e1: {  	v60 =	vld [tilespmem:s16+$0xFFFFFFC0];
	[tilespmem:s15+$0xFFFFFFD0] =	vst v3  }
0x1e2: {  	v59 =	vld [tilespmem:s16+$0x10];
	[tilespmem:s15+$0x20] =	vst v4  }
0x1e3: {  	v1 =	vld.idx.msk [tilespmem:v1+s28+$0x0], $0xffff;
	_ =	sdelay $0x2  }
0x1e4: {  	v6 =	vld [tilespmem:s16+$0x0]  }
0x1e5: {  	v3 =	vld [tilespmem:s16+$0xFFFFFFE0]  }
0x1e6: {  	v2 =	vmul.f32 v2, v1  }
0x1e7: {  	v61 =	vld [tilespmem:s16+$0x20];
	v4 =	vmul.f32 v60, v1  }
0x1e8: {  	v62 =	vld [tilespmem:s16+$0xFFFFFFD0];
	v5 =	vmul.f32 v59, v1;
	[tilespmem:s16+$0x30] =	vst v2  }
0x1e9: {  	v63 =	vmul.f32 v6, v1;
	[tilespmem:s16+$0xFFFFFFC0] =	vst v4  }
0x1ea: {  	v2 =	vmul.f32 v3, v1;
	[tilespmem:s16+$0x10] =	vst v5  }
0x1eb: {  	v3 =	vmul.f32 v7, v1;
	[tilespmem:s16+$0x0] =	vst v63  }
0x1ec: {  	[tilespmem:s16+$0xFFFFFFE0] =	vst v2;
	v2 =	vmul.f32 v61, v1  }
0x1ed: {  	[tilespmem:s16+$0xFFFFFFF0] =	vst v3;
	v1 =	vmul.f32 v62, v1  }
0x1ee: {  	s14 =	sand.u32 $0x3FFFFF80, s14;
	[tilespmem:s16+$0x20] =	vst v2  }
.Ltmp8:
0x1ef: {  	s14 =	sadd.s32 $0x5800, s14;
	[tilespmem:s16+$0xFFFFFFD0] =	vst v1;
	(pc) =	sbr.rel @p0 .LBB2_13-.Ltmp8, $4  }
0x1f0: {  	[spmem:s1] =	stream.indirect.scatter.add.f32 [tilespmem:s24], [sflag:$0x3], $0x80, s14, s0, $0xb8;
	[tilespmem:$0x1ED00] =	vst v63  }
0x1f1: {  	_ =	swait.ge [sflag:s25], $0x2000  }
0x1f2: {  	[sflag:s25] =	ssyncset.done $0x0  }
0x1f3: {  	[sflag:s25] =	ssyncadd.s32 $0xFFFFE000  }
.Ltmp9:
0x1f4: {  	(pc) =	sbr.rel .LBB2_7-.Ltmp9, $3  }
0x1f5: {  	_ =	sdelay $0x1  }
0x1f6: {  	s13 =	sadd.s32 $0x5180, s13;
	s12 =	sadd.s32 $0x1, s12  }
0x1f7: {  	[tilespmem:s24], [sflag:$0x2] =	stream.indirect.gather [hbm4b:s4+s0], $0x80, s13, s0, $0xb8;
	[tilespmem:$0x1ED00] =	vst v63  }
.LBB2_15:
0x1f8: {  	_ =	sfence.sel $0x180000  }
0x1f9: {  	[bflag:$0x0] =	sbarrier.arrive $0xFFFF  }
0x1fa: {  	_ =	strace $0x9000004A  }
0x1fb: {  	s0 =	stileid.u32;
	[bflag:$0x2] =	sbarrier.arrive $0xFFFF  }
0x1fc: {  	p0 =	sne.s32 s0, $0x0;
	s0 =	rddreg [dreg:$0x3]  }
0x1fd: {  	s0 =	sadd.s32 @!p0 $0x100000, s0  }
0x1fe: {  	[sflag:s0] =	ssyncadd.tile.s32 @!p0 $0x1;
	_ =	shalt  }
.Lfunc_end2:
_tile_overlayer_lowered:
.L_overlay_start_2:
0x1ff: {  	(tag) =	ssettag $0x2  }
0x200: {  	s0 =	rddreg [dreg:$0x0];
	s2 =	stileid.u32  }
0x201: {  	s1 =	rddreg [dreg:$0x1];
	p0 =	sne.s32 s2, $0x0  }
0x202: {  	s3 =	rddreg [dreg:$0x2];
	[bflag:$0x3] =	sbarrier.arrive $0xFFFF;
	s2 =	simm.s32 @!p0 $0x1C03  }
0x203: {  	[timem:s3], [sflag:s2] =	dma.local @!p0 [hbm:s0], s1  }
0x204: {  	s0 =	simm.s32 @!p0 $0x3  }
0x205: {  	_ =	swait.ge @!p0 [sflag:s0], s1  }
0x206: {  	s1 =	ssub.s32 @!p0 $0x0, s1;
	[sflag:s0] =	ssyncset.done @!p0 $0x0  }
0x207: {  	[sflag:s0] =	ssyncadd.s32 @!p0 s1  }
0x208: {  	[bflag:$0x3] =	sbarrier.arrive $0xFFFF  }
0x209: {  	_ =	shalt  }

// kernel: kernel.15.cloned.1.call-start
scs
__scs_entry_jumppad:
0x0: {  	(pc) =	sbr.rel $0x88, $3  }
0x1: {  	(tag) =	ssettag $0x0;
	lr =	simm.s32 $0x1  }
0x2: {  	[smem:$0x3F96] =	sst lr;
	_ =	strace $0xD0000000  }
0x3: {  	_ = 	snop  }
0x4: {  	_ = 	snop  }
0x5: {  	_ = 	snop  }
0x6: {  	_ = 	snop  }
0x7: {  	_ = 	snop  }
__scs_overlays_trampoline_lowered:
0x8: {  	[smem:$0x3FA5] =	sst s0  }
0x9: {  	[smem:$0x3FA6] =	sst s1  }
0xa: {  	[smem:$0x3FA7] =	sst s2  }
0xb: {  	[smem:$0x3FA8] =	sst s3  }
0xc: {  	[smem:$0x3FA9] =	sst s4  }
0xd: {  	[smem:$0x3FAA] =	sst s5  }
0xe: {  	[smem:$0x3FAB] =	sst s6  }
0xf: {  	[smem:$0x3FAC] =	sst s7  }
0x10: {  	[smem:$0x3FAD] =	sst s8  }
0x11: {  	[smem:$0x3FAE] =	sst s9;
	s0 =	simm.s32 @!p0 $0x0  }
0x12: {  	s1 =	sld [smem:$0x3F94];
	s0 =	simm.s32 @p0 $0x1  }
0x13: {  	[smem:$0x3FAF] =	sst s0;
	s0 =	simm.s32 @!p1 $0x0  }
0x14: {  	s2 =	sld [smem:$0x3F93];
	s0 =	simm.s32 @p1 $0x1  }
0x15: {  	[smem:$0x3FB0] =	sst s0;
	s0 =	simm.s32 @!p2 $0x0  }
0x16: {  	s3 =	sld [smem:$0x3FDB];
	s0 =	simm.s32 @p2 $0x1  }
0x17: {  	s4 =	simm.s32 $0x1BF5;
	[smem:$0x3FB2] =	sst s0  }
0x18: {  	s0 =	sld [smem:$0x3F95];
	_ =	swait.ge [sflag:s4], $0x0  }
0x19: {  	s7 =	sld [smem:$0x3F96]  }
0x1a: {  	s8 =	sadd.s32 $0xFFFFE003, lr  }
0x1b: {  	s9 =	sadd.s32 $0xFFFFFEF7, lr;
	s5 =	simm.s32 $0xFFFFFFFF;
	p2 =	slt.u32 s8, $0xFFFFF086  }
0x1c: {  	p1 =	slt.u32 s9, $0xF7A;
	s5 =	simm.s32 @!p2 $0x0  }
0x1d: {  	s5 =	simm.s32 @p1 $0x1;
	p0 =	seq.s32 s7, s2  }
0x1e: {  	s7 =	smul.u32 @!p0 $0xF7A, s2;
	p2 =	seq.s32 @!p0 s5, $0x0  }
0x1f: {  	s9 =	smul.u32 $0xF7A, s1;
	s8 =	simm.s32 @!p0 $0x1BF5;
	p2 =	por !p2, p0  }
0x20: {  	[sflag:s8] =	ssyncset.s32 @!p0 $0xFFFFF086;
	s6 =	sadd.s32 @!p0 s3, s7;
	s7 =	simm.s32 @!p0 $0x108  }
0x21: {  	s3 =	sadd.s32 s3, s9;
	s6 =	sadd.s32 @!p0 $0x88, s6;
	s7 =	simm.s32 @p2 $0x1082  }
0x22: {  	[simem:s7], [sflag:s8] =	dma.local @!p0 [hbm:s6], $0xF7A  }
0x23: {  	s9 =	sor.u32 $0xD0000000, s2;
	s6 =	simm.s32 $0x108;
	_ =	swait.ge @!p0 [sflag:s8], $0x0  }
0x24: {  	s3 =	sadd.s32 $0x88, s3;
	s6 =	simm.s32 @!p1 $0x1082;
	[sflag:s4] =	ssyncset.s32 $0xFFFFF086  }
0x25: {  	[simem:s6], [sflag:s4] =	dma.local [hbm:s3], $0xF7A  }
0x26: {  	[smem:$0x3F96] =	sst s1;
	(tag) =	ssettag s2;
	_ =	strace s9  }
0x27: {  	s1 =	sld [smem:$0x3FA6]  }
0x28: {  	s2 =	sld [smem:$0x3FA7]  }
0x29: {  	s4 =	sld [smem:$0x3FA9]  }
0x2a: {  	p0 =	seq.s32 s5, $0x0;
	s5 =	sld [smem:$0x3FAA]  }
0x2b: {  	s6 =	sld [smem:$0x3FAB]  }
0x2c: {  	s7 =	sld [smem:$0x3FAC]  }
0x2d: {  	s3 =	simm.s32 $0x108;
	s8 =	sld [smem:$0x3FAD]  }
0x2e: {  	s3 =	simm.s32 @!p0 $0x1082;
	s9 =	sld [smem:$0x3FAE]  }
0x2f: {  	lr =	sadd.s32 s0, s3;
	s0 =	sld [smem:$0x3FA5]  }
0x30: {  	s3 =	sld [smem:$0x3FA8]  }
0x31: {  	[smem:$0x3FB1] =	sst s10  }
0x32: {  	s10 =	sld [smem:$0x3FAF];
	_ =	sdelay $0x3  }
0x33: {  	p0 =	seq.s32 s10, $0x1;
	s10 =	sld [smem:$0x3FB1];
	_ =	sdelay $0x3  }
0x34: {  	[smem:$0x3FB1] =	sst s10  }
0x35: {  	s10 =	sld [smem:$0x3FB0];
	_ =	sdelay $0x3  }
0x36: {  	p1 =	seq.s32 s10, $0x1;
	s10 =	sld [smem:$0x3FB1];
	_ =	sdelay $0x3  }
0x37: {  	[smem:$0x3FB1] =	sst s10  }
0x38: {  	s10 =	sld [smem:$0x3FB2]  }
0x39: {  	_ = 	snop;
	(pc) =	sbr.ind lr, $3  }
0x3a: {  	_ = 	snop  }
0x3b: {  	_ = 	snop  }
0x3c: {  	p2 =	seq.s32 s10, $0x1;
	s10 =	sld [smem:$0x3FB1]  }
0x3d: {  	_ =	shalt  }
0x3e: {  	_ =	shalt  }
0x3f: {  	_ =	shalt  }
0x40: {  	_ =	shalt  }
0x41: {  	_ =	shalt  }
0x42: {  	_ =	shalt  }
0x43: {  	_ =	shalt  }
0x44: {  	_ =	shalt  }
0x45: {  	_ =	shalt  }
0x46: {  	_ =	shalt  }
0x47: {  	_ =	shalt  }
0x48: {  	_ =	shalt  }
0x49: {  	_ =	shalt  }
0x4a: {  	_ =	shalt  }
0x4b: {  	_ =	shalt  }
0x4c: {  	_ =	shalt  }
0x4d: {  	_ =	shalt  }
0x4e: {  	_ =	shalt  }
0x4f: {  	_ =	shalt  }
0x50: {  	_ =	shalt  }
0x51: {  	_ =	shalt  }
0x52: {  	_ =	shalt  }
0x53: {  	_ =	shalt  }
0x54: {  	_ =	shalt  }
0x55: {  	_ =	shalt  }
0x56: {  	_ =	shalt  }
0x57: {  	_ =	shalt  }
0x58: {  	_ =	shalt  }
0x59: {  	_ =	shalt  }
0x5a: {  	_ =	shalt  }
0x5b: {  	_ =	shalt  }
0x5c: {  	_ =	shalt  }
0x5d: {  	_ =	shalt  }
0x5e: {  	_ =	shalt  }
0x5f: {  	_ =	shalt  }
0x60: {  	_ =	shalt  }
0x61: {  	_ =	shalt  }
0x62: {  	_ =	shalt  }
0x63: {  	_ =	shalt  }
0x64: {  	_ =	shalt  }
0x65: {  	_ =	shalt  }
0x66: {  	_ =	shalt  }
0x67: {  	_ =	shalt  }
0x68: {  	_ =	shalt  }
0x69: {  	_ =	shalt  }
0x6a: {  	_ =	shalt  }
0x6b: {  	_ =	shalt  }
0x6c: {  	_ =	shalt  }
0x6d: {  	_ =	shalt  }
0x6e: {  	_ =	shalt  }
0x6f: {  	_ =	shalt  }
0x70: {  	_ =	shalt  }
0x71: {  	_ =	shalt  }
0x72: {  	_ =	shalt  }
0x73: {  	_ =	shalt  }
0x74: {  	_ =	shalt  }
0x75: {  	_ =	shalt  }
0x76: {  	_ =	shalt  }
0x77: {  	_ =	shalt  }
0x78: {  	_ =	shalt  }
0x79: {  	_ =	shalt  }
0x7a: {  	_ =	shalt  }
0x7b: {  	_ =	shalt  }
0x7c: {  	_ =	shalt  }
0x7d: {  	_ =	shalt  }
0x7e: {  	_ =	shalt  }
0x7f: {  	_ =	shalt  }
0x80: {  	_ =	shalt  }
0x81: {  	_ =	shalt  }
0x82: {  	_ =	shalt  }
0x83: {  	_ =	shalt  }
0x84: {  	_ =	shalt  }
0x85: {  	_ =	shalt  }
0x86: {  	_ =	shalt  }
0x87: {  	_ =	shalt  }
.Lfunc_end0:
.L_simem_size_0:
called_computation.2_lowered:
.L_overlay_start_0:
0x88: {  	s2 =	sld [smem:$0x3FD9]  }
0x89: {  	s3 =	sld [smem:$0x3FFE];
	_ =	sdelay $0x1  }
0x8a: {  	s1 =	srdreg.scid  }
0x8b: {  	s0 =	sand.u32 $0x1, s1  }
0x8c: {  	s16 =	sshll.u32 s0, $0xA;
	s2 =	sadd.s32 s3, s2  }
0x8d: {  	s2 =	sadd.s32 s2, s16  }
0x8e: {  	[smem:$0x3FBD] =	sst s2  }
0x8f: {  	_ = 	snop  }
0x90: {  	(tm) =	ssettm $0x1  }
0x91: {  	s17 =	sld [smem:$0x3FFB];
	_ =	sdelay $0x3  }
0x92: {  	_ =	strace s17  }
0x93: {  	s2 =	sld [smem:$0x3FFC];
	_ =	sdelay $0x3  }
0x94: {  	_ =	strace s2  }
0x95: {  	s2 =	sld [smem:$0x3FFD];
	_ =	sdelay $0x3  }
0x96: {  	_ =	strace s2  }
0x97: {  	_ =	strace $0x8FFFFFFF  }
0x98: {  	s18 =	sld [smem:$0x3FDB];
	_ =	sdelay $0x1  }
0x99: {  	s19 =	simm.s32 $_scs_section_size  }
0x9a: {  	s4 =	simm.s32 $_size__tile_overlayer_lowered;
	s5 =	simm.s32 $_tile_overlayer_lowered  }
0x9b: {  	s22 =	simm.s32 $0x1BFF;
	s21 =	sshll.u32 s5, $0x1;
	s2 =	sadd.s32 s19, s18  }
0x9c: {  	s6 =	simm.s32 $0x0;
	s20 =	sshll.u32 s4, $0x1;
	s4 =	sadd.s32 s21, s2  }
0x9d: {  	[timem:s6], [sflag:s22] =	dma.local [hbm:s4], s20  }
0x9e: {  	_ =	swait.ge [sflag:s22], s20  }
0x9f: {  	s3 =	ssub.s32 $0x0, s20;
	[sflag:s22] =	ssyncset.done $0x0  }
0xa0: {  	[sflag:s22] =	ssyncadd.s32 s3;
	_ =	sdelay $0x1  }
0xa1: {  	s23 =	simm.s32 $0x1B8B  }
0xa2: {  	_ =	swait.ge [sflag:s23], $0x1  }
0xa3: {  	[sflag:s23] =	ssyncset.done $0x0  }
0xa4: {  	s25 =	simm.s32 $0x1B8E;
	s24 =	sld [smem:$0x3FFE];
	[sflag:s23] =	ssyncadd.s32 $0xFFFFFFFF  }
0xa5: {  	s26 =	simm.s32 $execute0_lowered;
	[smem:$0x3FD2] =	sst s25  }
0xa6: {  	s4 =	sshll.u32 s26, $0x1;
	_ =	strace $0x8000004C;
	[dreg:$0x1] =	wrdreg $0xFFFFFFFF  }
0xa7: {  	s28 =	simm.s32 $_size_execute0_lowered;
	s2 =	sadd.s32 s2, s4;
	[dreg:$0x0] =	wrdreg $0x0  }
0xa8: {  	s4 =	sshll.u32 s28, $0x1;
	[dreg:$0x2] =	wrdreg s2  }
0xa9: {  	[dreg:$0x3] =	wrdreg s4  }
0xaa: {  	[dreg:$0x4] =	wrdreg $0xC0  }
0xab: {  	_ =	task [dreg:s6], $0x5FFFF  }
0xac: {  	[dreg:$0x1] =	wrdreg $0xFFFFFFFF  }
0xad: {  	[dreg:$0x0] =	wrdreg $0x60  }
0xae: {  	[dreg:$0x2] =	wrdreg s24  }
0xaf: {  	[dreg:$0x3] =	wrdreg $0xAD000  }
0xb0: {  	[dreg:$0x4] =	wrdreg $0xAA800  }
0xb1: {  	[dreg:$0x5] =	wrdreg $0x9  }
0xb2: {  	_ =	task.clear_ibuf [dreg:s6], $0x6FFFF;
	_ =	strace $0x9000004C  }
0xb3: {  	s29 =	simm.s32 $0x9;
	_ =	strace $0x8000004E  }
0xb4: {  	_ =	swait.ge [sflag:s29], $0x1  }
0xb5: {  	[sflag:s29] =	ssyncadd.s32 $0xFFFFFFFF  }
0xb6: {  	_ =	strace $0x9000004E  }
0xb7: {  	_ =	sfence  }
0xb8: {  	s30 =	sld [smem:$0x0];
	_ =	sdelay $0x2  }
0xb9: {  	s31 =	sshll.u32 s1, $0xD;
	s1 =	sshrl.u32 s1, $0x2  }
0xba: {  	s3 =	sand.u32 $0x4000, s31;
	s1 =	sadd.s32 s1, s30  }
0xbb: {  	s0 =	sor.u32 s3, s0;
	s1 =	sshll.u32 s1, $0x11  }
0xbc: {  	s0 =	sor.u32 s1, s0  }
0xbd: {  	s0 =	sadd.s32 $0x8F2B, s0  }
0xbe: {  	[sflag:s0] =	ssyncadd.remote.s32 $0x1  }
0xbf: {  	_ =	sfence.sel $0xFFFF  }
0xc0: {  	[dreg:$0x0] =	wrdreg $0xFFFFFFFF;
	(pc) =	sbr.abs _section_cstart, $3  }
0xc1: {  	[dreg:$0x1] =	wrdreg $0xFFFFFFFF  }
0xc2: {  	_ =	task.clear_ibuf [dreg:s6], $0x2FFFF;
	_ =	strace $0x9FFFFFFF  }
0xc3: {  	(tm) =	ssettm $0x7FFFFFFF  }
tec
execute0_lowered:
.L_overlay_start_1:
0x0: {  	(tag) =	ssettag $0x1  }
0x1: {  	s0 =	rddreg [dreg:$0x0]  }
0x2: {  	s1 =	rddreg [dreg:$0x1]  }
0x3: {  	s2 =	rddreg [dreg:$0x2]  }
0x4: {  	s3 =	simm.s32 $0x0;
	s6 =	srdreg.scid;
	s15 =	stileid.u32  }
0x5: {  	s29 =	simm.s32 $0x6800;
	s30 =	simm.s32 $0x5000;
	s31 =	simm.s32 $0x5800  }
0x6: {  	s28 =	simm.s32 $0x6000;
	[smem:$0x7FF] =	sst s3;
	s4 =	sadd.s32 $0x2D200, s0  }
0x7: {  	s5 =	sadd.s32 $0x55200, s0;
	s25 =	sadd.s32 $0x55800, s0;
	s8 =	sadd.s32 $0x19200, s0  }
0x8: {  	s9 =	sadd.s32 $0x5200, s0;
	s7 =	sadd.s32 $0x56A00, s0;
	s10 =	smul.u32 $0x50000, s15  }
0x9: {  	s6 =	sand.u32 $0x1, s6;
	s11 =	sadd.s32 $0x55E00, s0;
	s13 =	smul.u32 $0x280, s15  }
0xa: {  	s19 =	smul.u32 $0x2800, s15;
	_ =	strace $0x8000004D;
	[dreg:$0x4] =	wrdreg s5  }
0xb: {  	[dreg:$0x5] =	wrdreg s25;
	s5 =	sadd.s32 $0x7EA00, s0;
	p0 =	seq.s32 s6, $0x1  }
0xc: {  	s12 =	ssub.s32 $0x2, s6;
	s0 =	sadd.s32 $0x56400, s0;
	s5 =	smov.u32 @p0 s7  }
0xd: {  	s10 =	sshrl.u32 s10, $0x2;
	s11 =	smov.u32 @p0 s0;
	s5 =	sadd.s32 s5, s19  }
0xe: {  	s25 =	sshrl.u32 s13, $0x3;
	s16 =	sadd.s32 s10, s1;
	[dreg:$0xf] =	wrdreg s5  }
0xf: {  	s14 =	sshrl.u32 s12, $0x1;
	s0 =	sadd.s32 s11, s25;
	[dreg:$0x7] =	wrdreg s16  }
0x10: {  	s12 =	ssub.s32 s12, s14;
	s14 =	sadd.s32 s13, s2;
	[dreg:$0x13] =	wrdreg s0  }
0x11: {  	s6 =	sshll.u32 s6, $0x4;
	s10 =	sadd.s32 $0x2000, s16;
	[dreg:$0x6] =	wrdreg s14  }
0x12: {  	s23 =	sor.u32 s15, s6;
	s26 =	sadd.s32 $0x4000, s16;
	[dreg:$0x8] =	wrdreg s10  }
0x13: {  	s6 =	simm.s32 $0x0;
	s17 =	sadd.s32 $0x6000, s16;
	[dreg:$0x9] =	wrdreg s26  }
0x14: {  	s25 =	simm.s32 $0x3;
	s18 =	sadd.s32 $0x8000, s16;
	[dreg:$0xa] =	wrdreg s17  }
0x15: {  	s19 =	simm.s32 $0x6700;
	s20 =	sadd.s32 $0xC000, s16;
	[dreg:$0xb] =	wrdreg s18  }
0x16: {  	s11 =	simm.s32 $0x2;
	s21 =	sadd.s32 $0xE000, s16;
	[dreg:$0xd] =	wrdreg s20  }
0x17: {  	s22 =	sadd.s32 $0x10000, s16;
	s24 =	sadd.s32 $0x12000, s16;
	[dreg:$0xe] =	wrdreg s21  }
.Ltmp0:
0x18: {  	s0 =	simm.s32 $0x40;
	[dreg:$0x10] =	wrdreg s22;
	(pc) =	sbr.rel .LBB2_1-.Ltmp0, $4  }
0x19: {  	s17 =	sadd.s32 $0xA000, s16;
	[dreg:$0x11] =	wrdreg s24;
	s22 =	smul.u32 $0x5000, s23  }
0x1a: {  	s26 =	smax.u32 s12, $0x1;
	s20 =	simm.s32 $0x5F80;
	s21 =	simm.s32 $0x6780  }
0x1b: {  	s23 =	simm.s32 $0x5080;
	s24 =	simm.s32 $0x8800;
	[dreg:$0xc] =	wrdreg s17  }
0x1c: {  	v0 =	vimm.f32 $0.0e+00;
	s10 =	simm.s32 $0x1;
	[dreg:$0x12] =	wrdreg s26;
	s26 =	simm.s32 $0x2800  }
.LBB2_14:
0x1d: {  	s5 =	stileid.u32;
	[bflag:$0x0] =	sbarrier.arrive $0xFFFF  }
0x1e: {  	s5 =	sshll.u32 s5, $0x6;
	s6 =	rddreg [dreg:$0x7]  }
0x1f: {  	s7 =	rddreg [dreg:$0xf];
	s5 =	sor.u32 $0x1C03, s5;
	s6 =	sshrl.u32 s6, $0x3  }
0x20: {  	[hbm:s7], [sflag:s5] =	dma.local [spmem:s6], $0x2800  }
0x21: {  	_ =	swait.ge [sflag:s25], $0x2800  }
0x22: {  	[sflag:s25] =	ssyncset.done $0x0;
	s14 =	rddreg [dreg:$0x6]  }
0x23: {  	s16 =	rddreg [dreg:$0x13];
	[sflag:s25] =	ssyncadd.s32 $0xFFFFD800;
	s15 =	sshrl.u32 s14, $0x3  }
0x24: {  	[hbm:s16], [sflag:s5] =	dma.local [spmem:s15], $0x50  }
0x25: {  	_ =	swait.ge [sflag:s25], $0x50  }
0x26: {  	s17 =	rddreg [dreg:$0x14]  }
0x27: {  	s18 =	rddreg [dreg:$0x12];
	s6 =	sadd.s32 $0x1, s17  }
0x28: {  	p0 =	sne.s32 s6, s18  }
.Ltmp1:
0x29: {  	_ = 	snop;
	(pc) =	sbr.rel @!p0 .LBB2_15-.Ltmp1, $3  }
0x2a: {  	_ =	sdelay $0x1  }
0x2b: {  	[sflag:s25] =	ssyncset.done $0x0  }
0x2c: {  	[sflag:s25] =	ssyncadd.s32 $0xFFFFFFB0  }
.LBB2_1:
0x2d: {  	[dreg:$0x14] =	wrdreg s6  }
0x2e: {  	s5 =	rddreg [dreg:$0x4]  }
0x2f: {  	[tilespmem:s3], [sflag:$0x3] =	stream.linear.gather [hbm4b:s5+s3], $0x2800, $0x38;
	[tilespmem:$0x1ED00] =	vst v63  }
0x30: {  	_ =	swait.ge [sflag:s25], $0x2800  }
0x31: {  	[sflag:s25] =	ssyncset.done $0x0  }
0x32: {  	s18 =	rddreg [dreg:$0x5];
	[sflag:s25] =	ssyncadd.s32 $0xFFFFD800  }
0x33: {  	[tilespmem:s26], [sflag:$0x3] =	stream.linear.gather [hbm4b:s18+s3], $0x2800, $0x38;
	[tilespmem:$0x1ED00] =	vst v63  }
0x34: {  	_ =	swait.ge [sflag:s25], $0x2800  }
0x35: {  	[sflag:s25] =	ssyncset.done $0x0  }
0x36: {  	[sflag:s25] =	ssyncadd.s32 $0xFFFFD800  }
0x37: {  	[tilespmem:$0xA800] =	vst v0  }
0x38: {  	[tilespmem:$0xA810] =	vst v0  }
0x39: {  	[tilespmem:$0xA820] =	vst v0  }
0x3a: {  	[tilespmem:$0xA830] =	vst v0  }
0x3b: {  	[tilespmem:$0xA840] =	vst v0  }
0x3c: {  	[tilespmem:$0xA850] =	vst v0  }
0x3d: {  	[tilespmem:$0xA860] =	vst v0  }
0x3e: {  	[tilespmem:$0xA870] =	vst v0  }
0x3f: {  	[tilespmem:$0xA880] =	vst v0  }
0x40: {  	[tilespmem:$0xA890] =	vst v0  }
0x41: {  	[tilespmem:$0xA8A0] =	vst v0  }
0x42: {  	[tilespmem:$0xA8B0] =	vst v0  }
0x43: {  	[tilespmem:$0xA8C0] =	vst v0  }
0x44: {  	[tilespmem:$0xA8D0] =	vst v0  }
0x45: {  	[tilespmem:$0xA8E0] =	vst v0  }
0x46: {  	[tilespmem:$0xA8F0] =	vst v0  }
0x47: {  	[tilespmem:$0xA900] =	vst v0  }
0x48: {  	[tilespmem:$0xA910] =	vst v0  }
0x49: {  	[tilespmem:$0xA920] =	vst v0  }
0x4a: {  	[tilespmem:$0xA930] =	vst v0  }
0x4b: {  	[tilespmem:$0xA940] =	vst v0  }
0x4c: {  	[tilespmem:$0xA950] =	vst v0  }
0x4d: {  	[tilespmem:$0xA960] =	vst v0  }
0x4e: {  	[tilespmem:$0xA970] =	vst v0  }
0x4f: {  	[tilespmem:$0xA980] =	vst v0  }
0x50: {  	[tilespmem:$0xA990] =	vst v0  }
0x51: {  	[tilespmem:$0xA9A0] =	vst v0  }
0x52: {  	[tilespmem:$0xA9B0] =	vst v0  }
0x53: {  	[tilespmem:$0xA9C0] =	vst v0  }
0x54: {  	[tilespmem:$0xA9D0] =	vst v0  }
0x55: {  	[tilespmem:$0xA9E0] =	vst v0  }
0x56: {  	[tilespmem:$0xA9F0] =	vst v0  }
0x57: {  	[tilespmem:$0xAA00] =	vst v0  }
0x58: {  	[tilespmem:$0xAA10] =	vst v0  }
0x59: {  	[tilespmem:$0xAA20] =	vst v0  }
0x5a: {  	[tilespmem:$0xAA30] =	vst v0  }
0x5b: {  	[tilespmem:$0xAA40] =	vst v0  }
0x5c: {  	[tilespmem:$0xAA50] =	vst v0  }
0x5d: {  	[tilespmem:$0xAA60] =	vst v0  }
0x5e: {  	s6 =	simm.s32 $0x200;
	s5 =	simm.s32 $0x0;
	[tilespmem:$0xAA70] =	vst v0  }
.LBB2_2:
0x5f: {  	p0 =	sne.s32 s6, $0x7E00;
	[tilespmem:s5+$0x6870] =	vst v0  }
0x60: {  	[tilespmem:s5+$0x6800] =	vst v0  }
0x61: {  	[tilespmem:s5+$0x6810] =	vst v0  }
.Ltmp2:
0x62: {  	[tilespmem:s5+$0x6820] =	vst v0;
	(pc) =	sbr.rel @p0 .LBB2_2-.Ltmp2, $4  }
0x63: {  	[tilespmem:s5+$0x6830] =	vst v0  }
0x64: {  	[tilespmem:s5+$0x6840] =	vst v0  }
0x65: {  	[tilespmem:s5+$0x6850] =	vst v0  }
0x66: {  	[tilespmem:s5+$0x6860] =	vst v0;
	s5 =	sshra.s32 s6, $0x2;
	s6 =	sadd.s32 $0x200, s6  }
0x67: {  	[tilespmem:s5+$0x6870] =	vst v0  }
0x68: {  	[tilespmem:s5+$0x6800] =	vst v0  }
0x69: {  	[tilespmem:s5+$0x6810] =	vst v0  }
0x6a: {  	[tilespmem:s5+$0x6820] =	vst v0  }
0x6b: {  	[tilespmem:s5+$0x6830] =	vst v0  }
0x6c: {  	[tilespmem:s5+$0x6840] =	vst v0  }
0x6d: {  	[tilespmem:s5+$0x6850] =	vst v0  }
0x6e: {  	[tilespmem:s5+$0x6860] =	vst v0;
	s17 =	simm.s32 $0xA800  }
0x6f: {  	[spmem:s14] =	stream.linear.scatter [tilespmem:s17], [sflag:$0x3], $0x280, $0x38;
	[tilespmem:$0x1ED00] =	vst v63  }
0x70: {  	_ =	swait.ge [sflag:s25], $0x280  }
0x71: {  	[sflag:s25] =	ssyncset.done $0x0  }
0x72: {  	s18 =	rddreg [dreg:$0x7];
	[sflag:s25] =	ssyncadd.s32 $0xFFFFFD80  }
0x73: {  	[spmem:s18] =	stream.linear.scatter [tilespmem:s29], [sflag:$0x3], $0x2000, $0x38;
	[tilespmem:$0x1ED00] =	vst v63  }
0x74: {  	_ =	swait.ge [sflag:s25], $0x2000  }
0x75: {  	[sflag:s25] =	ssyncset.done $0x0  }
0x76: {  	s6 =	rddreg [dreg:$0x8];
	[sflag:s25] =	ssyncadd.s32 $0xFFFFE000  }
0x77: {  	[spmem:s6] =	stream.linear.scatter [tilespmem:s29], [sflag:$0x3], $0x2000, $0x38;
	[tilespmem:$0x1ED00] =	vst v63  }
0x78: {  	_ =	swait.ge [sflag:s25], $0x2000  }
0x79: {  	[sflag:s25] =	ssyncset.done $0x0  }
0x7a: {  	s7 =	rddreg [dreg:$0x9];
	[sflag:s25] =	ssyncadd.s32 $0xFFFFE000  }
0x7b: {  	[spmem:s7] =	stream.linear.scatter [tilespmem:s29], [sflag:$0x3], $0x2000, $0x38;
	[tilespmem:$0x1ED00] =	vst v63  }
0x7c: {  	_ =	swait.ge [sflag:s25], $0x2000  }
0x7d: {  	[sflag:s25] =	ssyncset.done $0x0  }
0x7e: {  	s12 =	rddreg [dreg:$0xa];
	[sflag:s25] =	ssyncadd.s32 $0xFFFFE000  }
0x7f: {  	[spmem:s12] =	stream.linear.scatter [tilespmem:s29], [sflag:$0x3], $0x2000, $0x38;
	[tilespmem:$0x1ED00] =	vst v63  }
0x80: {  	_ =	swait.ge [sflag:s25], $0x2000  }
0x81: {  	[sflag:s25] =	ssyncset.done $0x0  }
0x82: {  	s13 =	rddreg [dreg:$0xb];
	[sflag:s25] =	ssyncadd.s32 $0xFFFFE000  }
0x83: {  	[spmem:s13] =	stream.linear.scatter [tilespmem:s29], [sflag:$0x3], $0x2000, $0x38;
	[tilespmem:$0x1ED00] =	vst v63  }
0x84: {  	_ =	swait.ge [sflag:s25], $0x2000  }
0x85: {  	[sflag:s25] =	ssyncset.done $0x0  }
0x86: {  	s14 =	rddreg [dreg:$0xc];
	[sflag:s25] =	ssyncadd.s32 $0xFFFFE000  }
0x87: {  	[spmem:s14] =	stream.linear.scatter [tilespmem:s29], [sflag:$0x3], $0x2000, $0x38;
	[tilespmem:$0x1ED00] =	vst v63  }
0x88: {  	_ =	swait.ge [sflag:s25], $0x2000  }
0x89: {  	[sflag:s25] =	ssyncset.done $0x0  }
0x8a: {  	s15 =	rddreg [dreg:$0xd];
	[sflag:s25] =	ssyncadd.s32 $0xFFFFE000  }
0x8b: {  	[spmem:s15] =	stream.linear.scatter [tilespmem:s29], [sflag:$0x3], $0x2000, $0x38;
	[tilespmem:$0x1ED00] =	vst v63  }
0x8c: {  	_ =	swait.ge [sflag:s25], $0x2000  }
0x8d: {  	[sflag:s25] =	ssyncset.done $0x0  }
0x8e: {  	s16 =	rddreg [dreg:$0xe];
	[sflag:s25] =	ssyncadd.s32 $0xFFFFE000  }
0x8f: {  	[spmem:s16] =	stream.linear.scatter [tilespmem:s29], [sflag:$0x3], $0x2000, $0x38;
	[tilespmem:$0x1ED00] =	vst v63  }
0x90: {  	_ =	swait.ge [sflag:s25], $0x2000  }
0x91: {  	[sflag:s25] =	ssyncset.done $0x0  }
0x92: {  	s17 =	rddreg [dreg:$0x10];
	[sflag:s25] =	ssyncadd.s32 $0xFFFFE000  }
0x93: {  	[spmem:s17] =	stream.linear.scatter [tilespmem:s29], [sflag:$0x3], $0x2000, $0x38;
	[tilespmem:$0x1ED00] =	vst v63  }
0x94: {  	_ =	swait.ge [sflag:s25], $0x2000  }
0x95: {  	[sflag:s25] =	ssyncset.done $0x0  }
0x96: {  	s18 =	rddreg [dreg:$0x11];
	[sflag:s25] =	ssyncadd.s32 $0xFFFFE000  }
0x97: {  	[spmem:s18] =	stream.linear.scatter [tilespmem:s29], [sflag:$0x3], $0x2000, $0x38;
	[tilespmem:$0x1ED00] =	vst v63  }
.Ltmp3:
0x98: {  	_ =	swait.ge [sflag:s25], $0x2000;
	(pc) =	sbr.rel .LBB2_4-.Ltmp3, $4  }
0x99: {  	[sflag:s25] =	ssyncset.done $0x0  }
0x9a: {  	[sflag:s25] =	ssyncadd.s32 $0xFFFFE000  }
0x9b: {  	[bflag:$0x0] =	sbarrier.arrive $0xFFFF  }
0x9c: {  	s5 =	simm.s32 $0x0;
	s7 =	simm.s32 $0x0  }
.LBB2_13:
0x9d: {  	s5 =	sadd.s32 $0x1, s5  }
0x9e: {  	p0 =	sne.s32 s5, $0xA  }
.Ltmp4:
0x9f: {  	_ = 	snop;
	(pc) =	sbr.rel @!p0 .LBB2_14-.Ltmp4, $1  }
0xa0: {  	_ =	sdelay $0x3  }
.LBB2_4:
0xa1: {  	s6 =	sshll.u32 s5, $0xB  }
0xa2: {  	s6 =	sadd.s32 s22, s6  }
0xa3: {  	s6 =	sshrl.u32 s6, $0x3  }
0xa4: {  	s12 =	sadd.s32 s8, s6  }
0xa5: {  	[tilespmem:s30], [sflag:$0x3] =	stream.linear.gather [hbm4b:s12+s7], $0x800, $0x38;
	[tilespmem:$0x1ED00] =	vst v63  }
0xa6: {  	_ =	swait.ge [sflag:s25], $0x800  }
0xa7: {  	[sflag:s25] =	ssyncset.done $0x0  }
0xa8: {  	s6 =	sadd.s32 s9, s6;
	[sflag:s25] =	ssyncadd.s32 $0xFFFFF800  }
0xa9: {  	[tilespmem:s31], [sflag:$0x3] =	stream.linear.gather [hbm4b:s6+s7], $0x800, $0x38;
	[tilespmem:$0x1ED00] =	vst v63  }
0xaa: {  	_ =	swait.ge [sflag:s25], $0x800  }
0xab: {  	[sflag:s25] =	ssyncset.done $0x0  }
0xac: {  	s6 =	simm.s32 $0x0;
	[sflag:s25] =	ssyncadd.s32 $0xFFFFF800  }
0xad: {  	v1 =	vld [tilespmem:s6+$0x5000]  }
0xae: {  	v2 =	vld [tilespmem:s6+$0x5800];
	_ =	sdelay $0x6  }
0xaf: {  	v1 =	vld.idx.msk [tilespmem:v1+s3+$0x0], $0xffff  }
0xb0: {  	v2 =	vld.idx.msk [tilespmem:v2+s26+$0x0], $0xffff;
	_ =	sdelay $0x4  }
0xb1: {  	v1 =	vadd.f32 v2, v1;
	_ =	sdelay $0x1  }
0xb2: {  	v2 =	vmul.f32 $2.000000030e-01, v1  }
0xb3: {  	vm0 =	vge.f32 v1, $0.0e+00  }
0xb4: {  	v1 =	vsel vm0, v1, v2  }
0xb5: {  	v1 =	vmul.f32 $1.442695020e+00, v1;
	_ =	sdelay $0x1  }
0xb6: {  	(erf) = vpow2.f32 v1;
	_ =	sdelay $0x2  }
0xb7: {  	v1 =	vld [tilespmem:s6+$0x5010]  }
0xb8: {  	v2 =	vld [tilespmem:s6+$0x5810];
	_ =	sdelay $0x4  }
0xb9: {  	v3 =	vpop (erf)  }
0xba: {  	[tilespmem:s6+$0x6000] =	vst v3  }
0xbb: {  	v1 =	vld.idx.msk [tilespmem:v1+s3+$0x0], $0xffff  }
0xbc: {  	v2 =	vld.idx.msk [tilespmem:v2+s26+$0x0], $0xffff;
	_ =	sdelay $0x4  }
0xbd: {  	v1 =	vadd.f32 v2, v1;
	_ =	sdelay $0x1  }
0xbe: {  	v2 =	vmul.f32 $2.000000030e-01, v1  }
0xbf: {  	vm13 =	vge.f32 v1, $0.0e+00  }
0xc0: {  	v1 =	vsel vm13, v1, v2  }
0xc1: {  	v1 =	vmul.f32 $1.442695020e+00, v1;
	_ =	sdelay $0x1  }
0xc2: {  	(erf) = vpow2.f32 v1;
	_ =	sdelay $0x2  }
0xc3: {  	v1 =	vld [tilespmem:s6+$0x5020]  }
0xc4: {  	v2 =	vld [tilespmem:s6+$0x5820];
	_ =	sdelay $0x4  }
0xc5: {  	v3 =	vpop (erf)  }
0xc6: {  	[tilespmem:s6+$0x6010] =	vst v3  }
0xc7: {  	v1 =	vld.idx.msk [tilespmem:v1+s3+$0x0], $0xffff  }
0xc8: {  	v2 =	vld.idx.msk [tilespmem:v2+s26+$0x0], $0xffff;
	_ =	sdelay $0x4  }
0xc9: {  	v1 =	vadd.f32 v2, v1;
	_ =	sdelay $0x1  }
0xca: {  	v2 =	vmul.f32 $2.000000030e-01, v1  }
0xcb: {  	vm14 =	vge.f32 v1, $0.0e+00  }
0xcc: {  	v1 =	vsel vm14, v1, v2  }
0xcd: {  	v1 =	vmul.f32 $1.442695020e+00, v1;
	_ =	sdelay $0x1  }
0xce: {  	(erf) = vpow2.f32 v1;
	_ =	sdelay $0x2  }
0xcf: {  	v1 =	vld [tilespmem:s6+$0x5030]  }
0xd0: {  	v2 =	vld [tilespmem:s6+$0x5830];
	_ =	sdelay $0x4  }
0xd1: {  	v3 =	vpop (erf)  }
0xd2: {  	[tilespmem:s6+$0x6020] =	vst v3  }
0xd3: {  	v1 =	vld.idx.msk [tilespmem:v1+s3+$0x0], $0xffff  }
0xd4: {  	v2 =	vld.idx.msk [tilespmem:v2+s26+$0x0], $0xffff;
	_ =	sdelay $0x4  }
0xd5: {  	v1 =	vadd.f32 v2, v1;
	_ =	sdelay $0x1  }
0xd6: {  	v2 =	vmul.f32 $2.000000030e-01, v1  }
0xd7: {  	vm15 =	vge.f32 v1, $0.0e+00  }
0xd8: {  	v1 =	vsel vm15, v1, v2  }
0xd9: {  	v2 =	vmul.f32 $1.442695020e+00, v1;
	_ =	sdelay $0x1  }
0xda: {  	(erf) = vpow2.f32 v2;
	_ =	sdelay $0x1  }
0xdb: {  	s14 =	simm.s32 $0x80  }
0xdc: {  	v1 =	vld [tilespmem:s14+$0x5000]  }
0xdd: {  	s12 =	simm.s32 $0x400;
	v2 =	vld [tilespmem:s14+$0x5800]  }
.LBB2_5:
0xde: {  	_ = 	snop  }
0xdf: {  	p0 =	sne.s32 s12, $0x1E00;
	s13 =	smov.u32 s12;
	s12 =	sadd.s32 $0x200, s12  }
0xe0: {  	_ =	sdelay $0x1  }
0xe1: {  	v3 =	vpop (erf)  }
0xe2: {  	[tilespmem:s6+$0x6030] =	vst v3;
	s6 =	smov.u32 s14  }
0xe3: {  	v1 =	vld.idx.msk [tilespmem:v1+s3+$0x0], $0xffff  }
0xe4: {  	v2 =	vld.idx.msk [tilespmem:v2+s26+$0x0], $0xffff;
	_ =	sdelay $0x5  }
0xe5: {  	v1 =	vadd.f32 v2, v1;
	_ =	sdelay $0x1  }
0xe6: {  	vm0 =	vge.f32 v1, $0.0e+00;
	v2 =	vmul.f32 $2.000000030e-01, v1;
	_ =	sdelay $0x1  }
0xe7: {  	v1 =	vsel vm0, v1, v2  }
0xe8: {  	v1 =	vmul.f32 $1.442695020e+00, v1;
	_ =	sdelay $0x1  }
0xe9: {  	(erf) = vpow2.f32 v1;
	_ =	sdelay $0x1  }
0xea: {  	v1 =	vld [tilespmem:s6+$0x5810]  }
0xeb: {  	v2 =	vld [tilespmem:s6+$0x5010];
	_ =	sdelay $0x5  }
0xec: {  	v3 =	vpop (erf)  }
0xed: {  	[tilespmem:s6+$0x6000] =	vst v3  }
0xee: {  	v2 =	vld.idx.msk [tilespmem:v2+s3+$0x0], $0xffff  }
0xef: {  	v1 =	vld.idx.msk [tilespmem:v1+s26+$0x0], $0xffff;
	_ =	sdelay $0x5  }
0xf0: {  	v1 =	vadd.f32 v1, v2;
	_ =	sdelay $0x1  }
0xf1: {  	vm0 =	vge.f32 v1, $0.0e+00;
	v2 =	vmul.f32 $2.000000030e-01, v1;
	_ =	sdelay $0x1  }
0xf2: {  	v1 =	vsel vm0, v1, v2  }
0xf3: {  	v1 =	vmul.f32 $1.442695020e+00, v1;
	_ =	sdelay $0x1  }
0xf4: {  	(erf) = vpow2.f32 v1;
	_ =	sdelay $0x1  }
0xf5: {  	v1 =	vld [tilespmem:s6+$0x5820]  }
0xf6: {  	v2 =	vld [tilespmem:s6+$0x5020];
	_ =	sdelay $0x5  }
0xf7: {  	v3 =	vpop (erf)  }
0xf8: {  	[tilespmem:s6+$0x6010] =	vst v3  }
0xf9: {  	v2 =	vld.idx.msk [tilespmem:v2+s3+$0x0], $0xffff  }
0xfa: {  	v1 =	vld.idx.msk [tilespmem:v1+s26+$0x0], $0xffff;
	_ =	sdelay $0x5  }
0xfb: {  	v1 =	vadd.f32 v1, v2;
	_ =	sdelay $0x1  }
0xfc: {  	vm0 =	vge.f32 v1, $0.0e+00;
	v2 =	vmul.f32 $2.000000030e-01, v1;
	_ =	sdelay $0x1  }
0xfd: {  	v1 =	vsel vm0, v1, v2  }
0xfe: {  	v1 =	vmul.f32 $1.442695020e+00, v1;
	_ =	sdelay $0x1  }
0xff: {  	(erf) = vpow2.f32 v1;
	_ =	sdelay $0x1  }
0x100: {  	v1 =	vld [tilespmem:s6+$0x5830]  }
0x101: {  	v2 =	vld [tilespmem:s6+$0x5030];
	_ =	sdelay $0x5  }
0x102: {  	v3 =	vpop (erf)  }
0x103: {  	[tilespmem:s6+$0x6020] =	vst v3  }
0x104: {  	v2 =	vld.idx.msk [tilespmem:v2+s3+$0x0], $0xffff  }
0x105: {  	v1 =	vld.idx.msk [tilespmem:v1+s26+$0x0], $0xffff;
	_ =	sdelay $0x5  }
0x106: {  	v1 =	vadd.f32 v1, v2;
	_ =	sdelay $0x1  }
0x107: {  	vm0 =	vge.f32 v1, $0.0e+00;
	v2 =	vmul.f32 $2.000000030e-01, v1;
	_ =	sdelay $0x1  }
0x108: {  	v1 =	vsel vm0, v1, v2  }
0x109: {  	v1 =	vmul.f32 $1.442695020e+00, v1;
	_ =	sdelay $0x1  }
.Ltmp5:
0x10a: {  	(erf) = vpow2.f32 v1;
	(pc) =	sbr.rel @p0 .LBB2_5-.Ltmp5, $4  }
0x10b: {  	_ = 	snop  }
0x10c: {  	s14 =	sshra.s32 s13, $0x2  }
0x10d: {  	v1 =	vld [tilespmem:s14+$0x5000]  }
0x10e: {  	v2 =	vld [tilespmem:s14+$0x5800]  }
0x10f: {  	_ =	sdelay $0x4  }
0x110: {  	v3 =	vpop (erf)  }
0x111: {  	[tilespmem:s6+$0x6030] =	vst v3  }
0x112: {  	v1 =	vld.idx.msk [tilespmem:v1+s3+$0x0], $0xffff  }
0x113: {  	v2 =	vld.idx.msk [tilespmem:v2+s26+$0x0], $0xffff;
	_ =	sdelay $0x4  }
0x114: {  	v1 =	vadd.f32 v2, v1;
	_ =	sdelay $0x1  }
0x115: {  	v2 =	vmul.f32 $2.000000030e-01, v1  }
0x116: {  	vm0 =	vge.f32 v1, $0.0e+00  }
0x117: {  	v1 =	vsel vm0, v1, v2  }
0x118: {  	v1 =	vmul.f32 $1.442695020e+00, v1;
	_ =	sdelay $0x1  }
0x119: {  	(erf) = vpow2.f32 v1;
	_ =	sdelay $0x2  }
0x11a: {  	v1 =	vld [tilespmem:s14+$0x5010]  }
0x11b: {  	v2 =	vld [tilespmem:s14+$0x5810];
	_ =	sdelay $0x4  }
0x11c: {  	v3 =	vpop (erf)  }
0x11d: {  	[tilespmem:s14+$0x6000] =	vst v3  }
0x11e: {  	v1 =	vld.idx.msk [tilespmem:v1+s3+$0x0], $0xffff  }
0x11f: {  	v2 =	vld.idx.msk [tilespmem:v2+s26+$0x0], $0xffff;
	_ =	sdelay $0x4  }
0x120: {  	v1 =	vadd.f32 v2, v1;
	_ =	sdelay $0x1  }
0x121: {  	v2 =	vmul.f32 $2.000000030e-01, v1  }
0x122: {  	vm13 =	vge.f32 v1, $0.0e+00  }
0x123: {  	v1 =	vsel vm13, v1, v2  }
0x124: {  	v1 =	vmul.f32 $1.442695020e+00, v1;
	_ =	sdelay $0x1  }
0x125: {  	(erf) = vpow2.f32 v1;
	_ =	sdelay $0x2  }
0x126: {  	v1 =	vld [tilespmem:s14+$0x5020]  }
0x127: {  	v2 =	vld [tilespmem:s14+$0x5820];
	_ =	sdelay $0x4  }
0x128: {  	v3 =	vpop (erf)  }
0x129: {  	[tilespmem:s14+$0x6010] =	vst v3  }
0x12a: {  	v1 =	vld.idx.msk [tilespmem:v1+s3+$0x0], $0xffff  }
0x12b: {  	v2 =	vld.idx.msk [tilespmem:v2+s26+$0x0], $0xffff;
	_ =	sdelay $0x4  }
0x12c: {  	v1 =	vadd.f32 v2, v1;
	_ =	sdelay $0x1  }
0x12d: {  	v2 =	vmul.f32 $2.000000030e-01, v1  }
0x12e: {  	vm14 =	vge.f32 v1, $0.0e+00  }
0x12f: {  	v1 =	vsel vm14, v1, v2  }
0x130: {  	v1 =	vmul.f32 $1.442695020e+00, v1;
	_ =	sdelay $0x1  }
0x131: {  	(erf) = vpow2.f32 v1;
	_ =	sdelay $0x2  }
0x132: {  	v1 =	vld [tilespmem:s14+$0x5030]  }
0x133: {  	v2 =	vld [tilespmem:s14+$0x5830];
	_ =	sdelay $0x4  }
0x134: {  	v3 =	vpop (erf)  }
0x135: {  	[tilespmem:s14+$0x6020] =	vst v3  }
0x136: {  	v1 =	vld.idx.msk [tilespmem:v1+s3+$0x0], $0xffff  }
0x137: {  	v2 =	vld.idx.msk [tilespmem:v2+s26+$0x0], $0xffff;
	_ =	sdelay $0x4  }
0x138: {  	v1 =	vadd.f32 v2, v1;
	_ =	sdelay $0x1  }
0x139: {  	v2 =	vmul.f32 $2.000000030e-01, v1  }
0x13a: {  	vm15 =	vge.f32 v1, $0.0e+00  }
0x13b: {  	v1 =	vsel vm15, v1, v2  }
0x13c: {  	v1 =	vmul.f32 $1.442695020e+00, v1;
	_ =	sdelay $0x1  }
0x13d: {  	(erf) = vpow2.f32 v1;
	_ =	sdelay $0x8  }
0x13e: {  	v1 =	vpop (erf)  }
0x13f: {  	[tilespmem:s14+$0x6030] =	vst v1  }
0x140: {  	[spmem:s2] =	stream.indirect.scatter.add.f32 [tilespmem:s28], [sflag:$0x3], $0x1, s31, s0, $0xb8;
	[tilespmem:$0x1ED00] =	vst v63  }
0x141: {  	_ =	swait.ge [sflag:s25], $0x40  }
0x142: {  	[sflag:s25] =	ssyncset.done $0x0  }
0x143: {  	s18 =	simm.s32 $0x5880;
	s12 =	simm.s32 $0x6080;
	[sflag:s25] =	ssyncadd.s32 $0xFFFFFFC0  }
0x144: {  	[spmem:s2] =	stream.indirect.scatter.add.f32 [tilespmem:s12], [sflag:$0x3], $0x1, s18, s0, $0xb8;
	[tilespmem:$0x1ED00] =	vst v63  }
0x145: {  	_ =	swait.ge [sflag:s25], $0x40  }
0x146: {  	[sflag:s25] =	ssyncset.done $0x0  }
0x147: {  	s13 =	simm.s32 $0x5900;
	s14 =	simm.s32 $0x6100;
	[sflag:s25] =	ssyncadd.s32 $0xFFFFFFC0  }
0x148: {  	[spmem:s2] =	stream.indirect.scatter.add.f32 [tilespmem:s14], [sflag:$0x3], $0x1, s13, s0, $0xb8;
	[tilespmem:$0x1ED00] =	vst v63  }
0x149: {  	_ =	swait.ge [sflag:s25], $0x40  }
0x14a: {  	[sflag:s25] =	ssyncset.done $0x0  }
0x14b: {  	s15 =	simm.s32 $0x5980;
	s16 =	simm.s32 $0x6180;
	[sflag:s25] =	ssyncadd.s32 $0xFFFFFFC0  }
0x14c: {  	[spmem:s2] =	stream.indirect.scatter.add.f32 [tilespmem:s16], [sflag:$0x3], $0x1, s15, s0, $0xb8;
	[tilespmem:$0x1ED00] =	vst v63  }
0x14d: {  	_ =	swait.ge [sflag:s25], $0x40  }
0x14e: {  	[sflag:s25] =	ssyncset.done $0x0  }
0x14f: {  	s17 =	simm.s32 $0x5A00;
	s18 =	simm.s32 $0x6200;
	[sflag:s25] =	ssyncadd.s32 $0xFFFFFFC0  }
0x150: {  	[spmem:s2] =	stream.indirect.scatter.add.f32 [tilespmem:s18], [sflag:$0x3], $0x1, s17, s0, $0xb8;
	[tilespmem:$0x1ED00] =	vst v63  }
0x151: {  	_ =	swait.ge [sflag:s25], $0x40  }
0x152: {  	[sflag:s25] =	ssyncset.done $0x0  }
0x153: {  	s13 =	simm.s32 $0x5A80;
	s14 =	simm.s32 $0x6280;
	[sflag:s25] =	ssyncadd.s32 $0xFFFFFFC0  }
0x154: {  	[spmem:s2] =	stream.indirect.scatter.add.f32 [tilespmem:s14], [sflag:$0x3], $0x1, s13, s0, $0xb8;
	[tilespmem:$0x1ED00] =	vst v63  }
0x155: {  	_ =	swait.ge [sflag:s25], $0x40  }
0x156: {  	[sflag:s25] =	ssyncset.done $0x0  }
0x157: {  	s15 =	simm.s32 $0x5B00;
	s16 =	simm.s32 $0x6300;
	[sflag:s25] =	ssyncadd.s32 $0xFFFFFFC0  }
0x158: {  	[spmem:s2] =	stream.indirect.scatter.add.f32 [tilespmem:s16], [sflag:$0x3], $0x1, s15, s0, $0xb8;
	[tilespmem:$0x1ED00] =	vst v63  }
0x159: {  	_ =	swait.ge [sflag:s25], $0x40  }
0x15a: {  	[sflag:s25] =	ssyncset.done $0x0  }
0x15b: {  	s17 =	simm.s32 $0x5B80;
	s18 =	simm.s32 $0x6380;
	[sflag:s25] =	ssyncadd.s32 $0xFFFFFFC0  }
0x15c: {  	[spmem:s2] =	stream.indirect.scatter.add.f32 [tilespmem:s18], [sflag:$0x3], $0x1, s17, s0, $0xb8;
	[tilespmem:$0x1ED00] =	vst v63  }
0x15d: {  	_ =	swait.ge [sflag:s25], $0x40  }
0x15e: {  	[sflag:s25] =	ssyncset.done $0x0  }
0x15f: {  	s13 =	simm.s32 $0x5C00;
	s14 =	simm.s32 $0x6400;
	[sflag:s25] =	ssyncadd.s32 $0xFFFFFFC0  }
0x160: {  	[spmem:s2] =	stream.indirect.scatter.add.f32 [tilespmem:s14], [sflag:$0x3], $0x1, s13, s0, $0xb8;
	[tilespmem:$0x1ED00] =	vst v63  }
0x161: {  	_ =	swait.ge [sflag:s25], $0x40  }
0x162: {  	[sflag:s25] =	ssyncset.done $0x0  }
0x163: {  	s15 =	simm.s32 $0x5C80;
	s16 =	simm.s32 $0x6480;
	[sflag:s25] =	ssyncadd.s32 $0xFFFFFFC0  }
0x164: {  	[spmem:s2] =	stream.indirect.scatter.add.f32 [tilespmem:s16], [sflag:$0x3], $0x1, s15, s0, $0xb8;
	[tilespmem:$0x1ED00] =	vst v63  }
0x165: {  	_ =	swait.ge [sflag:s25], $0x40  }
0x166: {  	[sflag:s25] =	ssyncset.done $0x0  }
0x167: {  	s17 =	simm.s32 $0x5D00;
	s18 =	simm.s32 $0x6500;
	[sflag:s25] =	ssyncadd.s32 $0xFFFFFFC0  }
0x168: {  	[spmem:s2] =	stream.indirect.scatter.add.f32 [tilespmem:s18], [sflag:$0x3], $0x1, s17, s0, $0xb8;
	[tilespmem:$0x1ED00] =	vst v63  }
0x169: {  	_ =	swait.ge [sflag:s25], $0x40  }
0x16a: {  	[sflag:s25] =	ssyncset.done $0x0  }
0x16b: {  	s12 =	simm.s32 $0x5D80;
	s13 =	simm.s32 $0x6580;
	[sflag:s25] =	ssyncadd.s32 $0xFFFFFFC0  }
0x16c: {  	[spmem:s2] =	stream.indirect.scatter.add.f32 [tilespmem:s13], [sflag:$0x3], $0x1, s12, s0, $0xb8;
	[tilespmem:$0x1ED00] =	vst v63  }
0x16d: {  	_ =	swait.ge [sflag:s25], $0x40  }
0x16e: {  	[sflag:s25] =	ssyncset.done $0x0  }
0x16f: {  	s14 =	simm.s32 $0x5E00;
	s15 =	simm.s32 $0x6600;
	[sflag:s25] =	ssyncadd.s32 $0xFFFFFFC0  }
0x170: {  	[spmem:s2] =	stream.indirect.scatter.add.f32 [tilespmem:s15], [sflag:$0x3], $0x1, s14, s0, $0xb8;
	[tilespmem:$0x1ED00] =	vst v63  }
0x171: {  	_ =	swait.ge [sflag:s25], $0x40  }
0x172: {  	[sflag:s25] =	ssyncset.done $0x0  }
0x173: {  	s16 =	simm.s32 $0x5E80;
	s17 =	simm.s32 $0x6680;
	[sflag:s25] =	ssyncadd.s32 $0xFFFFFFC0  }
0x174: {  	[spmem:s2] =	stream.indirect.scatter.add.f32 [tilespmem:s17], [sflag:$0x3], $0x1, s16, s0, $0xb8;
	[tilespmem:$0x1ED00] =	vst v63  }
0x175: {  	_ =	swait.ge [sflag:s25], $0x40  }
0x176: {  	[sflag:s25] =	ssyncset.done $0x0  }
0x177: {  	s18 =	simm.s32 $0x5F00;
	[sflag:s25] =	ssyncadd.s32 $0xFFFFFFC0  }
0x178: {  	[spmem:s2] =	stream.indirect.scatter.add.f32 [tilespmem:s19], [sflag:$0x3], $0x1, s18, s0, $0xb8;
	[tilespmem:$0x1ED00] =	vst v63  }
0x179: {  	_ =	swait.ge [sflag:s25], $0x40  }
0x17a: {  	[sflag:s25] =	ssyncset.done $0x0  }
0x17b: {  	[sflag:s25] =	ssyncadd.s32 $0xFFFFFFC0  }
0x17c: {  	[spmem:s2] =	stream.indirect.scatter.add.f32 [tilespmem:s21], [sflag:$0x3], $0x1, s20, s0, $0xb8;
	[tilespmem:$0x1ED00] =	vst v63  }
0x17d: {  	_ =	swait.ge [sflag:s25], $0x40  }
0x17e: {  	[sflag:s25] =	ssyncset.done $0x0  }
0x17f: {  	[sflag:s25] =	ssyncadd.s32 $0xFFFFFFC0  }
0x180: {  	[tilespmem:s29], [sflag:$0x1] =	stream.indirect.gather [hbm4b:s4+s0], $0x80, s30, s0, $0xb8;
	[tilespmem:$0x1ED00] =	vst v63  }
0x181: {  	s6 =	simm.s32 $0x0;
	s12 =	simm.s32 $0x0  }
0x182: {  	[tilespmem:s24], [sflag:$0x2] =	stream.indirect.gather [hbm4b:s4+s0], $0x80, s23, s0, $0xb8;
	[tilespmem:$0x1ED00] =	vst v63  }
.LBB2_7:
0x183: {  	s13 =	sshll.u32 s12, $0x8;
	v2 =	vmov s6  }
0x184: {  	v1 =	vmov s13;
	v2 =	vand.u32 $0x7F, v2  }
0x185: {  	v2 =	vadd.s32 v1, v2  }
0x186: {  	_ =	swait.ge [sflag:s10], $0x2000;
	v2 =	vbroadcast v2, $0x0  }
0x187: {  	[sflag:s10] =	ssyncset.done $0x0  }
0x188: {  	s13 =	simm.s32 $0x6840;
	[sflag:s10] =	ssyncadd.s32 $0xFFFFE000  }
0x189: {  	v6 =	vld [tilespmem:s13+$0x30]  }
0x18a: {  	v9 =	vld [tilespmem:s13+$0x10]  }
0x18b: {  	v7 =	vld [tilespmem:s13+$0xFFFFFFC0]  }
0x18c: {  	v3 =	vld.idx.msk [tilespmem:v2+s28+$0x0], $0xffff  }
0x18d: {  	v12 =	vld [tilespmem:s13+$0xFFFFFFE0]  }
0x18e: {  	v4 =	vld [tilespmem:s13+$0x20]  }
0x18f: {  	v5 =	vld [tilespmem:s13+$0xFFFFFFD0]  }
0x190: {  	v2 =	vld [tilespmem:s13+$0xFFFFFFF0]  }
0x191: {  	v10 =	vmul.f32 v6, v3;
	v6 =	vld [tilespmem:s13+$0x0]  }
0x192: {  	s15 =	simm.s32 $0x1;
	v8 =	vmul.f32 v7, v3  }
0x193: {  	s14 =	sshll.u32 s12, $0x1;
	s16 =	simm.s32 $0x2;
	v11 =	vmov s15;
	s15 =	simm.s32 $0x6840;
	v7 =	vmul.f32 v12, v3;
	v9 =	vmul.f32 v9, v3  }
.LBB2_8:
0x194: {  	p0 =	sne.s32 s16, $0x3F  }
0x195: {  	v11 =	vand.u32 $0x7F, v11;
	v5 =	vmul.f32 v5, v3;
	v4 =	vmul.f32 v4, v3;
	[tilespmem:s13+$0x30] =	vst v10;
	s15 =	sadd.s32 $0x80, s15;
	s17 =	smov.u32 s16;
	s16 =	sadd.s32 $0x1, s16  }
0x196: {  	v10 =	vadd.s32 v1, v11;
	[tilespmem:s13+$0xFFFFFFC0] =	vst v8;
	v8 =	vmul.f32 v2, v3;
	v3 =	vmul.f32 v6, v3  }
0x197: {  	v6 =	vbroadcast v10, $0x0;
	[tilespmem:s13+$0x10] =	vst v9  }
0x198: {  	[tilespmem:s13+$0xFFFFFFE0] =	vst v7  }
0x199: {  	v2 =	vld [tilespmem:s15+$0xFFFFFFF0];
	[tilespmem:s13+$0xFFFFFFF0] =	vst v8  }
0x19a: {  	v7 =	vld [tilespmem:s15+$0x30];
	[tilespmem:s13+$0x0] =	vst v3  }
0x19b: {  	v9 =	vld [tilespmem:s15+$0x10];
	[tilespmem:s13+$0x20] =	vst v4  }
0x19c: {  	v8 =	vld [tilespmem:s15+$0xFFFFFFC0];
	[tilespmem:s13+$0xFFFFFFD0] =	vst v5;
	s13 =	smov.u32 s15  }
0x19d: {  	v3 =	vld.idx.msk [tilespmem:v6+s28+$0x0], $0xffff  }
0x19e: {  	v12 =	vld [tilespmem:s15+$0xFFFFFFE0]  }
0x19f: {  	v4 =	vld [tilespmem:s15+$0x20]  }
.Ltmp6:
0x1a0: {  	v5 =	vld [tilespmem:s15+$0xFFFFFFD0];
	(pc) =	sbr.rel @p0 .LBB2_8-.Ltmp6, $3  }
0x1a1: {  	v6 =	vld [tilespmem:s15+$0x0];
	_ =	sdelay $0x1  }
0x1a2: {  	v8 =	vmul.f32 v8, v3;
	v10 =	vmul.f32 v7, v3  }
0x1a3: {  	v11 =	vmov s17;
	v9 =	vmul.f32 v9, v3;
	v7 =	vmul.f32 v12, v3  }
0x1a4: {  	[tilespmem:s13+$0xFFFFFFC0] =	vst v8;
	v8 =	vand.u32 $0x7F, v11  }
0x1a5: {  	[tilespmem:s13+$0x30] =	vst v10;
	v1 =	vadd.s32 v1, v8  }
0x1a6: {  	v2 =	vmul.f32 v2, v3;
	[tilespmem:s13+$0x10] =	vst v9;
	v1 =	vbroadcast v1, $0x0  }
0x1a7: {  	s15 =	sadd.s32 $0x80, s15;
	[tilespmem:s13+$0xFFFFFFE0] =	vst v7;
	v6 =	vmul.f32 v6, v3  }
0x1a8: {  	v4 =	vmul.f32 v4, v3;
	v7 =	vld [tilespmem:s15+$0xFFFFFFF0];
	[tilespmem:s13+$0xFFFFFFF0] =	vst v2  }
0x1a9: {  	v3 =	vmul.f32 v5, v3;
	v2 =	vld [tilespmem:s15+$0x30];
	[tilespmem:s13+$0x0] =	vst v6  }
0x1aa: {  	v5 =	vld [tilespmem:s15+$0x10];
	[tilespmem:s13+$0x20] =	vst v4  }
0x1ab: {  	v4 =	vld [tilespmem:s15+$0xFFFFFFC0];
	[tilespmem:s13+$0xFFFFFFD0] =	vst v3  }
0x1ac: {  	v1 =	vld.idx.msk [tilespmem:v1+s28+$0x0], $0xffff;
	_ =	sdelay $0x2  }
0x1ad: {  	v3 =	vld [tilespmem:s15+$0xFFFFFFE0];
	_ =	sdelay $0x1  }
0x1ae: {  	v6 =	vld [tilespmem:s15+$0x0];
	v2 =	vmul.f32 v2, v1  }
0x1af: {  	v8 =	vld [tilespmem:s15+$0x20];
	v4 =	vmul.f32 v4, v1  }
0x1b0: {  	v9 =	vld [tilespmem:s15+$0xFFFFFFD0];
	v5 =	vmul.f32 v5, v1;
	[tilespmem:s15+$0x30] =	vst v2  }
0x1b1: {  	v2 =	vmul.f32 v3, v1;
	[tilespmem:s15+$0xFFFFFFC0] =	vst v4  }
0x1b2: {  	v3 =	vmul.f32 v7, v1;
	[tilespmem:s15+$0x10] =	vst v5  }
0x1b3: {  	v4 =	vmul.f32 v6, v1;
	[tilespmem:s15+$0xFFFFFFE0] =	vst v2  }
0x1b4: {  	v2 =	vmul.f32 v8, v1;
	[tilespmem:s15+$0xFFFFFFF0] =	vst v3  }
0x1b5: {  	s16 =	sshll.u32 s12, $0xA;
	v1 =	vmul.f32 v9, v1;
	[tilespmem:s15+$0x0] =	vst v4  }
0x1b6: {  	s13 =	sshrl.u32 s16, $0x2;
	[tilespmem:s15+$0x20] =	vst v2  }
0x1b7: {  	p0 =	seq.s32 s12, $0x7;
	s14 =	sor.u32 $0x1, s14;
	s18 =	sadd.s32 $0x5800, s13;
	[tilespmem:s15+$0xFFFFFFD0] =	vst v1  }
0x1b8: {  	[spmem:s1] =	stream.indirect.scatter.add.f32 [tilespmem:s29], [sflag:$0x3], $0x80, s18, s0, $0xb8;
	[tilespmem:$0x1ED00] =	vst v63  }
0x1b9: {  	s17 =	simm.s32 $0x0;
	s16 =	sshrl.u32 @!p0 s16, $0x2;
	_ =	swait.ge [sflag:s25], $0x2000  }
0x1ba: {  	s14 =	sshll.u32 s14, $0x7;
	v2 =	vmov s17;
	s15 =	sadd.s32 @!p0 $0x5100, s16;
	[sflag:s25] =	ssyncset.done $0x0  }
0x1bb: {  	s16 =	simm.s32 @!p0 $0x40;
	s17 =	simm.s32 @!p0 $0x6800;
	v1 =	vmov s14;
	v2 =	vand.u32 $0x7F, v2;
	[sflag:s25] =	ssyncadd.s32 $0xFFFFE000  }
0x1bc: {  	v2 =	vadd.s32 v1, v2;
	[tilespmem:s17], [sflag:$0x1] =	stream.indirect.gather @!p0 [hbm4b:s4+s16], $0x80, s15, s16, $0xb8;
	[tilespmem:$0x1ED00] =	vst v63  }
0x1bd: {  	v2 =	vbroadcast v2, $0x0;
	_ =	swait.ge [sflag:s11], $0x2000  }
0x1be: {  	[sflag:s11] =	ssyncset.done $0x0  }
0x1bf: {  	s15 =	simm.s32 $0x8840;
	[sflag:s11] =	ssyncadd.s32 $0xFFFFE000  }
0x1c0: {  	v6 =	vld [tilespmem:s15+$0x30]  }
0x1c1: {  	v9 =	vld [tilespmem:s15+$0x10]  }
0x1c2: {  	v7 =	vld [tilespmem:s15+$0xFFFFFFC0]  }
0x1c3: {  	v3 =	vld.idx.msk [tilespmem:v2+s28+$0x0], $0xffff  }
0x1c4: {  	v12 =	vld [tilespmem:s15+$0xFFFFFFE0]  }
0x1c5: {  	v2 =	vld [tilespmem:s15+$0xFFFFFFF0]  }
0x1c6: {  	v4 =	vld [tilespmem:s15+$0x20]  }
0x1c7: {  	v5 =	vld [tilespmem:s15+$0xFFFFFFD0]  }
0x1c8: {  	v10 =	vmul.f32 v6, v3;
	v6 =	vld [tilespmem:s15+$0x0]  }
0x1c9: {  	s18 =	simm.s32 $0x1;
	v8 =	vmul.f32 v7, v3  }
0x1ca: {  	v11 =	vmov s18;
	s17 =	simm.s32 $0x2;
	s16 =	simm.s32 $0x8840;
	v7 =	vmul.f32 v12, v3;
	v9 =	vmul.f32 v9, v3  }
.LBB2_10:
0x1cb: {  	p1 =	sne.s32 s17, $0x3F  }
0x1cc: {  	v11 =	vand.u32 $0x7F, v11;
	v5 =	vmul.f32 v5, v3;
	v4 =	vmul.f32 v4, v3;
	[tilespmem:s15+$0x30] =	vst v10;
	s16 =	sadd.s32 $0x80, s16;
	s18 =	smov.u32 s17;
	s17 =	sadd.s32 $0x1, s17  }
0x1cd: {  	v10 =	vadd.s32 v1, v11;
	[tilespmem:s15+$0xFFFFFFC0] =	vst v8;
	v8 =	vmul.f32 v2, v3;
	v3 =	vmul.f32 v6, v3  }
0x1ce: {  	v6 =	vbroadcast v10, $0x0;
	[tilespmem:s15+$0x10] =	vst v9  }
0x1cf: {  	[tilespmem:s15+$0xFFFFFFE0] =	vst v7  }
0x1d0: {  	v2 =	vld [tilespmem:s16+$0xFFFFFFF0];
	[tilespmem:s15+$0xFFFFFFF0] =	vst v8  }
0x1d1: {  	v7 =	vld [tilespmem:s16+$0x30];
	[tilespmem:s15+$0x0] =	vst v3  }
0x1d2: {  	v9 =	vld [tilespmem:s16+$0x10];
	[tilespmem:s15+$0x20] =	vst v4  }
0x1d3: {  	v8 =	vld [tilespmem:s16+$0xFFFFFFC0];
	[tilespmem:s15+$0xFFFFFFD0] =	vst v5;
	s15 =	smov.u32 s16  }
0x1d4: {  	v3 =	vld.idx.msk [tilespmem:v6+s28+$0x0], $0xffff  }
0x1d5: {  	v12 =	vld [tilespmem:s16+$0xFFFFFFE0]  }
0x1d6: {  	v4 =	vld [tilespmem:s16+$0x20]  }
.Ltmp7:
0x1d7: {  	v5 =	vld [tilespmem:s16+$0xFFFFFFD0];
	(pc) =	sbr.rel @p1 .LBB2_10-.Ltmp7, $3  }
0x1d8: {  	v6 =	vld [tilespmem:s16+$0x0];
	_ =	sdelay $0x1  }
0x1d9: {  	v8 =	vmul.f32 v8, v3;
	v10 =	vmul.f32 v7, v3  }
0x1da: {  	v11 =	vmov s18;
	v9 =	vmul.f32 v9, v3;
	v7 =	vmul.f32 v12, v3  }
0x1db: {  	[tilespmem:s15+$0x30] =	vst v10;
	v58 =	vand.u32 $0x7F, v11  }
0x1dc: {  	[tilespmem:s15+$0xFFFFFFC0] =	vst v8;
	v1 =	vadd.s32 v1, v58  }
0x1dd: {  	v2 =	vmul.f32 v2, v3;
	[tilespmem:s15+$0x10] =	vst v9;
	v1 =	vbroadcast v1, $0x0  }
0x1de: {  	s16 =	sadd.s32 $0x80, s16;
	[tilespmem:s15+$0xFFFFFFE0] =	vst v7;
	v6 =	vmul.f32 v6, v3  }
0x1df: {  	v4 =	vmul.f32 v4, v3;
	v3 =	vmul.f32 v5, v3;
	v7 =	vld [tilespmem:s16+$0xFFFFFFF0];
	[tilespmem:s15+$0xFFFFFFF0] =	vst v2  }
0x1e0: {  	v2 =	vld [tilespmem:s16+$0x30];
	[tilespmem:s15+$0x0] =	vst v6  }
0x1e1: {  	v60 =	vld [tilespmem:s16+$0xFFFFFFC0];
	[tilespmem:s15+$0xFFFFFFD0] =	vst v3  }
0x1e2: {  	v59 =	vld [tilespmem:s16+$0x10];
	[tilespmem:s15+$0x20] =	vst v4  }
0x1e3: {  	v1 =	vld.idx.msk [tilespmem:v1+s28+$0x0], $0xffff;
	_ =	sdelay $0x2  }
0x1e4: {  	v6 =	vld [tilespmem:s16+$0x0]  }
0x1e5: {  	v3 =	vld [tilespmem:s16+$0xFFFFFFE0]  }
0x1e6: {  	v2 =	vmul.f32 v2, v1  }
0x1e7: {  	v61 =	vld [tilespmem:s16+$0x20];
	v4 =	vmul.f32 v60, v1  }
0x1e8: {  	v62 =	vld [tilespmem:s16+$0xFFFFFFD0];
	v5 =	vmul.f32 v59, v1;
	[tilespmem:s16+$0x30] =	vst v2  }
0x1e9: {  	v63 =	vmul.f32 v6, v1;
	[tilespmem:s16+$0xFFFFFFC0] =	vst v4  }
0x1ea: {  	v2 =	vmul.f32 v3, v1;
	[tilespmem:s16+$0x10] =	vst v5  }
0x1eb: {  	v3 =	vmul.f32 v7, v1;
	[tilespmem:s16+$0x0] =	vst v63  }
0x1ec: {  	[tilespmem:s16+$0xFFFFFFE0] =	vst v2;
	v2 =	vmul.f32 v61, v1  }
0x1ed: {  	[tilespmem:s16+$0xFFFFFFF0] =	vst v3;
	v1 =	vmul.f32 v62, v1  }
0x1ee: {  	s14 =	sand.u32 $0x3FFFFF80, s14;
	[tilespmem:s16+$0x20] =	vst v2  }
.Ltmp8:
0x1ef: {  	s14 =	sadd.s32 $0x5800, s14;
	[tilespmem:s16+$0xFFFFFFD0] =	vst v1;
	(pc) =	sbr.rel @p0 .LBB2_13-.Ltmp8, $4  }
0x1f0: {  	[spmem:s1] =	stream.indirect.scatter.add.f32 [tilespmem:s24], [sflag:$0x3], $0x80, s14, s0, $0xb8;
	[tilespmem:$0x1ED00] =	vst v63  }
0x1f1: {  	_ =	swait.ge [sflag:s25], $0x2000  }
0x1f2: {  	[sflag:s25] =	ssyncset.done $0x0  }
0x1f3: {  	[sflag:s25] =	ssyncadd.s32 $0xFFFFE000  }
.Ltmp9:
0x1f4: {  	(pc) =	sbr.rel .LBB2_7-.Ltmp9, $3  }
0x1f5: {  	_ =	sdelay $0x1  }
0x1f6: {  	s13 =	sadd.s32 $0x5180, s13;
	s12 =	sadd.s32 $0x1, s12  }
0x1f7: {  	[tilespmem:s24], [sflag:$0x2] =	stream.indirect.gather [hbm4b:s4+s0], $0x80, s13, s0, $0xb8;
	[tilespmem:$0x1ED00] =	vst v63  }
.LBB2_15:
0x1f8: {  	_ =	sfence.sel $0x180000  }
0x1f9: {  	[bflag:$0x0] =	sbarrier.arrive $0xFFFF  }
0x1fa: {  	_ =	strace $0x9000004D  }
0x1fb: {  	s0 =	stileid.u32;
	[bflag:$0x2] =	sbarrier.arrive $0xFFFF  }
0x1fc: {  	p0 =	sne.s32 s0, $0x0;
	s0 =	rddreg [dreg:$0x3]  }
0x1fd: {  	s0 =	sadd.s32 @!p0 $0x100000, s0  }
0x1fe: {  	[sflag:s0] =	ssyncadd.tile.s32 @!p0 $0x1;
	_ =	shalt  }
.Lfunc_end2:
_tile_overlayer_lowered:
.L_overlay_start_2:
0x1ff: {  	(tag) =	ssettag $0x2  }
0x200: {  	s0 =	rddreg [dreg:$0x0];
	s2 =	stileid.u32  }
0x201: {  	s1 =	rddreg [dreg:$0x1];
	p0 =	sne.s32 s2, $0x0  }
0x202: {  	s3 =	rddreg [dreg:$0x2];
	[bflag:$0x3] =	sbarrier.arrive $0xFFFF;
	s2 =	simm.s32 @!p0 $0x1C03  }
0x203: {  	[timem:s3], [sflag:s2] =	dma.local @!p0 [hbm:s0], s1  }
0x204: {  	s0 =	simm.s32 @!p0 $0x3  }
0x205: {  	_ =	swait.ge @!p0 [sflag:s0], s1  }
0x206: {  	s1 =	ssub.s32 @!p0 $0x0, s1;
	[sflag:s0] =	ssyncset.done @!p0 $0x0  }
0x207: {  	[sflag:s0] =	ssyncadd.s32 @!p0 s1  }
0x208: {  	[bflag:$0x3] =	sbarrier.arrive $0xFFFF  }
0x209: {  	_ =	shalt  }

// kernel: kernel.9.cloned.1.call-start
scs
__scs_entry_jumppad:
0x0: {  	(pc) =	sbr.rel $0x88, $3  }
0x1: {  	(tag) =	ssettag $0x0;
	lr =	simm.s32 $0x1  }
0x2: {  	[smem:$0x3F96] =	sst lr;
	_ =	strace $0xD0000000  }
0x3: {  	_ = 	snop  }
0x4: {  	_ = 	snop  }
0x5: {  	_ = 	snop  }
0x6: {  	_ = 	snop  }
0x7: {  	_ = 	snop  }
__scs_overlays_trampoline_lowered:
0x8: {  	[smem:$0x3FA5] =	sst s0  }
0x9: {  	[smem:$0x3FA6] =	sst s1  }
0xa: {  	[smem:$0x3FA7] =	sst s2  }
0xb: {  	[smem:$0x3FA8] =	sst s3  }
0xc: {  	[smem:$0x3FA9] =	sst s4  }
0xd: {  	[smem:$0x3FAA] =	sst s5  }
0xe: {  	[smem:$0x3FAB] =	sst s6  }
0xf: {  	[smem:$0x3FAC] =	sst s7  }
0x10: {  	[smem:$0x3FAD] =	sst s8  }
0x11: {  	[smem:$0x3FAE] =	sst s9;
	s0 =	simm.s32 @!p0 $0x0  }
0x12: {  	s1 =	sld [smem:$0x3F94];
	s0 =	simm.s32 @p0 $0x1  }
0x13: {  	[smem:$0x3FAF] =	sst s0;
	s0 =	simm.s32 @!p1 $0x0  }
0x14: {  	s2 =	sld [smem:$0x3F93];
	s0 =	simm.s32 @p1 $0x1  }
0x15: {  	[smem:$0x3FB0] =	sst s0;
	s0 =	simm.s32 @!p2 $0x0  }
0x16: {  	s3 =	sld [smem:$0x3FDB];
	s0 =	simm.s32 @p2 $0x1  }
0x17: {  	s4 =	simm.s32 $0x1BF5;
	[smem:$0x3FB2] =	sst s0  }
0x18: {  	s0 =	sld [smem:$0x3F95];
	_ =	swait.ge [sflag:s4], $0x0  }
0x19: {  	s7 =	sld [smem:$0x3F96]  }
0x1a: {  	s8 =	sadd.s32 $0xFFFFE003, lr  }
0x1b: {  	s9 =	sadd.s32 $0xFFFFFEF7, lr;
	s5 =	simm.s32 $0xFFFFFFFF;
	p2 =	slt.u32 s8, $0xFFFFF086  }
0x1c: {  	p1 =	slt.u32 s9, $0xF7A;
	s5 =	simm.s32 @!p2 $0x0  }
0x1d: {  	s5 =	simm.s32 @p1 $0x1;
	p0 =	seq.s32 s7, s2  }
0x1e: {  	s7 =	smul.u32 @!p0 $0xF7A, s2;
	p2 =	seq.s32 @!p0 s5, $0x0  }
0x1f: {  	s9 =	smul.u32 $0xF7A, s1;
	s8 =	simm.s32 @!p0 $0x1BF5;
	p2 =	por !p2, p0  }
0x20: {  	[sflag:s8] =	ssyncset.s32 @!p0 $0xFFFFF086;
	s6 =	sadd.s32 @!p0 s3, s7;
	s7 =	simm.s32 @!p0 $0x108  }
0x21: {  	s3 =	sadd.s32 s3, s9;
	s6 =	sadd.s32 @!p0 $0x88, s6;
	s7 =	simm.s32 @p2 $0x1082  }
0x22: {  	[simem:s7], [sflag:s8] =	dma.local @!p0 [hbm:s6], $0xF7A  }
0x23: {  	s9 =	sor.u32 $0xD0000000, s2;
	s6 =	simm.s32 $0x108;
	_ =	swait.ge @!p0 [sflag:s8], $0x0  }
0x24: {  	s3 =	sadd.s32 $0x88, s3;
	s6 =	simm.s32 @!p1 $0x1082;
	[sflag:s4] =	ssyncset.s32 $0xFFFFF086  }
0x25: {  	[simem:s6], [sflag:s4] =	dma.local [hbm:s3], $0xF7A  }
0x26: {  	[smem:$0x3F96] =	sst s1;
	(tag) =	ssettag s2;
	_ =	strace s9  }
0x27: {  	s1 =	sld [smem:$0x3FA6]  }
0x28: {  	s2 =	sld [smem:$0x3FA7]  }
0x29: {  	s4 =	sld [smem:$0x3FA9]  }
0x2a: {  	p0 =	seq.s32 s5, $0x0;
	s5 =	sld [smem:$0x3FAA]  }
0x2b: {  	s6 =	sld [smem:$0x3FAB]  }
0x2c: {  	s7 =	sld [smem:$0x3FAC]  }
0x2d: {  	s3 =	simm.s32 $0x108;
	s8 =	sld [smem:$0x3FAD]  }
0x2e: {  	s3 =	simm.s32 @!p0 $0x1082;
	s9 =	sld [smem:$0x3FAE]  }
0x2f: {  	lr =	sadd.s32 s0, s3;
	s0 =	sld [smem:$0x3FA5]  }
0x30: {  	s3 =	sld [smem:$0x3FA8]  }
0x31: {  	[smem:$0x3FB1] =	sst s10  }
0x32: {  	s10 =	sld [smem:$0x3FAF];
	_ =	sdelay $0x3  }
0x33: {  	p0 =	seq.s32 s10, $0x1;
	s10 =	sld [smem:$0x3FB1];
	_ =	sdelay $0x3  }
0x34: {  	[smem:$0x3FB1] =	sst s10  }
0x35: {  	s10 =	sld [smem:$0x3FB0];
	_ =	sdelay $0x3  }
0x36: {  	p1 =	seq.s32 s10, $0x1;
	s10 =	sld [smem:$0x3FB1];
	_ =	sdelay $0x3  }
0x37: {  	[smem:$0x3FB1] =	sst s10  }
0x38: {  	s10 =	sld [smem:$0x3FB2]  }
0x39: {  	_ = 	snop;
	(pc) =	sbr.ind lr, $3  }
0x3a: {  	_ = 	snop  }
0x3b: {  	_ = 	snop  }
0x3c: {  	p2 =	seq.s32 s10, $0x1;
	s10 =	sld [smem:$0x3FB1]  }
0x3d: {  	_ =	shalt  }
0x3e: {  	_ =	shalt  }
0x3f: {  	_ =	shalt  }
0x40: {  	_ =	shalt  }
0x41: {  	_ =	shalt  }
0x42: {  	_ =	shalt  }
0x43: {  	_ =	shalt  }
0x44: {  	_ =	shalt  }
0x45: {  	_ =	shalt  }
0x46: {  	_ =	shalt  }
0x47: {  	_ =	shalt  }
0x48: {  	_ =	shalt  }
0x49: {  	_ =	shalt  }
0x4a: {  	_ =	shalt  }
0x4b: {  	_ =	shalt  }
0x4c: {  	_ =	shalt  }
0x4d: {  	_ =	shalt  }
0x4e: {  	_ =	shalt  }
0x4f: {  	_ =	shalt  }
0x50: {  	_ =	shalt  }
0x51: {  	_ =	shalt  }
0x52: {  	_ =	shalt  }
0x53: {  	_ =	shalt  }
0x54: {  	_ =	shalt  }
0x55: {  	_ =	shalt  }
0x56: {  	_ =	shalt  }
0x57: {  	_ =	shalt  }
0x58: {  	_ =	shalt  }
0x59: {  	_ =	shalt  }
0x5a: {  	_ =	shalt  }
0x5b: {  	_ =	shalt  }
0x5c: {  	_ =	shalt  }
0x5d: {  	_ =	shalt  }
0x5e: {  	_ =	shalt  }
0x5f: {  	_ =	shalt  }
0x60: {  	_ =	shalt  }
0x61: {  	_ =	shalt  }
0x62: {  	_ =	shalt  }
0x63: {  	_ =	shalt  }
0x64: {  	_ =	shalt  }
0x65: {  	_ =	shalt  }
0x66: {  	_ =	shalt  }
0x67: {  	_ =	shalt  }
0x68: {  	_ =	shalt  }
0x69: {  	_ =	shalt  }
0x6a: {  	_ =	shalt  }
0x6b: {  	_ =	shalt  }
0x6c: {  	_ =	shalt  }
0x6d: {  	_ =	shalt  }
0x6e: {  	_ =	shalt  }
0x6f: {  	_ =	shalt  }
0x70: {  	_ =	shalt  }
0x71: {  	_ =	shalt  }
0x72: {  	_ =	shalt  }
0x73: {  	_ =	shalt  }
0x74: {  	_ =	shalt  }
0x75: {  	_ =	shalt  }
0x76: {  	_ =	shalt  }
0x77: {  	_ =	shalt  }
0x78: {  	_ =	shalt  }
0x79: {  	_ =	shalt  }
0x7a: {  	_ =	shalt  }
0x7b: {  	_ =	shalt  }
0x7c: {  	_ =	shalt  }
0x7d: {  	_ =	shalt  }
0x7e: {  	_ =	shalt  }
0x7f: {  	_ =	shalt  }
0x80: {  	_ =	shalt  }
0x81: {  	_ =	shalt  }
0x82: {  	_ =	shalt  }
0x83: {  	_ =	shalt  }
0x84: {  	_ =	shalt  }
0x85: {  	_ =	shalt  }
0x86: {  	_ =	shalt  }
0x87: {  	_ =	shalt  }
.Lfunc_end0:
.L_simem_size_0:
called_computation_lowered:
.L_overlay_start_0:
0x88: {  	s2 =	sld [smem:$0x3FD9]  }
0x89: {  	s3 =	sld [smem:$0x3FFE];
	_ =	sdelay $0x1  }
0x8a: {  	s1 =	srdreg.scid  }
0x8b: {  	s0 =	sand.u32 $0x1, s1  }
0x8c: {  	s16 =	sshll.u32 s0, $0xA;
	s2 =	sadd.s32 s3, s2  }
0x8d: {  	s2 =	sadd.s32 s2, s16  }
0x8e: {  	[smem:$0x3FBD] =	sst s2  }
0x8f: {  	_ = 	snop  }
0x90: {  	(tm) =	ssettm $0x1  }
0x91: {  	s17 =	sld [smem:$0x3FFB];
	_ =	sdelay $0x3  }
0x92: {  	_ =	strace s17  }
0x93: {  	s2 =	sld [smem:$0x3FFC];
	_ =	sdelay $0x3  }
0x94: {  	_ =	strace s2  }
0x95: {  	s2 =	sld [smem:$0x3FFD];
	_ =	sdelay $0x3  }
0x96: {  	_ =	strace s2  }
0x97: {  	_ =	strace $0x8FFFFFFF  }
0x98: {  	s18 =	sld [smem:$0x3FDB];
	_ =	sdelay $0x1  }
0x99: {  	s19 =	simm.s32 $_scs_section_size  }
0x9a: {  	s4 =	simm.s32 $_size__tile_overlayer_lowered;
	s5 =	simm.s32 $_tile_overlayer_lowered  }
0x9b: {  	s22 =	simm.s32 $0x1BFF;
	s21 =	sshll.u32 s5, $0x1;
	s2 =	sadd.s32 s19, s18  }
0x9c: {  	s6 =	simm.s32 $0x0;
	s20 =	sshll.u32 s4, $0x1;
	s4 =	sadd.s32 s21, s2  }
0x9d: {  	[timem:s6], [sflag:s22] =	dma.local [hbm:s4], s20  }
0x9e: {  	_ =	swait.ge [sflag:s22], s20  }
0x9f: {  	s3 =	ssub.s32 $0x0, s20;
	[sflag:s22] =	ssyncset.done $0x0  }
0xa0: {  	[sflag:s22] =	ssyncadd.s32 s3;
	_ =	sdelay $0x1  }
0xa1: {  	s23 =	simm.s32 $0x1B8B  }
0xa2: {  	_ =	swait.ge [sflag:s23], $0x1  }
0xa3: {  	[sflag:s23] =	ssyncset.done $0x0  }
0xa4: {  	s25 =	simm.s32 $0x1B8E;
	s24 =	sld [smem:$0x3FFE];
	[sflag:s23] =	ssyncadd.s32 $0xFFFFFFFF  }
0xa5: {  	s26 =	simm.s32 $execute0_lowered;
	[smem:$0x3FD2] =	sst s25  }
0xa6: {  	s4 =	sshll.u32 s26, $0x1;
	_ =	strace $0x80000046;
	[dreg:$0x1] =	wrdreg $0xFFFFFFFF  }
0xa7: {  	s28 =	simm.s32 $_size_execute0_lowered;
	s2 =	sadd.s32 s2, s4;
	[dreg:$0x0] =	wrdreg $0x0  }
0xa8: {  	s4 =	sshll.u32 s28, $0x1;
	[dreg:$0x2] =	wrdreg s2  }
0xa9: {  	[dreg:$0x3] =	wrdreg s4  }
0xaa: {  	[dreg:$0x4] =	wrdreg $0xC0  }
0xab: {  	_ =	task [dreg:s6], $0x5FFFF  }
0xac: {  	[dreg:$0x1] =	wrdreg $0xFFFFFFFF  }
0xad: {  	[dreg:$0x0] =	wrdreg $0x60  }
0xae: {  	[dreg:$0x2] =	wrdreg s24  }
0xaf: {  	[dreg:$0x3] =	wrdreg $0xAD000  }
0xb0: {  	[dreg:$0x4] =	wrdreg $0xAA800  }
0xb1: {  	[dreg:$0x5] =	wrdreg $0x9  }
0xb2: {  	_ =	task.clear_ibuf [dreg:s6], $0x6FFFF;
	_ =	strace $0x90000046  }
0xb3: {  	s29 =	simm.s32 $0x9;
	_ =	strace $0x80000048  }
0xb4: {  	_ =	swait.ge [sflag:s29], $0x1  }
0xb5: {  	[sflag:s29] =	ssyncadd.s32 $0xFFFFFFFF  }
0xb6: {  	_ =	strace $0x90000048  }
0xb7: {  	_ =	sfence  }
0xb8: {  	s30 =	sld [smem:$0x0];
	_ =	sdelay $0x2  }
0xb9: {  	s31 =	sshll.u32 s1, $0xD;
	s1 =	sshrl.u32 s1, $0x2  }
0xba: {  	s3 =	sand.u32 $0x4000, s31;
	s1 =	sadd.s32 s1, s30  }
0xbb: {  	s0 =	sor.u32 s3, s0;
	s1 =	sshll.u32 s1, $0x11  }
0xbc: {  	s0 =	sor.u32 s1, s0  }
0xbd: {  	s0 =	sadd.s32 $0x8F2B, s0  }
0xbe: {  	[sflag:s0] =	ssyncadd.remote.s32 $0x1  }
0xbf: {  	_ =	sfence.sel $0xFFFF  }
0xc0: {  	[dreg:$0x0] =	wrdreg $0xFFFFFFFF;
	(pc) =	sbr.abs _section_cstart, $3  }
0xc1: {  	[dreg:$0x1] =	wrdreg $0xFFFFFFFF  }
0xc2: {  	_ =	task.clear_ibuf [dreg:s6], $0x2FFFF;
	_ =	strace $0x9FFFFFFF  }
0xc3: {  	(tm) =	ssettm $0x7FFFFFFF  }
tec
execute0_lowered:
.L_overlay_start_1:
0x0: {  	(tag) =	ssettag $0x1  }
0x1: {  	s0 =	rddreg [dreg:$0x0]  }
0x2: {  	s1 =	rddreg [dreg:$0x1]  }
0x3: {  	s2 =	rddreg [dreg:$0x2]  }
0x4: {  	s3 =	simm.s32 $0x0;
	s6 =	srdreg.scid;
	s15 =	stileid.u32  }
0x5: {  	s29 =	simm.s32 $0x6800;
	s30 =	simm.s32 $0x5000;
	s31 =	simm.s32 $0x5800  }
0x6: {  	s28 =	simm.s32 $0x6000;
	[smem:$0x7FF] =	sst s3;
	s4 =	sadd.s32 $0x2D200, s0  }
0x7: {  	s5 =	sadd.s32 $0x55200, s0;
	s25 =	sadd.s32 $0x55800, s0;
	s8 =	sadd.s32 $0x19200, s0  }
0x8: {  	s9 =	sadd.s32 $0x5200, s0;
	s7 =	sadd.s32 $0x56A00, s0;
	s10 =	smul.u32 $0x50000, s15  }
0x9: {  	s6 =	sand.u32 $0x1, s6;
	s11 =	sadd.s32 $0x55E00, s0;
	s13 =	smul.u32 $0x280, s15  }
0xa: {  	s19 =	smul.u32 $0x2800, s15;
	_ =	strace $0x80000047;
	[dreg:$0x4] =	wrdreg s5  }
0xb: {  	[dreg:$0x5] =	wrdreg s25;
	s5 =	sadd.s32 $0x7EA00, s0;
	p0 =	seq.s32 s6, $0x1  }
0xc: {  	s12 =	ssub.s32 $0x2, s6;
	s0 =	sadd.s32 $0x56400, s0;
	s5 =	smov.u32 @p0 s7  }
0xd: {  	s10 =	sshrl.u32 s10, $0x2;
	s11 =	smov.u32 @p0 s0;
	s5 =	sadd.s32 s5, s19  }
0xe: {  	s25 =	sshrl.u32 s13, $0x3;
	s16 =	sadd.s32 s10, s1;
	[dreg:$0xf] =	wrdreg s5  }
0xf: {  	s14 =	sshrl.u32 s12, $0x1;
	s0 =	sadd.s32 s11, s25;
	[dreg:$0x7] =	wrdreg s16  }
0x10: {  	s12 =	ssub.s32 s12, s14;
	s14 =	sadd.s32 s13, s2;
	[dreg:$0x13] =	wrdreg s0  }
0x11: {  	s6 =	sshll.u32 s6, $0x4;
	s10 =	sadd.s32 $0x2000, s16;
	[dreg:$0x6] =	wrdreg s14  }
0x12: {  	s23 =	sor.u32 s15, s6;
	s26 =	sadd.s32 $0x4000, s16;
	[dreg:$0x8] =	wrdreg s10  }
0x13: {  	s6 =	simm.s32 $0x0;
	s17 =	sadd.s32 $0x6000, s16;
	[dreg:$0x9] =	wrdreg s26  }
0x14: {  	s25 =	simm.s32 $0x3;
	s18 =	sadd.s32 $0x8000, s16;
	[dreg:$0xa] =	wrdreg s17  }
0x15: {  	s19 =	simm.s32 $0x6700;
	s20 =	sadd.s32 $0xC000, s16;
	[dreg:$0xb] =	wrdreg s18  }
0x16: {  	s11 =	simm.s32 $0x2;
	s21 =	sadd.s32 $0xE000, s16;
	[dreg:$0xd] =	wrdreg s20  }
0x17: {  	s22 =	sadd.s32 $0x10000, s16;
	s24 =	sadd.s32 $0x12000, s16;
	[dreg:$0xe] =	wrdreg s21  }
.Ltmp0:
0x18: {  	s0 =	simm.s32 $0x40;
	[dreg:$0x10] =	wrdreg s22;
	(pc) =	sbr.rel .LBB2_1-.Ltmp0, $4  }
0x19: {  	s17 =	sadd.s32 $0xA000, s16;
	[dreg:$0x11] =	wrdreg s24;
	s22 =	smul.u32 $0x5000, s23  }
0x1a: {  	s26 =	smax.u32 s12, $0x1;
	s20 =	simm.s32 $0x5F80;
	s21 =	simm.s32 $0x6780  }
0x1b: {  	s23 =	simm.s32 $0x5080;
	s24 =	simm.s32 $0x8800;
	[dreg:$0xc] =	wrdreg s17  }
0x1c: {  	v0 =	vimm.f32 $0.0e+00;
	s10 =	simm.s32 $0x1;
	[dreg:$0x12] =	wrdreg s26;
	s26 =	simm.s32 $0x2800  }
.LBB2_14:
0x1d: {  	s5 =	stileid.u32;
	[bflag:$0x0] =	sbarrier.arrive $0xFFFF  }
0x1e: {  	s5 =	sshll.u32 s5, $0x6;
	s6 =	rddreg [dreg:$0x7]  }
0x1f: {  	s7 =	rddreg [dreg:$0xf];
	s5 =	sor.u32 $0x1C03, s5;
	s6 =	sshrl.u32 s6, $0x3  }
0x20: {  	[hbm:s7], [sflag:s5] =	dma.local [spmem:s6], $0x2800  }
0x21: {  	_ =	swait.ge [sflag:s25], $0x2800  }
0x22: {  	[sflag:s25] =	ssyncset.done $0x0;
	s14 =	rddreg [dreg:$0x6]  }
0x23: {  	s16 =	rddreg [dreg:$0x13];
	[sflag:s25] =	ssyncadd.s32 $0xFFFFD800;
	s15 =	sshrl.u32 s14, $0x3  }
0x24: {  	[hbm:s16], [sflag:s5] =	dma.local [spmem:s15], $0x50  }
0x25: {  	_ =	swait.ge [sflag:s25], $0x50  }
0x26: {  	s17 =	rddreg [dreg:$0x14]  }
0x27: {  	s18 =	rddreg [dreg:$0x12];
	s6 =	sadd.s32 $0x1, s17  }
0x28: {  	p0 =	sne.s32 s6, s18  }
.Ltmp1:
0x29: {  	_ = 	snop;
	(pc) =	sbr.rel @!p0 .LBB2_15-.Ltmp1, $3  }
0x2a: {  	_ =	sdelay $0x1  }
0x2b: {  	[sflag:s25] =	ssyncset.done $0x0  }
0x2c: {  	[sflag:s25] =	ssyncadd.s32 $0xFFFFFFB0  }
.LBB2_1:
0x2d: {  	[dreg:$0x14] =	wrdreg s6  }
0x2e: {  	s5 =	rddreg [dreg:$0x4]  }
0x2f: {  	[tilespmem:s3], [sflag:$0x3] =	stream.linear.gather [hbm4b:s5+s3], $0x2800, $0x38;
	[tilespmem:$0x1ED00] =	vst v63  }
0x30: {  	_ =	swait.ge [sflag:s25], $0x2800  }
0x31: {  	[sflag:s25] =	ssyncset.done $0x0  }
0x32: {  	s18 =	rddreg [dreg:$0x5];
	[sflag:s25] =	ssyncadd.s32 $0xFFFFD800  }
0x33: {  	[tilespmem:s26], [sflag:$0x3] =	stream.linear.gather [hbm4b:s18+s3], $0x2800, $0x38;
	[tilespmem:$0x1ED00] =	vst v63  }
0x34: {  	_ =	swait.ge [sflag:s25], $0x2800  }
0x35: {  	[sflag:s25] =	ssyncset.done $0x0  }
0x36: {  	[sflag:s25] =	ssyncadd.s32 $0xFFFFD800  }
0x37: {  	[tilespmem:$0xA800] =	vst v0  }
0x38: {  	[tilespmem:$0xA810] =	vst v0  }
0x39: {  	[tilespmem:$0xA820] =	vst v0  }
0x3a: {  	[tilespmem:$0xA830] =	vst v0  }
0x3b: {  	[tilespmem:$0xA840] =	vst v0  }
0x3c: {  	[tilespmem:$0xA850] =	vst v0  }
0x3d: {  	[tilespmem:$0xA860] =	vst v0  }
0x3e: {  	[tilespmem:$0xA870] =	vst v0  }
0x3f: {  	[tilespmem:$0xA880] =	vst v0  }
0x40: {  	[tilespmem:$0xA890] =	vst v0  }
0x41: {  	[tilespmem:$0xA8A0] =	vst v0  }
0x42: {  	[tilespmem:$0xA8B0] =	vst v0  }
0x43: {  	[tilespmem:$0xA8C0] =	vst v0  }
0x44: {  	[tilespmem:$0xA8D0] =	vst v0  }
0x45: {  	[tilespmem:$0xA8E0] =	vst v0  }
0x46: {  	[tilespmem:$0xA8F0] =	vst v0  }
0x47: {  	[tilespmem:$0xA900] =	vst v0  }
0x48: {  	[tilespmem:$0xA910] =	vst v0  }
0x49: {  	[tilespmem:$0xA920] =	vst v0  }
0x4a: {  	[tilespmem:$0xA930] =	vst v0  }
0x4b: {  	[tilespmem:$0xA940] =	vst v0  }
0x4c: {  	[tilespmem:$0xA950] =	vst v0  }
0x4d: {  	[tilespmem:$0xA960] =	vst v0  }
0x4e: {  	[tilespmem:$0xA970] =	vst v0  }
0x4f: {  	[tilespmem:$0xA980] =	vst v0  }
0x50: {  	[tilespmem:$0xA990] =	vst v0  }
0x51: {  	[tilespmem:$0xA9A0] =	vst v0  }
0x52: {  	[tilespmem:$0xA9B0] =	vst v0  }
0x53: {  	[tilespmem:$0xA9C0] =	vst v0  }
0x54: {  	[tilespmem:$0xA9D0] =	vst v0  }
0x55: {  	[tilespmem:$0xA9E0] =	vst v0  }
0x56: {  	[tilespmem:$0xA9F0] =	vst v0  }
0x57: {  	[tilespmem:$0xAA00] =	vst v0  }
0x58: {  	[tilespmem:$0xAA10] =	vst v0  }
0x59: {  	[tilespmem:$0xAA20] =	vst v0  }
0x5a: {  	[tilespmem:$0xAA30] =	vst v0  }
0x5b: {  	[tilespmem:$0xAA40] =	vst v0  }
0x5c: {  	[tilespmem:$0xAA50] =	vst v0  }
0x5d: {  	[tilespmem:$0xAA60] =	vst v0  }
0x5e: {  	s6 =	simm.s32 $0x200;
	s5 =	simm.s32 $0x0;
	[tilespmem:$0xAA70] =	vst v0  }
.LBB2_2:
0x5f: {  	p0 =	sne.s32 s6, $0x7E00;
	[tilespmem:s5+$0x6870] =	vst v0  }
0x60: {  	[tilespmem:s5+$0x6800] =	vst v0  }
0x61: {  	[tilespmem:s5+$0x6810] =	vst v0  }
.Ltmp2:
0x62: {  	[tilespmem:s5+$0x6820] =	vst v0;
	(pc) =	sbr.rel @p0 .LBB2_2-.Ltmp2, $4  }
0x63: {  	[tilespmem:s5+$0x6830] =	vst v0  }
0x64: {  	[tilespmem:s5+$0x6840] =	vst v0  }
0x65: {  	[tilespmem:s5+$0x6850] =	vst v0  }
0x66: {  	[tilespmem:s5+$0x6860] =	vst v0;
	s5 =	sshra.s32 s6, $0x2;
	s6 =	sadd.s32 $0x200, s6  }
0x67: {  	[tilespmem:s5+$0x6870] =	vst v0  }
0x68: {  	[tilespmem:s5+$0x6800] =	vst v0  }
0x69: {  	[tilespmem:s5+$0x6810] =	vst v0  }
0x6a: {  	[tilespmem:s5+$0x6820] =	vst v0  }
0x6b: {  	[tilespmem:s5+$0x6830] =	vst v0  }
0x6c: {  	[tilespmem:s5+$0x6840] =	vst v0  }
0x6d: {  	[tilespmem:s5+$0x6850] =	vst v0  }
0x6e: {  	[tilespmem:s5+$0x6860] =	vst v0;
	s17 =	simm.s32 $0xA800  }
0x6f: {  	[spmem:s14] =	stream.linear.scatter [tilespmem:s17], [sflag:$0x3], $0x280, $0x38;
	[tilespmem:$0x1ED00] =	vst v63  }
0x70: {  	_ =	swait.ge [sflag:s25], $0x280  }
0x71: {  	[sflag:s25] =	ssyncset.done $0x0  }
0x72: {  	s18 =	rddreg [dreg:$0x7];
	[sflag:s25] =	ssyncadd.s32 $0xFFFFFD80  }
0x73: {  	[spmem:s18] =	stream.linear.scatter [tilespmem:s29], [sflag:$0x3], $0x2000, $0x38;
	[tilespmem:$0x1ED00] =	vst v63  }
0x74: {  	_ =	swait.ge [sflag:s25], $0x2000  }
0x75: {  	[sflag:s25] =	ssyncset.done $0x0  }
0x76: {  	s6 =	rddreg [dreg:$0x8];
	[sflag:s25] =	ssyncadd.s32 $0xFFFFE000  }
0x77: {  	[spmem:s6] =	stream.linear.scatter [tilespmem:s29], [sflag:$0x3], $0x2000, $0x38;
	[tilespmem:$0x1ED00] =	vst v63  }
0x78: {  	_ =	swait.ge [sflag:s25], $0x2000  }
0x79: {  	[sflag:s25] =	ssyncset.done $0x0  }
0x7a: {  	s7 =	rddreg [dreg:$0x9];
	[sflag:s25] =	ssyncadd.s32 $0xFFFFE000  }
0x7b: {  	[spmem:s7] =	stream.linear.scatter [tilespmem:s29], [sflag:$0x3], $0x2000, $0x38;
	[tilespmem:$0x1ED00] =	vst v63  }
0x7c: {  	_ =	swait.ge [sflag:s25], $0x2000  }
0x7d: {  	[sflag:s25] =	ssyncset.done $0x0  }
0x7e: {  	s12 =	rddreg [dreg:$0xa];
	[sflag:s25] =	ssyncadd.s32 $0xFFFFE000  }
0x7f: {  	[spmem:s12] =	stream.linear.scatter [tilespmem:s29], [sflag:$0x3], $0x2000, $0x38;
	[tilespmem:$0x1ED00] =	vst v63  }
0x80: {  	_ =	swait.ge [sflag:s25], $0x2000  }
0x81: {  	[sflag:s25] =	ssyncset.done $0x0  }
0x82: {  	s13 =	rddreg [dreg:$0xb];
	[sflag:s25] =	ssyncadd.s32 $0xFFFFE000  }
0x83: {  	[spmem:s13] =	stream.linear.scatter [tilespmem:s29], [sflag:$0x3], $0x2000, $0x38;
	[tilespmem:$0x1ED00] =	vst v63  }
0x84: {  	_ =	swait.ge [sflag:s25], $0x2000  }
0x85: {  	[sflag:s25] =	ssyncset.done $0x0  }
0x86: {  	s14 =	rddreg [dreg:$0xc];
	[sflag:s25] =	ssyncadd.s32 $0xFFFFE000  }
0x87: {  	[spmem:s14] =	stream.linear.scatter [tilespmem:s29], [sflag:$0x3], $0x2000, $0x38;
	[tilespmem:$0x1ED00] =	vst v63  }
0x88: {  	_ =	swait.ge [sflag:s25], $0x2000  }
0x89: {  	[sflag:s25] =	ssyncset.done $0x0  }
0x8a: {  	s15 =	rddreg [dreg:$0xd];
	[sflag:s25] =	ssyncadd.s32 $0xFFFFE000  }
0x8b: {  	[spmem:s15] =	stream.linear.scatter [tilespmem:s29], [sflag:$0x3], $0x2000, $0x38;
	[tilespmem:$0x1ED00] =	vst v63  }
0x8c: {  	_ =	swait.ge [sflag:s25], $0x2000  }
0x8d: {  	[sflag:s25] =	ssyncset.done $0x0  }
0x8e: {  	s16 =	rddreg [dreg:$0xe];
	[sflag:s25] =	ssyncadd.s32 $0xFFFFE000  }
0x8f: {  	[spmem:s16] =	stream.linear.scatter [tilespmem:s29], [sflag:$0x3], $0x2000, $0x38;
	[tilespmem:$0x1ED00] =	vst v63  }
0x90: {  	_ =	swait.ge [sflag:s25], $0x2000  }
0x91: {  	[sflag:s25] =	ssyncset.done $0x0  }
0x92: {  	s17 =	rddreg [dreg:$0x10];
	[sflag:s25] =	ssyncadd.s32 $0xFFFFE000  }
0x93: {  	[spmem:s17] =	stream.linear.scatter [tilespmem:s29], [sflag:$0x3], $0x2000, $0x38;
	[tilespmem:$0x1ED00] =	vst v63  }
0x94: {  	_ =	swait.ge [sflag:s25], $0x2000  }
0x95: {  	[sflag:s25] =	ssyncset.done $0x0  }
0x96: {  	s18 =	rddreg [dreg:$0x11];
	[sflag:s25] =	ssyncadd.s32 $0xFFFFE000  }
0x97: {  	[spmem:s18] =	stream.linear.scatter [tilespmem:s29], [sflag:$0x3], $0x2000, $0x38;
	[tilespmem:$0x1ED00] =	vst v63  }
.Ltmp3:
0x98: {  	_ =	swait.ge [sflag:s25], $0x2000;
	(pc) =	sbr.rel .LBB2_4-.Ltmp3, $4  }
0x99: {  	[sflag:s25] =	ssyncset.done $0x0  }
0x9a: {  	[sflag:s25] =	ssyncadd.s32 $0xFFFFE000  }
0x9b: {  	[bflag:$0x0] =	sbarrier.arrive $0xFFFF  }
0x9c: {  	s5 =	simm.s32 $0x0;
	s7 =	simm.s32 $0x0  }
.LBB2_13:
0x9d: {  	s5 =	sadd.s32 $0x1, s5  }
0x9e: {  	p0 =	sne.s32 s5, $0xA  }
.Ltmp4:
0x9f: {  	_ = 	snop;
	(pc) =	sbr.rel @!p0 .LBB2_14-.Ltmp4, $1  }
0xa0: {  	_ =	sdelay $0x3  }
.LBB2_4:
0xa1: {  	s6 =	sshll.u32 s5, $0xB  }
0xa2: {  	s6 =	sadd.s32 s22, s6  }
0xa3: {  	s6 =	sshrl.u32 s6, $0x3  }
0xa4: {  	s12 =	sadd.s32 s8, s6  }
0xa5: {  	[tilespmem:s30], [sflag:$0x3] =	stream.linear.gather [hbm4b:s12+s7], $0x800, $0x38;
	[tilespmem:$0x1ED00] =	vst v63  }
0xa6: {  	_ =	swait.ge [sflag:s25], $0x800  }
0xa7: {  	[sflag:s25] =	ssyncset.done $0x0  }
0xa8: {  	s6 =	sadd.s32 s9, s6;
	[sflag:s25] =	ssyncadd.s32 $0xFFFFF800  }
0xa9: {  	[tilespmem:s31], [sflag:$0x3] =	stream.linear.gather [hbm4b:s6+s7], $0x800, $0x38;
	[tilespmem:$0x1ED00] =	vst v63  }
0xaa: {  	_ =	swait.ge [sflag:s25], $0x800  }
0xab: {  	[sflag:s25] =	ssyncset.done $0x0  }
0xac: {  	s6 =	simm.s32 $0x0;
	[sflag:s25] =	ssyncadd.s32 $0xFFFFF800  }
0xad: {  	v1 =	vld [tilespmem:s6+$0x5000]  }
0xae: {  	v2 =	vld [tilespmem:s6+$0x5800];
	_ =	sdelay $0x6  }
0xaf: {  	v1 =	vld.idx.msk [tilespmem:v1+s3+$0x0], $0xffff  }
0xb0: {  	v2 =	vld.idx.msk [tilespmem:v2+s26+$0x0], $0xffff;
	_ =	sdelay $0x4  }
0xb1: {  	v1 =	vadd.f32 v2, v1;
	_ =	sdelay $0x1  }
0xb2: {  	v2 =	vmul.f32 $2.000000030e-01, v1  }
0xb3: {  	vm0 =	vge.f32 v1, $0.0e+00  }
0xb4: {  	v1 =	vsel vm0, v1, v2  }
0xb5: {  	v1 =	vmul.f32 $1.442695020e+00, v1;
	_ =	sdelay $0x1  }
0xb6: {  	(erf) = vpow2.f32 v1;
	_ =	sdelay $0x2  }
0xb7: {  	v1 =	vld [tilespmem:s6+$0x5010]  }
0xb8: {  	v2 =	vld [tilespmem:s6+$0x5810];
	_ =	sdelay $0x4  }
0xb9: {  	v3 =	vpop (erf)  }
0xba: {  	[tilespmem:s6+$0x6000] =	vst v3  }
0xbb: {  	v1 =	vld.idx.msk [tilespmem:v1+s3+$0x0], $0xffff  }
0xbc: {  	v2 =	vld.idx.msk [tilespmem:v2+s26+$0x0], $0xffff;
	_ =	sdelay $0x4  }
0xbd: {  	v1 =	vadd.f32 v2, v1;
	_ =	sdelay $0x1  }
0xbe: {  	v2 =	vmul.f32 $2.000000030e-01, v1  }
0xbf: {  	vm13 =	vge.f32 v1, $0.0e+00  }
0xc0: {  	v1 =	vsel vm13, v1, v2  }
0xc1: {  	v1 =	vmul.f32 $1.442695020e+00, v1;
	_ =	sdelay $0x1  }
0xc2: {  	(erf) = vpow2.f32 v1;
	_ =	sdelay $0x2  }
0xc3: {  	v1 =	vld [tilespmem:s6+$0x5020]  }
0xc4: {  	v2 =	vld [tilespmem:s6+$0x5820];
	_ =	sdelay $0x4  }
0xc5: {  	v3 =	vpop (erf)  }
0xc6: {  	[tilespmem:s6+$0x6010] =	vst v3  }
0xc7: {  	v1 =	vld.idx.msk [tilespmem:v1+s3+$0x0], $0xffff  }
0xc8: {  	v2 =	vld.idx.msk [tilespmem:v2+s26+$0x0], $0xffff;
	_ =	sdelay $0x4  }
0xc9: {  	v1 =	vadd.f32 v2, v1;
	_ =	sdelay $0x1  }
0xca: {  	v2 =	vmul.f32 $2.000000030e-01, v1  }
0xcb: {  	vm14 =	vge.f32 v1, $0.0e+00  }
0xcc: {  	v1 =	vsel vm14, v1, v2  }
0xcd: {  	v1 =	vmul.f32 $1.442695020e+00, v1;
	_ =	sdelay $0x1  }
0xce: {  	(erf) = vpow2.f32 v1;
	_ =	sdelay $0x2  }
0xcf: {  	v1 =	vld [tilespmem:s6+$0x5030]  }
0xd0: {  	v2 =	vld [tilespmem:s6+$0x5830];
	_ =	sdelay $0x4  }
0xd1: {  	v3 =	vpop (erf)  }
0xd2: {  	[tilespmem:s6+$0x6020] =	vst v3  }
0xd3: {  	v1 =	vld.idx.msk [tilespmem:v1+s3+$0x0], $0xffff  }
0xd4: {  	v2 =	vld.idx.msk [tilespmem:v2+s26+$0x0], $0xffff;
	_ =	sdelay $0x4  }
0xd5: {  	v1 =	vadd.f32 v2, v1;
	_ =	sdelay $0x1  }
0xd6: {  	v2 =	vmul.f32 $2.000000030e-01, v1  }
0xd7: {  	vm15 =	vge.f32 v1, $0.0e+00  }
0xd8: {  	v1 =	vsel vm15, v1, v2  }
0xd9: {  	v2 =	vmul.f32 $1.442695020e+00, v1;
	_ =	sdelay $0x1  }
0xda: {  	(erf) = vpow2.f32 v2;
	_ =	sdelay $0x1  }
0xdb: {  	s14 =	simm.s32 $0x80  }
0xdc: {  	v1 =	vld [tilespmem:s14+$0x5000]  }
0xdd: {  	s12 =	simm.s32 $0x400;
	v2 =	vld [tilespmem:s14+$0x5800]  }
.LBB2_5:
0xde: {  	_ = 	snop  }
0xdf: {  	p0 =	sne.s32 s12, $0x1E00;
	s13 =	smov.u32 s12;
	s12 =	sadd.s32 $0x200, s12  }
0xe0: {  	_ =	sdelay $0x1  }
0xe1: {  	v3 =	vpop (erf)  }
0xe2: {  	[tilespmem:s6+$0x6030] =	vst v3;
	s6 =	smov.u32 s14  }
0xe3: {  	v1 =	vld.idx.msk [tilespmem:v1+s3+$0x0], $0xffff  }
0xe4: {  	v2 =	vld.idx.msk [tilespmem:v2+s26+$0x0], $0xffff;
	_ =	sdelay $0x5  }
0xe5: {  	v1 =	vadd.f32 v2, v1;
	_ =	sdelay $0x1  }
0xe6: {  	vm0 =	vge.f32 v1, $0.0e+00;
	v2 =	vmul.f32 $2.000000030e-01, v1;
	_ =	sdelay $0x1  }
0xe7: {  	v1 =	vsel vm0, v1, v2  }
0xe8: {  	v1 =	vmul.f32 $1.442695020e+00, v1;
	_ =	sdelay $0x1  }
0xe9: {  	(erf) = vpow2.f32 v1;
	_ =	sdelay $0x1  }
0xea: {  	v1 =	vld [tilespmem:s6+$0x5810]  }
0xeb: {  	v2 =	vld [tilespmem:s6+$0x5010];
	_ =	sdelay $0x5  }
0xec: {  	v3 =	vpop (erf)  }
0xed: {  	[tilespmem:s6+$0x6000] =	vst v3  }
0xee: {  	v2 =	vld.idx.msk [tilespmem:v2+s3+$0x0], $0xffff  }
0xef: {  	v1 =	vld.idx.msk [tilespmem:v1+s26+$0x0], $0xffff;
	_ =	sdelay $0x5  }
0xf0: {  	v1 =	vadd.f32 v1, v2;
	_ =	sdelay $0x1  }
0xf1: {  	vm0 =	vge.f32 v1, $0.0e+00;
	v2 =	vmul.f32 $2.000000030e-01, v1;
	_ =	sdelay $0x1  }
0xf2: {  	v1 =	vsel vm0, v1, v2  }
0xf3: {  	v1 =	vmul.f32 $1.442695020e+00, v1;
	_ =	sdelay $0x1  }
0xf4: {  	(erf) = vpow2.f32 v1;
	_ =	sdelay $0x1  }
0xf5: {  	v1 =	vld [tilespmem:s6+$0x5820]  }
0xf6: {  	v2 =	vld [tilespmem:s6+$0x5020];
	_ =	sdelay $0x5  }
0xf7: {  	v3 =	vpop (erf)  }
0xf8: {  	[tilespmem:s6+$0x6010] =	vst v3  }
0xf9: {  	v2 =	vld.idx.msk [tilespmem:v2+s3+$0x0], $0xffff  }
0xfa: {  	v1 =	vld.idx.msk [tilespmem:v1+s26+$0x0], $0xffff;
	_ =	sdelay $0x5  }
0xfb: {  	v1 =	vadd.f32 v1, v2;
	_ =	sdelay $0x1  }
0xfc: {  	vm0 =	vge.f32 v1, $0.0e+00;
	v2 =	vmul.f32 $2.000000030e-01, v1;
	_ =	sdelay $0x1  }
0xfd: {  	v1 =	vsel vm0, v1, v2  }
0xfe: {  	v1 =	vmul.f32 $1.442695020e+00, v1;
	_ =	sdelay $0x1  }
0xff: {  	(erf) = vpow2.f32 v1;
	_ =	sdelay $0x1  }
0x100: {  	v1 =	vld [tilespmem:s6+$0x5830]  }
0x101: {  	v2 =	vld [tilespmem:s6+$0x5030];
	_ =	sdelay $0x5  }
0x102: {  	v3 =	vpop (erf)  }
0x103: {  	[tilespmem:s6+$0x6020] =	vst v3  }
0x104: {  	v2 =	vld.idx.msk [tilespmem:v2+s3+$0x0], $0xffff  }
0x105: {  	v1 =	vld.idx.msk [tilespmem:v1+s26+$0x0], $0xffff;
	_ =	sdelay $0x5  }
0x106: {  	v1 =	vadd.f32 v1, v2;
	_ =	sdelay $0x1  }
0x107: {  	vm0 =	vge.f32 v1, $0.0e+00;
	v2 =	vmul.f32 $2.000000030e-01, v1;
	_ =	sdelay $0x1  }
0x108: {  	v1 =	vsel vm0, v1, v2  }
0x109: {  	v1 =	vmul.f32 $1.442695020e+00, v1;
	_ =	sdelay $0x1  }
.Ltmp5:
0x10a: {  	(erf) = vpow2.f32 v1;
	(pc) =	sbr.rel @p0 .LBB2_5-.Ltmp5, $4  }
0x10b: {  	_ = 	snop  }
0x10c: {  	s14 =	sshra.s32 s13, $0x2  }
0x10d: {  	v1 =	vld [tilespmem:s14+$0x5000]  }
0x10e: {  	v2 =	vld [tilespmem:s14+$0x5800]  }
0x10f: {  	_ =	sdelay $0x4  }
0x110: {  	v3 =	vpop (erf)  }
0x111: {  	[tilespmem:s6+$0x6030] =	vst v3  }
0x112: {  	v1 =	vld.idx.msk [tilespmem:v1+s3+$0x0], $0xffff  }
0x113: {  	v2 =	vld.idx.msk [tilespmem:v2+s26+$0x0], $0xffff;
	_ =	sdelay $0x4  }
0x114: {  	v1 =	vadd.f32 v2, v1;
	_ =	sdelay $0x1  }
0x115: {  	v2 =	vmul.f32 $2.000000030e-01, v1  }
0x116: {  	vm0 =	vge.f32 v1, $0.0e+00  }
0x117: {  	v1 =	vsel vm0, v1, v2  }
0x118: {  	v1 =	vmul.f32 $1.442695020e+00, v1;
	_ =	sdelay $0x1  }
0x119: {  	(erf) = vpow2.f32 v1;
	_ =	sdelay $0x2  }
0x11a: {  	v1 =	vld [tilespmem:s14+$0x5010]  }
0x11b: {  	v2 =	vld [tilespmem:s14+$0x5810];
	_ =	sdelay $0x4  }
0x11c: {  	v3 =	vpop (erf)  }
0x11d: {  	[tilespmem:s14+$0x6000] =	vst v3  }
0x11e: {  	v1 =	vld.idx.msk [tilespmem:v1+s3+$0x0], $0xffff  }
0x11f: {  	v2 =	vld.idx.msk [tilespmem:v2+s26+$0x0], $0xffff;
	_ =	sdelay $0x4  }
0x120: {  	v1 =	vadd.f32 v2, v1;
	_ =	sdelay $0x1  }
0x121: {  	v2 =	vmul.f32 $2.000000030e-01, v1  }
0x122: {  	vm13 =	vge.f32 v1, $0.0e+00  }
0x123: {  	v1 =	vsel vm13, v1, v2  }
0x124: {  	v1 =	vmul.f32 $1.442695020e+00, v1;
	_ =	sdelay $0x1  }
0x125: {  	(erf) = vpow2.f32 v1;
	_ =	sdelay $0x2  }
0x126: {  	v1 =	vld [tilespmem:s14+$0x5020]  }
0x127: {  	v2 =	vld [tilespmem:s14+$0x5820];
	_ =	sdelay $0x4  }
0x128: {  	v3 =	vpop (erf)  }
0x129: {  	[tilespmem:s14+$0x6010] =	vst v3  }
0x12a: {  	v1 =	vld.idx.msk [tilespmem:v1+s3+$0x0], $0xffff  }
0x12b: {  	v2 =	vld.idx.msk [tilespmem:v2+s26+$0x0], $0xffff;
	_ =	sdelay $0x4  }
0x12c: {  	v1 =	vadd.f32 v2, v1;
	_ =	sdelay $0x1  }
0x12d: {  	v2 =	vmul.f32 $2.000000030e-01, v1  }
0x12e: {  	vm14 =	vge.f32 v1, $0.0e+00  }
0x12f: {  	v1 =	vsel vm14, v1, v2  }
0x130: {  	v1 =	vmul.f32 $1.442695020e+00, v1;
	_ =	sdelay $0x1  }
0x131: {  	(erf) = vpow2.f32 v1;
	_ =	sdelay $0x2  }
0x132: {  	v1 =	vld [tilespmem:s14+$0x5030]  }
0x133: {  	v2 =	vld [tilespmem:s14+$0x5830];
	_ =	sdelay $0x4  }
0x134: {  	v3 =	vpop (erf)  }
0x135: {  	[tilespmem:s14+$0x6020] =	vst v3  }
0x136: {  	v1 =	vld.idx.msk [tilespmem:v1+s3+$0x0], $0xffff  }
0x137: {  	v2 =	vld.idx.msk [tilespmem:v2+s26+$0x0], $0xffff;
	_ =	sdelay $0x4  }
0x138: {  	v1 =	vadd.f32 v2, v1;
	_ =	sdelay $0x1  }
0x139: {  	v2 =	vmul.f32 $2.000000030e-01, v1  }
0x13a: {  	vm15 =	vge.f32 v1, $0.0e+00  }
0x13b: {  	v1 =	vsel vm15, v1, v2  }
0x13c: {  	v1 =	vmul.f32 $1.442695020e+00, v1;
	_ =	sdelay $0x1  }
0x13d: {  	(erf) = vpow2.f32 v1;
	_ =	sdelay $0x8  }
0x13e: {  	v1 =	vpop (erf)  }
0x13f: {  	[tilespmem:s14+$0x6030] =	vst v1  }
0x140: {  	[spmem:s2] =	stream.indirect.scatter.add.f32 [tilespmem:s28], [sflag:$0x3], $0x1, s31, s0, $0xb8;
	[tilespmem:$0x1ED00] =	vst v63  }
0x141: {  	_ =	swait.ge [sflag:s25], $0x40  }
0x142: {  	[sflag:s25] =	ssyncset.done $0x0  }
0x143: {  	s18 =	simm.s32 $0x5880;
	s12 =	simm.s32 $0x6080;
	[sflag:s25] =	ssyncadd.s32 $0xFFFFFFC0  }
0x144: {  	[spmem:s2] =	stream.indirect.scatter.add.f32 [tilespmem:s12], [sflag:$0x3], $0x1, s18, s0, $0xb8;
	[tilespmem:$0x1ED00] =	vst v63  }
0x145: {  	_ =	swait.ge [sflag:s25], $0x40  }
0x146: {  	[sflag:s25] =	ssyncset.done $0x0  }
0x147: {  	s13 =	simm.s32 $0x5900;
	s14 =	simm.s32 $0x6100;
	[sflag:s25] =	ssyncadd.s32 $0xFFFFFFC0  }
0x148: {  	[spmem:s2] =	stream.indirect.scatter.add.f32 [tilespmem:s14], [sflag:$0x3], $0x1, s13, s0, $0xb8;
	[tilespmem:$0x1ED00] =	vst v63  }
0x149: {  	_ =	swait.ge [sflag:s25], $0x40  }
0x14a: {  	[sflag:s25] =	ssyncset.done $0x0  }
0x14b: {  	s15 =	simm.s32 $0x5980;
	s16 =	simm.s32 $0x6180;
	[sflag:s25] =	ssyncadd.s32 $0xFFFFFFC0  }
0x14c: {  	[spmem:s2] =	stream.indirect.scatter.add.f32 [tilespmem:s16], [sflag:$0x3], $0x1, s15, s0, $0xb8;
	[tilespmem:$0x1ED00] =	vst v63  }
0x14d: {  	_ =	swait.ge [sflag:s25], $0x40  }
0x14e: {  	[sflag:s25] =	ssyncset.done $0x0  }
0x14f: {  	s17 =	simm.s32 $0x5A00;
	s18 =	simm.s32 $0x6200;
	[sflag:s25] =	ssyncadd.s32 $0xFFFFFFC0  }
0x150: {  	[spmem:s2] =	stream.indirect.scatter.add.f32 [tilespmem:s18], [sflag:$0x3], $0x1, s17, s0, $0xb8;
	[tilespmem:$0x1ED00] =	vst v63  }
0x151: {  	_ =	swait.ge [sflag:s25], $0x40  }
0x152: {  	[sflag:s25] =	ssyncset.done $0x0  }
0x153: {  	s13 =	simm.s32 $0x5A80;
	s14 =	simm.s32 $0x6280;
	[sflag:s25] =	ssyncadd.s32 $0xFFFFFFC0  }
0x154: {  	[spmem:s2] =	stream.indirect.scatter.add.f32 [tilespmem:s14], [sflag:$0x3], $0x1, s13, s0, $0xb8;
	[tilespmem:$0x1ED00] =	vst v63  }
0x155: {  	_ =	swait.ge [sflag:s25], $0x40  }
0x156: {  	[sflag:s25] =	ssyncset.done $0x0  }
0x157: {  	s15 =	simm.s32 $0x5B00;
	s16 =	simm.s32 $0x6300;
	[sflag:s25] =	ssyncadd.s32 $0xFFFFFFC0  }
0x158: {  	[spmem:s2] =	stream.indirect.scatter.add.f32 [tilespmem:s16], [sflag:$0x3], $0x1, s15, s0, $0xb8;
	[tilespmem:$0x1ED00] =	vst v63  }
0x159: {  	_ =	swait.ge [sflag:s25], $0x40  }
0x15a: {  	[sflag:s25] =	ssyncset.done $0x0  }
0x15b: {  	s17 =	simm.s32 $0x5B80;
	s18 =	simm.s32 $0x6380;
	[sflag:s25] =	ssyncadd.s32 $0xFFFFFFC0  }
0x15c: {  	[spmem:s2] =	stream.indirect.scatter.add.f32 [tilespmem:s18], [sflag:$0x3], $0x1, s17, s0, $0xb8;
	[tilespmem:$0x1ED00] =	vst v63  }
0x15d: {  	_ =	swait.ge [sflag:s25], $0x40  }
0x15e: {  	[sflag:s25] =	ssyncset.done $0x0  }
0x15f: {  	s13 =	simm.s32 $0x5C00;
	s14 =	simm.s32 $0x6400;
	[sflag:s25] =	ssyncadd.s32 $0xFFFFFFC0  }
0x160: {  	[spmem:s2] =	stream.indirect.scatter.add.f32 [tilespmem:s14], [sflag:$0x3], $0x1, s13, s0, $0xb8;
	[tilespmem:$0x1ED00] =	vst v63  }
0x161: {  	_ =	swait.ge [sflag:s25], $0x40  }
0x162: {  	[sflag:s25] =	ssyncset.done $0x0  }
0x163: {  	s15 =	simm.s32 $0x5C80;
	s16 =	simm.s32 $0x6480;
	[sflag:s25] =	ssyncadd.s32 $0xFFFFFFC0  }
0x164: {  	[spmem:s2] =	stream.indirect.scatter.add.f32 [tilespmem:s16], [sflag:$0x3], $0x1, s15, s0, $0xb8;
	[tilespmem:$0x1ED00] =	vst v63  }
0x165: {  	_ =	swait.ge [sflag:s25], $0x40  }
0x166: {  	[sflag:s25] =	ssyncset.done $0x0  }
0x167: {  	s17 =	simm.s32 $0x5D00;
	s18 =	simm.s32 $0x6500;
	[sflag:s25] =	ssyncadd.s32 $0xFFFFFFC0  }
0x168: {  	[spmem:s2] =	stream.indirect.scatter.add.f32 [tilespmem:s18], [sflag:$0x3], $0x1, s17, s0, $0xb8;
	[tilespmem:$0x1ED00] =	vst v63  }
0x169: {  	_ =	swait.ge [sflag:s25], $0x40  }
0x16a: {  	[sflag:s25] =	ssyncset.done $0x0  }
0x16b: {  	s12 =	simm.s32 $0x5D80;
	s13 =	simm.s32 $0x6580;
	[sflag:s25] =	ssyncadd.s32 $0xFFFFFFC0  }
0x16c: {  	[spmem:s2] =	stream.indirect.scatter.add.f32 [tilespmem:s13], [sflag:$0x3], $0x1, s12, s0, $0xb8;
	[tilespmem:$0x1ED00] =	vst v63  }
0x16d: {  	_ =	swait.ge [sflag:s25], $0x40  }
0x16e: {  	[sflag:s25] =	ssyncset.done $0x0  }
0x16f: {  	s14 =	simm.s32 $0x5E00;
	s15 =	simm.s32 $0x6600;
	[sflag:s25] =	ssyncadd.s32 $0xFFFFFFC0  }
0x170: {  	[spmem:s2] =	stream.indirect.scatter.add.f32 [tilespmem:s15], [sflag:$0x3], $0x1, s14, s0, $0xb8;
	[tilespmem:$0x1ED00] =	vst v63  }
0x171: {  	_ =	swait.ge [sflag:s25], $0x40  }
0x172: {  	[sflag:s25] =	ssyncset.done $0x0  }
0x173: {  	s16 =	simm.s32 $0x5E80;
	s17 =	simm.s32 $0x6680;
	[sflag:s25] =	ssyncadd.s32 $0xFFFFFFC0  }
0x174: {  	[spmem:s2] =	stream.indirect.scatter.add.f32 [tilespmem:s17], [sflag:$0x3], $0x1, s16, s0, $0xb8;
	[tilespmem:$0x1ED00] =	vst v63  }
0x175: {  	_ =	swait.ge [sflag:s25], $0x40  }
0x176: {  	[sflag:s25] =	ssyncset.done $0x0  }
0x177: {  	s18 =	simm.s32 $0x5F00;
	[sflag:s25] =	ssyncadd.s32 $0xFFFFFFC0  }
0x178: {  	[spmem:s2] =	stream.indirect.scatter.add.f32 [tilespmem:s19], [sflag:$0x3], $0x1, s18, s0, $0xb8;
	[tilespmem:$0x1ED00] =	vst v63  }
0x179: {  	_ =	swait.ge [sflag:s25], $0x40  }
0x17a: {  	[sflag:s25] =	ssyncset.done $0x0  }
0x17b: {  	[sflag:s25] =	ssyncadd.s32 $0xFFFFFFC0  }
0x17c: {  	[spmem:s2] =	stream.indirect.scatter.add.f32 [tilespmem:s21], [sflag:$0x3], $0x1, s20, s0, $0xb8;
	[tilespmem:$0x1ED00] =	vst v63  }
0x17d: {  	_ =	swait.ge [sflag:s25], $0x40  }
0x17e: {  	[sflag:s25] =	ssyncset.done $0x0  }
0x17f: {  	[sflag:s25] =	ssyncadd.s32 $0xFFFFFFC0  }
0x180: {  	[tilespmem:s29], [sflag:$0x1] =	stream.indirect.gather [hbm4b:s4+s0], $0x80, s30, s0, $0xb8;
	[tilespmem:$0x1ED00] =	vst v63  }
0x181: {  	s6 =	simm.s32 $0x0;
	s12 =	simm.s32 $0x0  }
0x182: {  	[tilespmem:s24], [sflag:$0x2] =	stream.indirect.gather [hbm4b:s4+s0], $0x80, s23, s0, $0xb8;
	[tilespmem:$0x1ED00] =	vst v63  }
.LBB2_7:
0x183: {  	s13 =	sshll.u32 s12, $0x8;
	v2 =	vmov s6  }
0x184: {  	v1 =	vmov s13;
	v2 =	vand.u32 $0x7F, v2  }
0x185: {  	v2 =	vadd.s32 v1, v2  }
0x186: {  	_ =	swait.ge [sflag:s10], $0x2000;
	v2 =	vbroadcast v2, $0x0  }
0x187: {  	[sflag:s10] =	ssyncset.done $0x0  }
0x188: {  	s13 =	simm.s32 $0x6840;
	[sflag:s10] =	ssyncadd.s32 $0xFFFFE000  }
0x189: {  	v6 =	vld [tilespmem:s13+$0x30]  }
0x18a: {  	v9 =	vld [tilespmem:s13+$0x10]  }
0x18b: {  	v7 =	vld [tilespmem:s13+$0xFFFFFFC0]  }
0x18c: {  	v3 =	vld.idx.msk [tilespmem:v2+s28+$0x0], $0xffff  }
0x18d: {  	v12 =	vld [tilespmem:s13+$0xFFFFFFE0]  }
0x18e: {  	v4 =	vld [tilespmem:s13+$0x20]  }
0x18f: {  	v5 =	vld [tilespmem:s13+$0xFFFFFFD0]  }
0x190: {  	v2 =	vld [tilespmem:s13+$0xFFFFFFF0]  }
0x191: {  	v10 =	vmul.f32 v6, v3;
	v6 =	vld [tilespmem:s13+$0x0]  }
0x192: {  	s15 =	simm.s32 $0x1;
	v8 =	vmul.f32 v7, v3  }
0x193: {  	s14 =	sshll.u32 s12, $0x1;
	s16 =	simm.s32 $0x2;
	v11 =	vmov s15;
	s15 =	simm.s32 $0x6840;
	v7 =	vmul.f32 v12, v3;
	v9 =	vmul.f32 v9, v3  }
.LBB2_8:
0x194: {  	p0 =	sne.s32 s16, $0x3F  }
0x195: {  	v11 =	vand.u32 $0x7F, v11;
	v5 =	vmul.f32 v5, v3;
	v4 =	vmul.f32 v4, v3;
	[tilespmem:s13+$0x30] =	vst v10;
	s15 =	sadd.s32 $0x80, s15;
	s17 =	smov.u32 s16;
	s16 =	sadd.s32 $0x1, s16  }
0x196: {  	v10 =	vadd.s32 v1, v11;
	[tilespmem:s13+$0xFFFFFFC0] =	vst v8;
	v8 =	vmul.f32 v2, v3;
	v3 =	vmul.f32 v6, v3  }
0x197: {  	v6 =	vbroadcast v10, $0x0;
	[tilespmem:s13+$0x10] =	vst v9  }
0x198: {  	[tilespmem:s13+$0xFFFFFFE0] =	vst v7  }
0x199: {  	v2 =	vld [tilespmem:s15+$0xFFFFFFF0];
	[tilespmem:s13+$0xFFFFFFF0] =	vst v8  }
0x19a: {  	v7 =	vld [tilespmem:s15+$0x30];
	[tilespmem:s13+$0x0] =	vst v3  }
0x19b: {  	v9 =	vld [tilespmem:s15+$0x10];
	[tilespmem:s13+$0x20] =	vst v4  }
0x19c: {  	v8 =	vld [tilespmem:s15+$0xFFFFFFC0];
	[tilespmem:s13+$0xFFFFFFD0] =	vst v5;
	s13 =	smov.u32 s15  }
0x19d: {  	v3 =	vld.idx.msk [tilespmem:v6+s28+$0x0], $0xffff  }
0x19e: {  	v12 =	vld [tilespmem:s15+$0xFFFFFFE0]  }
0x19f: {  	v4 =	vld [tilespmem:s15+$0x20]  }
.Ltmp6:
0x1a0: {  	v5 =	vld [tilespmem:s15+$0xFFFFFFD0];
	(pc) =	sbr.rel @p0 .LBB2_8-.Ltmp6, $3  }
0x1a1: {  	v6 =	vld [tilespmem:s15+$0x0];
	_ =	sdelay $0x1  }
0x1a2: {  	v8 =	vmul.f32 v8, v3;
	v10 =	vmul.f32 v7, v3  }
0x1a3: {  	v11 =	vmov s17;
	v9 =	vmul.f32 v9, v3;
	v7 =	vmul.f32 v12, v3  }
0x1a4: {  	[tilespmem:s13+$0xFFFFFFC0] =	vst v8;
	v8 =	vand.u32 $0x7F, v11  }
0x1a5: {  	[tilespmem:s13+$0x30] =	vst v10;
	v1 =	vadd.s32 v1, v8  }
0x1a6: {  	v2 =	vmul.f32 v2, v3;
	[tilespmem:s13+$0x10] =	vst v9;
	v1 =	vbroadcast v1, $0x0  }
0x1a7: {  	s15 =	sadd.s32 $0x80, s15;
	[tilespmem:s13+$0xFFFFFFE0] =	vst v7;
	v6 =	vmul.f32 v6, v3  }
0x1a8: {  	v4 =	vmul.f32 v4, v3;
	v7 =	vld [tilespmem:s15+$0xFFFFFFF0];
	[tilespmem:s13+$0xFFFFFFF0] =	vst v2  }
0x1a9: {  	v3 =	vmul.f32 v5, v3;
	v2 =	vld [tilespmem:s15+$0x30];
	[tilespmem:s13+$0x0] =	vst v6  }
0x1aa: {  	v5 =	vld [tilespmem:s15+$0x10];
	[tilespmem:s13+$0x20] =	vst v4  }
0x1ab: {  	v4 =	vld [tilespmem:s15+$0xFFFFFFC0];
	[tilespmem:s13+$0xFFFFFFD0] =	vst v3  }
0x1ac: {  	v1 =	vld.idx.msk [tilespmem:v1+s28+$0x0], $0xffff;
	_ =	sdelay $0x2  }
0x1ad: {  	v3 =	vld [tilespmem:s15+$0xFFFFFFE0];
	_ =	sdelay $0x1  }
0x1ae: {  	v6 =	vld [tilespmem:s15+$0x0];
	v2 =	vmul.f32 v2, v1  }
0x1af: {  	v8 =	vld [tilespmem:s15+$0x20];
	v4 =	vmul.f32 v4, v1  }
0x1b0: {  	v9 =	vld [tilespmem:s15+$0xFFFFFFD0];
	v5 =	vmul.f32 v5, v1;
	[tilespmem:s15+$0x30] =	vst v2  }
0x1b1: {  	v2 =	vmul.f32 v3, v1;
	[tilespmem:s15+$0xFFFFFFC0] =	vst v4  }
0x1b2: {  	v3 =	vmul.f32 v7, v1;
	[tilespmem:s15+$0x10] =	vst v5  }
0x1b3: {  	v4 =	vmul.f32 v6, v1;
	[tilespmem:s15+$0xFFFFFFE0] =	vst v2  }
0x1b4: {  	v2 =	vmul.f32 v8, v1;
	[tilespmem:s15+$0xFFFFFFF0] =	vst v3  }
0x1b5: {  	s16 =	sshll.u32 s12, $0xA;
	v1 =	vmul.f32 v9, v1;
	[tilespmem:s15+$0x0] =	vst v4  }
0x1b6: {  	s13 =	sshrl.u32 s16, $0x2;
	[tilespmem:s15+$0x20] =	vst v2  }
0x1b7: {  	p0 =	seq.s32 s12, $0x7;
	s14 =	sor.u32 $0x1, s14;
	s18 =	sadd.s32 $0x5800, s13;
	[tilespmem:s15+$0xFFFFFFD0] =	vst v1  }
0x1b8: {  	[spmem:s1] =	stream.indirect.scatter.add.f32 [tilespmem:s29], [sflag:$0x3], $0x80, s18, s0, $0xb8;
	[tilespmem:$0x1ED00] =	vst v63  }
0x1b9: {  	s17 =	simm.s32 $0x0;
	s16 =	sshrl.u32 @!p0 s16, $0x2;
	_ =	swait.ge [sflag:s25], $0x2000  }
0x1ba: {  	s14 =	sshll.u32 s14, $0x7;
	v2 =	vmov s17;
	s15 =	sadd.s32 @!p0 $0x5100, s16;
	[sflag:s25] =	ssyncset.done $0x0  }
0x1bb: {  	s16 =	simm.s32 @!p0 $0x40;
	s17 =	simm.s32 @!p0 $0x6800;
	v1 =	vmov s14;
	v2 =	vand.u32 $0x7F, v2;
	[sflag:s25] =	ssyncadd.s32 $0xFFFFE000  }
0x1bc: {  	v2 =	vadd.s32 v1, v2;
	[tilespmem:s17], [sflag:$0x1] =	stream.indirect.gather @!p0 [hbm4b:s4+s16], $0x80, s15, s16, $0xb8;
	[tilespmem:$0x1ED00] =	vst v63  }
0x1bd: {  	v2 =	vbroadcast v2, $0x0;
	_ =	swait.ge [sflag:s11], $0x2000  }
0x1be: {  	[sflag:s11] =	ssyncset.done $0x0  }
0x1bf: {  	s15 =	simm.s32 $0x8840;
	[sflag:s11] =	ssyncadd.s32 $0xFFFFE000  }
0x1c0: {  	v6 =	vld [tilespmem:s15+$0x30]  }
0x1c1: {  	v9 =	vld [tilespmem:s15+$0x10]  }
0x1c2: {  	v7 =	vld [tilespmem:s15+$0xFFFFFFC0]  }
0x1c3: {  	v3 =	vld.idx.msk [tilespmem:v2+s28+$0x0], $0xffff  }
0x1c4: {  	v12 =	vld [tilespmem:s15+$0xFFFFFFE0]  }
0x1c5: {  	v2 =	vld [tilespmem:s15+$0xFFFFFFF0]  }
0x1c6: {  	v4 =	vld [tilespmem:s15+$0x20]  }
0x1c7: {  	v5 =	vld [tilespmem:s15+$0xFFFFFFD0]  }
0x1c8: {  	v10 =	vmul.f32 v6, v3;
	v6 =	vld [tilespmem:s15+$0x0]  }
0x1c9: {  	s18 =	simm.s32 $0x1;
	v8 =	vmul.f32 v7, v3  }
0x1ca: {  	v11 =	vmov s18;
	s17 =	simm.s32 $0x2;
	s16 =	simm.s32 $0x8840;
	v7 =	vmul.f32 v12, v3;
	v9 =	vmul.f32 v9, v3  }
.LBB2_10:
0x1cb: {  	p1 =	sne.s32 s17, $0x3F  }
0x1cc: {  	v11 =	vand.u32 $0x7F, v11;
	v5 =	vmul.f32 v5, v3;
	v4 =	vmul.f32 v4, v3;
	[tilespmem:s15+$0x30] =	vst v10;
	s16 =	sadd.s32 $0x80, s16;
	s18 =	smov.u32 s17;
	s17 =	sadd.s32 $0x1, s17  }
0x1cd: {  	v10 =	vadd.s32 v1, v11;
	[tilespmem:s15+$0xFFFFFFC0] =	vst v8;
	v8 =	vmul.f32 v2, v3;
	v3 =	vmul.f32 v6, v3  }
0x1ce: {  	v6 =	vbroadcast v10, $0x0;
	[tilespmem:s15+$0x10] =	vst v9  }
0x1cf: {  	[tilespmem:s15+$0xFFFFFFE0] =	vst v7  }
0x1d0: {  	v2 =	vld [tilespmem:s16+$0xFFFFFFF0];
	[tilespmem:s15+$0xFFFFFFF0] =	vst v8  }
0x1d1: {  	v7 =	vld [tilespmem:s16+$0x30];
	[tilespmem:s15+$0x0] =	vst v3  }
0x1d2: {  	v9 =	vld [tilespmem:s16+$0x10];
	[tilespmem:s15+$0x20] =	vst v4  }
0x1d3: {  	v8 =	vld [tilespmem:s16+$0xFFFFFFC0];
	[tilespmem:s15+$0xFFFFFFD0] =	vst v5;
	s15 =	smov.u32 s16  }
0x1d4: {  	v3 =	vld.idx.msk [tilespmem:v6+s28+$0x0], $0xffff  }
0x1d5: {  	v12 =	vld [tilespmem:s16+$0xFFFFFFE0]  }
0x1d6: {  	v4 =	vld [tilespmem:s16+$0x20]  }
.Ltmp7:
0x1d7: {  	v5 =	vld [tilespmem:s16+$0xFFFFFFD0];
	(pc) =	sbr.rel @p1 .LBB2_10-.Ltmp7, $3  }
0x1d8: {  	v6 =	vld [tilespmem:s16+$0x0];
	_ =	sdelay $0x1  }
0x1d9: {  	v8 =	vmul.f32 v8, v3;
	v10 =	vmul.f32 v7, v3  }
0x1da: {  	v11 =	vmov s18;
	v9 =	vmul.f32 v9, v3;
	v7 =	vmul.f32 v12, v3  }
0x1db: {  	[tilespmem:s15+$0x30] =	vst v10;
	v58 =	vand.u32 $0x7F, v11  }
0x1dc: {  	[tilespmem:s15+$0xFFFFFFC0] =	vst v8;
	v1 =	vadd.s32 v1, v58  }
0x1dd: {  	v2 =	vmul.f32 v2, v3;
	[tilespmem:s15+$0x10] =	vst v9;
	v1 =	vbroadcast v1, $0x0  }
0x1de: {  	s16 =	sadd.s32 $0x80, s16;
	[tilespmem:s15+$0xFFFFFFE0] =	vst v7;
	v6 =	vmul.f32 v6, v3  }
0x1df: {  	v4 =	vmul.f32 v4, v3;
	v3 =	vmul.f32 v5, v3;
	v7 =	vld [tilespmem:s16+$0xFFFFFFF0];
	[tilespmem:s15+$0xFFFFFFF0] =	vst v2  }
0x1e0: {  	v2 =	vld [tilespmem:s16+$0x30];
	[tilespmem:s15+$0x0] =	vst v6  }
0x1e1: {  	v60 =	vld [tilespmem:s16+$0xFFFFFFC0];
	[tilespmem:s15+$0xFFFFFFD0] =	vst v3  }
0x1e2: {  	v59 =	vld [tilespmem:s16+$0x10];
	[tilespmem:s15+$0x20] =	vst v4  }
0x1e3: {  	v1 =	vld.idx.msk [tilespmem:v1+s28+$0x0], $0xffff;
	_ =	sdelay $0x2  }
0x1e4: {  	v6 =	vld [tilespmem:s16+$0x0]  }
0x1e5: {  	v3 =	vld [tilespmem:s16+$0xFFFFFFE0]  }
0x1e6: {  	v2 =	vmul.f32 v2, v1  }
0x1e7: {  	v61 =	vld [tilespmem:s16+$0x20];
	v4 =	vmul.f32 v60, v1  }
0x1e8: {  	v62 =	vld [tilespmem:s16+$0xFFFFFFD0];
	v5 =	vmul.f32 v59, v1;
	[tilespmem:s16+$0x30] =	vst v2  }
0x1e9: {  	v63 =	vmul.f32 v6, v1;
	[tilespmem:s16+$0xFFFFFFC0] =	vst v4  }
0x1ea: {  	v2 =	vmul.f32 v3, v1;
	[tilespmem:s16+$0x10] =	vst v5  }
0x1eb: {  	v3 =	vmul.f32 v7, v1;
	[tilespmem:s16+$0x0] =	vst v63  }
0x1ec: {  	[tilespmem:s16+$0xFFFFFFE0] =	vst v2;
	v2 =	vmul.f32 v61, v1  }
0x1ed: {  	[tilespmem:s16+$0xFFFFFFF0] =	vst v3;
	v1 =	vmul.f32 v62, v1  }
0x1ee: {  	s14 =	sand.u32 $0x3FFFFF80, s14;
	[tilespmem:s16+$0x20] =	vst v2  }
.Ltmp8:
0x1ef: {  	s14 =	sadd.s32 $0x5800, s14;
	[tilespmem:s16+$0xFFFFFFD0] =	vst v1;
	(pc) =	sbr.rel @p0 .LBB2_13-.Ltmp8, $4  }
0x1f0: {  	[spmem:s1] =	stream.indirect.scatter.add.f32 [tilespmem:s24], [sflag:$0x3], $0x80, s14, s0, $0xb8;
	[tilespmem:$0x1ED00] =	vst v63  }
0x1f1: {  	_ =	swait.ge [sflag:s25], $0x2000  }
0x1f2: {  	[sflag:s25] =	ssyncset.done $0x0  }
0x1f3: {  	[sflag:s25] =	ssyncadd.s32 $0xFFFFE000  }
.Ltmp9:
0x1f4: {  	(pc) =	sbr.rel .LBB2_7-.Ltmp9, $3  }
0x1f5: {  	_ =	sdelay $0x1  }
0x1f6: {  	s13 =	sadd.s32 $0x5180, s13;
	s12 =	sadd.s32 $0x1, s12  }
0x1f7: {  	[tilespmem:s24], [sflag:$0x2] =	stream.indirect.gather [hbm4b:s4+s0], $0x80, s13, s0, $0xb8;
	[tilespmem:$0x1ED00] =	vst v63  }
.LBB2_15:
0x1f8: {  	_ =	sfence.sel $0x180000  }
0x1f9: {  	[bflag:$0x0] =	sbarrier.arrive $0xFFFF  }
0x1fa: {  	_ =	strace $0x90000047  }
0x1fb: {  	s0 =	stileid.u32;
	[bflag:$0x2] =	sbarrier.arrive $0xFFFF  }
0x1fc: {  	p0 =	sne.s32 s0, $0x0;
	s0 =	rddreg [dreg:$0x3]  }
0x1fd: {  	s0 =	sadd.s32 @!p0 $0x100000, s0  }
0x1fe: {  	[sflag:s0] =	ssyncadd.tile.s32 @!p0 $0x1;
	_ =	shalt  }
.Lfunc_end2:
_tile_overlayer_lowered:
.L_overlay_start_2:
0x1ff: {  	(tag) =	ssettag $0x2  }
0x200: {  	s0 =	rddreg [dreg:$0x0];
	s2 =	stileid.u32  }
0x201: {  	s1 =	rddreg [dreg:$0x1];
	p0 =	sne.s32 s2, $0x0  }
0x202: {  	s3 =	rddreg [dreg:$0x2];
	[bflag:$0x3] =	sbarrier.arrive $0xFFFF;
	s2 =	simm.s32 @!p0 $0x1C03  }
0x203: {  	[timem:s3], [sflag:s2] =	dma.local @!p0 [hbm:s0], s1  }
0x204: {  	s0 =	simm.s32 @!p0 $0x3  }
0x205: {  	_ =	swait.ge @!p0 [sflag:s0], s1  }
0x206: {  	s1 =	ssub.s32 @!p0 $0x0, s1;
	[sflag:s0] =	ssyncset.done @!p0 $0x0  }
0x207: {  	[sflag:s0] =	ssyncadd.s32 @!p0 s1  }
0x208: {  	[bflag:$0x3] =	sbarrier.arrive $0xFFFF  }
0x209: {  	_ =	shalt  }

</sc_bundles>
